<compile_context>
chip_gen: v7x
topology: tpu7x:2x2x1
jax: 0.10.2.dev20260603
libtpu: 0.0.44.dev20260713+nightly
codegen_flags: <defaults>
</compile_context>

<pallas_src>
import jax
import jax.numpy as jnp
from jax import lax
from jax.experimental import pallas as pl
from jax.experimental.pallas import tpu as pltpu
from jax.experimental.pallas import tpu_sc as plsc

_NC = 2
_NS = 16
_NW = _NC * _NS

_E = 320000
_D = 128
_N = 10000
_NP = 10240
_RPT = _NP // _NS

_C = 80
_S = 3
_CS = 128
_SS = 2

_ES0 = 163840
_ES1 = _E - _ES0

_sc_mesh = plsc.VectorSubcoreMesh(core_axis_name="c", subcore_axis_name="s")


def _make_gather(es):
    epw = es // _NW
    nchunk = epw // _C

    def body(hid_hbm, rela_hbm, qemb_hbm, idxc_hbm, rows_out,
             idx_v, rows_v, gsem, wsem):
        wid = lax.axis_index("s") * _NC + lax.axis_index("c")
        base0 = wid * epw
        tabs = (hid_hbm, rela_hbm, qemb_hbm)
        iw = nchunk * 3 * _C
        pltpu.sync_copy(idxc_hbm.at[pl.ds(wid * iw, iw)], idx_v)

        def step(k, carry):
            b = base0 + k * (_S * _C)
            gcps = [[pltpu.async_copy(
                tabs[t].at[idx_v.at[pl.ds((k * _S + s) * 3 * _C + t * _C, _C)]],
                rows_v.at[s, t], gsem) for t in range(3)]
                for s in range(_S)]
            wcps = []
            for s in range(_S):
                for cp in gcps[s]:
                    cp.wait()
                wcps += [pltpu.async_copy(rows_v.at[s, t],
                                          rows_out.at[t, pl.ds(b + s * _C, _C)],
                                          wsem) for t in range(3)]
            for cp in wcps:
                cp.wait()
            return carry

        def chunk_tail(i, carry):
            b = base0 + i * _C
            cps = [pltpu.async_copy(
                tabs[t].at[idx_v.at[pl.ds(i * 3 * _C + t * _C, _C)]],
                rows_v.at[0, t], gsem) for t in range(3)]
            for cp in cps:
                cp.wait()
            cps = [pltpu.async_copy(rows_v.at[0, t],
                                    rows_out.at[t, pl.ds(b, _C)], wsem)
                   for t in range(3)]
            for cp in cps:
                cp.wait()
            return carry

        lax.fori_loop(0, nchunk // _S, step, 0)
        lax.fori_loop((nchunk // _S) * _S, nchunk, chunk_tail, 0)

    return pl.kernel(
        body,
        out_type=jax.ShapeDtypeStruct((3, es, _D), jnp.float32),
        mesh=_sc_mesh,
        scratch_types=[
            pltpu.VMEM((nchunk * 3 * _C,), jnp.int32),
            pltpu.VMEM((_S, 3, _C, _D), jnp.float32),
            pltpu.SemaphoreType.DMA,
            pltpu.SemaphoreType.DMA,
        ],
    )


_gather_s0 = _make_gather(_ES0)
_gather_s1 = _make_gather(_ES1)


def _make_scatter(es):
    nchs = es // _CS
    full = nchs // _NW
    rem = nchs % _NW

    def body(msg_hbm, obj2d_hbm, zeros_hbm, out_hbm,
             obj_v, msg_v, acc_sh, isem, lsem, ssem):
        cid = lax.axis_index("c")
        sid = lax.axis_index("s")
        wid = sid * _NC + cid
        row0 = sid * _RPT
        trip = full + jnp.where(wid < rem, 1, 0)

        pltpu.sync_copy(zeros_hbm.at[pl.ds(row0, _RPT)],
                        acc_sh.at[pl.ds(row0, _RPT)])
        plsc.subcore_barrier()

        def chunk_tail(j, carry):
            cidx = wid + j * _NW
            pltpu.sync_copy(obj2d_hbm.at[cidx], obj_v.at[0])
            pltpu.sync_copy(msg_hbm.at[pl.ds(cidx * _CS, _CS)], msg_v.at[0])
            pltpu.sync_copy(msg_v.at[0], acc_sh.at[obj_v.at[0]], add=True)
            return carry

        def step(k, carry):
            lcps = []
            for s in range(_SS):
                cidx = wid + (k * _SS + s) * _NW
                lcps.append([
                    pltpu.async_copy(obj2d_hbm.at[cidx], obj_v.at[s], isem),
                    pltpu.async_copy(msg_hbm.at[pl.ds(cidx * _CS, _CS)],
                                     msg_v.at[s], lsem)])
            scps = []
            for s in range(_SS):
                for cp in lcps[s]:
                    cp.wait()
                scps.append(pltpu.async_copy(msg_v.at[s], acc_sh.at[obj_v.at[s]],
                                             ssem, add=True))
            for cp in scps:
                cp.wait()
            return carry

        lax.fori_loop(0, full // _SS, step, 0)
        lax.fori_loop((full // _SS) * _SS, trip, chunk_tail, 0)
        plsc.subcore_barrier()
        pltpu.sync_copy(acc_sh.at[pl.ds(row0, _RPT)],
                        out_hbm.at[pl.ds(cid * _NP + row0, _RPT)])

    return pl.kernel(
        body,
        out_type=jax.ShapeDtypeStruct((_NC * _NP, _D), jnp.float32),
        mesh=_sc_mesh,
        scratch_types=[
            pltpu.VMEM((_SS, _CS), jnp.int32),
            pltpu.VMEM((_SS, _CS, _D), jnp.float32),
            pltpu.VMEM_SHARED((_NP, _D), jnp.float32),
            pltpu.SemaphoreType.DMA,
            pltpu.SemaphoreType.DMA,
            pltpu.SemaphoreType.DMA,
        ],
    )


_scatter_s0 = _make_scatter(_ES0)
_scatter_s1 = _make_scatter(_ES1)


_BE = 4096


def _dense_body(rows_ref, Ws_ref, Wsb_ref, Wr_ref, Wq_ref,
                Wqr_ref, wa_ref, wab_ref, alpha_ref, msg_ref):
    hs = rows_ref[0]
    hr = rows_ref[1]
    hq = rows_ref[2]
    pre = (jnp.dot(hs, Ws_ref[...], preferred_element_type=jnp.float32)
           + jnp.dot(hr, Wr_ref[...], preferred_element_type=jnp.float32)
           + jnp.dot(hq, Wq_ref[...], preferred_element_type=jnp.float32)
           + jnp.dot(hr * hq, Wqr_ref[...], preferred_element_type=jnp.float32)
           + Wsb_ref[...])
    pre = jnp.maximum(pre, 0.0)
    z = jnp.dot(pre, wa_ref[...], preferred_element_type=jnp.float32) + wab_ref[...]
    av = jax.nn.sigmoid(z)
    alpha_ref[...] = av
    msg_ref[...] = av * (hs * hr)


def _dense_stage(rows, Ws_W, Ws_b, Wr_W, Wq_W, Wqr_W, wa_W, wa_b):
    es = rows.shape[1]
    a = Ws_W.shape[1]
    full = lambda s: pl.BlockSpec(s, lambda i: (0,) * len(s))
    return pl.pallas_call(
        _dense_body,
        out_shape=(jax.ShapeDtypeStruct((es, 1), jnp.float32),
                   jax.ShapeDtypeStruct((es, _D), jnp.float32)),
        grid=(pl.cdiv(es, _BE),),
        in_specs=[
            pl.BlockSpec((3, _BE, _D), lambda i: (0, i, 0)),
            full((_D, a)), full((1, a)), full((_D, a)), full((_D, a)),
            full((_D, a)), full((a, 1)), full((1, 1)),
        ],
        out_specs=(pl.BlockSpec((_BE, 1), lambda i: (i, 0)),
                   pl.BlockSpec((_BE, _D), lambda i: (i, 0))),
    )(rows, Ws_W, Ws_b.reshape(1, a), Wr_W, Wq_W, Wqr_W, wa_W,
      wa_b.reshape(1, 1))


def _final_body(p_ref, w_ref, o_ref):
    s = p_ref[0, 0]
    for k in range(1, 4):
        s = s + p_ref[k // 2, k % 2]
    o_ref[...] = jnp.dot(s, w_ref[...], preferred_element_type=jnp.float32)


def _final_stage(parts, Wh_W):
    bn = 1000
    return pl.pallas_call(
        _final_body,
        out_shape=jax.ShapeDtypeStruct((_N, _D), jnp.float32),
        grid=(_N // bn,),
        in_specs=[
            pl.BlockSpec((2, 2, bn, _D), lambda i: (0, 0, i, 0)),
            pl.BlockSpec((_D, _D), lambda i: (0, 0)),
        ],
        out_specs=pl.BlockSpec((bn, _D), lambda i: (i, 0)),
    )(parts, Wh_W)


def kernel(q_sub, q_rel, q_emb, rela_embed, hidden, edges, nodes,
           old_nodes_new_idx, Ws_W, Ws_b, Wr_W, Wq_W, Wqr_W, wa_W, wa_b, Wh_W):
    l1 = edges.shape[0]
    n1 = nodes.shape[0]
    ei = edges.astype(jnp.int32)
    obj = ei[:, 5]
    idx3 = jnp.stack([ei[:, 4], ei[:, 2], ei[:, 0]], axis=0)
    idxc = idx3.reshape(3, _E // _C, _C).transpose(1, 0, 2)
    zeros = jnp.zeros((_NP, _D), jnp.float32)
    obj2d = obj.reshape(_E // _CS, _CS)

    g0 = _ES0 // _C
    c0 = _ES0 // _CS
    idxc0 = idxc[:g0].reshape(-1)
    idxc1 = idxc[g0:].reshape(-1)

    rows0 = _gather_s0(hidden, rela_embed, q_emb, idxc0)
    alpha0, msg0 = _dense_stage(rows0, Ws_W, Ws_b, Wr_W, Wq_W, Wqr_W, wa_W, wa_b)
    rows1 = _gather_s1(hidden, rela_embed, q_emb, idxc1)
    alpha1, msg1 = _dense_stage(rows1, Ws_W, Ws_b, Wr_W, Wq_W, Wqr_W, wa_W, wa_b)
    parts0 = _scatter_s0(msg0, obj2d[:c0], zeros)
    parts1 = _scatter_s1(msg1, obj2d[c0:], zeros)

    alpha = jnp.concatenate([alpha0, alpha1], axis=0)
    parts = jnp.stack([parts0.reshape(_NC, _NP, _D),
                       parts1.reshape(_NC, _NP, _D)], axis=0)
    hidden_new = _final_stage(parts, Wh_W)

    nq = q_sub.shape[0]
    num_node = jnp.array([n1 * 1.0 / nq, n1 * 1.0 / nq], dtype=jnp.float32)
    num_edge = jnp.array([l1 * 1.0 / nq, l1 * 1.0 / nq], dtype=jnp.float32)
    return (num_node, num_edge, hidden_new, alpha, nodes, edges,
            old_nodes_new_idx)

# --- scband reference (transcript-rebuilt; emitter-appended) ---
"""Pipeline reference for scband-explore-80092550136107 (READ-ONLY COPY).

The authoritative reference and input builder live on the scoring server;
editing this copy changes nothing except your own understanding.
"""

import jax, jax.numpy as jnp
import numpy as np

N = 10000
E = 320000
D = 128
A = 5
B = 10000
R = 10001  # 2*n_rel+1 with n_rel=5000


def setup_inputs(seed: int = 0) -> dict:
    key = jax.random.key(seed)
    ks = jax.random.split(key, 16)
    q_sub = jax.random.randint(ks[0], (B,), 0, N)
    q_rel = jax.random.randint(ks[1], (B,), 0, R)
    q_emb = jax.random.normal(ks[2], (B, D), dtype=jnp.float32)
    rela_embed = jax.random.normal(ks[3], (R, D), dtype=jnp.float32)
    hidden = jax.random.normal(ks[4], (N, D), dtype=jnp.float32)
    edges = jax.random.randint(ks[5], (E, 6), 0, N)
    nodes = jax.random.randint(ks[6], (N, 2), 0, N)
    old_nodes_new_idx = jnp.arange(N, dtype=jnp.int64) if jax.config.jax_enable_x64 else jnp.arange(N, dtype=jnp.int32)
    s_in = 1.0 / np.sqrt(D)
    s_at = 1.0 / np.sqrt(A)
    Ws_W = jax.random.normal(ks[7], (D, A), dtype=jnp.float32) * s_in
    Ws_b = jnp.zeros((A,), dtype=jnp.float32)
    Wr_W = jax.random.normal(ks[8], (D, A), dtype=jnp.float32) * s_in
    Wq_W = jax.random.normal(ks[9], (D, A), dtype=jnp.float32) * s_in
    Wqr_W = jax.random.normal(ks[10], (D, A), dtype=jnp.float32) * s_in
    wa_W = jax.random.normal(ks[11], (A, 1), dtype=jnp.float32) * s_at
    wa_b = jnp.zeros((1,), dtype=jnp.float32)
    Wh_W = jax.random.normal(ks[12], (D, D), dtype=jnp.float32) * s_in
    return {"q_sub": q_sub, "q_rel": q_rel, "q_emb": q_emb, "rela_embed": rela_embed,
            "hidden": hidden, "edges": edges, "nodes": nodes,
            "old_nodes_new_idx": old_nodes_new_idx,
            "Ws_W": Ws_W, "Ws_b": Ws_b, "Wr_W": Wr_W, "Wq_W": Wq_W, "Wqr_W": Wqr_W,
            "wa_W": wa_W, "wa_b": wa_b, "Wh_W": Wh_W}


def reference(q_sub, q_rel, q_emb, rela_embed, hidden, edges, nodes, old_nodes_new_idx,
              Ws_W, Ws_b, Wr_W, Wq_W, Wqr_W, wa_W, wa_b, Wh_W):
    # GNNLayer.forward with use_lama_rel=1, sample_flag=0, act=identity
    l1 = edges.shape[0]
    n1 = nodes.shape[0]
    sub = edges[:, 4]
    rel = edges[:, 2]
    obj = edges[:, 5]
    hs = jnp.take(hidden, sub, axis=0)
    hr = jnp.take(rela_embed, rel, axis=0)
    h_qr = jnp.take(q_emb, edges[:, 0], axis=0)
    # attention (computed identically twice in the original; once suffices for identical math)
    pre = jnp.maximum(hs @ Ws_W + Ws_b + hr @ Wr_W + h_qr @ Wq_W + (hr * h_qr) @ Wqr_W, 0.0)
    alpha = jax.nn.sigmoid(pre @ wa_W + wa_b)
    message = alpha * (hs * hr)
    message_agg = jax.ops.segment_sum(message, obj, num_segments=n1)
    hidden_new = message_agg @ Wh_W  # act = identity
    l2 = l1
    n2 = n1
    nq = q_sub.shape[0]
    num_node = jnp.array([n1 * 1.0 / nq, n2 * 1.0 / nq], dtype=jnp.float32)
    num_edge = jnp.array([l1 * 1.0 / nq, l2 * 1.0 / nq], dtype=jnp.float32)
    return (num_node, num_edge, hidden_new, alpha, nodes, edges, old_nodes_new_idx)

if __name__ == "__main__":
    import jax
    _d = setup_inputs()
    print(jax.jit(kernel)(*tuple(_d.values())))

</pallas_src>

<mosaic_0001>
#map = affine_map<(d0, d1) -> (0, 0)>
#map1 = affine_map<(d0, d1) -> (0)>
#map2 = affine_map<(d0, d1) -> (0, 0, 0)>
module attributes {stable_mosaic.version = 14 : i64} {
  func.func @body(%arg0: i32, %arg1: i32, %arg2: memref<10000x128xf32, #tpu.memory_space<hbm>>, %arg3: memref<10001x128xf32, #tpu.memory_space<hbm>>, %arg4: memref<10000x128xf32, #tpu.memory_space<hbm>>, %arg5: memref<468480xi32, #tpu.memory_space<hbm>>, %arg6: memref<3x156160x128xf32, #tpu.memory_space<hbm>>, %arg7: memref<14640xi32, #tpu.memory_space<vmem>>, %arg8: memref<3x3x80x128xf32, #tpu.memory_space<vmem>>, %arg9: memref<!tpu.dma_semaphore, #tpu.memory_space<semaphore_mem>>, %arg10: memref<!tpu.dma_semaphore, #tpu.memory_space<semaphore_mem>>) attributes {dimension_semantics = [#tpu.dimension_semantics<core_parallel>, #tpu.dimension_semantics<subcore_parallel>], iteration_bounds = array<i64: 2, 16>, scalar_prefetch = 0 : i64, scratch_operands = 4 : i64, tpu.core_type = #tpu.core_type<sc_vector_subcore>, window_params = [{transform_indices = #map}, {transform_indices = #map}, {transform_indices = #map}, {transform_indices = #map1}, {transform_indices = #map2}]} {
    %mul3A = arith.constant 2 : i32
    %mul3A_0 = arith.muli %arg1, %mul3A : i32
    %add3A = arith.addi %mul3A_0, %arg0 : i32
    %mul3A_1 = arith.constant 4880 : i32
    %mul3A_2 = arith.muli %add3A, %mul3A_1 : i32
    %mul3A_3 = arith.constant 14640 : i32
    %mul3A_4 = arith.muli %add3A, %mul3A_3 : i32
    "tpu.region"() ({
      %run_scoped3A = tpu.sem_alloc : memref<!tpu.dma_semaphore, #tpu.memory_space<semaphore_mem>>
      %dma_start3A_194 = tpu.memref_slice %arg5[%mul3A_4] : memref<468480xi32, #tpu.memory_space<hbm>> -> memref<14640xi32, #tpu.memory_space<hbm>>
      %dma_start3A_195 = tpu.memref_slice %arg5[%mul3A_4] : memref<468480xi32, #tpu.memory_space<hbm>> -> memref<14640xi32, #tpu.memory_space<hbm>>
      tpu.enqueue_dma source(%dma_start3A_195 : memref<14640xi32, #tpu.memory_space<hbm>>) target(%arg7 : memref<14640xi32, #tpu.memory_space<vmem>>) target_semaphore(%run_scoped3A : memref<!tpu.dma_semaphore, #tpu.memory_space<semaphore_mem>>)
      %dma_wait3A_196 = tpu.memref_slice %arg5[%mul3A_4] : memref<468480xi32, #tpu.memory_space<hbm>> -> memref<14640xi32, #tpu.memory_space<hbm>>
      %dma_wait3A_197 = tpu.memref_slice %arg5[%mul3A_4] : memref<468480xi32, #tpu.memory_space<hbm>> -> memref<14640xi32, #tpu.memory_space<hbm>>
      tpu.wait_dma2 semaphore(%run_scoped3A : memref<!tpu.dma_semaphore, #tpu.memory_space<semaphore_mem>>) src(%dma_wait3A_197 : memref<14640xi32, #tpu.memory_space<hbm>>) dst(%arg7 : memref<14640xi32, #tpu.memory_space<vmem>>)
      tpu.yield
    }) : () -> ()
    %scan3A = arith.constant 0 : i32
    %scan3A_5 = arith.constant 0 : i32
    %scan3A_6 = arith.constant 20 : i32
    %scan3A_7 = arith.addi %scan3A_5, %scan3A_6 : i32
    %scan3A_8 = arith.constant 1 : i32
    scf.for %scan3A_194 = %scan3A_5 to %scan3A_7 step %scan3A_8  : i32 {
      %mul3A_195 = arith.constant 240 : i32
      %mul3A_196 = arith.muli %scan3A_194, %mul3A_195 : i32
      %add3A_197 = arith.addi %mul3A_2, %mul3A_196 : i32
      %mul3A_198 = arith.constant 3 : i32
      %mul3A_199 = arith.muli %scan3A_194, %mul3A_198 : i32
      %add3A_200 = arith.constant 0 : i32
      %add3A_201 = arith.addi %mul3A_199, %add3A_200 : i32
      %mul3A_202 = arith.constant 3 : i32
      %mul3A_203 = arith.muli %add3A_201, %mul3A_202 : i32
      %mul3A_204 = arith.constant 80 : i32
      %mul3A_205 = arith.muli %mul3A_203, %mul3A_204 : i32
      %add3A_206 = arith.constant 0 : i32
      %add3A_207 = arith.addi %mul3A_205, %add3A_206 : i32
      %dma_start3A_208 = arith.constant 0 : i32
      %dma_start3A_209 = arith.constant 0 : i32
      %dma_start3A_210 = arith.constant 0 : i32
      %dma_start3A_211 = arith.constant 0 : i32
      %dma_start3A_212 = tpu.memref_slice %arg8[%dma_start3A_208, %dma_start3A_209, %dma_start3A_210, %dma_start3A_211] : memref<3x3x80x128xf32, #tpu.memory_space<vmem>> -> memref<1x1x80x128xf32, #tpu.memory_space<vmem>>
      %dma_start3A_213 = tpu.memref_squeeze %dma_start3A_212 : memref<1x1x80x128xf32, #tpu.memory_space<vmem>> -> memref<80x128xf32, #tpu.memory_space<vmem>>
      %dma_start3A_214 = tpu.memref_slice %arg7[%add3A_207] : memref<14640xi32, #tpu.memory_space<vmem>> -> memref<80xi32, #tpu.memory_space<vmem>>
      %dma_start3A_215 = arith.constant 0 : i32
      %dma_start3A_216 = arith.constant 0 : i32
      %dma_start3A_217 = tpu.memref_slice %arg2[%dma_start3A_215, %dma_start3A_216] : memref<10000x128xf32, #tpu.memory_space<hbm>> -> memref<10000x128xf32, #tpu.memory_space<hbm>>
      tpu.enqueue_indirect_dma source(%dma_start3A_217 : memref<10000x128xf32, #tpu.memory_space<hbm>>) target(%dma_start3A_213 : memref<80x128xf32, #tpu.memory_space<vmem>>) offsets(%dma_start3A_214 : memref<80xi32, #tpu.memory_space<vmem>>) semaphore(%arg9 : memref<!tpu.dma_semaphore, #tpu.memory_space<semaphore_mem>>)
      %mul3A_218 = arith.constant 3 : i32
      %mul3A_219 = arith.muli %scan3A_194, %mul3A_218 : i32
      %add3A_220 = arith.constant 0 : i32
      %add3A_221 = arith.addi %mul3A_219, %add3A_220 : i32
      %mul3A_222 = arith.constant 3 : i32
      %mul3A_223 = arith.muli %add3A_221, %mul3A_222 : i32
      %mul3A_224 = arith.constant 80 : i32
      %mul3A_225 = arith.muli %mul3A_223, %mul3A_224 : i32
      %add3A_226 = arith.constant 80 : i32
      %add3A_227 = arith.addi %mul3A_225, %add3A_226 : i32
      %dma_start3A_228 = arith.constant 0 : i32
      %dma_start3A_229 = arith.constant 1 : i32
      %dma_start3A_230 = arith.constant 0 : i32
      %dma_start3A_231 = arith.constant 0 : i32
      %dma_start3A_232 = tpu.memref_slice %arg8[%dma_start3A_228, %dma_start3A_229, %dma_start3A_230, %dma_start3A_231] : memref<3x3x80x128xf32, #tpu.memory_space<vmem>> -> memref<1x1x80x128xf32, #tpu.memory_space<vmem>>
      %dma_start3A_233 = tpu.memref_squeeze %dma_start3A_232 : memref<1x1x80x128xf32, #tpu.memory_space<vmem>> -> memref<80x128xf32, #tpu.memory_space<vmem>>
      %dma_start3A_234 = tpu.memref_slice %arg7[%add3A_227] : memref<14640xi32, #tpu.memory_space<vmem>> -> memref<80xi32, #tpu.memory_space<vmem>>
      %dma_start3A_235 = arith.constant 0 : i32
      %dma_start3A_236 = arith.constant 0 : i32
      %dma_start3A_237 = tpu.memref_slice %arg3[%dma_start3A_235, %dma_start3A_236] : memref<10001x128xf32, #tpu.memory_space<hbm>> -> memref<10001x128xf32, #tpu.memory_space<hbm>>
      tpu.enqueue_indirect_dma source(%dma_start3A_237 : memref<10001x128xf32, #tpu.memory_space<hbm>>) target(%dma_start3A_233 : memref<80x128xf32, #tpu.memory_space<vmem>>) offsets(%dma_start3A_234 : memref<80xi32, #tpu.memory_space<vmem>>) semaphore(%arg9 : memref<!tpu.dma_semaphore, #tpu.memory_space<semaphore_mem>>)
      %mul3A_238 = arith.constant 3 : i32
      %mul3A_239 = arith.muli %scan3A_194, %mul3A_238 : i32
      %add3A_240 = arith.constant 0 : i32
      %add3A_241 = arith.addi %mul3A_239, %add3A_240 : i32
      %mul3A_242 = arith.constant 3 : i32
      %mul3A_243 = arith.muli %add3A_241, %mul3A_242 : i32
      %mul3A_244 = arith.constant 80 : i32
      %mul3A_245 = arith.muli %mul3A_243, %mul3A_244 : i32
      %add3A_246 = arith.constant 160 : i32
      %add3A_247 = arith.addi %mul3A_245, %add3A_246 : i32
      %dma_start3A_248 = arith.constant 0 : i32
      %dma_start3A_249 = arith.constant 2 : i32
      %dma_start3A_250 = arith.constant 0 : i32
      %dma_start3A_251 = arith.constant 0 : i32
      %dma_start3A_252 = tpu.memref_slice %arg8[%dma_start3A_248, %dma_start3A_249, %dma_start3A_250, %dma_start3A_251] : memref<3x3x80x128xf32, #tpu.memory_space<vmem>> -> memref<1x1x80x128xf32, #tpu.memory_space<vmem>>
      %dma_start3A_253 = tpu.memref_squeeze %dma_start3A_252 : memref<1x1x80x128xf32, #tpu.memory_space<vmem>> -> memref<80x128xf32, #tpu.memory_space<vmem>>
      %dma_start3A_254 = tpu.memref_slice %arg7[%add3A_247] : memref<14640xi32, #tpu.memory_space<vmem>> -> memref<80xi32, #tpu.memory_space<vmem>>
      %dma_start3A_255 = arith.constant 0 : i32
      %dma_start3A_256 = arith.constant 0 : i32
      %dma_start3A_257 = tpu.memref_slice %arg4[%dma_start3A_255, %dma_start3A_256] : memref<10000x128xf32, #tpu.memory_space<hbm>> -> memref<10000x128xf32, #tpu.memory_space<hbm>>
      tpu.enqueue_indirect_dma source(%dma_start3A_257 : memref<10000x128xf32, #tpu.memory_space<hbm>>) target(%dma_start3A_253 : memref<80x128xf32, #tpu.memory_space<vmem>>) offsets(%dma_start3A_254 : memref<80xi32, #tpu.memory_space<vmem>>) semaphore(%arg9 : memref<!tpu.dma_semaphore, #tpu.memory_space<semaphore_mem>>)
      %mul3A_258 = arith.constant 3 : i32
      %mul3A_259 = arith.muli %scan3A_194, %mul3A_258 : i32
      %add3A_260 = arith.constant 1 : i32
      %add3A_261 = arith.addi %mul3A_259, %add3A_260 : i32
      %mul3A_262 = arith.constant 3 : i32
      %mul3A_263 = arith.muli %add3A_261, %mul3A_262 : i32
      %mul3A_264 = arith.constant 80 : i32
      %mul3A_265 = arith.muli %mul3A_263, %mul3A_264 : i32
      %add3A_266 = arith.constant 0 : i32
      %add3A_267 = arith.addi %mul3A_265, %add3A_266 : i32
      %dma_start3A_268 = arith.constant 1 : i32
      %dma_start3A_269 = arith.constant 0 : i32
      %dma_start3A_270 = arith.constant 0 : i32
      %dma_start3A_271 = arith.constant 0 : i32
      %dma_start3A_272 = tpu.memref_slice %arg8[%dma_start3A_268, %dma_start3A_269, %dma_start3A_270, %dma_start3A_271] : memref<3x3x80x128xf32, #tpu.memory_space<vmem>> -> memref<1x1x80x128xf32, #tpu.memory_space<vmem>>
      %dma_start3A_273 = tpu.memref_squeeze %dma_start3A_272 : memref<1x1x80x128xf32, #tpu.memory_space<vmem>> -> memref<80x128xf32, #tpu.memory_space<vmem>>
      %dma_start3A_274 = tpu.memref_slice %arg7[%add3A_267] : memref<14640xi32, #tpu.memory_space<vmem>> -> memref<80xi32, #tpu.memory_space<vmem>>
      %dma_start3A_275 = arith.constant 0 : i32
      %dma_start3A_276 = arith.constant 0 : i32
      %dma_start3A_277 = tpu.memref_slice %arg2[%dma_start3A_275, %dma_start3A_276] : memref<10000x128xf32, #tpu.memory_space<hbm>> -> memref<10000x128xf32, #tpu.memory_space<hbm>>
      tpu.enqueue_indirect_dma source(%dma_start3A_277 : memref<10000x128xf32, #tpu.memory_space<hbm>>) target(%dma_start3A_273 : memref<80x128xf32, #tpu.memory_space<vmem>>) offsets(%dma_start3A_274 : memref<80xi32, #tpu.memory_space<vmem>>) semaphore(%arg9 : memref<!tpu.dma_semaphore, #tpu.memory_space<semaphore_mem>>)
      %mul3A_278 = arith.constant 3 : i32
      %mul3A_279 = arith.muli %scan3A_194, %mul3A_278 : i32
      %add3A_280 = arith.constant 1 : i32
      %add3A_281 = arith.addi %mul3A_279, %add3A_280 : i32
      %mul3A_282 = arith.constant 3 : i32
      %mul3A_283 = arith.muli %add3A_281, %mul3A_282 : i32
      %mul3A_284 = arith.constant 80 : i32
      %mul3A_285 = arith.muli %mul3A_283, %mul3A_284 : i32
      %add3A_286 = arith.constant 80 : i32
      %add3A_287 = arith.addi %mul3A_285, %add3A_286 : i32
      %dma_start3A_288 = arith.constant 1 : i32
      %dma_start3A_289 = arith.constant 1 : i32
      %dma_start3A_290 = arith.constant 0 : i32
      %dma_start3A_291 = arith.constant 0 : i32
      %dma_start3A_292 = tpu.memref_slice %arg8[%dma_start3A_288, %dma_start3A_289, %dma_start3A_290, %dma_start3A_291] : memref<3x3x80x128xf32, #tpu.memory_space<vmem>> -> memref<1x1x80x128xf32, #tpu.memory_space<vmem>>
      %dma_start3A_293 = tpu.memref_squeeze %dma_start3A_292 : memref<1x1x80x128xf32, #tpu.memory_space<vmem>> -> memref<80x128xf32, #tpu.memory_space<vmem>>
      %dma_start3A_294 = tpu.memref_slice %arg7[%add3A_287] : memref<14640xi32, #tpu.memory_space<vmem>> -> memref<80xi32, #tpu.memory_space<vmem>>
      %dma_start3A_295 = arith.constant 0 : i32
      %dma_start3A_296 = arith.constant 0 : i32
      %dma_start3A_297 = tpu.memref_slice %arg3[%dma_start3A_295, %dma_start3A_296] : memref<10001x128xf32, #tpu.memory_space<hbm>> -> memref<10001x128xf32, #tpu.memory_space<hbm>>
      tpu.enqueue_indirect_dma source(%dma_start3A_297 : memref<10001x128xf32, #tpu.memory_space<hbm>>) target(%dma_start3A_293 : memref<80x128xf32, #tpu.memory_space<vmem>>) offsets(%dma_start3A_294 : memref<80xi32, #tpu.memory_space<vmem>>) semaphore(%arg9 : memref<!tpu.dma_semaphore, #tpu.memory_space<semaphore_mem>>)
      %mul3A_298 = arith.constant 3 : i32
      %mul3A_299 = arith.muli %scan3A_194, %mul3A_298 : i32
      %add3A_300 = arith.constant 1 : i32
      %add3A_301 = arith.addi %mul3A_299, %add3A_300 : i32
      %mul3A_302 = arith.constant 3 : i32
      %mul3A_303 = arith.muli %add3A_301, %mul3A_302 : i32
      %mul3A_304 = arith.constant 80 : i32
      %mul3A_305 = arith.muli %mul3A_303, %mul3A_304 : i32
      %add3A_306 = arith.constant 160 : i32
      %add3A_307 = arith.addi %mul3A_305, %add3A_306 : i32
      %dma_start3A_308 = arith.constant 1 : i32
      %dma_start3A_309 = arith.constant 2 : i32
      %dma_start3A_310 = arith.constant 0 : i32
      %dma_start3A_311 = arith.constant 0 : i32
      %dma_start3A_312 = tpu.memref_slice %arg8[%dma_start3A_308, %dma_start3A_309, %dma_start3A_310, %dma_start3A_311] : memref<3x3x80x128xf32, #tpu.memory_space<vmem>> -> memref<1x1x80x128xf32, #tpu.memory_space<vmem>>
      %dma_start3A_313 = tpu.memref_squeeze %dma_start3A_312 : memref<1x1x80x128xf32, #tpu.memory_space<vmem>> -> memref<80x128xf32, #tpu.memory_space<vmem>>
      %dma_start3A_314 = tpu.memref_slice %arg7[%add3A_307] : memref<14640xi32, #tpu.memory_space<vmem>> -> memref<80xi32, #tpu.memory_space<vmem>>
      %dma_start3A_315 = arith.constant 0 : i32
      %dma_start3A_316 = arith.constant 0 : i32
      %dma_start3A_317 = tpu.memref_slice %arg4[%dma_start3A_315, %dma_start3A_316] : memref<10000x128xf32, #tpu.memory_space<hbm>> -> memref<10000x128xf32, #tpu.memory_space<hbm>>
      tpu.enqueue_indirect_dma source(%dma_start3A_317 : memref<10000x128xf32, #tpu.memory_space<hbm>>) target(%dma_start3A_313 : memref<80x128xf32, #tpu.memory_space<vmem>>) offsets(%dma_start3A_314 : memref<80xi32, #tpu.memory_space<vmem>>) semaphore(%arg9 : memref<!tpu.dma_semaphore, #tpu.memory_space<semaphore_mem>>)
      %mul3A_318 = arith.constant 3 : i32
      %mul3A_319 = arith.muli %scan3A_194, %mul3A_318 : i32
      %add3A_320 = arith.constant 2 : i32
      %add3A_321 = arith.addi %mul3A_319, %add3A_320 : i32
      %mul3A_322 = arith.constant 3 : i32
      %mul3A_323 = arith.muli %add3A_321, %mul3A_322 : i32
      %mul3A_324 = arith.constant 80 : i32
      %mul3A_325 = arith.muli %mul3A_323, %mul3A_324 : i32
      %add3A_326 = arith.constant 0 : i32
      %add3A_327 = arith.addi %mul3A_325, %add3A_326 : i32
      %dma_start3A_328 = arith.constant 2 : i32
      %dma_start3A_329 = arith.constant 0 : i32
      %dma_start3A_330 = arith.constant 0 : i32
      %dma_start3A_331 = arith.constant 0 : i32
      %dma_start3A_332 = tpu.memref_slice %arg8[%dma_start3A_328, %dma_start3A_329, %dma_start3A_330, %dma_start3A_331] : memref<3x3x80x128xf32, #tpu.memory_space<vmem>> -> memref<1x1x80x128xf32, #tpu.memory_space<vmem>>
      %dma_start3A_333 = tpu.memref_squeeze %dma_start3A_332 : memref<1x1x80x128xf32, #tpu.memory_space<vmem>> -> memref<80x128xf32, #tpu.memory_space<vmem>>
      %dma_start3A_334 = tpu.memref_slice %arg7[%add3A_327] : memref<14640xi32, #tpu.memory_space<vmem>> -> memref<80xi32, #tpu.memory_space<vmem>>
      %dma_start3A_335 = arith.constant 0 : i32
      %dma_start3A_336 = arith.constant 0 : i32
      %dma_start3A_337 = tpu.memref_slice %arg2[%dma_start3A_335, %dma_start3A_336] : memref<10000x128xf32, #tpu.memory_space<hbm>> -> memref<10000x128xf32, #tpu.memory_space<hbm>>
      tpu.enqueue_indirect_dma source(%dma_start3A_337 : memref<10000x128xf32, #tpu.memory_space<hbm>>) target(%dma_start3A_333 : memref<80x128xf32, #tpu.memory_space<vmem>>) offsets(%dma_start3A_334 : memref<80xi32, #tpu.memory_space<vmem>>) semaphore(%arg9 : memref<!tpu.dma_semaphore, #tpu.memory_space<semaphore_mem>>)
      %mul3A_338 = arith.constant 3 : i32
      %mul3A_339 = arith.muli %scan3A_194, %mul3A_338 : i32
      %add3A_340 = arith.constant 2 : i32
      %add3A_341 = arith.addi %mul3A_339, %add3A_340 : i32
      %mul3A_342 = arith.constant 3 : i32
      %mul3A_343 = arith.muli %add3A_341, %mul3A_342 : i32
      %mul3A_344 = arith.constant 80 : i32
      %mul3A_345 = arith.muli %mul3A_343, %mul3A_344 : i32
      %add3A_346 = arith.constant 80 : i32
      %add3A_347 = arith.addi %mul3A_345, %add3A_346 : i32
      %dma_start3A_348 = arith.constant 2 : i32
      %dma_start3A_349 = arith.constant 1 : i32
      %dma_start3A_350 = arith.constant 0 : i32
      %dma_start3A_351 = arith.constant 0 : i32
      %dma_start3A_352 = tpu.memref_slice %arg8[%dma_start3A_348, %dma_start3A_349, %dma_start3A_350, %dma_start3A_351] : memref<3x3x80x128xf32, #tpu.memory_space<vmem>> -> memref<1x1x80x128xf32, #tpu.memory_space<vmem>>
      %dma_start3A_353 = tpu.memref_squeeze %dma_start3A_352 : memref<1x1x80x128xf32, #tpu.memory_space<vmem>> -> memref<80x128xf32, #tpu.memory_space<vmem>>
      %dma_start3A_354 = tpu.memref_slice %arg7[%add3A_347] : memref<14640xi32, #tpu.memory_space<vmem>> -> memref<80xi32, #tpu.memory_space<vmem>>
      %dma_start3A_355 = arith.constant 0 : i32
      %dma_start3A_356 = arith.constant 0 : i32
      %dma_start3A_357 = tpu.memref_slice %arg3[%dma_start3A_355, %dma_start3A_356] : memref<10001x128xf32, #tpu.memory_space<hbm>> -> memref<10001x128xf32, #tpu.memory_space<hbm>>
      tpu.enqueue_indirect_dma source(%dma_start3A_357 : memref<10001x128xf32, #tpu.memory_space<hbm>>) target(%dma_start3A_353 : memref<80x128xf32, #tpu.memory_space<vmem>>) offsets(%dma_start3A_354 : memref<80xi32, #tpu.memory_space<vmem>>) semaphore(%arg9 : memref<!tpu.dma_semaphore, #tpu.memory_space<semaphore_mem>>)
      %mul3A_358 = arith.constant 3 : i32
      %mul3A_359 = arith.muli %scan3A_194, %mul3A_358 : i32
      %add3A_360 = arith.constant 2 : i32
      %add3A_361 = arith.addi %mul3A_359, %add3A_360 : i32
      %mul3A_362 = arith.constant 3 : i32
      %mul3A_363 = arith.muli %add3A_361, %mul3A_362 : i32
      %mul3A_364 = arith.constant 80 : i32
      %mul3A_365 = arith.muli %mul3A_363, %mul3A_364 : i32
      %add3A_366 = arith.constant 160 : i32
      %add3A_367 = arith.addi %mul3A_365, %add3A_366 : i32
      %dma_start3A_368 = arith.constant 2 : i32
      %dma_start3A_369 = arith.constant 2 : i32
      %dma_start3A_370 = arith.constant 0 : i32
      %dma_start3A_371 = arith.constant 0 : i32
      %dma_start3A_372 = tpu.memref_slice %arg8[%dma_start3A_368, %dma_start3A_369, %dma_start3A_370, %dma_start3A_371] : memref<3x3x80x128xf32, #tpu.memory_space<vmem>> -> memref<1x1x80x128xf32, #tpu.memory_space<vmem>>
      %dma_start3A_373 = tpu.memref_squeeze %dma_start3A_372 : memref<1x1x80x128xf32, #tpu.memory_space<vmem>> -> memref<80x128xf32, #tpu.memory_space<vmem>>
      %dma_start3A_374 = tpu.memref_slice %arg7[%add3A_367] : memref<14640xi32, #tpu.memory_space<vmem>> -> memref<80xi32, #tpu.memory_space<vmem>>
      %dma_start3A_375 = arith.constant 0 : i32
      %dma_start3A_376 = arith.constant 0 : i32
      %dma_start3A_377 = tpu.memref_slice %arg4[%dma_start3A_375, %dma_start3A_376] : memref<10000x128xf32, #tpu.memory_space<hbm>> -> memref<10000x128xf32, #tpu.memory_space<hbm>>
      tpu.enqueue_indirect_dma source(%dma_start3A_377 : memref<10000x128xf32, #tpu.memory_space<hbm>>) target(%dma_start3A_373 : memref<80x128xf32, #tpu.memory_space<vmem>>) offsets(%dma_start3A_374 : memref<80xi32, #tpu.memory_space<vmem>>) semaphore(%arg9 : memref<!tpu.dma_semaphore, #tpu.memory_space<semaphore_mem>>)
      %dma_wait3A_378 = arith.constant 0 : i32
      %dma_wait3A_379 = arith.constant 0 : i32
      %dma_wait3A_380 = arith.constant 0 : i32
      %dma_wait3A_381 = arith.constant 0 : i32
      %dma_wait3A_382 = tpu.memref_slice %arg8[%dma_wait3A_378, %dma_wait3A_379, %dma_wait3A_380, %dma_wait3A_381] : memref<3x3x80x128xf32, #tpu.memory_space<vmem>> -> memref<1x1x80x128xf32, #tpu.memory_space<vmem>>
      %dma_wait3A_383 = tpu.memref_squeeze %dma_wait3A_382 : memref<1x1x80x128xf32, #tpu.memory_space<vmem>> -> memref<80x128xf32, #tpu.memory_space<vmem>>
      %dma_wait3A_384 = tpu.memref_slice %arg7[%add3A_207] : memref<14640xi32, #tpu.memory_space<vmem>> -> memref<80xi32, #tpu.memory_space<vmem>>
      %dma_wait3A_385 = arith.constant 0 : i32
      %dma_wait3A_386 = arith.constant 0 : i32
      %dma_wait3A_387 = tpu.memref_slice %arg2[%dma_wait3A_385, %dma_wait3A_386] : memref<10000x128xf32, #tpu.memory_space<hbm>> -> memref<10000x128xf32, #tpu.memory_space<hbm>>
      tpu.wait_indirect_dma semaphore(%arg9 : memref<!tpu.dma_semaphore, #tpu.memory_space<semaphore_mem>>) src(%dma_wait3A_387 : memref<10000x128xf32, #tpu.memory_space<hbm>>) dst(%dma_wait3A_383 : memref<80x128xf32, #tpu.memory_space<vmem>>)
      %dma_wait3A_388 = arith.constant 0 : i32
      %dma_wait3A_389 = arith.constant 1 : i32
      %dma_wait3A_390 = arith.constant 0 : i32
      %dma_wait3A_391 = arith.constant 0 : i32
      %dma_wait3A_392 = tpu.memref_slice %arg8[%dma_wait3A_388, %dma_wait3A_389, %dma_wait3A_390, %dma_wait3A_391] : memref<3x3x80x128xf32, #tpu.memory_space<vmem>> -> memref<1x1x80x128xf32, #tpu.memory_space<vmem>>
      %dma_wait3A_393 = tpu.memref_squeeze %dma_wait3A_392 : memref<1x1x80x128xf32, #tpu.memory_space<vmem>> -> memref<80x128xf32, #tpu.memory_space<vmem>>
      %dma_wait3A_394 = tpu.memref_slice %arg7[%add3A_227] : memref<14640xi32, #tpu.memory_space<vmem>> -> memref<80xi32, #tpu.memory_space<vmem>>
      %dma_wait3A_395 = arith.constant 0 : i32
      %dma_wait3A_396 = arith.constant 0 : i32
      %dma_wait3A_397 = tpu.memref_slice %arg3[%dma_wait3A_395, %dma_wait3A_396] : memref<10001x128xf32, #tpu.memory_space<hbm>> -> memref<10001x128xf32, #tpu.memory_space<hbm>>
      tpu.wait_indirect_dma semaphore(%arg9 : memref<!tpu.dma_semaphore, #tpu.memory_space<semaphore_mem>>) src(%dma_wait3A_397 : memref<10001x128xf32, #tpu.memory_space<hbm>>) dst(%dma_wait3A_393 : memref<80x128xf32, #tpu.memory_space<vmem>>)
      %dma_wait3A_398 = arith.constant 0 : i32
      %dma_wait3A_399 = arith.constant 2 : i32
      %dma_wait3A_400 = arith.constant 0 : i32
      %dma_wait3A_401 = arith.constant 0 : i32
      %dma_wait3A_402 = tpu.memref_slice %arg8[%dma_wait3A_398, %dma_wait3A_399, %dma_wait3A_400, %dma_wait3A_401] : memref<3x3x80x128xf32, #tpu.memory_space<vmem>> -> memref<1x1x80x128xf32, #tpu.memory_space<vmem>>
      %dma_wait3A_403 = tpu.memref_squeeze %dma_wait3A_402 : memref<1x1x80x128xf32, #tpu.memory_space<vmem>> -> memref<80x128xf32, #tpu.memory_space<vmem>>
      %dma_wait3A_404 = tpu.memref_slice %arg7[%add3A_247] : memref<14640xi32, #tpu.memory_space<vmem>> -> memref<80xi32, #tpu.memory_space<vmem>>
      %dma_wait3A_405 = arith.constant 0 : i32
      %dma_wait3A_406 = arith.constant 0 : i32
      %dma_wait3A_407 = tpu.memref_slice %arg4[%dma_wait3A_405, %dma_wait3A_406] : memref<10000x128xf32, #tpu.memory_space<hbm>> -> memref<10000x128xf32, #tpu.memory_space<hbm>>
      tpu.wait_indirect_dma semaphore(%arg9 : memref<!tpu.dma_semaphore, #tpu.memory_space<semaphore_mem>>) src(%dma_wait3A_407 : memref<10000x128xf32, #tpu.memory_space<hbm>>) dst(%dma_wait3A_403 : memref<80x128xf32, #tpu.memory_space<vmem>>)
      %add3A_408 = arith.constant 0 : i32
      %add3A_409 = arith.addi %add3A_197, %add3A_408 : i32
      %dma_start3A_410 = arith.constant 0 : i32
      %dma_start3A_411 = arith.constant 0 : i32
      %dma_start3A_412 = arith.constant 0 : i32
      %dma_start3A_413 = arith.constant 0 : i32
      %dma_start3A_414 = arith.constant 0 : i32
      %dma_start3A_415 = tpu.memref_slice %arg8[%dma_start3A_410, %dma_start3A_411, %dma_start3A_413, %dma_start3A_414] : memref<3x3x80x128xf32, #tpu.memory_space<vmem>> -> memref<1x1x80x128xf32, #tpu.memory_space<vmem>>
      %dma_start3A_416 = tpu.memref_squeeze %dma_start3A_415 : memref<1x1x80x128xf32, #tpu.memory_space<vmem>> -> memref<80x128xf32, #tpu.memory_space<vmem>>
      %dma_start3A_417 = arith.constant 0 : i32
      %dma_start3A_418 = tpu.memref_slice %arg6[%dma_start3A_412, %add3A_409, %dma_start3A_417] : memref<3x156160x128xf32, #tpu.memory_space<hbm>> -> memref<1x80x128xf32, #tpu.memory_space<hbm>>
      %dma_start3A_419 = tpu.memref_squeeze %dma_start3A_418 : memref<1x80x128xf32, #tpu.memory_space<hbm>> -> memref<80x128xf32, #tpu.memory_space<hbm>>
      %dma_start3A_420 = arith.constant 0 : i32
      %dma_start3A_421 = tpu.memref_slice %arg6[%dma_start3A_412, %add3A_409, %dma_start3A_420] : memref<3x156160x128xf32, #tpu.memory_space<hbm>> -> memref<1x80x128xf32, #tpu.memory_space<hbm>>
      %dma_start3A_422 = tpu.memref_squeeze %dma_start3A_421 : memref<1x80x128xf32, #tpu.memory_space<hbm>> -> memref<80x128xf32, #tpu.memory_space<hbm>>
      %dma_start3A_423 = arith.constant 0 : i32
      %dma_start3A_424 = arith.constant 0 : i32
      %dma_start3A_425 = tpu.memref_slice %arg8[%dma_start3A_410, %dma_start3A_411, %dma_start3A_423, %dma_start3A_424] : memref<3x3x80x128xf32, #tpu.memory_space<vmem>> -> memref<1x1x80x128xf32, #tpu.memory_space<vmem>>
      %dma_start3A_426 = tpu.memref_squeeze %dma_start3A_425 : memref<1x1x80x128xf32, #tpu.memory_space<vmem>> -> memref<80x128xf32, #tpu.memory_space<vmem>>
      tpu.enqueue_dma source(%dma_start3A_426 : memref<80x128xf32, #tpu.memory_space<vmem>>) target(%dma_start3A_422 : memref<80x128xf32, #tpu.memory_space<hbm>>) target_semaphore(%arg10 : memref<!tpu.dma_semaphore, #tpu.memory_space<semaphore_mem>>)
      %add3A_427 = arith.constant 0 : i32
      %add3A_428 = arith.addi %add3A_197, %add3A_427 : i32
      %dma_start3A_429 = arith.constant 0 : i32
      %dma_start3A_430 = arith.constant 1 : i32
      %dma_start3A_431 = arith.constant 1 : i32
      %dma_start3A_432 = arith.constant 0 : i32
      %dma_start3A_433 = arith.constant 0 : i32
      %dma_start3A_434 = tpu.memref_slice %arg8[%dma_start3A_429, %dma_start3A_430, %dma_start3A_432, %dma_start3A_433] : memref<3x3x80x128xf32, #tpu.memory_space<vmem>> -> memref<1x1x80x128xf32, #tpu.memory_space<vmem>>
      %dma_start3A_435 = tpu.memref_squeeze %dma_start3A_434 : memref<1x1x80x128xf32, #tpu.memory_space<vmem>> -> memref<80x128xf32, #tpu.memory_space<vmem>>
      %dma_start3A_436 = arith.constant 0 : i32
      %dma_start3A_437 = tpu.memref_slice %arg6[%dma_start3A_431, %add3A_428, %dma_start3A_436] : memref<3x156160x128xf32, #tpu.memory_space<hbm>> -> memref<1x80x128xf32, #tpu.memory_space<hbm>>
      %dma_start3A_438 = tpu.memref_squeeze %dma_start3A_437 : memref<1x80x128xf32, #tpu.memory_space<hbm>> -> memref<80x128xf32, #tpu.memory_space<hbm>>
      %dma_start3A_439 = arith.constant 0 : i32
      %dma_start3A_440 = tpu.memref_slice %arg6[%dma_start3A_431, %add3A_428, %dma_start3A_439] : memref<3x156160x128xf32, #tpu.memory_space<hbm>> -> memref<1x80x128xf32, #tpu.memory_space<hbm>>
      %dma_start3A_441 = tpu.memref_squeeze %dma_start3A_440 : memref<1x80x128xf32, #tpu.memory_space<hbm>> -> memref<80x128xf32, #tpu.memory_space<hbm>>
      %dma_start3A_442 = arith.constant 0 : i32
      %dma_start3A_443 = arith.constant 0 : i32
      %dma_start3A_444 = tpu.memref_slice %arg8[%dma_start3A_429, %dma_start3A_430, %dma_start3A_442, %dma_start3A_443] : memref<3x3x80x128xf32, #tpu.memory_space<vmem>> -> memref<1x1x80x128xf32, #tpu.memory_space<vmem>>
      %dma_start3A_445 = tpu.memref_squeeze %dma_start3A_444 : memref<1x1x80x128xf32, #tpu.memory_space<vmem>> -> memref<80x128xf32, #tpu.memory_space<vmem>>
      tpu.enqueue_dma source(%dma_start3A_445 : memref<80x128xf32, #tpu.memory_space<vmem>>) target(%dma_start3A_441 : memref<80x128xf32, #tpu.memory_space<hbm>>) target_semaphore(%arg10 : memref<!tpu.dma_semaphore, #tpu.memory_space<semaphore_mem>>)
      %add3A_446 = arith.constant 0 : i32
      %add3A_447 = arith.addi %add3A_197, %add3A_446 : i32
      %dma_start3A_448 = arith.constant 0 : i32
      %dma_start3A_449 = arith.constant 2 : i32
      %dma_start3A_450 = arith.constant 2 : i32
      %dma_start3A_451 = arith.constant 0 : i32
      %dma_start3A_452 = arith.constant 0 : i32
      %dma_start3A_453 = tpu.memref_slice %arg8[%dma_start3A_448, %dma_start3A_449, %dma_start3A_451, %dma_start3A_452] : memref<3x3x80x128xf32, #tpu.memory_space<vmem>> -> memref<1x1x80x128xf32, #tpu.memory_space<vmem>>
      %dma_start3A_454 = tpu.memref_squeeze %dma_start3A_453 : memref<1x1x80x128xf32, #tpu.memory_space<vmem>> -> memref<80x128xf32, #tpu.memory_space<vmem>>
      %dma_start3A_455 = arith.constant 0 : i32
      %dma_start3A_456 = tpu.memref_slice %arg6[%dma_start3A_450, %add3A_447, %dma_start3A_455] : memref<3x156160x128xf32, #tpu.memory_space<hbm>> -> memref<1x80x128xf32, #tpu.memory_space<hbm>>
      %dma_start3A_457 = tpu.memref_squeeze %dma_start3A_456 : memref<1x80x128xf32, #tpu.memory_space<hbm>> -> memref<80x128xf32, #tpu.memory_space<hbm>>
      %dma_start3A_458 = arith.constant 0 : i32
      %dma_start3A_459 = tpu.memref_slice %arg6[%dma_start3A_450, %add3A_447, %dma_start3A_458] : memref<3x156160x128xf32, #tpu.memory_space<hbm>> -> memref<1x80x128xf32, #tpu.memory_space<hbm>>
      %dma_start3A_460 = tpu.memref_squeeze %dma_start3A_459 : memref<1x80x128xf32, #tpu.memory_space<hbm>> -> memref<80x128xf32, #tpu.memory_space<hbm>>
      %dma_start3A_461 = arith.constant 0 : i32
      %dma_start3A_462 = arith.constant 0 : i32
      %dma_start3A_463 = tpu.memref_slice %arg8[%dma_start3A_448, %dma_start3A_449, %dma_start3A_461, %dma_start3A_462] : memref<3x3x80x128xf32, #tpu.memory_space<vmem>> -> memref<1x1x80x128xf32, #tpu.memory_space<vmem>>
      %dma_start3A_464 = tpu.memref_squeeze %dma_start3A_463 : memref<1x1x80x128xf32, #tpu.memory_space<vmem>> -> memref<80x128xf32, #tpu.memory_space<vmem>>
      tpu.enqueue_dma source(%dma_start3A_464 : memref<80x128xf32, #tpu.memory_space<vmem>>) target(%dma_start3A_460 : memref<80x128xf32, #tpu.memory_space<hbm>>) target_semaphore(%arg10 : memref<!tpu.dma_semaphore, #tpu.memory_space<semaphore_mem>>)
      %dma_wait3A_465 = arith.constant 1 : i32
      %dma_wait3A_466 = arith.constant 0 : i32
      %dma_wait3A_467 = arith.constant 0 : i32
      %dma_wait3A_468 = arith.constant 0 : i32
      %dma_wait3A_469 = tpu.memref_slice %arg8[%dma_wait3A_465, %dma_wait3A_466, %dma_wait3A_467, %dma_wait3A_468] : memref<3x3x80x128xf32, #tpu.memory_space<vmem>> -> memref<1x1x80x128xf32, #tpu.memory_space<vmem>>
      %dma_wait3A_470 = tpu.memref_squeeze %dma_wait3A_469 : memref<1x1x80x128xf32, #tpu.memory_space<vmem>> -> memref<80x128xf32, #tpu.memory_space<vmem>>
      %dma_wait3A_471 = tpu.memref_slice %arg7[%add3A_267] : memref<14640xi32, #tpu.memory_space<vmem>> -> memref<80xi32, #tpu.memory_space<vmem>>
      %dma_wait3A_472 = arith.constant 0 : i32
      %dma_wait3A_473 = arith.constant 0 : i32
      %dma_wait3A_474 = tpu.memref_slice %arg2[%dma_wait3A_472, %dma_wait3A_473] : memref<10000x128xf32, #tpu.memory_space<hbm>> -> memref<10000x128xf32, #tpu.memory_space<hbm>>
      tpu.wait_indirect_dma semaphore(%arg9 : memref<!tpu.dma_semaphore, #tpu.memory_space<semaphore_mem>>) src(%dma_wait3A_474 : memref<10000x128xf32, #tpu.memory_space<hbm>>) dst(%dma_wait3A_470 : memref<80x128xf32, #tpu.memory_space<vmem>>)
      %dma_wait3A_475 = arith.constant 1 : i32
      %dma_wait3A_476 = arith.constant 1 : i32
      %dma_wait3A_477 = arith.constant 0 : i32
      %dma_wait3A_478 = arith.constant 0 : i32
      %dma_wait3A_479 = tpu.memref_slice %arg8[%dma_wait3A_475, %dma_wait3A_476, %dma_wait3A_477, %dma_wait3A_478] : memref<3x3x80x128xf32, #tpu.memory_space<vmem>> -> memref<1x1x80x128xf32, #tpu.memory_space<vmem>>
      %dma_wait3A_480 = tpu.memref_squeeze %dma_wait3A_479 : memref<1x1x80x128xf32, #tpu.memory_space<vmem>> -> memref<80x128xf32, #tpu.memory_space<vmem>>
      %dma_wait3A_481 = tpu.memref_slice %arg7[%add3A_287] : memref<14640xi32, #tpu.memory_space<vmem>> -> memref<80xi32, #tpu.memory_space<vmem>>
      %dma_wait3A_482 = arith.constant 0 : i32
      %dma_wait3A_483 = arith.constant 0 : i32
      %dma_wait3A_484 = tpu.memref_slice %arg3[%dma_wait3A_482, %dma_wait3A_483] : memref<10001x128xf32, #tpu.memory_space<hbm>> -> memref<10001x128xf32, #tpu.memory_space<hbm>>
      tpu.wait_indirect_dma semaphore(%arg9 : memref<!tpu.dma_semaphore, #tpu.memory_space<semaphore_mem>>) src(%dma_wait3A_484 : memref<10001x128xf32, #tpu.memory_space<hbm>>) dst(%dma_wait3A_480 : memref<80x128xf32, #tpu.memory_space<vmem>>)
      %dma_wait3A_485 = arith.constant 1 : i32
      %dma_wait3A_486 = arith.constant 2 : i32
      %dma_wait3A_487 = arith.constant 0 : i32
      %dma_wait3A_488 = arith.constant 0 : i32
      %dma_wait3A_489 = tpu.memref_slice %arg8[%dma_wait3A_485, %dma_wait3A_486, %dma_wait3A_487, %dma_wait3A_488] : memref<3x3x80x128xf32, #tpu.memory_space<vmem>> -> memref<1x1x80x128xf32, #tpu.memory_space<vmem>>
      %dma_wait3A_490 = tpu.memref_squeeze %dma_wait3A_489 : memref<1x1x80x128xf32, #tpu.memory_space<vmem>> -> memref<80x128xf32, #tpu.memory_space<vmem>>
      %dma_wait3A_491 = tpu.memref_slice %arg7[%add3A_307] : memref<14640xi32, #tpu.memory_space<vmem>> -> memref<80xi32, #tpu.memory_space<vmem>>
      %dma_wait3A_492 = arith.constant 0 : i32
      %dma_wait3A_493 = arith.constant 0 : i32
      %dma_wait3A_494 = tpu.memref_slice %arg4[%dma_wait3A_492, %dma_wait3A_493] : memref<10000x128xf32, #tpu.memory_space<hbm>> -> memref<10000x128xf32, #tpu.memory_space<hbm>>
      tpu.wait_indirect_dma semaphore(%arg9 : memref<!tpu.dma_semaphore, #tpu.memory_space<semaphore_mem>>) src(%dma_wait3A_494 : memref<10000x128xf32, #tpu.memory_space<hbm>>) dst(%dma_wait3A_490 : memref<80x128xf32, #tpu.memory_space<vmem>>)
      %add3A_495 = arith.constant 80 : i32
      %add3A_496 = arith.addi %add3A_197, %add3A_495 : i32
      %dma_start3A_497 = arith.constant 1 : i32
      %dma_start3A_498 = arith.constant 0 : i32
      %dma_start3A_499 = arith.constant 0 : i32
      %dma_start3A_500 = arith.constant 0 : i32
      %dma_start3A_501 = arith.constant 0 : i32
      %dma_start3A_502 = tpu.memref_slice %arg8[%dma_start3A_497, %dma_start3A_498, %dma_start3A_500, %dma_start3A_501] : memref<3x3x80x128xf32, #tpu.memory_space<vmem>> -> memref<1x1x80x128xf32, #tpu.memory_space<vmem>>
      %dma_start3A_503 = tpu.memref_squeeze %dma_start3A_502 : memref<1x1x80x128xf32, #tpu.memory_space<vmem>> -> memref<80x128xf32, #tpu.memory_space<vmem>>
      %dma_start3A_504 = arith.constant 0 : i32
      %dma_start3A_505 = tpu.memref_slice %arg6[%dma_start3A_499, %add3A_496, %dma_start3A_504] : memref<3x156160x128xf32, #tpu.memory_space<hbm>> -> memref<1x80x128xf32, #tpu.memory_space<hbm>>
      %dma_start3A_506 = tpu.memref_squeeze %dma_start3A_505 : memref<1x80x128xf32, #tpu.memory_space<hbm>> -> memref<80x128xf32, #tpu.memory_space<hbm>>
      %dma_start3A_507 = arith.constant 0 : i32
      %dma_start3A_508 = tpu.memref_slice %arg6[%dma_start3A_499, %add3A_496, %dma_start3A_507] : memref<3x156160x128xf32, #tpu.memory_space<hbm>> -> memref<1x80x128xf32, #tpu.memory_space<hbm>>
      %dma_start3A_509 = tpu.memref_squeeze %dma_start3A_508 : memref<1x80x128xf32, #tpu.memory_space<hbm>> -> memref<80x128xf32, #tpu.memory_space<hbm>>
      %dma_start3A_510 = arith.constant 0 : i32
      %dma_start3A_511 = arith.constant 0 : i32
      %dma_start3A_512 = tpu.memref_slice %arg8[%dma_start3A_497, %dma_start3A_498, %dma_start3A_510, %dma_start3A_511] : memref<3x3x80x128xf32, #tpu.memory_space<vmem>> -> memref<1x1x80x128xf32, #tpu.memory_space<vmem>>
      %dma_start3A_513 = tpu.memref_squeeze %dma_start3A_512 : memref<1x1x80x128xf32, #tpu.memory_space<vmem>> -> memref<80x128xf32, #tpu.memory_space<vmem>>
      tpu.enqueue_dma source(%dma_start3A_513 : memref<80x128xf32, #tpu.memory_space<vmem>>) target(%dma_start3A_509 : memref<80x128xf32, #tpu.memory_space<hbm>>) target_semaphore(%arg10 : memref<!tpu.dma_semaphore, #tpu.memory_space<semaphore_mem>>)
      %add3A_514 = arith.constant 80 : i32
      %add3A_515 = arith.addi %add3A_197, %add3A_514 : i32
      %dma_start3A_516 = arith.constant 1 : i32
      %dma_start3A_517 = arith.constant 1 : i32
      %dma_start3A_518 = arith.constant 1 : i32
      %dma_start3A_519 = arith.constant 0 : i32
      %dma_start3A_520 = arith.constant 0 : i32
      %dma_start3A_521 = tpu.memref_slice %arg8[%dma_start3A_516, %dma_start3A_517, %dma_start3A_519, %dma_start3A_520] : memref<3x3x80x128xf32, #tpu.memory_space<vmem>> -> memref<1x1x80x128xf32, #tpu.memory_space<vmem>>
      %dma_start3A_522 = tpu.memref_squeeze %dma_start3A_521 : memref<1x1x80x128xf32, #tpu.memory_space<vmem>> -> memref<80x128xf32, #tpu.memory_space<vmem>>
      %dma_start3A_523 = arith.constant 0 : i32
      %dma_start3A_524 = tpu.memref_slice %arg6[%dma_start3A_518, %add3A_515, %dma_start3A_523] : memref<3x156160x128xf32, #tpu.memory_space<hbm>> -> memref<1x80x128xf32, #tpu.memory_space<hbm>>
      %dma_start3A_525 = tpu.memref_squeeze %dma_start3A_524 : memref<1x80x128xf32, #tpu.memory_space<hbm>> -> memref<80x128xf32, #tpu.memory_space<hbm>>
      %dma_start3A_526 = arith.constant 0 : i32
      %dma_start3A_527 = tpu.memref_slice %arg6[%dma_start3A_518, %add3A_515, %dma_start3A_526] : memref<3x156160x128xf32, #tpu.memory_space<hbm>> -> memref<1x80x128xf32, #tpu.memory_space<hbm>>
      %dma_start3A_528 = tpu.memref_squeeze %dma_start3A_527 : memref<1x80x128xf32, #tpu.memory_space<hbm>> -> memref<80x128xf32, #tpu.memory_space<hbm>>
      %dma_start3A_529 = arith.constant 0 : i32
      %dma_start3A_530 = arith.constant 0 : i32
      %dma_start3A_531 = tpu.memref_slice %arg8[%dma_start3A_516, %dma_start3A_517, %dma_start3A_529, %dma_start3A_530] : memref<3x3x80x128xf32, #tpu.memory_space<vmem>> -> memref<1x1x80x128xf32, #tpu.memory_space<vmem>>
      %dma_start3A_532 = tpu.memref_squeeze %dma_start3A_531 : memref<1x1x80x128xf32, #tpu.memory_space<vmem>> -> memref<80x128xf32, #tpu.memory_space<vmem>>
      tpu.enqueue_dma source(%dma_start3A_532 : memref<80x128xf32, #tpu.memory_space<vmem>>) target(%dma_start3A_528 : memref<80x128xf32, #tpu.memory_space<hbm>>) target_semaphore(%arg10 : memref<!tpu.dma_semaphore, #tpu.memory_space<semaphore_mem>>)
      %add3A_533 = arith.constant 80 : i32
      %add3A_534 = arith.addi %add3A_197, %add3A_533 : i32
      %dma_start3A_535 = arith.constant 1 : i32
      %dma_start3A_536 = arith.constant 2 : i32
      %dma_start3A_537 = arith.constant 2 : i32
      %dma_start3A_538 = arith.constant 0 : i32
      %dma_start3A_539 = arith.constant 0 : i32
      %dma_start3A_540 = tpu.memref_slice %arg8[%dma_start3A_535, %dma_start3A_536, %dma_start3A_538, %dma_start3A_539] : memref<3x3x80x128xf32, #tpu.memory_space<vmem>> -> memref<1x1x80x128xf32, #tpu.memory_space<vmem>>
      %dma_start3A_541 = tpu.memref_squeeze %dma_start3A_540 : memref<1x1x80x128xf32, #tpu.memory_space<vmem>> -> memref<80x128xf32, #tpu.memory_space<vmem>>
      %dma_start3A_542 = arith.constant 0 : i32
      %dma_start3A_543 = tpu.memref_slice %arg6[%dma_start3A_537, %add3A_534, %dma_start3A_542] : memref<3x156160x128xf32, #tpu.memory_space<hbm>> -> memref<1x80x128xf32, #tpu.memory_space<hbm>>
      %dma_start3A_544 = tpu.memref_squeeze %dma_start3A_543 : memref<1x80x128xf32, #tpu.memory_space<hbm>> -> memref<80x128xf32, #tpu.memory_space<hbm>>
      %dma_start3A_545 = arith.constant 0 : i32
      %dma_start3A_546 = tpu.memref_slice %arg6[%dma_start3A_537, %add3A_534, %dma_start3A_545] : memref<3x156160x128xf32, #tpu.memory_space<hbm>> -> memref<1x80x128xf32, #tpu.memory_space<hbm>>
      %dma_start3A_547 = tpu.memref_squeeze %dma_start3A_546 : memref<1x80x128xf32, #tpu.memory_space<hbm>> -> memref<80x128xf32, #tpu.memory_space<hbm>>
      %dma_start3A_548 = arith.constant 0 : i32
      %dma_start3A_549 = arith.constant 0 : i32
      %dma_start3A_550 = tpu.memref_slice %arg8[%dma_start3A_535, %dma_start3A_536, %dma_start3A_548, %dma_start3A_549] : memref<3x3x80x128xf32, #tpu.memory_space<vmem>> -> memref<1x1x80x128xf32, #tpu.memory_space<vmem>>
      %dma_start3A_551 = tpu.memref_squeeze %dma_start3A_550 : memref<1x1x80x128xf32, #tpu.memory_space<vmem>> -> memref<80x128xf32, #tpu.memory_space<vmem>>
      tpu.enqueue_dma source(%dma_start3A_551 : memref<80x128xf32, #tpu.memory_space<vmem>>) target(%dma_start3A_547 : memref<80x128xf32, #tpu.memory_space<hbm>>) target_semaphore(%arg10 : memref<!tpu.dma_semaphore, #tpu.memory_space<semaphore_mem>>)
      %dma_wait3A_552 = arith.constant 2 : i32
      %dma_wait3A_553 = arith.constant 0 : i32
      %dma_wait3A_554 = arith.constant 0 : i32
      %dma_wait3A_555 = arith.constant 0 : i32
      %dma_wait3A_556 = tpu.memref_slice %arg8[%dma_wait3A_552, %dma_wait3A_553, %dma_wait3A_554, %dma_wait3A_555] : memref<3x3x80x128xf32, #tpu.memory_space<vmem>> -> memref<1x1x80x128xf32, #tpu.memory_space<vmem>>
      %dma_wait3A_557 = tpu.memref_squeeze %dma_wait3A_556 : memref<1x1x80x128xf32, #tpu.memory_space<vmem>> -> memref<80x128xf32, #tpu.memory_space<vmem>>
      %dma_wait3A_558 = tpu.memref_slice %arg7[%add3A_327] : memref<14640xi32, #tpu.memory_space<vmem>> -> memref<80xi32, #tpu.memory_space<vmem>>
      %dma_wait3A_559 = arith.constant 0 : i32
      %dma_wait3A_560 = arith.constant 0 : i32
      %dma_wait3A_561 = tpu.memref_slice %arg2[%dma_wait3A_559, %dma_wait3A_560] : memref<10000x128xf32, #tpu.memory_space<hbm>> -> memref<10000x128xf32, #tpu.memory_space<hbm>>
      tpu.wait_indirect_dma semaphore(%arg9 : memref<!tpu.dma_semaphore, #tpu.memory_space<semaphore_mem>>) src(%dma_wait3A_561 : memref<10000x128xf32, #tpu.memory_space<hbm>>) dst(%dma_wait3A_557 : memref<80x128xf32, #tpu.memory_space<vmem>>)
      %dma_wait3A_562 = arith.constant 2 : i32
      %dma_wait3A_563 = arith.constant 1 : i32
      %dma_wait3A_564 = arith.constant 0 : i32
      %dma_wait3A_565 = arith.constant 0 : i32
      %dma_wait3A_566 = tpu.memref_slice %arg8[%dma_wait3A_562, %dma_wait3A_563, %dma_wait3A_564, %dma_wait3A_565] : memref<3x3x80x128xf32, #tpu.memory_space<vmem>> -> memref<1x1x80x128xf32, #tpu.memory_space<vmem>>
      %dma_wait3A_567 = tpu.memref_squeeze %dma_wait3A_566 : memref<1x1x80x128xf32, #tpu.memory_space<vmem>> -> memref<80x128xf32, #tpu.memory_space<vmem>>
      %dma_wait3A_568 = tpu.memref_slice %arg7[%add3A_347] : memref<14640xi32, #tpu.memory_space<vmem>> -> memref<80xi32, #tpu.memory_space<vmem>>
      %dma_wait3A_569 = arith.constant 0 : i32
      %dma_wait3A_570 = arith.constant 0 : i32
      %dma_wait3A_571 = tpu.memref_slice %arg3[%dma_wait3A_569, %dma_wait3A_570] : memref<10001x128xf32, #tpu.memory_space<hbm>> -> memref<10001x128xf32, #tpu.memory_space<hbm>>
      tpu.wait_indirect_dma semaphore(%arg9 : memref<!tpu.dma_semaphore, #tpu.memory_space<semaphore_mem>>) src(%dma_wait3A_571 : memref<10001x128xf32, #tpu.memory_space<hbm>>) dst(%dma_wait3A_567 : memref<80x128xf32, #tpu.memory_space<vmem>>)
      %dma_wait3A_572 = arith.constant 2 : i32
      %dma_wait3A_573 = arith.constant 2 : i32
      %dma_wait3A_574 = arith.constant 0 : i32
      %dma_wait3A_575 = arith.constant 0 : i32
      %dma_wait3A_576 = tpu.memref_slice %arg8[%dma_wait3A_572, %dma_wait3A_573, %dma_wait3A_574, %dma_wait3A_575] : memref<3x3x80x128xf32, #tpu.memory_space<vmem>> -> memref<1x1x80x128xf32, #tpu.memory_space<vmem>>
      %dma_wait3A_577 = tpu.memref_squeeze %dma_wait3A_576 : memref<1x1x80x128xf32, #tpu.memory_space<vmem>> -> memref<80x128xf32, #tpu.memory_space<vmem>>
      %dma_wait3A_578 = tpu.memref_slice %arg7[%add3A_367] : memref<14640xi32, #tpu.memory_space<vmem>> -> memref<80xi32, #tpu.memory_space<vmem>>
      %dma_wait3A_579 = arith.constant 0 : i32
      %dma_wait3A_580 = arith.constant 0 : i32
      %dma_wait3A_581 = tpu.memref_slice %arg4[%dma_wait3A_579, %dma_wait3A_580] : memref<10000x128xf32, #tpu.memory_space<hbm>> -> memref<10000x128xf32, #tpu.memory_space<hbm>>
      tpu.wait_indirect_dma semaphore(%arg9 : memref<!tpu.dma_semaphore, #tpu.memory_space<semaphore_mem>>) src(%dma_wait3A_581 : memref<10000x128xf32, #tpu.memory_space<hbm>>) dst(%dma_wait3A_577 : memref<80x128xf32, #tpu.memory_space<vmem>>)
      %add3A_582 = arith.constant 160 : i32
      %add3A_583 = arith.addi %add3A_197, %add3A_582 : i32
      %dma_start3A_584 = arith.constant 2 : i32
      %dma_start3A_585 = arith.constant 0 : i32
      %dma_start3A_586 = arith.constant 0 : i32
      %dma_start3A_587 = arith.constant 0 : i32
      %dma_start3A_588 = arith.constant 0 : i32
      %dma_start3A_589 = tpu.memref_slice %arg8[%dma_start3A_584, %dma_start3A_585, %dma_start3A_587, %dma_start3A_588] : memref<3x3x80x128xf32, #tpu.memory_space<vmem>> -> memref<1x1x80x128xf32, #tpu.memory_space<vmem>>
      %dma_start3A_590 = tpu.memref_squeeze %dma_start3A_589 : memref<1x1x80x128xf32, #tpu.memory_space<vmem>> -> memref<80x128xf32, #tpu.memory_space<vmem>>
      %dma_start3A_591 = arith.constant 0 : i32
      %dma_start3A_592 = tpu.memref_slice %arg6[%dma_start3A_586, %add3A_583, %dma_start3A_591] : memref<3x156160x128xf32, #tpu.memory_space<hbm>> -> memref<1x80x128xf32, #tpu.memory_space<hbm>>
      %dma_start3A_593 = tpu.memref_squeeze %dma_start3A_592 : memref<1x80x128xf32, #tpu.memory_space<hbm>> -> memref<80x128xf32, #tpu.memory_space<hbm>>
      %dma_start3A_594 = arith.constant 0 : i32
      %dma_start3A_595 = tpu.memref_slice %arg6[%dma_start3A_586, %add3A_583, %dma_start3A_594] : memref<3x156160x128xf32, #tpu.memory_space<hbm>> -> memref<1x80x128xf32, #tpu.memory_space<hbm>>
      %dma_start3A_596 = tpu.memref_squeeze %dma_start3A_595 : memref<1x80x128xf32, #tpu.memory_space<hbm>> -> memref<80x128xf32, #tpu.memory_space<hbm>>
      %dma_start3A_597 = arith.constant 0 : i32
      %dma_start3A_598 = arith.constant 0 : i32
      %dma_start3A_599 = tpu.memref_slice %arg8[%dma_start3A_584, %dma_start3A_585, %dma_start3A_597, %dma_start3A_598] : memref<3x3x80x128xf32, #tpu.memory_space<vmem>> -> memref<1x1x80x128xf32, #tpu.memory_space<vmem>>
      %dma_start3A_600 = tpu.memref_squeeze %dma_start3A_599 : memref<1x1x80x128xf32, #tpu.memory_space<vmem>> -> memref<80x128xf32, #tpu.memory_space<vmem>>
      tpu.enqueue_dma source(%dma_start3A_600 : memref<80x128xf32, #tpu.memory_space<vmem>>) target(%dma_start3A_596 : memref<80x128xf32, #tpu.memory_space<hbm>>) target_semaphore(%arg10 : memref<!tpu.dma_semaphore, #tpu.memory_space<semaphore_mem>>)
      %add3A_601 = arith.constant 160 : i32
      %add3A_602 = arith.addi %add3A_197, %add3A_601 : i32
      %dma_start3A_603 = arith.constant 2 : i32
      %dma_start3A_604 = arith.constant 1 : i32
      %dma_start3A_605 = arith.constant 1 : i32
      %dma_start3A_606 = arith.constant 0 : i32
      %dma_start3A_607 = arith.constant 0 : i32
      %dma_start3A_608 = tpu.memref_slice %arg8[%dma_start3A_603, %dma_start3A_604, %dma_start3A_606, %dma_start3A_607] : memref<3x3x80x128xf32, #tpu.memory_space<vmem>> -> memref<1x1x80x128xf32, #tpu.memory_space<vmem>>
      %dma_start3A_609 = tpu.memref_squeeze %dma_start3A_608 : memref<1x1x80x128xf32, #tpu.memory_space<vmem>> -> memref<80x128xf32, #tpu.memory_space<vmem>>
      %dma_start3A_610 = arith.constant 0 : i32
      %dma_start3A_611 = tpu.memref_slice %arg6[%dma_start3A_605, %add3A_602, %dma_start3A_610] : memref<3x156160x128xf32, #tpu.memory_space<hbm>> -> memref<1x80x128xf32, #tpu.memory_space<hbm>>
      %dma_start3A_612 = tpu.memref_squeeze %dma_start3A_611 : memref<1x80x128xf32, #tpu.memory_space<hbm>> -> memref<80x128xf32, #tpu.memory_space<hbm>>
      %dma_start3A_613 = arith.constant 0 : i32
      %dma_start3A_614 = tpu.memref_slice %arg6[%dma_start3A_605, %add3A_602, %dma_start3A_613] : memref<3x156160x128xf32, #tpu.memory_space<hbm>> -> memref<1x80x128xf32, #tpu.memory_space<hbm>>
      %dma_start3A_615 = tpu.memref_squeeze %dma_start3A_614 : memref<1x80x128xf32, #tpu.memory_space<hbm>> -> memref<80x128xf32, #tpu.memory_space<hbm>>
      %dma_start3A_616 = arith.constant 0 : i32
      %dma_start3A_617 = arith.constant 0 : i32
      %dma_start3A_618 = tpu.memref_slice %arg8[%dma_start3A_603, %dma_start3A_604, %dma_start3A_616, %dma_start3A_617] : memref<3x3x80x128xf32, #tpu.memory_space<vmem>> -> memref<1x1x80x128xf32, #tpu.memory_space<vmem>>
      %dma_start3A_619 = tpu.memref_squeeze %dma_start3A_618 : memref<1x1x80x128xf32, #tpu.memory_space<vmem>> -> memref<80x128xf32, #tpu.memory_space<vmem>>
      tpu.enqueue_dma source(%dma_start3A_619 : memref<80x128xf32, #tpu.memory_space<vmem>>) target(%dma_start3A_615 : memref<80x128xf32, #tpu.memory_space<hbm>>) target_semaphore(%arg10 : memref<!tpu.dma_semaphore, #tpu.memory_space<semaphore_mem>>)
      %add3A_620 = arith.constant 160 : i32
      %add3A_621 = arith.addi %add3A_197, %add3A_620 : i32
      %dma_start3A_622 = arith.constant 2 : i32
      %dma_start3A_623 = arith.constant 2 : i32
      %dma_start3A_624 = arith.constant 2 : i32
      %dma_start3A_625 = arith.constant 0 : i32
      %dma_start3A_626 = arith.constant 0 : i32
      %dma_start3A_627 = tpu.memref_slice %arg8[%dma_start3A_622, %dma_start3A_623, %dma_start3A_625, %dma_start3A_626] : memref<3x3x80x128xf32, #tpu.memory_space<vmem>> -> memref<1x1x80x128xf32, #tpu.memory_space<vmem>>
      %dma_start3A_628 = tpu.memref_squeeze %dma_start3A_627 : memref<1x1x80x128xf32, #tpu.memory_space<vmem>> -> memref<80x128xf32, #tpu.memory_space<vmem>>
      %dma_start3A_629 = arith.constant 0 : i32
      %dma_start3A_630 = tpu.memref_slice %arg6[%dma_start3A_624, %add3A_621, %dma_start3A_629] : memref<3x156160x128xf32, #tpu.memory_space<hbm>> -> memref<1x80x128xf32, #tpu.memory_space<hbm>>
      %dma_start3A_631 = tpu.memref_squeeze %dma_start3A_630 : memref<1x80x128xf32, #tpu.memory_space<hbm>> -> memref<80x128xf32, #tpu.memory_space<hbm>>
      %dma_start3A_632 = arith.constant 0 : i32
      %dma_start3A_633 = tpu.memref_slice %arg6[%dma_start3A_624, %add3A_621, %dma_start3A_632] : memref<3x156160x128xf32, #tpu.memory_space<hbm>> -> memref<1x80x128xf32, #tpu.memory_space<hbm>>
      %dma_start3A_634 = tpu.memref_squeeze %dma_start3A_633 : memref<1x80x128xf32, #tpu.memory_space<hbm>> -> memref<80x128xf32, #tpu.memory_space<hbm>>
      %dma_start3A_635 = arith.constant 0 : i32
      %dma_start3A_636 = arith.constant 0 : i32
      %dma_start3A_637 = tpu.memref_slice %arg8[%dma_start3A_622, %dma_start3A_623, %dma_start3A_635, %dma_start3A_636] : memref<3x3x80x128xf32, #tpu.memory_space<vmem>> -> memref<1x1x80x128xf32, #tpu.memory_space<vmem>>
      %dma_start3A_638 = tpu.memref_squeeze %dma_start3A_637 : memref<1x1x80x128xf32, #tpu.memory_space<vmem>> -> memref<80x128xf32, #tpu.memory_space<vmem>>
      tpu.enqueue_dma source(%dma_start3A_638 : memref<80x128xf32, #tpu.memory_space<vmem>>) target(%dma_start3A_634 : memref<80x128xf32, #tpu.memory_space<hbm>>) target_semaphore(%arg10 : memref<!tpu.dma_semaphore, #tpu.memory_space<semaphore_mem>>)
      %dma_wait3A_639 = arith.constant 0 : i32
      %dma_wait3A_640 = arith.constant 0 : i32
      %dma_wait3A_641 = arith.constant 0 : i32
      %dma_wait3A_642 = arith.constant 0 : i32
      %dma_wait3A_643 = arith.constant 0 : i32
      %dma_wait3A_644 = tpu.memref_slice %arg8[%dma_wait3A_639, %dma_wait3A_640, %dma_wait3A_642, %dma_wait3A_643] : memref<3x3x80x128xf32, #tpu.memory_space<vmem>> -> memref<1x1x80x128xf32, #tpu.memory_space<vmem>>
      %dma_wait3A_645 = tpu.memref_squeeze %dma_wait3A_644 : memref<1x1x80x128xf32, #tpu.memory_space<vmem>> -> memref<80x128xf32, #tpu.memory_space<vmem>>
      %dma_wait3A_646 = arith.constant 0 : i32
      %dma_wait3A_647 = tpu.memref_slice %arg6[%dma_wait3A_641, %add3A_409, %dma_wait3A_646] : memref<3x156160x128xf32, #tpu.memory_space<hbm>> -> memref<1x80x128xf32, #tpu.memory_space<hbm>>
      %dma_wait3A_648 = tpu.memref_squeeze %dma_wait3A_647 : memref<1x80x128xf32, #tpu.memory_space<hbm>> -> memref<80x128xf32, #tpu.memory_space<hbm>>
      %dma_wait3A_649 = arith.constant 0 : i32
      %dma_wait3A_650 = tpu.memref_slice %arg6[%dma_wait3A_641, %add3A_409, %dma_wait3A_649] : memref<3x156160x128xf32, #tpu.memory_space<hbm>> -> memref<1x80x128xf32, #tpu.memory_space<hbm>>
      %dma_wait3A_651 = tpu.memref_squeeze %dma_wait3A_650 : memref<1x80x128xf32, #tpu.memory_space<hbm>> -> memref<80x128xf32, #tpu.memory_space<hbm>>
      %dma_wait3A_652 = arith.constant 0 : i32
      %dma_wait3A_653 = arith.constant 0 : i32
      %dma_wait3A_654 = tpu.memref_slice %arg8[%dma_wait3A_639, %dma_wait3A_640, %dma_wait3A_652, %dma_wait3A_653] : memref<3x3x80x128xf32, #tpu.memory_space<vmem>> -> memref<1x1x80x128xf32, #tpu.memory_space<vmem>>
      %dma_wait3A_655 = tpu.memref_squeeze %dma_wait3A_654 : memref<1x1x80x128xf32, #tpu.memory_space<vmem>> -> memref<80x128xf32, #tpu.memory_space<vmem>>
      tpu.wait_dma2 semaphore(%arg10 : memref<!tpu.dma_semaphore, #tpu.memory_space<semaphore_mem>>) src(%dma_wait3A_655 : memref<80x128xf32, #tpu.memory_space<vmem>>) dst(%dma_wait3A_651 : memref<80x128xf32, #tpu.memory_space<hbm>>)
      %dma_wait3A_656 = arith.constant 0 : i32
      %dma_wait3A_657 = arith.constant 1 : i32
      %dma_wait3A_658 = arith.constant 1 : i32
      %dma_wait3A_659 = arith.constant 0 : i32
      %dma_wait3A_660 = arith.constant 0 : i32
      %dma_wait3A_661 = tpu.memref_slice %arg8[%dma_wait3A_656, %dma_wait3A_657, %dma_wait3A_659, %dma_wait3A_660] : memref<3x3x80x128xf32, #tpu.memory_space<vmem>> -> memref<1x1x80x128xf32, #tpu.memory_space<vmem>>
      %dma_wait3A_662 = tpu.memref_squeeze %dma_wait3A_661 : memref<1x1x80x128xf32, #tpu.memory_space<vmem>> -> memref<80x128xf32, #tpu.memory_space<vmem>>
      %dma_wait3A_663 = arith.constant 0 : i32
      %dma_wait3A_664 = tpu.memref_slice %arg6[%dma_wait3A_658, %add3A_428, %dma_wait3A_663] : memref<3x156160x128xf32, #tpu.memory_space<hbm>> -> memref<1x80x128xf32, #tpu.memory_space<hbm>>
      %dma_wait3A_665 = tpu.memref_squeeze %dma_wait3A_664 : memref<1x80x128xf32, #tpu.memory_space<hbm>> -> memref<80x128xf32, #tpu.memory_space<hbm>>
      %dma_wait3A_666 = arith.constant 0 : i32
      %dma_wait3A_667 = tpu.memref_slice %arg6[%dma_wait3A_658, %add3A_428, %dma_wait3A_666] : memref<3x156160x128xf32, #tpu.memory_space<hbm>> -> memref<1x80x128xf32, #tpu.memory_space<hbm>>
      %dma_wait3A_668 = tpu.memref_squeeze %dma_wait3A_667 : memref<1x80x128xf32, #tpu.memory_space<hbm>> -> memref<80x128xf32, #tpu.memory_space<hbm>>
      %dma_wait3A_669 = arith.constant 0 : i32
      %dma_wait3A_670 = arith.constant 0 : i32
      %dma_wait3A_671 = tpu.memref_slice %arg8[%dma_wait3A_656, %dma_wait3A_657, %dma_wait3A_669, %dma_wait3A_670] : memref<3x3x80x128xf32, #tpu.memory_space<vmem>> -> memref<1x1x80x128xf32, #tpu.memory_space<vmem>>
      %dma_wait3A_672 = tpu.memref_squeeze %dma_wait3A_671 : memref<1x1x80x128xf32, #tpu.memory_space<vmem>> -> memref<80x128xf32, #tpu.memory_space<vmem>>
      tpu.wait_dma2 semaphore(%arg10 : memref<!tpu.dma_semaphore, #tpu.memory_space<semaphore_mem>>) src(%dma_wait3A_672 : memref<80x128xf32, #tpu.memory_space<vmem>>) dst(%dma_wait3A_668 : memref<80x128xf32, #tpu.memory_space<hbm>>)
      %dma_wait3A_673 = arith.constant 0 : i32
      %dma_wait3A_674 = arith.constant 2 : i32
      %dma_wait3A_675 = arith.constant 2 : i32
      %dma_wait3A_676 = arith.constant 0 : i32
      %dma_wait3A_677 = arith.constant 0 : i32
      %dma_wait3A_678 = tpu.memref_slice %arg8[%dma_wait3A_673, %dma_wait3A_674, %dma_wait3A_676, %dma_wait3A_677] : memref<3x3x80x128xf32, #tpu.memory_space<vmem>> -> memref<1x1x80x128xf32, #tpu.memory_space<vmem>>
      %dma_wait3A_679 = tpu.memref_squeeze %dma_wait3A_678 : memref<1x1x80x128xf32, #tpu.memory_space<vmem>> -> memref<80x128xf32, #tpu.memory_space<vmem>>
      %dma_wait3A_680 = arith.constant 0 : i32
      %dma_wait3A_681 = tpu.memref_slice %arg6[%dma_wait3A_675, %add3A_447, %dma_wait3A_680] : memref<3x156160x128xf32, #tpu.memory_space<hbm>> -> memref<1x80x128xf32, #tpu.memory_space<hbm>>
      %dma_wait3A_682 = tpu.memref_squeeze %dma_wait3A_681 : memref<1x80x128xf32, #tpu.memory_space<hbm>> -> memref<80x128xf32, #tpu.memory_space<hbm>>
      %dma_wait3A_683 = arith.constant 0 : i32
      %dma_wait3A_684 = tpu.memref_slice %arg6[%dma_wait3A_675, %add3A_447, %dma_wait3A_683] : memref<3x156160x128xf32, #tpu.memory_space<hbm>> -> memref<1x80x128xf32, #tpu.memory_space<hbm>>
      %dma_wait3A_685 = tpu.memref_squeeze %dma_wait3A_684 : memref<1x80x128xf32, #tpu.memory_space<hbm>> -> memref<80x128xf32, #tpu.memory_space<hbm>>
      %dma_wait3A_686 = arith.constant 0 : i32
      %dma_wait3A_687 = arith.constant 0 : i32
      %dma_wait3A_688 = tpu.memref_slice %arg8[%dma_wait3A_673, %dma_wait3A_674, %dma_wait3A_686, %dma_wait3A_687] : memref<3x3x80x128xf32, #tpu.memory_space<vmem>> -> memref<1x1x80x128xf32, #tpu.memory_space<vmem>>
      %dma_wait3A_689 = tpu.memref_squeeze %dma_wait3A_688 : memref<1x1x80x128xf32, #tpu.memory_space<vmem>> -> memref<80x128xf32, #tpu.memory_space<vmem>>
      tpu.wait_dma2 semaphore(%arg10 : memref<!tpu.dma_semaphore, #tpu.memory_space<semaphore_mem>>) src(%dma_wait3A_689 : memref<80x128xf32, #tpu.memory_space<vmem>>) dst(%dma_wait3A_685 : memref<80x128xf32, #tpu.memory_space<hbm>>)
      %dma_wait3A_690 = arith.constant 1 : i32
      %dma_wait3A_691 = arith.constant 0 : i32
      %dma_wait3A_692 = arith.constant 0 : i32
      %dma_wait3A_693 = arith.constant 0 : i32
      %dma_wait3A_694 = arith.constant 0 : i32
      %dma_wait3A_695 = tpu.memref_slice %arg8[%dma_wait3A_690, %dma_wait3A_691, %dma_wait3A_693, %dma_wait3A_694] : memref<3x3x80x128xf32, #tpu.memory_space<vmem>> -> memref<1x1x80x128xf32, #tpu.memory_space<vmem>>
      %dma_wait3A_696 = tpu.memref_squeeze %dma_wait3A_695 : memref<1x1x80x128xf32, #tpu.memory_space<vmem>> -> memref<80x128xf32, #tpu.memory_space<vmem>>
      %dma_wait3A_697 = arith.constant 0 : i32
      %dma_wait3A_698 = tpu.memref_slice %arg6[%dma_wait3A_692, %add3A_496, %dma_wait3A_697] : memref<3x156160x128xf32, #tpu.memory_space<hbm>> -> memref<1x80x128xf32, #tpu.memory_space<hbm>>
      %dma_wait3A_699 = tpu.memref_squeeze %dma_wait3A_698 : memref<1x80x128xf32, #tpu.memory_space<hbm>> -> memref<80x128xf32, #tpu.memory_space<hbm>>
      %dma_wait3A_700 = arith.constant 0 : i32
      %dma_wait3A_701 = tpu.memref_slice %arg6[%dma_wait3A_692, %add3A_496, %dma_wait3A_700] : memref<3x156160x128xf32, #tpu.memory_space<hbm>> -> memref<1x80x128xf32, #tpu.memory_space<hbm>>
      %dma_wait3A_702 = tpu.memref_squeeze %dma_wait3A_701 : memref<1x80x128xf32, #tpu.memory_space<hbm>> -> memref<80x128xf32, #tpu.memory_space<hbm>>
      %dma_wait3A_703 = arith.constant 0 : i32
      %dma_wait3A_704 = arith.constant 0 : i32
      %dma_wait3A_705 = tpu.memref_slice %arg8[%dma_wait3A_690, %dma_wait3A_691, %dma_wait3A_703, %dma_wait3A_704] : memref<3x3x80x128xf32, #tpu.memory_space<vmem>> -> memref<1x1x80x128xf32, #tpu.memory_space<vmem>>
      %dma_wait3A_706 = tpu.memref_squeeze %dma_wait3A_705 : memref<1x1x80x128xf32, #tpu.memory_space<vmem>> -> memref<80x128xf32, #tpu.memory_space<vmem>>
      tpu.wait_dma2 semaphore(%arg10 : memref<!tpu.dma_semaphore, #tpu.memory_space<semaphore_mem>>) src(%dma_wait3A_706 : memref<80x128xf32, #tpu.memory_space<vmem>>) dst(%dma_wait3A_702 : memref<80x128xf32, #tpu.memory_space<hbm>>)
      %dma_wait3A_707 = arith.constant 1 : i32
      %dma_wait3A_708 = arith.constant 1 : i32
      %dma_wait3A_709 = arith.constant 1 : i32
      %dma_wait3A_710 = arith.constant 0 : i32
      %dma_wait3A_711 = arith.constant 0 : i32
      %dma_wait3A_712 = tpu.memref_slice %arg8[%dma_wait3A_707, %dma_wait3A_708, %dma_wait3A_710, %dma_wait3A_711] : memref<3x3x80x128xf32, #tpu.memory_space<vmem>> -> memref<1x1x80x128xf32, #tpu.memory_space<vmem>>
      %dma_wait3A_713 = tpu.memref_squeeze %dma_wait3A_712 : memref<1x1x80x128xf32, #tpu.memory_space<vmem>> -> memref<80x128xf32, #tpu.memory_space<vmem>>
      %dma_wait3A_714 = arith.constant 0 : i32
      %dma_wait3A_715 = tpu.memref_slice %arg6[%dma_wait3A_709, %add3A_515, %dma_wait3A_714] : memref<3x156160x128xf32, #tpu.memory_space<hbm>> -> memref<1x80x128xf32, #tpu.memory_space<hbm>>
      %dma_wait3A_716 = tpu.memref_squeeze %dma_wait3A_715 : memref<1x80x128xf32, #tpu.memory_space<hbm>> -> memref<80x128xf32, #tpu.memory_space<hbm>>
      %dma_wait3A_717 = arith.constant 0 : i32
      %dma_wait3A_718 = tpu.memref_slice %arg6[%dma_wait3A_709, %add3A_515, %dma_wait3A_717] : memref<3x156160x128xf32, #tpu.memory_space<hbm>> -> memref<1x80x128xf32, #tpu.memory_space<hbm>>
      %dma_wait3A_719 = tpu.memref_squeeze %dma_wait3A_718 : memref<1x80x128xf32, #tpu.memory_space<hbm>> -> memref<80x128xf32, #tpu.memory_space<hbm>>
      %dma_wait3A_720 = arith.constant 0 : i32
      %dma_wait3A_721 = arith.constant 0 : i32
      %dma_wait3A_722 = tpu.memref_slice %arg8[%dma_wait3A_707, %dma_wait3A_708, %dma_wait3A_720, %dma_wait3A_721] : memref<3x3x80x128xf32, #tpu.memory_space<vmem>> -> memref<1x1x80x128xf32, #tpu.memory_space<vmem>>
      %dma_wait3A_723 = tpu.memref_squeeze %dma_wait3A_722 : memref<1x1x80x128xf32, #tpu.memory_space<vmem>> -> memref<80x128xf32, #tpu.memory_space<vmem>>
      tpu.wait_dma2 semaphore(%arg10 : memref<!tpu.dma_semaphore, #tpu.memory_space<semaphore_mem>>) src(%dma_wait3A_723 : memref<80x128xf32, #tpu.memory_space<vmem>>) dst(%dma_wait3A_719 : memref<80x128xf32, #tpu.memory_space<hbm>>)
      %dma_wait3A_724 = arith.constant 1 : i32
      %dma_wait3A_725 = arith.constant 2 : i32
      %dma_wait3A_726 = arith.constant 2 : i32
      %dma_wait3A_727 = arith.constant 0 : i32
      %dma_wait3A_728 = arith.constant 0 : i32
      %dma_wait3A_729 = tpu.memref_slice %arg8[%dma_wait3A_724, %dma_wait3A_725, %dma_wait3A_727, %dma_wait3A_728] : memref<3x3x80x128xf32, #tpu.memory_space<vmem>> -> memref<1x1x80x128xf32, #tpu.memory_space<vmem>>
      %dma_wait3A_730 = tpu.memref_squeeze %dma_wait3A_729 : memref<1x1x80x128xf32, #tpu.memory_space<vmem>> -> memref<80x128xf32, #tpu.memory_space<vmem>>
      %dma_wait3A_731 = arith.constant 0 : i32
      %dma_wait3A_732 = tpu.memref_slice %arg6[%dma_wait3A_726, %add3A_534, %dma_wait3A_731] : memref<3x156160x128xf32, #tpu.memory_space<hbm>> -> memref<1x80x128xf32, #tpu.memory_space<hbm>>
      %dma_wait3A_733 = tpu.memref_squeeze %dma_wait3A_732 : memref<1x80x128xf32, #tpu.memory_space<hbm>> -> memref<80x128xf32, #tpu.memory_space<hbm>>
      %dma_wait3A_734 = arith.constant 0 : i32
      %dma_wait3A_735 = tpu.memref_slice %arg6[%dma_wait3A_726, %add3A_534, %dma_wait3A_734] : memref<3x156160x128xf32, #tpu.memory_space<hbm>> -> memref<1x80x128xf32, #tpu.memory_space<hbm>>
      %dma_wait3A_736 = tpu.memref_squeeze %dma_wait3A_735 : memref<1x80x128xf32, #tpu.memory_space<hbm>> -> memref<80x128xf32, #tpu.memory_space<hbm>>
      %dma_wait3A_737 = arith.constant 0 : i32
      %dma_wait3A_738 = arith.constant 0 : i32
      %dma_wait3A_739 = tpu.memref_slice %arg8[%dma_wait3A_724, %dma_wait3A_725, %dma_wait3A_737, %dma_wait3A_738] : memref<3x3x80x128xf32, #tpu.memory_space<vmem>> -> memref<1x1x80x128xf32, #tpu.memory_space<vmem>>
      %dma_wait3A_740 = tpu.memref_squeeze %dma_wait3A_739 : memref<1x1x80x128xf32, #tpu.memory_space<vmem>> -> memref<80x128xf32, #tpu.memory_space<vmem>>
      tpu.wait_dma2 semaphore(%arg10 : memref<!tpu.dma_semaphore, #tpu.memory_space<semaphore_mem>>) src(%dma_wait3A_740 : memref<80x128xf32, #tpu.memory_space<vmem>>) dst(%dma_wait3A_736 : memref<80x128xf32, #tpu.memory_space<hbm>>)
      %dma_wait3A_741 = arith.constant 2 : i32
      %dma_wait3A_742 = arith.constant 0 : i32
      %dma_wait3A_743 = arith.constant 0 : i32
      %dma_wait3A_744 = arith.constant 0 : i32
      %dma_wait3A_745 = arith.constant 0 : i32
      %dma_wait3A_746 = tpu.memref_slice %arg8[%dma_wait3A_741, %dma_wait3A_742, %dma_wait3A_744, %dma_wait3A_745] : memref<3x3x80x128xf32, #tpu.memory_space<vmem>> -> memref<1x1x80x128xf32, #tpu.memory_space<vmem>>
      %dma_wait3A_747 = tpu.memref_squeeze %dma_wait3A_746 : memref<1x1x80x128xf32, #tpu.memory_space<vmem>> -> memref<80x128xf32, #tpu.memory_space<vmem>>
      %dma_wait3A_748 = arith.constant 0 : i32
      %dma_wait3A_749 = tpu.memref_slice %arg6[%dma_wait3A_743, %add3A_583, %dma_wait3A_748] : memref<3x156160x128xf32, #tpu.memory_space<hbm>> -> memref<1x80x128xf32, #tpu.memory_space<hbm>>
      %dma_wait3A_750 = tpu.memref_squeeze %dma_wait3A_749 : memref<1x80x128xf32, #tpu.memory_space<hbm>> -> memref<80x128xf32, #tpu.memory_space<hbm>>
      %dma_wait3A_751 = arith.constant 0 : i32
      %dma_wait3A_752 = tpu.memref_slice %arg6[%dma_wait3A_743, %add3A_583, %dma_wait3A_751] : memref<3x156160x128xf32, #tpu.memory_space<hbm>> -> memref<1x80x128xf32, #tpu.memory_space<hbm>>
      %dma_wait3A_753 = tpu.memref_squeeze %dma_wait3A_752 : memref<1x80x128xf32, #tpu.memory_space<hbm>> -> memref<80x128xf32, #tpu.memory_space<hbm>>
      %dma_wait3A_754 = arith.constant 0 : i32
      %dma_wait3A_755 = arith.constant 0 : i32
      %dma_wait3A_756 = tpu.memref_slice %arg8[%dma_wait3A_741, %dma_wait3A_742, %dma_wait3A_754, %dma_wait3A_755] : memref<3x3x80x128xf32, #tpu.memory_space<vmem>> -> memref<1x1x80x128xf32, #tpu.memory_space<vmem>>
      %dma_wait3A_757 = tpu.memref_squeeze %dma_wait3A_756 : memref<1x1x80x128xf32, #tpu.memory_space<vmem>> -> memref<80x128xf32, #tpu.memory_space<vmem>>
      tpu.wait_dma2 semaphore(%arg10 : memref<!tpu.dma_semaphore, #tpu.memory_space<semaphore_mem>>) src(%dma_wait3A_757 : memref<80x128xf32, #tpu.memory_space<vmem>>) dst(%dma_wait3A_753 : memref<80x128xf32, #tpu.memory_space<hbm>>)
      %dma_wait3A_758 = arith.constant 2 : i32
      %dma_wait3A_759 = arith.constant 1 : i32
      %dma_wait3A_760 = arith.constant 1 : i32
      %dma_wait3A_761 = arith.constant 0 : i32
      %dma_wait3A_762 = arith.constant 0 : i32
      %dma_wait3A_763 = tpu.memref_slice %arg8[%dma_wait3A_758, %dma_wait3A_759, %dma_wait3A_761, %dma_wait3A_762] : memref<3x3x80x128xf32, #tpu.memory_space<vmem>> -> memref<1x1x80x128xf32, #tpu.memory_space<vmem>>
      %dma_wait3A_764 = tpu.memref_squeeze %dma_wait3A_763 : memref<1x1x80x128xf32, #tpu.memory_space<vmem>> -> memref<80x128xf32, #tpu.memory_space<vmem>>
      %dma_wait3A_765 = arith.constant 0 : i32
      %dma_wait3A_766 = tpu.memref_slice %arg6[%dma_wait3A_760, %add3A_602, %dma_wait3A_765] : memref<3x156160x128xf32, #tpu.memory_space<hbm>> -> memref<1x80x128xf32, #tpu.memory_space<hbm>>
      %dma_wait3A_767 = tpu.memref_squeeze %dma_wait3A_766 : memref<1x80x128xf32, #tpu.memory_space<hbm>> -> memref<80x128xf32, #tpu.memory_space<hbm>>
      %dma_wait3A_768 = arith.constant 0 : i32
      %dma_wait3A_769 = tpu.memref_slice %arg6[%dma_wait3A_760, %add3A_602, %dma_wait3A_768] : memref<3x156160x128xf32, #tpu.memory_space<hbm>> -> memref<1x80x128xf32, #tpu.memory_space<hbm>>
      %dma_wait3A_770 = tpu.memref_squeeze %dma_wait3A_769 : memref<1x80x128xf32, #tpu.memory_space<hbm>> -> memref<80x128xf32, #tpu.memory_space<hbm>>
      %dma_wait3A_771 = arith.constant 0 : i32
      %dma_wait3A_772 = arith.constant 0 : i32
      %dma_wait3A_773 = tpu.memref_slice %arg8[%dma_wait3A_758, %dma_wait3A_759, %dma_wait3A_771, %dma_wait3A_772] : memref<3x3x80x128xf32, #tpu.memory_space<vmem>> -> memref<1x1x80x128xf32, #tpu.memory_space<vmem>>
      %dma_wait3A_774 = tpu.memref_squeeze %dma_wait3A_773 : memref<1x1x80x128xf32, #tpu.memory_space<vmem>> -> memref<80x128xf32, #tpu.memory_space<vmem>>
      tpu.wait_dma2 semaphore(%arg10 : memref<!tpu.dma_semaphore, #tpu.memory_space<semaphore_mem>>) src(%dma_wait3A_774 : memref<80x128xf32, #tpu.memory_space<vmem>>) dst(%dma_wait3A_770 : memref<80x128xf32, #tpu.memory_space<hbm>>)
      %dma_wait3A_775 = arith.constant 2 : i32
      %dma_wait3A_776 = arith.constant 2 : i32
      %dma_wait3A_777 = arith.constant 2 : i32
      %dma_wait3A_778 = arith.constant 0 : i32
      %dma_wait3A_779 = arith.constant 0 : i32
      %dma_wait3A_780 = tpu.memref_slice %arg8[%dma_wait3A_775, %dma_wait3A_776, %dma_wait3A_778, %dma_wait3A_779] : memref<3x3x80x128xf32, #tpu.memory_space<vmem>> -> memref<1x1x80x128xf32, #tpu.memory_space<vmem>>
      %dma_wait3A_781 = tpu.memref_squeeze %dma_wait3A_780 : memref<1x1x80x128xf32, #tpu.memory_space<vmem>> -> memref<80x128xf32, #tpu.memory_space<vmem>>
      %dma_wait3A_782 = arith.constant 0 : i32
      %dma_wait3A_783 = tpu.memref_slice %arg6[%dma_wait3A_777, %add3A_621, %dma_wait3A_782] : memref<3x156160x128xf32, #tpu.memory_space<hbm>> -> memref<1x80x128xf32, #tpu.memory_space<hbm>>
      %dma_wait3A_784 = tpu.memref_squeeze %dma_wait3A_783 : memref<1x80x128xf32, #tpu.memory_space<hbm>> -> memref<80x128xf32, #tpu.memory_space<hbm>>
      %dma_wait3A_785 = arith.constant 0 : i32
      %dma_wait3A_786 = tpu.memref_slice %arg6[%dma_wait3A_777, %add3A_621, %dma_wait3A_785] : memref<3x156160x128xf32, #tpu.memory_space<hbm>> -> memref<1x80x128xf32, #tpu.memory_space<hbm>>
      %dma_wait3A_787 = tpu.memref_squeeze %dma_wait3A_786 : memref<1x80x128xf32, #tpu.memory_space<hbm>> -> memref<80x128xf32, #tpu.memory_space<hbm>>
      %dma_wait3A_788 = arith.constant 0 : i32
      %dma_wait3A_789 = arith.constant 0 : i32
      %dma_wait3A_790 = tpu.memref_slice %arg8[%dma_wait3A_775, %dma_wait3A_776, %dma_wait3A_788, %dma_wait3A_789] : memref<3x3x80x128xf32, #tpu.memory_space<vmem>> -> memref<1x1x80x128xf32, #tpu.memory_space<vmem>>
      %dma_wait3A_791 = tpu.memref_squeeze %dma_wait3A_790 : memref<1x1x80x128xf32, #tpu.memory_space<vmem>> -> memref<80x128xf32, #tpu.memory_space<vmem>>
      tpu.wait_dma2 semaphore(%arg10 : memref<!tpu.dma_semaphore, #tpu.memory_space<semaphore_mem>>) src(%dma_wait3A_791 : memref<80x128xf32, #tpu.memory_space<vmem>>) dst(%dma_wait3A_787 : memref<80x128xf32, #tpu.memory_space<hbm>>)
    }
    %scan3A_9 = arith.constant 20 : i32
    %scan3A_10 = arith.constant 0 : i32
    %scan3A_11 = arith.constant 60 : i32
    %mul3A_12 = arith.constant 80 : i32
    %mul3A_13 = arith.muli %scan3A_11, %mul3A_12 : i32
    %add3A_14 = arith.addi %mul3A_2, %mul3A_13 : i32
    %mul3A_15 = arith.constant 3 : i32
    %mul3A_16 = arith.muli %scan3A_11, %mul3A_15 : i32
    %mul3A_17 = arith.constant 80 : i32
    %mul3A_18 = arith.muli %mul3A_16, %mul3A_17 : i32
    %add3A_19 = arith.constant 0 : i32
    %add3A_20 = arith.addi %mul3A_18, %add3A_19 : i32
    %dma_start3A = arith.constant 0 : i32
    %dma_start3A_21 = arith.constant 0 : i32
    %dma_start3A_22 = arith.constant 0 : i32
    %dma_start3A_23 = arith.constant 0 : i32
    %dma_start3A_24 = tpu.memref_slice %arg8[%dma_start3A, %dma_start3A_21, %dma_start3A_22, %dma_start3A_23] : memref<3x3x80x128xf32, #tpu.memory_space<vmem>> -> memref<1x1x80x128xf32, #tpu.memory_space<vmem>>
    %dma_start3A_25 = tpu.memref_squeeze %dma_start3A_24 : memref<1x1x80x128xf32, #tpu.memory_space<vmem>> -> memref<80x128xf32, #tpu.memory_space<vmem>>
    %dma_start3A_26 = tpu.memref_slice %arg7[%add3A_20] : memref<14640xi32, #tpu.memory_space<vmem>> -> memref<80xi32, #tpu.memory_space<vmem>>
    %dma_start3A_27 = arith.constant 0 : i32
    %dma_start3A_28 = arith.constant 0 : i32
    %dma_start3A_29 = tpu.memref_slice %arg2[%dma_start3A_27, %dma_start3A_28] : memref<10000x128xf32, #tpu.memory_space<hbm>> -> memref<10000x128xf32, #tpu.memory_space<hbm>>
    tpu.enqueue_indirect_dma source(%dma_start3A_29 : memref<10000x128xf32, #tpu.memory_space<hbm>>) target(%dma_start3A_25 : memref<80x128xf32, #tpu.memory_space<vmem>>) offsets(%dma_start3A_26 : memref<80xi32, #tpu.memory_space<vmem>>) semaphore(%arg9 : memref<!tpu.dma_semaphore, #tpu.memory_space<semaphore_mem>>)
    %mul3A_30 = arith.constant 3 : i32
    %mul3A_31 = arith.muli %scan3A_11, %mul3A_30 : i32
    %mul3A_32 = arith.constant 80 : i32
    %mul3A_33 = arith.muli %mul3A_31, %mul3A_32 : i32
    %add3A_34 = arith.constant 80 : i32
    %add3A_35 = arith.addi %mul3A_33, %add3A_34 : i32
    %dma_start3A_36 = arith.constant 0 : i32
    %dma_start3A_37 = arith.constant 1 : i32
    %dma_start3A_38 = arith.constant 0 : i32
    %dma_start3A_39 = arith.constant 0 : i32
    %dma_start3A_40 = tpu.memref_slice %arg8[%dma_start3A_36, %dma_start3A_37, %dma_start3A_38, %dma_start3A_39] : memref<3x3x80x128xf32, #tpu.memory_space<vmem>> -> memref<1x1x80x128xf32, #tpu.memory_space<vmem>>
    %dma_start3A_41 = tpu.memref_squeeze %dma_start3A_40 : memref<1x1x80x128xf32, #tpu.memory_space<vmem>> -> memref<80x128xf32, #tpu.memory_space<vmem>>
    %dma_start3A_42 = tpu.memref_slice %arg7[%add3A_35] : memref<14640xi32, #tpu.memory_space<vmem>> -> memref<80xi32, #tpu.memory_space<vmem>>
    %dma_start3A_43 = arith.constant 0 : i32
    %dma_start3A_44 = arith.constant 0 : i32
    %dma_start3A_45 = tpu.memref_slice %arg3[%dma_start3A_43, %dma_start3A_44] : memref<10001x128xf32, #tpu.memory_space<hbm>> -> memref<10001x128xf32, #tpu.memory_space<hbm>>
    tpu.enqueue_indirect_dma source(%dma_start3A_45 : memref<10001x128xf32, #tpu.memory_space<hbm>>) target(%dma_start3A_41 : memref<80x128xf32, #tpu.memory_space<vmem>>) offsets(%dma_start3A_42 : memref<80xi32, #tpu.memory_space<vmem>>) semaphore(%arg9 : memref<!tpu.dma_semaphore, #tpu.memory_space<semaphore_mem>>)
    %mul3A_46 = arith.constant 3 : i32
    %mul3A_47 = arith.muli %scan3A_11, %mul3A_46 : i32
    %mul3A_48 = arith.constant 80 : i32
    %mul3A_49 = arith.muli %mul3A_47, %mul3A_48 : i32
    %add3A_50 = arith.constant 160 : i32
    %add3A_51 = arith.addi %mul3A_49, %add3A_50 : i32
    %dma_start3A_52 = arith.constant 0 : i32
    %dma_start3A_53 = arith.constant 2 : i32
    %dma_start3A_54 = arith.constant 0 : i32
    %dma_start3A_55 = arith.constant 0 : i32
    %dma_start3A_56 = tpu.memref_slice %arg8[%dma_start3A_52, %dma_start3A_53, %dma_start3A_54, %dma_start3A_55] : memref<3x3x80x128xf32, #tpu.memory_space<vmem>> -> memref<1x1x80x128xf32, #tpu.memory_space<vmem>>
    %dma_start3A_57 = tpu.memref_squeeze %dma_start3A_56 : memref<1x1x80x128xf32, #tpu.memory_space<vmem>> -> memref<80x128xf32, #tpu.memory_space<vmem>>
    %dma_start3A_58 = tpu.memref_slice %arg7[%add3A_51] : memref<14640xi32, #tpu.memory_space<vmem>> -> memref<80xi32, #tpu.memory_space<vmem>>
    %dma_start3A_59 = arith.constant 0 : i32
    %dma_start3A_60 = arith.constant 0 : i32
    %dma_start3A_61 = tpu.memref_slice %arg4[%dma_start3A_59, %dma_start3A_60] : memref<10000x128xf32, #tpu.memory_space<hbm>> -> memref<10000x128xf32, #tpu.memory_space<hbm>>
    tpu.enqueue_indirect_dma source(%dma_start3A_61 : memref<10000x128xf32, #tpu.memory_space<hbm>>) target(%dma_start3A_57 : memref<80x128xf32, #tpu.memory_space<vmem>>) offsets(%dma_start3A_58 : memref<80xi32, #tpu.memory_space<vmem>>) semaphore(%arg9 : memref<!tpu.dma_semaphore, #tpu.memory_space<semaphore_mem>>)
    %dma_wait3A = arith.constant 0 : i32
    %dma_wait3A_62 = arith.constant 0 : i32
    %dma_wait3A_63 = arith.constant 0 : i32
    %dma_wait3A_64 = arith.constant 0 : i32
    %dma_wait3A_65 = tpu.memref_slice %arg8[%dma_wait3A, %dma_wait3A_62, %dma_wait3A_63, %dma_wait3A_64] : memref<3x3x80x128xf32, #tpu.memory_space<vmem>> -> memref<1x1x80x128xf32, #tpu.memory_space<vmem>>
    %dma_wait3A_66 = tpu.memref_squeeze %dma_wait3A_65 : memref<1x1x80x128xf32, #tpu.memory_space<vmem>> -> memref<80x128xf32, #tpu.memory_space<vmem>>
    %dma_wait3A_67 = tpu.memref_slice %arg7[%add3A_20] : memref<14640xi32, #tpu.memory_space<vmem>> -> memref<80xi32, #tpu.memory_space<vmem>>
    %dma_wait3A_68 = arith.constant 0 : i32
    %dma_wait3A_69 = arith.constant 0 : i32
    %dma_wait3A_70 = tpu.memref_slice %arg2[%dma_wait3A_68, %dma_wait3A_69] : memref<10000x128xf32, #tpu.memory_space<hbm>> -> memref<10000x128xf32, #tpu.memory_space<hbm>>
    tpu.wait_indirect_dma semaphore(%arg9 : memref<!tpu.dma_semaphore, #tpu.memory_space<semaphore_mem>>) src(%dma_wait3A_70 : memref<10000x128xf32, #tpu.memory_space<hbm>>) dst(%dma_wait3A_66 : memref<80x128xf32, #tpu.memory_space<vmem>>)
    %dma_wait3A_71 = arith.constant 0 : i32
    %dma_wait3A_72 = arith.constant 1 : i32
    %dma_wait3A_73 = arith.constant 0 : i32
    %dma_wait3A_74 = arith.constant 0 : i32
    %dma_wait3A_75 = tpu.memref_slice %arg8[%dma_wait3A_71, %dma_wait3A_72, %dma_wait3A_73, %dma_wait3A_74] : memref<3x3x80x128xf32, #tpu.memory_space<vmem>> -> memref<1x1x80x128xf32, #tpu.memory_space<vmem>>
    %dma_wait3A_76 = tpu.memref_squeeze %dma_wait3A_75 : memref<1x1x80x128xf32, #tpu.memory_space<vmem>> -> memref<80x128xf32, #tpu.memory_space<vmem>>
    %dma_wait3A_77 = tpu.memref_slice %arg7[%add3A_35] : memref<14640xi32, #tpu.memory_space<vmem>> -> memref<80xi32, #tpu.memory_space<vmem>>
    %dma_wait3A_78 = arith.constant 0 : i32
    %dma_wait3A_79 = arith.constant 0 : i32
    %dma_wait3A_80 = tpu.memref_slice %arg3[%dma_wait3A_78, %dma_wait3A_79] : memref<10001x128xf32, #tpu.memory_space<hbm>> -> memref<10001x128xf32, #tpu.memory_space<hbm>>
    tpu.wait_indirect_dma semaphore(%arg9 : memref<!tpu.dma_semaphore, #tpu.memory_space<semaphore_mem>>) src(%dma_wait3A_80 : memref<10001x128xf32, #tpu.memory_space<hbm>>) dst(%dma_wait3A_76 : memref<80x128xf32, #tpu.memory_space<vmem>>)
    %dma_wait3A_81 = arith.constant 0 : i32
    %dma_wait3A_82 = arith.constant 2 : i32
    %dma_wait3A_83 = arith.constant 0 : i32
    %dma_wait3A_84 = arith.constant 0 : i32
    %dma_wait3A_85 = tpu.memref_slice %arg8[%dma_wait3A_81, %dma_wait3A_82, %dma_wait3A_83, %dma_wait3A_84] : memref<3x3x80x128xf32, #tpu.memory_space<vmem>> -> memref<1x1x80x128xf32, #tpu.memory_space<vmem>>
    %dma_wait3A_86 = tpu.memref_squeeze %dma_wait3A_85 : memref<1x1x80x128xf32, #tpu.memory_space<vmem>> -> memref<80x128xf32, #tpu.memory_space<vmem>>
    %dma_wait3A_87 = tpu.memref_slice %arg7[%add3A_51] : memref<14640xi32, #tpu.memory_space<vmem>> -> memref<80xi32, #tpu.memory_space<vmem>>
    %dma_wait3A_88 = arith.constant 0 : i32
    %dma_wait3A_89 = arith.constant 0 : i32
    %dma_wait3A_90 = tpu.memref_slice %arg4[%dma_wait3A_88, %dma_wait3A_89] : memref<10000x128xf32, #tpu.memory_space<hbm>> -> memref<10000x128xf32, #tpu.memory_space<hbm>>
    tpu.wait_indirect_dma semaphore(%arg9 : memref<!tpu.dma_semaphore, #tpu.memory_space<semaphore_mem>>) src(%dma_wait3A_90 : memref<10000x128xf32, #tpu.memory_space<hbm>>) dst(%dma_wait3A_86 : memref<80x128xf32, #tpu.memory_space<vmem>>)
    %dma_start3A_91 = arith.constant 0 : i32
    %dma_start3A_92 = arith.constant 0 : i32
    %dma_start3A_93 = arith.constant 0 : i32
    %dma_start3A_94 = arith.constant 0 : i32
    %dma_start3A_95 = arith.constant 0 : i32
    %dma_start3A_96 = tpu.memref_slice %arg8[%dma_start3A_91, %dma_start3A_92, %dma_start3A_94, %dma_start3A_95] : memref<3x3x80x128xf32, #tpu.memory_space<vmem>> -> memref<1x1x80x128xf32, #tpu.memory_space<vmem>>
    %dma_start3A_97 = tpu.memref_squeeze %dma_start3A_96 : memref<1x1x80x128xf32, #tpu.memory_space<vmem>> -> memref<80x128xf32, #tpu.memory_space<vmem>>
    %dma_start3A_98 = arith.constant 0 : i32
    %dma_start3A_99 = tpu.memref_slice %arg6[%dma_start3A_93, %add3A_14, %dma_start3A_98] : memref<3x156160x128xf32, #tpu.memory_space<hbm>> -> memref<1x80x128xf32, #tpu.memory_space<hbm>>
    %dma_start3A_100 = tpu.memref_squeeze %dma_start3A_99 : memref<1x80x128xf32, #tpu.memory_space<hbm>> -> memref<80x128xf32, #tpu.memory_space<hbm>>
    %dma_start3A_101 = arith.constant 0 : i32
    %dma_start3A_102 = tpu.memref_slice %arg6[%dma_start3A_93, %add3A_14, %dma_start3A_101] : memref<3x156160x128xf32, #tpu.memory_space<hbm>> -> memref<1x80x128xf32, #tpu.memory_space<hbm>>
    %dma_start3A_103 = tpu.memref_squeeze %dma_start3A_102 : memref<1x80x128xf32, #tpu.memory_space<hbm>> -> memref<80x128xf32, #tpu.memory_space<hbm>>
    %dma_start3A_104 = arith.constant 0 : i32
    %dma_start3A_105 = arith.constant 0 : i32
    %dma_start3A_106 = tpu.memref_slice %arg8[%dma_start3A_91, %dma_start3A_92, %dma_start3A_104, %dma_start3A_105] : memref<3x3x80x128xf32, #tpu.memory_space<vmem>> -> memref<1x1x80x128xf32, #tpu.memory_space<vmem>>
    %dma_start3A_107 = tpu.memref_squeeze %dma_start3A_106 : memref<1x1x80x128xf32, #tpu.memory_space<vmem>> -> memref<80x128xf32, #tpu.memory_space<vmem>>
    tpu.enqueue_dma source(%dma_start3A_107 : memref<80x128xf32, #tpu.memory_space<vmem>>) target(%dma_start3A_103 : memref<80x128xf32, #tpu.memory_space<hbm>>) target_semaphore(%arg10 : memref<!tpu.dma_semaphore, #tpu.memory_space<semaphore_mem>>)
    %dma_start3A_108 = arith.constant 0 : i32
    %dma_start3A_109 = arith.constant 1 : i32
    %dma_start3A_110 = arith.constant 1 : i32
    %dma_start3A_111 = arith.constant 0 : i32
    %dma_start3A_112 = arith.constant 0 : i32
    %dma_start3A_113 = tpu.memref_slice %arg8[%dma_start3A_108, %dma_start3A_109, %dma_start3A_111, %dma_start3A_112] : memref<3x3x80x128xf32, #tpu.memory_space<vmem>> -> memref<1x1x80x128xf32, #tpu.memory_space<vmem>>
    %dma_start3A_114 = tpu.memref_squeeze %dma_start3A_113 : memref<1x1x80x128xf32, #tpu.memory_space<vmem>> -> memref<80x128xf32, #tpu.memory_space<vmem>>
    %dma_start3A_115 = arith.constant 0 : i32
    %dma_start3A_116 = tpu.memref_slice %arg6[%dma_start3A_110, %add3A_14, %dma_start3A_115] : memref<3x156160x128xf32, #tpu.memory_space<hbm>> -> memref<1x80x128xf32, #tpu.memory_space<hbm>>
    %dma_start3A_117 = tpu.memref_squeeze %dma_start3A_116 : memref<1x80x128xf32, #tpu.memory_space<hbm>> -> memref<80x128xf32, #tpu.memory_space<hbm>>
    %dma_start3A_118 = arith.constant 0 : i32
    %dma_start3A_119 = tpu.memref_slice %arg6[%dma_start3A_110, %add3A_14, %dma_start3A_118] : memref<3x156160x128xf32, #tpu.memory_space<hbm>> -> memref<1x80x128xf32, #tpu.memory_space<hbm>>
    %dma_start3A_120 = tpu.memref_squeeze %dma_start3A_119 : memref<1x80x128xf32, #tpu.memory_space<hbm>> -> memref<80x128xf32, #tpu.memory_space<hbm>>
    %dma_start3A_121 = arith.constant 0 : i32
    %dma_start3A_122 = arith.constant 0 : i32
    %dma_start3A_123 = tpu.memref_slice %arg8[%dma_start3A_108, %dma_start3A_109, %dma_start3A_121, %dma_start3A_122] : memref<3x3x80x128xf32, #tpu.memory_space<vmem>> -> memref<1x1x80x128xf32, #tpu.memory_space<vmem>>
    %dma_start3A_124 = tpu.memref_squeeze %dma_start3A_123 : memref<1x1x80x128xf32, #tpu.memory_space<vmem>> -> memref<80x128xf32, #tpu.memory_space<vmem>>
    tpu.enqueue_dma source(%dma_start3A_124 : memref<80x128xf32, #tpu.memory_space<vmem>>) target(%dma_start3A_120 : memref<80x128xf32, #tpu.memory_space<hbm>>) target_semaphore(%arg10 : memref<!tpu.dma_semaphore, #tpu.memory_space<semaphore_mem>>)
    %dma_start3A_125 = arith.constant 0 : i32
    %dma_start3A_126 = arith.constant 2 : i32
    %dma_start3A_127 = arith.constant 2 : i32
    %dma_start3A_128 = arith.constant 0 : i32
    %dma_start3A_129 = arith.constant 0 : i32
    %dma_start3A_130 = tpu.memref_slice %arg8[%dma_start3A_125, %dma_start3A_126, %dma_start3A_128, %dma_start3A_129] : memref<3x3x80x128xf32, #tpu.memory_space<vmem>> -> memref<1x1x80x128xf32, #tpu.memory_space<vmem>>
    %dma_start3A_131 = tpu.memref_squeeze %dma_start3A_130 : memref<1x1x80x128xf32, #tpu.memory_space<vmem>> -> memref<80x128xf32, #tpu.memory_space<vmem>>
    %dma_start3A_132 = arith.constant 0 : i32
    %dma_start3A_133 = tpu.memref_slice %arg6[%dma_start3A_127, %add3A_14, %dma_start3A_132] : memref<3x156160x128xf32, #tpu.memory_space<hbm>> -> memref<1x80x128xf32, #tpu.memory_space<hbm>>
    %dma_start3A_134 = tpu.memref_squeeze %dma_start3A_133 : memref<1x80x128xf32, #tpu.memory_space<hbm>> -> memref<80x128xf32, #tpu.memory_space<hbm>>
    %dma_start3A_135 = arith.constant 0 : i32
    %dma_start3A_136 = tpu.memref_slice %arg6[%dma_start3A_127, %add3A_14, %dma_start3A_135] : memref<3x156160x128xf32, #tpu.memory_space<hbm>> -> memref<1x80x128xf32, #tpu.memory_space<hbm>>
    %dma_start3A_137 = tpu.memref_squeeze %dma_start3A_136 : memref<1x80x128xf32, #tpu.memory_space<hbm>> -> memref<80x128xf32, #tpu.memory_space<hbm>>
    %dma_start3A_138 = arith.constant 0 : i32
    %dma_start3A_139 = arith.constant 0 : i32
    %dma_start3A_140 = tpu.memref_slice %arg8[%dma_start3A_125, %dma_start3A_126, %dma_start3A_138, %dma_start3A_139] : memref<3x3x80x128xf32, #tpu.memory_space<vmem>> -> memref<1x1x80x128xf32, #tpu.memory_space<vmem>>
    %dma_start3A_141 = tpu.memref_squeeze %dma_start3A_140 : memref<1x1x80x128xf32, #tpu.memory_space<vmem>> -> memref<80x128xf32, #tpu.memory_space<vmem>>
    tpu.enqueue_dma source(%dma_start3A_141 : memref<80x128xf32, #tpu.memory_space<vmem>>) target(%dma_start3A_137 : memref<80x128xf32, #tpu.memory_space<hbm>>) target_semaphore(%arg10 : memref<!tpu.dma_semaphore, #tpu.memory_space<semaphore_mem>>)
    %dma_wait3A_142 = arith.constant 0 : i32
    %dma_wait3A_143 = arith.constant 0 : i32
    %dma_wait3A_144 = arith.constant 0 : i32
    %dma_wait3A_145 = arith.constant 0 : i32
    %dma_wait3A_146 = arith.constant 0 : i32
    %dma_wait3A_147 = tpu.memref_slice %arg8[%dma_wait3A_142, %dma_wait3A_143, %dma_wait3A_145, %dma_wait3A_146] : memref<3x3x80x128xf32, #tpu.memory_space<vmem>> -> memref<1x1x80x128xf32, #tpu.memory_space<vmem>>
    %dma_wait3A_148 = tpu.memref_squeeze %dma_wait3A_147 : memref<1x1x80x128xf32, #tpu.memory_space<vmem>> -> memref<80x128xf32, #tpu.memory_space<vmem>>
    %dma_wait3A_149 = arith.constant 0 : i32
    %dma_wait3A_150 = tpu.memref_slice %arg6[%dma_wait3A_144, %add3A_14, %dma_wait3A_149] : memref<3x156160x128xf32, #tpu.memory_space<hbm>> -> memref<1x80x128xf32, #tpu.memory_space<hbm>>
    %dma_wait3A_151 = tpu.memref_squeeze %dma_wait3A_150 : memref<1x80x128xf32, #tpu.memory_space<hbm>> -> memref<80x128xf32, #tpu.memory_space<hbm>>
    %dma_wait3A_152 = arith.constant 0 : i32
    %dma_wait3A_153 = tpu.memref_slice %arg6[%dma_wait3A_144, %add3A_14, %dma_wait3A_152] : memref<3x156160x128xf32, #tpu.memory_space<hbm>> -> memref<1x80x128xf32, #tpu.memory_space<hbm>>
    %dma_wait3A_154 = tpu.memref_squeeze %dma_wait3A_153 : memref<1x80x128xf32, #tpu.memory_space<hbm>> -> memref<80x128xf32, #tpu.memory_space<hbm>>
    %dma_wait3A_155 = arith.constant 0 : i32
    %dma_wait3A_156 = arith.constant 0 : i32
    %dma_wait3A_157 = tpu.memref_slice %arg8[%dma_wait3A_142, %dma_wait3A_143, %dma_wait3A_155, %dma_wait3A_156] : memref<3x3x80x128xf32, #tpu.memory_space<vmem>> -> memref<1x1x80x128xf32, #tpu.memory_space<vmem>>
    %dma_wait3A_158 = tpu.memref_squeeze %dma_wait3A_157 : memref<1x1x80x128xf32, #tpu.memory_space<vmem>> -> memref<80x128xf32, #tpu.memory_space<vmem>>
    tpu.wait_dma2 semaphore(%arg10 : memref<!tpu.dma_semaphore, #tpu.memory_space<semaphore_mem>>) src(%dma_wait3A_158 : memref<80x128xf32, #tpu.memory_space<vmem>>) dst(%dma_wait3A_154 : memref<80x128xf32, #tpu.memory_space<hbm>>)
    %dma_wait3A_159 = arith.constant 0 : i32
    %dma_wait3A_160 = arith.constant 1 : i32
    %dma_wait3A_161 = arith.constant 1 : i32
    %dma_wait3A_162 = arith.constant 0 : i32
    %dma_wait3A_163 = arith.constant 0 : i32
    %dma_wait3A_164 = tpu.memref_slice %arg8[%dma_wait3A_159, %dma_wait3A_160, %dma_wait3A_162, %dma_wait3A_163] : memref<3x3x80x128xf32, #tpu.memory_space<vmem>> -> memref<1x1x80x128xf32, #tpu.memory_space<vmem>>
    %dma_wait3A_165 = tpu.memref_squeeze %dma_wait3A_164 : memref<1x1x80x128xf32, #tpu.memory_space<vmem>> -> memref<80x128xf32, #tpu.memory_space<vmem>>
    %dma_wait3A_166 = arith.constant 0 : i32
    %dma_wait3A_167 = tpu.memref_slice %arg6[%dma_wait3A_161, %add3A_14, %dma_wait3A_166] : memref<3x156160x128xf32, #tpu.memory_space<hbm>> -> memref<1x80x128xf32, #tpu.memory_space<hbm>>
    %dma_wait3A_168 = tpu.memref_squeeze %dma_wait3A_167 : memref<1x80x128xf32, #tpu.memory_space<hbm>> -> memref<80x128xf32, #tpu.memory_space<hbm>>
    %dma_wait3A_169 = arith.constant 0 : i32
    %dma_wait3A_170 = tpu.memref_slice %arg6[%dma_wait3A_161, %add3A_14, %dma_wait3A_169] : memref<3x156160x128xf32, #tpu.memory_space<hbm>> -> memref<1x80x128xf32, #tpu.memory_space<hbm>>
    %dma_wait3A_171 = tpu.memref_squeeze %dma_wait3A_170 : memref<1x80x128xf32, #tpu.memory_space<hbm>> -> memref<80x128xf32, #tpu.memory_space<hbm>>
    %dma_wait3A_172 = arith.constant 0 : i32
    %dma_wait3A_173 = arith.constant 0 : i32
    %dma_wait3A_174 = tpu.memref_slice %arg8[%dma_wait3A_159, %dma_wait3A_160, %dma_wait3A_172, %dma_wait3A_173] : memref<3x3x80x128xf32, #tpu.memory_space<vmem>> -> memref<1x1x80x128xf32, #tpu.memory_space<vmem>>
    %dma_wait3A_175 = tpu.memref_squeeze %dma_wait3A_174 : memref<1x1x80x128xf32, #tpu.memory_space<vmem>> -> memref<80x128xf32, #tpu.memory_space<vmem>>
    tpu.wait_dma2 semaphore(%arg10 : memref<!tpu.dma_semaphore, #tpu.memory_space<semaphore_mem>>) src(%dma_wait3A_175 : memref<80x128xf32, #tpu.memory_space<vmem>>) dst(%dma_wait3A_171 : memref<80x128xf32, #tpu.memory_space<hbm>>)
    %dma_wait3A_176 = arith.constant 0 : i32
    %dma_wait3A_177 = arith.constant 2 : i32
    %dma_wait3A_178 = arith.constant 2 : i32
    %dma_wait3A_179 = arith.constant 0 : i32
    %dma_wait3A_180 = arith.constant 0 : i32
    %dma_wait3A_181 = tpu.memref_slice %arg8[%dma_wait3A_176, %dma_wait3A_177, %dma_wait3A_179, %dma_wait3A_180] : memref<3x3x80x128xf32, #tpu.memory_space<vmem>> -> memref<1x1x80x128xf32, #tpu.memory_space<vmem>>
    %dma_wait3A_182 = tpu.memref_squeeze %dma_wait3A_181 : memref<1x1x80x128xf32, #tpu.memory_space<vmem>> -> memref<80x128xf32, #tpu.memory_space<vmem>>
    %dma_wait3A_183 = arith.constant 0 : i32
    %dma_wait3A_184 = tpu.memref_slice %arg6[%dma_wait3A_178, %add3A_14, %dma_wait3A_183] : memref<3x156160x128xf32, #tpu.memory_space<hbm>> -> memref<1x80x128xf32, #tpu.memory_space<hbm>>
    %dma_wait3A_185 = tpu.memref_squeeze %dma_wait3A_184 : memref<1x80x128xf32, #tpu.memory_space<hbm>> -> memref<80x128xf32, #tpu.memory_space<hbm>>
    %dma_wait3A_186 = arith.constant 0 : i32
    %dma_wait3A_187 = tpu.memref_slice %arg6[%dma_wait3A_178, %add3A_14, %dma_wait3A_186] : memref<3x156160x128xf32, #tpu.memory_space<hbm>> -> memref<1x80x128xf32, #tpu.memory_space<hbm>>
    %dma_wait3A_188 = tpu.memref_squeeze %dma_wait3A_187 : memref<1x80x128xf32, #tpu.memory_space<hbm>> -> memref<80x128xf32, #tpu.memory_space<hbm>>
    %dma_wait3A_189 = arith.constant 0 : i32
    %dma_wait3A_190 = arith.constant 0 : i32
    %dma_wait3A_191 = tpu.memref_slice %arg8[%dma_wait3A_176, %dma_wait3A_177, %dma_wait3A_189, %dma_wait3A_190] : memref<3x3x80x128xf32, #tpu.memory_space<vmem>> -> memref<1x1x80x128xf32, #tpu.memory_space<vmem>>
    %dma_wait3A_192 = tpu.memref_squeeze %dma_wait3A_191 : memref<1x1x80x128xf32, #tpu.memory_space<vmem>> -> memref<80x128xf32, #tpu.memory_space<vmem>>
    tpu.wait_dma2 semaphore(%arg10 : memref<!tpu.dma_semaphore, #tpu.memory_space<semaphore_mem>>) src(%dma_wait3A_192 : memref<80x128xf32, #tpu.memory_space<vmem>>) dst(%dma_wait3A_188 : memref<80x128xf32, #tpu.memory_space<hbm>>)
    %scan3A_193 = arith.constant 1 : i32
    return
  }
}

#map = affine_map<(d0, d1) -> (0, 0)>
module attributes {stable_mosaic.version = 14 : i64} {
  func.func @body(%arg0: i32, %arg1: i32, %arg2: memref<156160x128xf32, #tpu.memory_space<hbm>>, %arg3: memref<1220x128xi32, #tpu.memory_space<hbm>>, %arg4: memref<10240x128xf32, #tpu.memory_space<hbm>>, %arg5: memref<20480x128xf32, #tpu.memory_space<hbm>>, %arg6: memref<2x128xi32, #tpu.memory_space<vmem>>, %arg7: memref<2x128x128xf32, #tpu.memory_space<vmem>>, %arg8: memref<10240x128xf32, #tpu.memory_space<vmem_shared>>, %arg9: memref<!tpu.dma_semaphore, #tpu.memory_space<semaphore_mem>>, %arg10: memref<!tpu.dma_semaphore, #tpu.memory_space<semaphore_mem>>, %arg11: memref<!tpu.dma_semaphore, #tpu.memory_space<semaphore_mem>>) attributes {dimension_semantics = [#tpu.dimension_semantics<core_parallel>, #tpu.dimension_semantics<subcore_parallel>], iteration_bounds = array<i64: 2, 16>, scalar_prefetch = 0 : i64, scratch_operands = 6 : i64, tpu.core_type = #tpu.core_type<sc_vector_subcore>, window_params = [{transform_indices = #map}, {transform_indices = #map}, {transform_indices = #map}, {transform_indices = #map}]} {
    %mul3A = arith.constant 2 : i32
    %mul3A_0 = arith.muli %arg1, %mul3A : i32
    %add3A = arith.addi %mul3A_0, %arg0 : i32
    %mul3A_1 = arith.constant 640 : i32
    %mul3A_2 = arith.muli %arg1, %mul3A_1 : i32
    %lt3A = arith.constant 4 : i32
    %lt3A_3 = arith.cmpi slt, %add3A, %lt3A : i32
    %jit3A = arith.constant 1 : i32
    %jit3A_4 = arith.constant 0 : i32
    %select_n3A = arith.select %lt3A_3, %jit3A, %jit3A_4 : i32
    %add3A_5 = arith.constant 38 : i32
    %add3A_6 = arith.addi %add3A_5, %select_n3A : i32
    "tpu.region"() ({
      %run_scoped3A = tpu.sem_alloc : memref<!tpu.dma_semaphore, #tpu.memory_space<semaphore_mem>>
      %dma_start3A = arith.constant 0 : i32
      %dma_start3A_25 = tpu.memref_slice %arg8[%mul3A_2, %dma_start3A] : memref<10240x128xf32, #tpu.memory_space<vmem_shared>> -> memref<640x128xf32, #tpu.memory_space<vmem_shared>>
      %dma_start3A_26 = arith.constant 0 : i32
      %dma_start3A_27 = tpu.memref_slice %arg4[%mul3A_2, %dma_start3A_26] : memref<10240x128xf32, #tpu.memory_space<hbm>> -> memref<640x128xf32, #tpu.memory_space<hbm>>
      tpu.enqueue_dma source(%dma_start3A_27 : memref<640x128xf32, #tpu.memory_space<hbm>>) target(%dma_start3A_25 : memref<640x128xf32, #tpu.memory_space<vmem_shared>>) target_semaphore(%run_scoped3A : memref<!tpu.dma_semaphore, #tpu.memory_space<semaphore_mem>>)
      %dma_wait3A = arith.constant 0 : i32
      %dma_wait3A_28 = tpu.memref_slice %arg8[%mul3A_2, %dma_wait3A] : memref<10240x128xf32, #tpu.memory_space<vmem_shared>> -> memref<640x128xf32, #tpu.memory_space<vmem_shared>>
      %dma_wait3A_29 = arith.constant 0 : i32
      %dma_wait3A_30 = tpu.memref_slice %arg4[%mul3A_2, %dma_wait3A_29] : memref<10240x128xf32, #tpu.memory_space<hbm>> -> memref<640x128xf32, #tpu.memory_space<hbm>>
      tpu.wait_dma2 semaphore(%run_scoped3A : memref<!tpu.dma_semaphore, #tpu.memory_space<semaphore_mem>>) src(%dma_wait3A_30 : memref<640x128xf32, #tpu.memory_space<hbm>>) dst(%dma_wait3A_28 : memref<640x128xf32, #tpu.memory_space<vmem_shared>>)
      tpu.yield
    }) : () -> ()
    %barrier3A = arith.constant 0 : index
    tpu.barrier barrier_id(%barrier3A)
    %scan3A = arith.constant 0 : i32
    %scan3A_7 = arith.constant 0 : i32
    %scan3A_8 = arith.constant 19 : i32
    %scan3A_9 = arith.addi %scan3A_7, %scan3A_8 : i32
    %scan3A_10 = arith.constant 1 : i32
    scf.for %scan3A_25 = %scan3A_7 to %scan3A_9 step %scan3A_10  : i32 {
      %mul3A_26 = arith.constant 2 : i32
      %mul3A_27 = arith.muli %scan3A_25, %mul3A_26 : i32
      %add3A_28 = arith.constant 0 : i32
      %add3A_29 = arith.addi %mul3A_27, %add3A_28 : i32
      %mul3A_30 = arith.constant 32 : i32
      %mul3A_31 = arith.muli %add3A_29, %mul3A_30 : i32
      %add3A_32 = arith.addi %add3A, %mul3A_31 : i32
      %dma_start3A = arith.constant 0 : i32
      %dma_start3A_33 = arith.constant 0 : i32
      %dma_start3A_34 = tpu.memref_slice %arg6[%dma_start3A, %dma_start3A_33] : memref<2x128xi32, #tpu.memory_space<vmem>> -> memref<1x128xi32, #tpu.memory_space<vmem>>
      %dma_start3A_35 = tpu.memref_squeeze %dma_start3A_34 : memref<1x128xi32, #tpu.memory_space<vmem>> -> memref<128xi32, #tpu.memory_space<vmem>>
      %dma_start3A_36 = arith.constant 0 : i32
      %dma_start3A_37 = tpu.memref_slice %arg3[%add3A_32, %dma_start3A_36] : memref<1220x128xi32, #tpu.memory_space<hbm>> -> memref<1x128xi32, #tpu.memory_space<hbm>>
      %dma_start3A_38 = tpu.memref_squeeze %dma_start3A_37 : memref<1x128xi32, #tpu.memory_space<hbm>> -> memref<128xi32, #tpu.memory_space<hbm>>
      %dma_start3A_39 = arith.constant 0 : i32
      %dma_start3A_40 = tpu.memref_slice %arg6[%dma_start3A, %dma_start3A_39] : memref<2x128xi32, #tpu.memory_space<vmem>> -> memref<1x128xi32, #tpu.memory_space<vmem>>
      %dma_start3A_41 = tpu.memref_squeeze %dma_start3A_40 : memref<1x128xi32, #tpu.memory_space<vmem>> -> memref<128xi32, #tpu.memory_space<vmem>>
      %dma_start3A_42 = arith.constant 0 : i32
      %dma_start3A_43 = tpu.memref_slice %arg3[%add3A_32, %dma_start3A_42] : memref<1220x128xi32, #tpu.memory_space<hbm>> -> memref<1x128xi32, #tpu.memory_space<hbm>>
      %dma_start3A_44 = tpu.memref_squeeze %dma_start3A_43 : memref<1x128xi32, #tpu.memory_space<hbm>> -> memref<128xi32, #tpu.memory_space<hbm>>
      tpu.enqueue_dma source(%dma_start3A_44 : memref<128xi32, #tpu.memory_space<hbm>>) target(%dma_start3A_41 : memref<128xi32, #tpu.memory_space<vmem>>) target_semaphore(%arg9 : memref<!tpu.dma_semaphore, #tpu.memory_space<semaphore_mem>>)
      %mul3A_45 = arith.constant 128 : i32
      %mul3A_46 = arith.muli %add3A_32, %mul3A_45 : i32
      %dma_start3A_47 = arith.constant 0 : i32
      %dma_start3A_48 = arith.constant 0 : i32
      %dma_start3A_49 = arith.constant 0 : i32
      %dma_start3A_50 = tpu.memref_slice %arg7[%dma_start3A_47, %dma_start3A_48, %dma_start3A_49] : memref<2x128x128xf32, #tpu.memory_space<vmem>> -> memref<1x128x128xf32, #tpu.memory_space<vmem>>
      %dma_start3A_51 = tpu.memref_squeeze %dma_start3A_50 : memref<1x128x128xf32, #tpu.memory_space<vmem>> -> memref<128x128xf32, #tpu.memory_space<vmem>>
      %dma_start3A_52 = arith.constant 0 : i32
      %dma_start3A_53 = tpu.memref_slice %arg2[%mul3A_46, %dma_start3A_52] : memref<156160x128xf32, #tpu.memory_space<hbm>> -> memref<128x128xf32, #tpu.memory_space<hbm>>
      %dma_start3A_54 = arith.constant 0 : i32
      %dma_start3A_55 = arith.constant 0 : i32
      %dma_start3A_56 = tpu.memref_slice %arg7[%dma_start3A_47, %dma_start3A_54, %dma_start3A_55] : memref<2x128x128xf32, #tpu.memory_space<vmem>> -> memref<1x128x128xf32, #tpu.memory_space<vmem>>
      %dma_start3A_57 = tpu.memref_squeeze %dma_start3A_56 : memref<1x128x128xf32, #tpu.memory_space<vmem>> -> memref<128x128xf32, #tpu.memory_space<vmem>>
      %dma_start3A_58 = arith.constant 0 : i32
      %dma_start3A_59 = tpu.memref_slice %arg2[%mul3A_46, %dma_start3A_58] : memref<156160x128xf32, #tpu.memory_space<hbm>> -> memref<128x128xf32, #tpu.memory_space<hbm>>
      tpu.enqueue_dma source(%dma_start3A_59 : memref<128x128xf32, #tpu.memory_space<hbm>>) target(%dma_start3A_57 : memref<128x128xf32, #tpu.memory_space<vmem>>) target_semaphore(%arg10 : memref<!tpu.dma_semaphore, #tpu.memory_space<semaphore_mem>>)
      %mul3A_60 = arith.constant 2 : i32
      %mul3A_61 = arith.muli %scan3A_25, %mul3A_60 : i32
      %add3A_62 = arith.constant 1 : i32
      %add3A_63 = arith.addi %mul3A_61, %add3A_62 : i32
      %mul3A_64 = arith.constant 32 : i32
      %mul3A_65 = arith.muli %add3A_63, %mul3A_64 : i32
      %add3A_66 = arith.addi %add3A, %mul3A_65 : i32
      %dma_start3A_67 = arith.constant 1 : i32
      %dma_start3A_68 = arith.constant 0 : i32
      %dma_start3A_69 = tpu.memref_slice %arg6[%dma_start3A_67, %dma_start3A_68] : memref<2x128xi32, #tpu.memory_space<vmem>> -> memref<1x128xi32, #tpu.memory_space<vmem>>
      %dma_start3A_70 = tpu.memref_squeeze %dma_start3A_69 : memref<1x128xi32, #tpu.memory_space<vmem>> -> memref<128xi32, #tpu.memory_space<vmem>>
      %dma_start3A_71 = arith.constant 0 : i32
      %dma_start3A_72 = tpu.memref_slice %arg3[%add3A_66, %dma_start3A_71] : memref<1220x128xi32, #tpu.memory_space<hbm>> -> memref<1x128xi32, #tpu.memory_space<hbm>>
      %dma_start3A_73 = tpu.memref_squeeze %dma_start3A_72 : memref<1x128xi32, #tpu.memory_space<hbm>> -> memref<128xi32, #tpu.memory_space<hbm>>
      %dma_start3A_74 = arith.constant 0 : i32
      %dma_start3A_75 = tpu.memref_slice %arg6[%dma_start3A_67, %dma_start3A_74] : memref<2x128xi32, #tpu.memory_space<vmem>> -> memref<1x128xi32, #tpu.memory_space<vmem>>
      %dma_start3A_76 = tpu.memref_squeeze %dma_start3A_75 : memref<1x128xi32, #tpu.memory_space<vmem>> -> memref<128xi32, #tpu.memory_space<vmem>>
      %dma_start3A_77 = arith.constant 0 : i32
      %dma_start3A_78 = tpu.memref_slice %arg3[%add3A_66, %dma_start3A_77] : memref<1220x128xi32, #tpu.memory_space<hbm>> -> memref<1x128xi32, #tpu.memory_space<hbm>>
      %dma_start3A_79 = tpu.memref_squeeze %dma_start3A_78 : memref<1x128xi32, #tpu.memory_space<hbm>> -> memref<128xi32, #tpu.memory_space<hbm>>
      tpu.enqueue_dma source(%dma_start3A_79 : memref<128xi32, #tpu.memory_space<hbm>>) target(%dma_start3A_76 : memref<128xi32, #tpu.memory_space<vmem>>) target_semaphore(%arg9 : memref<!tpu.dma_semaphore, #tpu.memory_space<semaphore_mem>>)
      %mul3A_80 = arith.constant 128 : i32
      %mul3A_81 = arith.muli %add3A_66, %mul3A_80 : i32
      %dma_start3A_82 = arith.constant 1 : i32
      %dma_start3A_83 = arith.constant 0 : i32
      %dma_start3A_84 = arith.constant 0 : i32
      %dma_start3A_85 = tpu.memref_slice %arg7[%dma_start3A_82, %dma_start3A_83, %dma_start3A_84] : memref<2x128x128xf32, #tpu.memory_space<vmem>> -> memref<1x128x128xf32, #tpu.memory_space<vmem>>
      %dma_start3A_86 = tpu.memref_squeeze %dma_start3A_85 : memref<1x128x128xf32, #tpu.memory_space<vmem>> -> memref<128x128xf32, #tpu.memory_space<vmem>>
      %dma_start3A_87 = arith.constant 0 : i32
      %dma_start3A_88 = tpu.memref_slice %arg2[%mul3A_81, %dma_start3A_87] : memref<156160x128xf32, #tpu.memory_space<hbm>> -> memref<128x128xf32, #tpu.memory_space<hbm>>
      %dma_start3A_89 = arith.constant 0 : i32
      %dma_start3A_90 = arith.constant 0 : i32
      %dma_start3A_91 = tpu.memref_slice %arg7[%dma_start3A_82, %dma_start3A_89, %dma_start3A_90] : memref<2x128x128xf32, #tpu.memory_space<vmem>> -> memref<1x128x128xf32, #tpu.memory_space<vmem>>
      %dma_start3A_92 = tpu.memref_squeeze %dma_start3A_91 : memref<1x128x128xf32, #tpu.memory_space<vmem>> -> memref<128x128xf32, #tpu.memory_space<vmem>>
      %dma_start3A_93 = arith.constant 0 : i32
      %dma_start3A_94 = tpu.memref_slice %arg2[%mul3A_81, %dma_start3A_93] : memref<156160x128xf32, #tpu.memory_space<hbm>> -> memref<128x128xf32, #tpu.memory_space<hbm>>
      tpu.enqueue_dma source(%dma_start3A_94 : memref<128x128xf32, #tpu.memory_space<hbm>>) target(%dma_start3A_92 : memref<128x128xf32, #tpu.memory_space<vmem>>) target_semaphore(%arg10 : memref<!tpu.dma_semaphore, #tpu.memory_space<semaphore_mem>>)
      %dma_wait3A = arith.constant 0 : i32
      %dma_wait3A_95 = arith.constant 0 : i32
      %dma_wait3A_96 = tpu.memref_slice %arg6[%dma_wait3A, %dma_wait3A_95] : memref<2x128xi32, #tpu.memory_space<vmem>> -> memref<1x128xi32, #tpu.memory_space<vmem>>
      %dma_wait3A_97 = tpu.memref_squeeze %dma_wait3A_96 : memref<1x128xi32, #tpu.memory_space<vmem>> -> memref<128xi32, #tpu.memory_space<vmem>>
      %dma_wait3A_98 = arith.constant 0 : i32
      %dma_wait3A_99 = tpu.memref_slice %arg3[%add3A_32, %dma_wait3A_98] : memref<1220x128xi32, #tpu.memory_space<hbm>> -> memref<1x128xi32, #tpu.memory_space<hbm>>
      %dma_wait3A_100 = tpu.memref_squeeze %dma_wait3A_99 : memref<1x128xi32, #tpu.memory_space<hbm>> -> memref<128xi32, #tpu.memory_space<hbm>>
      %dma_wait3A_101 = arith.constant 0 : i32
      %dma_wait3A_102 = tpu.memref_slice %arg6[%dma_wait3A, %dma_wait3A_101] : memref<2x128xi32, #tpu.memory_space<vmem>> -> memref<1x128xi32, #tpu.memory_space<vmem>>
      %dma_wait3A_103 = tpu.memref_squeeze %dma_wait3A_102 : memref<1x128xi32, #tpu.memory_space<vmem>> -> memref<128xi32, #tpu.memory_space<vmem>>
      %dma_wait3A_104 = arith.constant 0 : i32
      %dma_wait3A_105 = tpu.memref_slice %arg3[%add3A_32, %dma_wait3A_104] : memref<1220x128xi32, #tpu.memory_space<hbm>> -> memref<1x128xi32, #tpu.memory_space<hbm>>
      %dma_wait3A_106 = tpu.memref_squeeze %dma_wait3A_105 : memref<1x128xi32, #tpu.memory_space<hbm>> -> memref<128xi32, #tpu.memory_space<hbm>>
      tpu.wait_dma2 semaphore(%arg9 : memref<!tpu.dma_semaphore, #tpu.memory_space<semaphore_mem>>) src(%dma_wait3A_106 : memref<128xi32, #tpu.memory_space<hbm>>) dst(%dma_wait3A_103 : memref<128xi32, #tpu.memory_space<vmem>>)
      %dma_wait3A_107 = arith.constant 0 : i32
      %dma_wait3A_108 = arith.constant 0 : i32
      %dma_wait3A_109 = arith.constant 0 : i32
      %dma_wait3A_110 = tpu.memref_slice %arg7[%dma_wait3A_107, %dma_wait3A_108, %dma_wait3A_109] : memref<2x128x128xf32, #tpu.memory_space<vmem>> -> memref<1x128x128xf32, #tpu.memory_space<vmem>>
      %dma_wait3A_111 = tpu.memref_squeeze %dma_wait3A_110 : memref<1x128x128xf32, #tpu.memory_space<vmem>> -> memref<128x128xf32, #tpu.memory_space<vmem>>
      %dma_wait3A_112 = arith.constant 0 : i32
      %dma_wait3A_113 = tpu.memref_slice %arg2[%mul3A_46, %dma_wait3A_112] : memref<156160x128xf32, #tpu.memory_space<hbm>> -> memref<128x128xf32, #tpu.memory_space<hbm>>
      %dma_wait3A_114 = arith.constant 0 : i32
      %dma_wait3A_115 = arith.constant 0 : i32
      %dma_wait3A_116 = tpu.memref_slice %arg7[%dma_wait3A_107, %dma_wait3A_114, %dma_wait3A_115] : memref<2x128x128xf32, #tpu.memory_space<vmem>> -> memref<1x128x128xf32, #tpu.memory_space<vmem>>
      %dma_wait3A_117 = tpu.memref_squeeze %dma_wait3A_116 : memref<1x128x128xf32, #tpu.memory_space<vmem>> -> memref<128x128xf32, #tpu.memory_space<vmem>>
      %dma_wait3A_118 = arith.constant 0 : i32
      %dma_wait3A_119 = tpu.memref_slice %arg2[%mul3A_46, %dma_wait3A_118] : memref<156160x128xf32, #tpu.memory_space<hbm>> -> memref<128x128xf32, #tpu.memory_space<hbm>>
      tpu.wait_dma2 semaphore(%arg10 : memref<!tpu.dma_semaphore, #tpu.memory_space<semaphore_mem>>) src(%dma_wait3A_119 : memref<128x128xf32, #tpu.memory_space<hbm>>) dst(%dma_wait3A_117 : memref<128x128xf32, #tpu.memory_space<vmem>>)
      %dma_start3A_120 = arith.constant 0 : i32
      %dma_start3A_121 = arith.constant 0 : i32
      %dma_start3A_122 = arith.constant 0 : i32
      %dma_start3A_123 = arith.constant 0 : i32
      %dma_start3A_124 = tpu.memref_slice %arg7[%dma_start3A_120, %dma_start3A_122, %dma_start3A_123] : memref<2x128x128xf32, #tpu.memory_space<vmem>> -> memref<1x128x128xf32, #tpu.memory_space<vmem>>
      %dma_start3A_125 = tpu.memref_squeeze %dma_start3A_124 : memref<1x128x128xf32, #tpu.memory_space<vmem>> -> memref<128x128xf32, #tpu.memory_space<vmem>>
      %dma_start3A_126 = arith.constant 0 : i32
      %dma_start3A_127 = tpu.memref_slice %arg6[%dma_start3A_121, %dma_start3A_126] : memref<2x128xi32, #tpu.memory_space<vmem>> -> memref<1x128xi32, #tpu.memory_space<vmem>>
      %dma_start3A_128 = tpu.memref_squeeze %dma_start3A_127 : memref<1x128xi32, #tpu.memory_space<vmem>> -> memref<128xi32, #tpu.memory_space<vmem>>
      %dma_start3A_129 = arith.constant 0 : i32
      %dma_start3A_130 = arith.constant 0 : i32
      %dma_start3A_131 = tpu.memref_slice %arg8[%dma_start3A_129, %dma_start3A_130] : memref<10240x128xf32, #tpu.memory_space<vmem_shared>> -> memref<10240x128xf32, #tpu.memory_space<vmem_shared>>
      tpu.enqueue_indirect_dma source(%dma_start3A_125 : memref<128x128xf32, #tpu.memory_space<vmem>>) target(%dma_start3A_131 : memref<10240x128xf32, #tpu.memory_space<vmem_shared>>) offsets(%dma_start3A_128 : memref<128xi32, #tpu.memory_space<vmem>>) semaphore(%arg11 : memref<!tpu.dma_semaphore, #tpu.memory_space<semaphore_mem>>) {add = true}
      %dma_wait3A_132 = arith.constant 1 : i32
      %dma_wait3A_133 = arith.constant 0 : i32
      %dma_wait3A_134 = tpu.memref_slice %arg6[%dma_wait3A_132, %dma_wait3A_133] : memref<2x128xi32, #tpu.memory_space<vmem>> -> memref<1x128xi32, #tpu.memory_space<vmem>>
      %dma_wait3A_135 = tpu.memref_squeeze %dma_wait3A_134 : memref<1x128xi32, #tpu.memory_space<vmem>> -> memref<128xi32, #tpu.memory_space<vmem>>
      %dma_wait3A_136 = arith.constant 0 : i32
      %dma_wait3A_137 = tpu.memref_slice %arg3[%add3A_66, %dma_wait3A_136] : memref<1220x128xi32, #tpu.memory_space<hbm>> -> memref<1x128xi32, #tpu.memory_space<hbm>>
      %dma_wait3A_138 = tpu.memref_squeeze %dma_wait3A_137 : memref<1x128xi32, #tpu.memory_space<hbm>> -> memref<128xi32, #tpu.memory_space<hbm>>
      %dma_wait3A_139 = arith.constant 0 : i32
      %dma_wait3A_140 = tpu.memref_slice %arg6[%dma_wait3A_132, %dma_wait3A_139] : memref<2x128xi32, #tpu.memory_space<vmem>> -> memref<1x128xi32, #tpu.memory_space<vmem>>
      %dma_wait3A_141 = tpu.memref_squeeze %dma_wait3A_140 : memref<1x128xi32, #tpu.memory_space<vmem>> -> memref<128xi32, #tpu.memory_space<vmem>>
      %dma_wait3A_142 = arith.constant 0 : i32
      %dma_wait3A_143 = tpu.memref_slice %arg3[%add3A_66, %dma_wait3A_142] : memref<1220x128xi32, #tpu.memory_space<hbm>> -> memref<1x128xi32, #tpu.memory_space<hbm>>
      %dma_wait3A_144 = tpu.memref_squeeze %dma_wait3A_143 : memref<1x128xi32, #tpu.memory_space<hbm>> -> memref<128xi32, #tpu.memory_space<hbm>>
      tpu.wait_dma2 semaphore(%arg9 : memref<!tpu.dma_semaphore, #tpu.memory_space<semaphore_mem>>) src(%dma_wait3A_144 : memref<128xi32, #tpu.memory_space<hbm>>) dst(%dma_wait3A_141 : memref<128xi32, #tpu.memory_space<vmem>>)
      %dma_wait3A_145 = arith.constant 1 : i32
      %dma_wait3A_146 = arith.constant 0 : i32
      %dma_wait3A_147 = arith.constant 0 : i32
      %dma_wait3A_148 = tpu.memref_slice %arg7[%dma_wait3A_145, %dma_wait3A_146, %dma_wait3A_147] : memref<2x128x128xf32, #tpu.memory_space<vmem>> -> memref<1x128x128xf32, #tpu.memory_space<vmem>>
      %dma_wait3A_149 = tpu.memref_squeeze %dma_wait3A_148 : memref<1x128x128xf32, #tpu.memory_space<vmem>> -> memref<128x128xf32, #tpu.memory_space<vmem>>
      %dma_wait3A_150 = arith.constant 0 : i32
      %dma_wait3A_151 = tpu.memref_slice %arg2[%mul3A_81, %dma_wait3A_150] : memref<156160x128xf32, #tpu.memory_space<hbm>> -> memref<128x128xf32, #tpu.memory_space<hbm>>
      %dma_wait3A_152 = arith.constant 0 : i32
      %dma_wait3A_153 = arith.constant 0 : i32
      %dma_wait3A_154 = tpu.memref_slice %arg7[%dma_wait3A_145, %dma_wait3A_152, %dma_wait3A_153] : memref<2x128x128xf32, #tpu.memory_space<vmem>> -> memref<1x128x128xf32, #tpu.memory_space<vmem>>
      %dma_wait3A_155 = tpu.memref_squeeze %dma_wait3A_154 : memref<1x128x128xf32, #tpu.memory_space<vmem>> -> memref<128x128xf32, #tpu.memory_space<vmem>>
      %dma_wait3A_156 = arith.constant 0 : i32
      %dma_wait3A_157 = tpu.memref_slice %arg2[%mul3A_81, %dma_wait3A_156] : memref<156160x128xf32, #tpu.memory_space<hbm>> -> memref<128x128xf32, #tpu.memory_space<hbm>>
      tpu.wait_dma2 semaphore(%arg10 : memref<!tpu.dma_semaphore, #tpu.memory_space<semaphore_mem>>) src(%dma_wait3A_157 : memref<128x128xf32, #tpu.memory_space<hbm>>) dst(%dma_wait3A_155 : memref<128x128xf32, #tpu.memory_space<vmem>>)
      %dma_start3A_158 = arith.constant 1 : i32
      %dma_start3A_159 = arith.constant 1 : i32
      %dma_start3A_160 = arith.constant 0 : i32
      %dma_start3A_161 = arith.constant 0 : i32
      %dma_start3A_162 = tpu.memref_slice %arg7[%dma_start3A_158, %dma_start3A_160, %dma_start3A_161] : memref<2x128x128xf32, #tpu.memory_space<vmem>> -> memref<1x128x128xf32, #tpu.memory_space<vmem>>
      %dma_start3A_163 = tpu.memref_squeeze %dma_start3A_162 : memref<1x128x128xf32, #tpu.memory_space<vmem>> -> memref<128x128xf32, #tpu.memory_space<vmem>>
      %dma_start3A_164 = arith.constant 0 : i32
      %dma_start3A_165 = tpu.memref_slice %arg6[%dma_start3A_159, %dma_start3A_164] : memref<2x128xi32, #tpu.memory_space<vmem>> -> memref<1x128xi32, #tpu.memory_space<vmem>>
      %dma_start3A_166 = tpu.memref_squeeze %dma_start3A_165 : memref<1x128xi32, #tpu.memory_space<vmem>> -> memref<128xi32, #tpu.memory_space<vmem>>
      %dma_start3A_167 = arith.constant 0 : i32
      %dma_start3A_168 = arith.constant 0 : i32
      %dma_start3A_169 = tpu.memref_slice %arg8[%dma_start3A_167, %dma_start3A_168] : memref<10240x128xf32, #tpu.memory_space<vmem_shared>> -> memref<10240x128xf32, #tpu.memory_space<vmem_shared>>
      tpu.enqueue_indirect_dma source(%dma_start3A_163 : memref<128x128xf32, #tpu.memory_space<vmem>>) target(%dma_start3A_169 : memref<10240x128xf32, #tpu.memory_space<vmem_shared>>) offsets(%dma_start3A_166 : memref<128xi32, #tpu.memory_space<vmem>>) semaphore(%arg11 : memref<!tpu.dma_semaphore, #tpu.memory_space<semaphore_mem>>) {add = true}
      %dma_wait3A_170 = arith.constant 0 : i32
      %dma_wait3A_171 = arith.constant 0 : i32
      %dma_wait3A_172 = arith.constant 0 : i32
      %dma_wait3A_173 = arith.constant 0 : i32
      %dma_wait3A_174 = tpu.memref_slice %arg7[%dma_wait3A_170, %dma_wait3A_172, %dma_wait3A_173] : memref<2x128x128xf32, #tpu.memory_space<vmem>> -> memref<1x128x128xf32, #tpu.memory_space<vmem>>
      %dma_wait3A_175 = tpu.memref_squeeze %dma_wait3A_174 : memref<1x128x128xf32, #tpu.memory_space<vmem>> -> memref<128x128xf32, #tpu.memory_space<vmem>>
      %dma_wait3A_176 = arith.constant 0 : i32
      %dma_wait3A_177 = tpu.memref_slice %arg6[%dma_wait3A_171, %dma_wait3A_176] : memref<2x128xi32, #tpu.memory_space<vmem>> -> memref<1x128xi32, #tpu.memory_space<vmem>>
      %dma_wait3A_178 = tpu.memref_squeeze %dma_wait3A_177 : memref<1x128xi32, #tpu.memory_space<vmem>> -> memref<128xi32, #tpu.memory_space<vmem>>
      %dma_wait3A_179 = arith.constant 0 : i32
      %dma_wait3A_180 = arith.constant 0 : i32
      %dma_wait3A_181 = tpu.memref_slice %arg8[%dma_wait3A_179, %dma_wait3A_180] : memref<10240x128xf32, #tpu.memory_space<vmem_shared>> -> memref<10240x128xf32, #tpu.memory_space<vmem_shared>>
      tpu.wait_indirect_dma semaphore(%arg11 : memref<!tpu.dma_semaphore, #tpu.memory_space<semaphore_mem>>) src(%dma_wait3A_175 : memref<128x128xf32, #tpu.memory_space<vmem>>) dst(%dma_wait3A_181 : memref<10240x128xf32, #tpu.memory_space<vmem_shared>>)
      %dma_wait3A_182 = arith.constant 1 : i32
      %dma_wait3A_183 = arith.constant 1 : i32
      %dma_wait3A_184 = arith.constant 0 : i32
      %dma_wait3A_185 = arith.constant 0 : i32
      %dma_wait3A_186 = tpu.memref_slice %arg7[%dma_wait3A_182, %dma_wait3A_184, %dma_wait3A_185] : memref<2x128x128xf32, #tpu.memory_space<vmem>> -> memref<1x128x128xf32, #tpu.memory_space<vmem>>
      %dma_wait3A_187 = tpu.memref_squeeze %dma_wait3A_186 : memref<1x128x128xf32, #tpu.memory_space<vmem>> -> memref<128x128xf32, #tpu.memory_space<vmem>>
      %dma_wait3A_188 = arith.constant 0 : i32
      %dma_wait3A_189 = tpu.memref_slice %arg6[%dma_wait3A_183, %dma_wait3A_188] : memref<2x128xi32, #tpu.memory_space<vmem>> -> memref<1x128xi32, #tpu.memory_space<vmem>>
      %dma_wait3A_190 = tpu.memref_squeeze %dma_wait3A_189 : memref<1x128xi32, #tpu.memory_space<vmem>> -> memref<128xi32, #tpu.memory_space<vmem>>
      %dma_wait3A_191 = arith.constant 0 : i32
      %dma_wait3A_192 = arith.constant 0 : i32
      %dma_wait3A_193 = tpu.memref_slice %arg8[%dma_wait3A_191, %dma_wait3A_192] : memref<10240x128xf32, #tpu.memory_space<vmem_shared>> -> memref<10240x128xf32, #tpu.memory_space<vmem_shared>>
      tpu.wait_indirect_dma semaphore(%arg11 : memref<!tpu.dma_semaphore, #tpu.memory_space<semaphore_mem>>) src(%dma_wait3A_187 : memref<128x128xf32, #tpu.memory_space<vmem>>) dst(%dma_wait3A_193 : memref<10240x128xf32, #tpu.memory_space<vmem_shared>>)
    }
    %scan3A_11 = arith.constant 19 : i32
    %while3A = arith.constant 0 : i32
    %while3A_12 = arith.constant 38 : i32
    %while3A_13 = arith.subi %add3A_6, %while3A_12 : i32
    %while3A_14 = arith.addi %while3A_12, %while3A_13 : i32
    %while3A_15 = arith.constant 1 : i32
    %while3A_16 = arith.divsi %while3A_13, %while3A_15 : i32
    %while3A_17 = arith.muli %while3A_16, %while3A_15 : i32
    %while3A_18 = arith.addi %while3A_12, %while3A_17 : i32
    %while3A_19 = arith.constant 1 : i32
    scf.for %while3A_25 = %while3A_12 to %while3A_18 step %while3A_19  : i32 {
      %mul3A_26 = arith.constant 32 : i32
      %mul3A_27 = arith.muli %while3A_25, %mul3A_26 : i32
      %add3A_28 = arith.addi %add3A, %mul3A_27 : i32
      %run_scoped3A = arith.constant 0 : i32
      "tpu.region"() ({
        %run_scoped3A_34 = tpu.sem_alloc : memref<!tpu.dma_semaphore, #tpu.memory_space<semaphore_mem>>
        %dma_start3A = arith.constant 0 : i32
        %dma_start3A_35 = tpu.memref_slice %arg6[%run_scoped3A, %dma_start3A] : memref<2x128xi32, #tpu.memory_space<vmem>> -> memref<1x128xi32, #tpu.memory_space<vmem>>
        %dma_start3A_36 = tpu.memref_squeeze %dma_start3A_35 : memref<1x128xi32, #tpu.memory_space<vmem>> -> memref<128xi32, #tpu.memory_space<vmem>>
        %dma_start3A_37 = arith.constant 0 : i32
        %dma_start3A_38 = tpu.memref_slice %arg3[%add3A_28, %dma_start3A_37] : memref<1220x128xi32, #tpu.memory_space<hbm>> -> memref<1x128xi32, #tpu.memory_space<hbm>>
        %dma_start3A_39 = tpu.memref_squeeze %dma_start3A_38 : memref<1x128xi32, #tpu.memory_space<hbm>> -> memref<128xi32, #tpu.memory_space<hbm>>
        %dma_start3A_40 = arith.constant 0 : i32
        %dma_start3A_41 = tpu.memref_slice %arg6[%run_scoped3A, %dma_start3A_40] : memref<2x128xi32, #tpu.memory_space<vmem>> -> memref<1x128xi32, #tpu.memory_space<vmem>>
        %dma_start3A_42 = tpu.memref_squeeze %dma_start3A_41 : memref<1x128xi32, #tpu.memory_space<vmem>> -> memref<128xi32, #tpu.memory_space<vmem>>
        %dma_start3A_43 = arith.constant 0 : i32
        %dma_start3A_44 = tpu.memref_slice %arg3[%add3A_28, %dma_start3A_43] : memref<1220x128xi32, #tpu.memory_space<hbm>> -> memref<1x128xi32, #tpu.memory_space<hbm>>
        %dma_start3A_45 = tpu.memref_squeeze %dma_start3A_44 : memref<1x128xi32, #tpu.memory_space<hbm>> -> memref<128xi32, #tpu.memory_space<hbm>>
        tpu.enqueue_dma source(%dma_start3A_45 : memref<128xi32, #tpu.memory_space<hbm>>) target(%dma_start3A_42 : memref<128xi32, #tpu.memory_space<vmem>>) target_semaphore(%run_scoped3A_34 : memref<!tpu.dma_semaphore, #tpu.memory_space<semaphore_mem>>)
        %dma_wait3A = arith.constant 0 : i32
        %dma_wait3A_46 = tpu.memref_slice %arg6[%run_scoped3A, %dma_wait3A] : memref<2x128xi32, #tpu.memory_space<vmem>> -> memref<1x128xi32, #tpu.memory_space<vmem>>
        %dma_wait3A_47 = tpu.memref_squeeze %dma_wait3A_46 : memref<1x128xi32, #tpu.memory_space<vmem>> -> memref<128xi32, #tpu.memory_space<vmem>>
        %dma_wait3A_48 = arith.constant 0 : i32
        %dma_wait3A_49 = tpu.memref_slice %arg3[%add3A_28, %dma_wait3A_48] : memref<1220x128xi32, #tpu.memory_space<hbm>> -> memref<1x128xi32, #tpu.memory_space<hbm>>
        %dma_wait3A_50 = tpu.memref_squeeze %dma_wait3A_49 : memref<1x128xi32, #tpu.memory_space<hbm>> -> memref<128xi32, #tpu.memory_space<hbm>>
        %dma_wait3A_51 = arith.constant 0 : i32
        %dma_wait3A_52 = tpu.memref_slice %arg6[%run_scoped3A, %dma_wait3A_51] : memref<2x128xi32, #tpu.memory_space<vmem>> -> memref<1x128xi32, #tpu.memory_space<vmem>>
        %dma_wait3A_53 = tpu.memref_squeeze %dma_wait3A_52 : memref<1x128xi32, #tpu.memory_space<vmem>> -> memref<128xi32, #tpu.memory_space<vmem>>
        %dma_wait3A_54 = arith.constant 0 : i32
        %dma_wait3A_55 = tpu.memref_slice %arg3[%add3A_28, %dma_wait3A_54] : memref<1220x128xi32, #tpu.memory_space<hbm>> -> memref<1x128xi32, #tpu.memory_space<hbm>>
        %dma_wait3A_56 = tpu.memref_squeeze %dma_wait3A_55 : memref<1x128xi32, #tpu.memory_space<hbm>> -> memref<128xi32, #tpu.memory_space<hbm>>
        tpu.wait_dma2 semaphore(%run_scoped3A_34 : memref<!tpu.dma_semaphore, #tpu.memory_space<semaphore_mem>>) src(%dma_wait3A_56 : memref<128xi32, #tpu.memory_space<hbm>>) dst(%dma_wait3A_53 : memref<128xi32, #tpu.memory_space<vmem>>)
        tpu.yield
      }) : () -> ()
      %mul3A_29 = arith.constant 128 : i32
      %mul3A_30 = arith.muli %add3A_28, %mul3A_29 : i32
      %run_scoped3A_31 = arith.constant 0 : i32
      "tpu.region"() ({
        %run_scoped3A_34 = tpu.sem_alloc : memref<!tpu.dma_semaphore, #tpu.memory_space<semaphore_mem>>
        %dma_start3A = arith.constant 0 : i32
        %dma_start3A_35 = arith.constant 0 : i32
        %dma_start3A_36 = tpu.memref_slice %arg7[%run_scoped3A_31, %dma_start3A, %dma_start3A_35] : memref<2x128x128xf32, #tpu.memory_space<vmem>> -> memref<1x128x128xf32, #tpu.memory_space<vmem>>
        %dma_start3A_37 = tpu.memref_squeeze %dma_start3A_36 : memref<1x128x128xf32, #tpu.memory_space<vmem>> -> memref<128x128xf32, #tpu.memory_space<vmem>>
        %dma_start3A_38 = arith.constant 0 : i32
        %dma_start3A_39 = tpu.memref_slice %arg2[%mul3A_30, %dma_start3A_38] : memref<156160x128xf32, #tpu.memory_space<hbm>> -> memref<128x128xf32, #tpu.memory_space<hbm>>
        %dma_start3A_40 = arith.constant 0 : i32
        %dma_start3A_41 = arith.constant 0 : i32
        %dma_start3A_42 = tpu.memref_slice %arg7[%run_scoped3A_31, %dma_start3A_40, %dma_start3A_41] : memref<2x128x128xf32, #tpu.memory_space<vmem>> -> memref<1x128x128xf32, #tpu.memory_space<vmem>>
        %dma_start3A_43 = tpu.memref_squeeze %dma_start3A_42 : memref<1x128x128xf32, #tpu.memory_space<vmem>> -> memref<128x128xf32, #tpu.memory_space<vmem>>
        %dma_start3A_44 = arith.constant 0 : i32
        %dma_start3A_45 = tpu.memref_slice %arg2[%mul3A_30, %dma_start3A_44] : memref<156160x128xf32, #tpu.memory_space<hbm>> -> memref<128x128xf32, #tpu.memory_space<hbm>>
        tpu.enqueue_dma source(%dma_start3A_45 : memref<128x128xf32, #tpu.memory_space<hbm>>) target(%dma_start3A_43 : memref<128x128xf32, #tpu.memory_space<vmem>>) target_semaphore(%run_scoped3A_34 : memref<!tpu.dma_semaphore, #tpu.memory_space<semaphore_mem>>)
        %dma_wait3A = arith.constant 0 : i32
        %dma_wait3A_46 = arith.constant 0 : i32
        %dma_wait3A_47 = tpu.memref_slice %arg7[%run_scoped3A_31, %dma_wait3A, %dma_wait3A_46] : memref<2x128x128xf32, #tpu.memory_space<vmem>> -> memref<1x128x128xf32, #tpu.memory_space<vmem>>
        %dma_wait3A_48 = tpu.memref_squeeze %dma_wait3A_47 : memref<1x128x128xf32, #tpu.memory_space<vmem>> -> memref<128x128xf32, #tpu.memory_space<vmem>>
        %dma_wait3A_49 = arith.constant 0 : i32
        %dma_wait3A_50 = tpu.memref_slice %arg2[%mul3A_30, %dma_wait3A_49] : memref<156160x128xf32, #tpu.memory_space<hbm>> -> memref<128x128xf32, #tpu.memory_space<hbm>>
        %dma_wait3A_51 = arith.constant 0 : i32
        %dma_wait3A_52 = arith.constant 0 : i32
        %dma_wait3A_53 = tpu.memref_slice %arg7[%run_scoped3A_31, %dma_wait3A_51, %dma_wait3A_52] : memref<2x128x128xf32, #tpu.memory_space<vmem>> -> memref<1x128x128xf32, #tpu.memory_space<vmem>>
        %dma_wait3A_54 = tpu.memref_squeeze %dma_wait3A_53 : memref<1x128x128xf32, #tpu.memory_space<vmem>> -> memref<128x128xf32, #tpu.memory_space<vmem>>
        %dma_wait3A_55 = arith.constant 0 : i32
        %dma_wait3A_56 = tpu.memref_slice %arg2[%mul3A_30, %dma_wait3A_55] : memref<156160x128xf32, #tpu.memory_space<hbm>> -> memref<128x128xf32, #tpu.memory_space<hbm>>
        tpu.wait_dma2 semaphore(%run_scoped3A_34 : memref<!tpu.dma_semaphore, #tpu.memory_space<semaphore_mem>>) src(%dma_wait3A_56 : memref<128x128xf32, #tpu.memory_space<hbm>>) dst(%dma_wait3A_54 : memref<128x128xf32, #tpu.memory_space<vmem>>)
        tpu.yield
      }) : () -> ()
      %run_scoped3A_32 = arith.constant 0 : i32
      %run_scoped3A_33 = arith.constant 0 : i32
      "tpu.region"() ({
        %run_scoped3A_34 = tpu.sem_alloc : memref<!tpu.dma_semaphore, #tpu.memory_space<semaphore_mem>>
        %dma_start3A = arith.constant 0 : i32
        %dma_start3A_35 = arith.constant 0 : i32
        %dma_start3A_36 = tpu.memref_slice %arg7[%run_scoped3A_32, %dma_start3A, %dma_start3A_35] : memref<2x128x128xf32, #tpu.memory_space<vmem>> -> memref<1x128x128xf32, #tpu.memory_space<vmem>>
        %dma_start3A_37 = tpu.memref_squeeze %dma_start3A_36 : memref<1x128x128xf32, #tpu.memory_space<vmem>> -> memref<128x128xf32, #tpu.memory_space<vmem>>
        %dma_start3A_38 = arith.constant 0 : i32
        %dma_start3A_39 = tpu.memref_slice %arg6[%run_scoped3A_33, %dma_start3A_38] : memref<2x128xi32, #tpu.memory_space<vmem>> -> memref<1x128xi32, #tpu.memory_space<vmem>>
        %dma_start3A_40 = tpu.memref_squeeze %dma_start3A_39 : memref<1x128xi32, #tpu.memory_space<vmem>> -> memref<128xi32, #tpu.memory_space<vmem>>
        %dma_start3A_41 = arith.constant 0 : i32
        %dma_start3A_42 = arith.constant 0 : i32
        %dma_start3A_43 = tpu.memref_slice %arg8[%dma_start3A_41, %dma_start3A_42] : memref<10240x128xf32, #tpu.memory_space<vmem_shared>> -> memref<10240x128xf32, #tpu.memory_space<vmem_shared>>
        tpu.enqueue_indirect_dma source(%dma_start3A_37 : memref<128x128xf32, #tpu.memory_space<vmem>>) target(%dma_start3A_43 : memref<10240x128xf32, #tpu.memory_space<vmem_shared>>) offsets(%dma_start3A_40 : memref<128xi32, #tpu.memory_space<vmem>>) semaphore(%run_scoped3A_34 : memref<!tpu.dma_semaphore, #tpu.memory_space<semaphore_mem>>) {add = true}
        %dma_wait3A = arith.constant 0 : i32
        %dma_wait3A_44 = arith.constant 0 : i32
        %dma_wait3A_45 = tpu.memref_slice %arg7[%run_scoped3A_32, %dma_wait3A, %dma_wait3A_44] : memref<2x128x128xf32, #tpu.memory_space<vmem>> -> memref<1x128x128xf32, #tpu.memory_space<vmem>>
        %dma_wait3A_46 = tpu.memref_squeeze %dma_wait3A_45 : memref<1x128x128xf32, #tpu.memory_space<vmem>> -> memref<128x128xf32, #tpu.memory_space<vmem>>
        %dma_wait3A_47 = arith.constant 0 : i32
        %dma_wait3A_48 = tpu.memref_slice %arg6[%run_scoped3A_33, %dma_wait3A_47] : memref<2x128xi32, #tpu.memory_space<vmem>> -> memref<1x128xi32, #tpu.memory_space<vmem>>
        %dma_wait3A_49 = tpu.memref_squeeze %dma_wait3A_48 : memref<1x128xi32, #tpu.memory_space<vmem>> -> memref<128xi32, #tpu.memory_space<vmem>>
        %dma_wait3A_50 = arith.constant 0 : i32
        %dma_wait3A_51 = arith.constant 0 : i32
        %dma_wait3A_52 = tpu.memref_slice %arg8[%dma_wait3A_50, %dma_wait3A_51] : memref<10240x128xf32, #tpu.memory_space<vmem_shared>> -> memref<10240x128xf32, #tpu.memory_space<vmem_shared>>
        tpu.wait_indirect_dma semaphore(%run_scoped3A_34 : memref<!tpu.dma_semaphore, #tpu.memory_space<semaphore_mem>>) src(%dma_wait3A_46 : memref<128x128xf32, #tpu.memory_space<vmem>>) dst(%dma_wait3A_52 : memref<10240x128xf32, #tpu.memory_space<vmem_shared>>)
        tpu.yield
      }) : () -> ()
    }
    %while3A_20 = arith.constant 1 : i32
    scf.for %while3A_25 = %while3A_18 to %while3A_14 step %while3A_20  : i32 {
      %mul3A_26 = arith.constant 32 : i32
      %mul3A_27 = arith.muli %while3A_25, %mul3A_26 : i32
      %add3A_28 = arith.addi %add3A, %mul3A_27 : i32
      %run_scoped3A = arith.constant 0 : i32
      "tpu.region"() ({
        %run_scoped3A_34 = tpu.sem_alloc : memref<!tpu.dma_semaphore, #tpu.memory_space<semaphore_mem>>
        %dma_start3A = arith.constant 0 : i32
        %dma_start3A_35 = tpu.memref_slice %arg6[%run_scoped3A, %dma_start3A] : memref<2x128xi32, #tpu.memory_space<vmem>> -> memref<1x128xi32, #tpu.memory_space<vmem>>
        %dma_start3A_36 = tpu.memref_squeeze %dma_start3A_35 : memref<1x128xi32, #tpu.memory_space<vmem>> -> memref<128xi32, #tpu.memory_space<vmem>>
        %dma_start3A_37 = arith.constant 0 : i32
        %dma_start3A_38 = tpu.memref_slice %arg3[%add3A_28, %dma_start3A_37] : memref<1220x128xi32, #tpu.memory_space<hbm>> -> memref<1x128xi32, #tpu.memory_space<hbm>>
        %dma_start3A_39 = tpu.memref_squeeze %dma_start3A_38 : memref<1x128xi32, #tpu.memory_space<hbm>> -> memref<128xi32, #tpu.memory_space<hbm>>
        %dma_start3A_40 = arith.constant 0 : i32
        %dma_start3A_41 = tpu.memref_slice %arg6[%run_scoped3A, %dma_start3A_40] : memref<2x128xi32, #tpu.memory_space<vmem>> -> memref<1x128xi32, #tpu.memory_space<vmem>>
        %dma_start3A_42 = tpu.memref_squeeze %dma_start3A_41 : memref<1x128xi32, #tpu.memory_space<vmem>> -> memref<128xi32, #tpu.memory_space<vmem>>
        %dma_start3A_43 = arith.constant 0 : i32
        %dma_start3A_44 = tpu.memref_slice %arg3[%add3A_28, %dma_start3A_43] : memref<1220x128xi32, #tpu.memory_space<hbm>> -> memref<1x128xi32, #tpu.memory_space<hbm>>
        %dma_start3A_45 = tpu.memref_squeeze %dma_start3A_44 : memref<1x128xi32, #tpu.memory_space<hbm>> -> memref<128xi32, #tpu.memory_space<hbm>>
        tpu.enqueue_dma source(%dma_start3A_45 : memref<128xi32, #tpu.memory_space<hbm>>) target(%dma_start3A_42 : memref<128xi32, #tpu.memory_space<vmem>>) target_semaphore(%run_scoped3A_34 : memref<!tpu.dma_semaphore, #tpu.memory_space<semaphore_mem>>)
        %dma_wait3A = arith.constant 0 : i32
        %dma_wait3A_46 = tpu.memref_slice %arg6[%run_scoped3A, %dma_wait3A] : memref<2x128xi32, #tpu.memory_space<vmem>> -> memref<1x128xi32, #tpu.memory_space<vmem>>
        %dma_wait3A_47 = tpu.memref_squeeze %dma_wait3A_46 : memref<1x128xi32, #tpu.memory_space<vmem>> -> memref<128xi32, #tpu.memory_space<vmem>>
        %dma_wait3A_48 = arith.constant 0 : i32
        %dma_wait3A_49 = tpu.memref_slice %arg3[%add3A_28, %dma_wait3A_48] : memref<1220x128xi32, #tpu.memory_space<hbm>> -> memref<1x128xi32, #tpu.memory_space<hbm>>
        %dma_wait3A_50 = tpu.memref_squeeze %dma_wait3A_49 : memref<1x128xi32, #tpu.memory_space<hbm>> -> memref<128xi32, #tpu.memory_space<hbm>>
        %dma_wait3A_51 = arith.constant 0 : i32
        %dma_wait3A_52 = tpu.memref_slice %arg6[%run_scoped3A, %dma_wait3A_51] : memref<2x128xi32, #tpu.memory_space<vmem>> -> memref<1x128xi32, #tpu.memory_space<vmem>>
        %dma_wait3A_53 = tpu.memref_squeeze %dma_wait3A_52 : memref<1x128xi32, #tpu.memory_space<vmem>> -> memref<128xi32, #tpu.memory_space<vmem>>
        %dma_wait3A_54 = arith.constant 0 : i32
        %dma_wait3A_55 = tpu.memref_slice %arg3[%add3A_28, %dma_wait3A_54] : memref<1220x128xi32, #tpu.memory_space<hbm>> -> memref<1x128xi32, #tpu.memory_space<hbm>>
        %dma_wait3A_56 = tpu.memref_squeeze %dma_wait3A_55 : memref<1x128xi32, #tpu.memory_space<hbm>> -> memref<128xi32, #tpu.memory_space<hbm>>
        tpu.wait_dma2 semaphore(%run_scoped3A_34 : memref<!tpu.dma_semaphore, #tpu.memory_space<semaphore_mem>>) src(%dma_wait3A_56 : memref<128xi32, #tpu.memory_space<hbm>>) dst(%dma_wait3A_53 : memref<128xi32, #tpu.memory_space<vmem>>)
        tpu.yield
      }) : () -> ()
      %mul3A_29 = arith.constant 128 : i32
      %mul3A_30 = arith.muli %add3A_28, %mul3A_29 : i32
      %run_scoped3A_31 = arith.constant 0 : i32
      "tpu.region"() ({
        %run_scoped3A_34 = tpu.sem_alloc : memref<!tpu.dma_semaphore, #tpu.memory_space<semaphore_mem>>
        %dma_start3A = arith.constant 0 : i32
        %dma_start3A_35 = arith.constant 0 : i32
        %dma_start3A_36 = tpu.memref_slice %arg7[%run_scoped3A_31, %dma_start3A, %dma_start3A_35] : memref<2x128x128xf32, #tpu.memory_space<vmem>> -> memref<1x128x128xf32, #tpu.memory_space<vmem>>
        %dma_start3A_37 = tpu.memref_squeeze %dma_start3A_36 : memref<1x128x128xf32, #tpu.memory_space<vmem>> -> memref<128x128xf32, #tpu.memory_space<vmem>>
        %dma_start3A_38 = arith.constant 0 : i32
        %dma_start3A_39 = tpu.memref_slice %arg2[%mul3A_30, %dma_start3A_38] : memref<156160x128xf32, #tpu.memory_space<hbm>> -> memref<128x128xf32, #tpu.memory_space<hbm>>
        %dma_start3A_40 = arith.constant 0 : i32
        %dma_start3A_41 = arith.constant 0 : i32
        %dma_start3A_42 = tpu.memref_slice %arg7[%run_scoped3A_31, %dma_start3A_40, %dma_start3A_41] : memref<2x128x128xf32, #tpu.memory_space<vmem>> -> memref<1x128x128xf32, #tpu.memory_space<vmem>>
        %dma_start3A_43 = tpu.memref_squeeze %dma_start3A_42 : memref<1x128x128xf32, #tpu.memory_space<vmem>> -> memref<128x128xf32, #tpu.memory_space<vmem>>
        %dma_start3A_44 = arith.constant 0 : i32
        %dma_start3A_45 = tpu.memref_slice %arg2[%mul3A_30, %dma_start3A_44] : memref<156160x128xf32, #tpu.memory_space<hbm>> -> memref<128x128xf32, #tpu.memory_space<hbm>>
        tpu.enqueue_dma source(%dma_start3A_45 : memref<128x128xf32, #tpu.memory_space<hbm>>) target(%dma_start3A_43 : memref<128x128xf32, #tpu.memory_space<vmem>>) target_semaphore(%run_scoped3A_34 : memref<!tpu.dma_semaphore, #tpu.memory_space<semaphore_mem>>)
        %dma_wait3A = arith.constant 0 : i32
        %dma_wait3A_46 = arith.constant 0 : i32
        %dma_wait3A_47 = tpu.memref_slice %arg7[%run_scoped3A_31, %dma_wait3A, %dma_wait3A_46] : memref<2x128x128xf32, #tpu.memory_space<vmem>> -> memref<1x128x128xf32, #tpu.memory_space<vmem>>
        %dma_wait3A_48 = tpu.memref_squeeze %dma_wait3A_47 : memref<1x128x128xf32, #tpu.memory_space<vmem>> -> memref<128x128xf32, #tpu.memory_space<vmem>>
        %dma_wait3A_49 = arith.constant 0 : i32
        %dma_wait3A_50 = tpu.memref_slice %arg2[%mul3A_30, %dma_wait3A_49] : memref<156160x128xf32, #tpu.memory_space<hbm>> -> memref<128x128xf32, #tpu.memory_space<hbm>>
        %dma_wait3A_51 = arith.constant 0 : i32
        %dma_wait3A_52 = arith.constant 0 : i32
        %dma_wait3A_53 = tpu.memref_slice %arg7[%run_scoped3A_31, %dma_wait3A_51, %dma_wait3A_52] : memref<2x128x128xf32, #tpu.memory_space<vmem>> -> memref<1x128x128xf32, #tpu.memory_space<vmem>>
        %dma_wait3A_54 = tpu.memref_squeeze %dma_wait3A_53 : memref<1x128x128xf32, #tpu.memory_space<vmem>> -> memref<128x128xf32, #tpu.memory_space<vmem>>
        %dma_wait3A_55 = arith.constant 0 : i32
        %dma_wait3A_56 = tpu.memref_slice %arg2[%mul3A_30, %dma_wait3A_55] : memref<156160x128xf32, #tpu.memory_space<hbm>> -> memref<128x128xf32, #tpu.memory_space<hbm>>
        tpu.wait_dma2 semaphore(%run_scoped3A_34 : memref<!tpu.dma_semaphore, #tpu.memory_space<semaphore_mem>>) src(%dma_wait3A_56 : memref<128x128xf32, #tpu.memory_space<hbm>>) dst(%dma_wait3A_54 : memref<128x128xf32, #tpu.memory_space<vmem>>)
        tpu.yield
      }) : () -> ()
      %run_scoped3A_32 = arith.constant 0 : i32
      %run_scoped3A_33 = arith.constant 0 : i32
      "tpu.region"() ({
        %run_scoped3A_34 = tpu.sem_alloc : memref<!tpu.dma_semaphore, #tpu.memory_space<semaphore_mem>>
        %dma_start3A = arith.constant 0 : i32
        %dma_start3A_35 = arith.constant 0 : i32
        %dma_start3A_36 = tpu.memref_slice %arg7[%run_scoped3A_32, %dma_start3A, %dma_start3A_35] : memref<2x128x128xf32, #tpu.memory_space<vmem>> -> memref<1x128x128xf32, #tpu.memory_space<vmem>>
        %dma_start3A_37 = tpu.memref_squeeze %dma_start3A_36 : memref<1x128x128xf32, #tpu.memory_space<vmem>> -> memref<128x128xf32, #tpu.memory_space<vmem>>
        %dma_start3A_38 = arith.constant 0 : i32
        %dma_start3A_39 = tpu.memref_slice %arg6[%run_scoped3A_33, %dma_start3A_38] : memref<2x128xi32, #tpu.memory_space<vmem>> -> memref<1x128xi32, #tpu.memory_space<vmem>>
        %dma_start3A_40 = tpu.memref_squeeze %dma_start3A_39 : memref<1x128xi32, #tpu.memory_space<vmem>> -> memref<128xi32, #tpu.memory_space<vmem>>
        %dma_start3A_41 = arith.constant 0 : i32
        %dma_start3A_42 = arith.constant 0 : i32
        %dma_start3A_43 = tpu.memref_slice %arg8[%dma_start3A_41, %dma_start3A_42] : memref<10240x128xf32, #tpu.memory_space<vmem_shared>> -> memref<10240x128xf32, #tpu.memory_space<vmem_shared>>
        tpu.enqueue_indirect_dma source(%dma_start3A_37 : memref<128x128xf32, #tpu.memory_space<vmem>>) target(%dma_start3A_43 : memref<10240x128xf32, #tpu.memory_space<vmem_shared>>) offsets(%dma_start3A_40 : memref<128xi32, #tpu.memory_space<vmem>>) semaphore(%run_scoped3A_34 : memref<!tpu.dma_semaphore, #tpu.memory_space<semaphore_mem>>) {add = true}
        %dma_wait3A = arith.constant 0 : i32
        %dma_wait3A_44 = arith.constant 0 : i32
        %dma_wait3A_45 = tpu.memref_slice %arg7[%run_scoped3A_32, %dma_wait3A, %dma_wait3A_44] : memref<2x128x128xf32, #tpu.memory_space<vmem>> -> memref<1x128x128xf32, #tpu.memory_space<vmem>>
        %dma_wait3A_46 = tpu.memref_squeeze %dma_wait3A_45 : memref<1x128x128xf32, #tpu.memory_space<vmem>> -> memref<128x128xf32, #tpu.memory_space<vmem>>
        %dma_wait3A_47 = arith.constant 0 : i32
        %dma_wait3A_48 = tpu.memref_slice %arg6[%run_scoped3A_33, %dma_wait3A_47] : memref<2x128xi32, #tpu.memory_space<vmem>> -> memref<1x128xi32, #tpu.memory_space<vmem>>
        %dma_wait3A_49 = tpu.memref_squeeze %dma_wait3A_48 : memref<1x128xi32, #tpu.memory_space<vmem>> -> memref<128xi32, #tpu.memory_space<vmem>>
        %dma_wait3A_50 = arith.constant 0 : i32
        %dma_wait3A_51 = arith.constant 0 : i32
        %dma_wait3A_52 = tpu.memref_slice %arg8[%dma_wait3A_50, %dma_wait3A_51] : memref<10240x128xf32, #tpu.memory_space<vmem_shared>> -> memref<10240x128xf32, #tpu.memory_space<vmem_shared>>
        tpu.wait_indirect_dma semaphore(%run_scoped3A_34 : memref<!tpu.dma_semaphore, #tpu.memory_space<semaphore_mem>>) src(%dma_wait3A_46 : memref<128x128xf32, #tpu.memory_space<vmem>>) dst(%dma_wait3A_52 : memref<10240x128xf32, #tpu.memory_space<vmem_shared>>)
        tpu.yield
      }) : () -> ()
    }
    %barrier3A_21 = arith.constant 0 : index
    tpu.barrier barrier_id(%barrier3A_21)
    %mul3A_22 = arith.constant 10240 : i32
    %mul3A_23 = arith.muli %arg0, %mul3A_22 : i32
    %add3A_24 = arith.addi %mul3A_23, %mul3A_2 : i32
    "tpu.region"() ({
      %run_scoped3A = tpu.sem_alloc : memref<!tpu.dma_semaphore, #tpu.memory_space<semaphore_mem>>
      %dma_start3A = arith.constant 0 : i32
      %dma_start3A_25 = tpu.memref_slice %arg5[%add3A_24, %dma_start3A] : memref<20480x128xf32, #tpu.memory_space<hbm>> -> memref<640x128xf32, #tpu.memory_space<hbm>>
      %dma_start3A_26 = arith.constant 0 : i32
      %dma_start3A_27 = tpu.memref_slice %arg8[%mul3A_2, %dma_start3A_26] : memref<10240x128xf32, #tpu.memory_space<vmem_shared>> -> memref<640x128xf32, #tpu.memory_space<vmem_shared>>
      tpu.enqueue_dma source(%dma_start3A_27 : memref<640x128xf32, #tpu.memory_space<vmem_shared>>) target(%dma_start3A_25 : memref<640x128xf32, #tpu.memory_space<hbm>>) target_semaphore(%run_scoped3A : memref<!tpu.dma_semaphore, #tpu.memory_space<semaphore_mem>>)
      %dma_wait3A = arith.constant 0 : i32
      %dma_wait3A_28 = tpu.memref_slice %arg5[%add3A_24, %dma_wait3A] : memref<20480x128xf32, #tpu.memory_space<hbm>> -> memref<640x128xf32, #tpu.memory_space<hbm>>
      %dma_wait3A_29 = arith.constant 0 : i32
      %dma_wait3A_30 = tpu.memref_slice %arg8[%mul3A_2, %dma_wait3A_29] : memref<10240x128xf32, #tpu.memory_space<vmem_shared>> -> memref<640x128xf32, #tpu.memory_space<vmem_shared>>
      tpu.wait_dma2 semaphore(%run_scoped3A : memref<!tpu.dma_semaphore, #tpu.memory_space<semaphore_mem>>) src(%dma_wait3A_30 : memref<640x128xf32, #tpu.memory_space<vmem_shared>>) dst(%dma_wait3A_28 : memref<640x128xf32, #tpu.memory_space<hbm>>)
      tpu.yield
    }) : () -> ()
    return
  }
}

#map = affine_map<(d0, d1) -> (0, 0)>
module attributes {stable_mosaic.version = 14 : i64} {
  func.func @body(%arg0: i32, %arg1: i32, %arg2: memref<163840x128xf32, #tpu.memory_space<hbm>>, %arg3: memref<1280x128xi32, #tpu.memory_space<hbm>>, %arg4: memref<10240x128xf32, #tpu.memory_space<hbm>>, %arg5: memref<20480x128xf32, #tpu.memory_space<hbm>>, %arg6: memref<2x128xi32, #tpu.memory_space<vmem>>, %arg7: memref<2x128x128xf32, #tpu.memory_space<vmem>>, %arg8: memref<10240x128xf32, #tpu.memory_space<vmem_shared>>, %arg9: memref<!tpu.dma_semaphore, #tpu.memory_space<semaphore_mem>>, %arg10: memref<!tpu.dma_semaphore, #tpu.memory_space<semaphore_mem>>, %arg11: memref<!tpu.dma_semaphore, #tpu.memory_space<semaphore_mem>>) attributes {dimension_semantics = [#tpu.dimension_semantics<core_parallel>, #tpu.dimension_semantics<subcore_parallel>], iteration_bounds = array<i64: 2, 16>, scalar_prefetch = 0 : i64, scratch_operands = 6 : i64, tpu.core_type = #tpu.core_type<sc_vector_subcore>, window_params = [{transform_indices = #map}, {transform_indices = #map}, {transform_indices = #map}, {transform_indices = #map}]} {
    %mul3A = arith.constant 2 : i32
    %mul3A_0 = arith.muli %arg1, %mul3A : i32
    %add3A = arith.addi %mul3A_0, %arg0 : i32
    %mul3A_1 = arith.constant 640 : i32
    %mul3A_2 = arith.muli %arg1, %mul3A_1 : i32
    %lt3A = arith.constant 0 : i32
    %lt3A_3 = arith.cmpi slt, %add3A, %lt3A : i32
    %jit3A = arith.constant 1 : i32
    %jit3A_4 = arith.constant 0 : i32
    %select_n3A = arith.select %lt3A_3, %jit3A, %jit3A_4 : i32
    %add3A_5 = arith.constant 40 : i32
    %add3A_6 = arith.addi %add3A_5, %select_n3A : i32
    "tpu.region"() ({
      %run_scoped3A = tpu.sem_alloc : memref<!tpu.dma_semaphore, #tpu.memory_space<semaphore_mem>>
      %dma_start3A = arith.constant 0 : i32
      %dma_start3A_25 = tpu.memref_slice %arg8[%mul3A_2, %dma_start3A] : memref<10240x128xf32, #tpu.memory_space<vmem_shared>> -> memref<640x128xf32, #tpu.memory_space<vmem_shared>>
      %dma_start3A_26 = arith.constant 0 : i32
      %dma_start3A_27 = tpu.memref_slice %arg4[%mul3A_2, %dma_start3A_26] : memref<10240x128xf32, #tpu.memory_space<hbm>> -> memref<640x128xf32, #tpu.memory_space<hbm>>
      tpu.enqueue_dma source(%dma_start3A_27 : memref<640x128xf32, #tpu.memory_space<hbm>>) target(%dma_start3A_25 : memref<640x128xf32, #tpu.memory_space<vmem_shared>>) target_semaphore(%run_scoped3A : memref<!tpu.dma_semaphore, #tpu.memory_space<semaphore_mem>>)
      %dma_wait3A = arith.constant 0 : i32
      %dma_wait3A_28 = tpu.memref_slice %arg8[%mul3A_2, %dma_wait3A] : memref<10240x128xf32, #tpu.memory_space<vmem_shared>> -> memref<640x128xf32, #tpu.memory_space<vmem_shared>>
      %dma_wait3A_29 = arith.constant 0 : i32
      %dma_wait3A_30 = tpu.memref_slice %arg4[%mul3A_2, %dma_wait3A_29] : memref<10240x128xf32, #tpu.memory_space<hbm>> -> memref<640x128xf32, #tpu.memory_space<hbm>>
      tpu.wait_dma2 semaphore(%run_scoped3A : memref<!tpu.dma_semaphore, #tpu.memory_space<semaphore_mem>>) src(%dma_wait3A_30 : memref<640x128xf32, #tpu.memory_space<hbm>>) dst(%dma_wait3A_28 : memref<640x128xf32, #tpu.memory_space<vmem_shared>>)
      tpu.yield
    }) : () -> ()
    %barrier3A = arith.constant 0 : index
    tpu.barrier barrier_id(%barrier3A)
    %scan3A = arith.constant 0 : i32
    %scan3A_7 = arith.constant 0 : i32
    %scan3A_8 = arith.constant 20 : i32
    %scan3A_9 = arith.addi %scan3A_7, %scan3A_8 : i32
    %scan3A_10 = arith.constant 1 : i32
    scf.for %scan3A_25 = %scan3A_7 to %scan3A_9 step %scan3A_10  : i32 {
      %mul3A_26 = arith.constant 2 : i32
      %mul3A_27 = arith.muli %scan3A_25, %mul3A_26 : i32
      %add3A_28 = arith.constant 0 : i32
      %add3A_29 = arith.addi %mul3A_27, %add3A_28 : i32
      %mul3A_30 = arith.constant 32 : i32
      %mul3A_31 = arith.muli %add3A_29, %mul3A_30 : i32
      %add3A_32 = arith.addi %add3A, %mul3A_31 : i32
      %dma_start3A = arith.constant 0 : i32
      %dma_start3A_33 = arith.constant 0 : i32
      %dma_start3A_34 = tpu.memref_slice %arg6[%dma_start3A, %dma_start3A_33] : memref<2x128xi32, #tpu.memory_space<vmem>> -> memref<1x128xi32, #tpu.memory_space<vmem>>
      %dma_start3A_35 = tpu.memref_squeeze %dma_start3A_34 : memref<1x128xi32, #tpu.memory_space<vmem>> -> memref<128xi32, #tpu.memory_space<vmem>>
      %dma_start3A_36 = arith.constant 0 : i32
      %dma_start3A_37 = tpu.memref_slice %arg3[%add3A_32, %dma_start3A_36] : memref<1280x128xi32, #tpu.memory_space<hbm>> -> memref<1x128xi32, #tpu.memory_space<hbm>>
      %dma_start3A_38 = tpu.memref_squeeze %dma_start3A_37 : memref<1x128xi32, #tpu.memory_space<hbm>> -> memref<128xi32, #tpu.memory_space<hbm>>
      %dma_start3A_39 = arith.constant 0 : i32
      %dma_start3A_40 = tpu.memref_slice %arg6[%dma_start3A, %dma_start3A_39] : memref<2x128xi32, #tpu.memory_space<vmem>> -> memref<1x128xi32, #tpu.memory_space<vmem>>
      %dma_start3A_41 = tpu.memref_squeeze %dma_start3A_40 : memref<1x128xi32, #tpu.memory_space<vmem>> -> memref<128xi32, #tpu.memory_space<vmem>>
      %dma_start3A_42 = arith.constant 0 : i32
      %dma_start3A_43 = tpu.memref_slice %arg3[%add3A_32, %dma_start3A_42] : memref<1280x128xi32, #tpu.memory_space<hbm>> -> memref<1x128xi32, #tpu.memory_space<hbm>>
      %dma_start3A_44 = tpu.memref_squeeze %dma_start3A_43 : memref<1x128xi32, #tpu.memory_space<hbm>> -> memref<128xi32, #tpu.memory_space<hbm>>
      tpu.enqueue_dma source(%dma_start3A_44 : memref<128xi32, #tpu.memory_space<hbm>>) target(%dma_start3A_41 : memref<128xi32, #tpu.memory_space<vmem>>) target_semaphore(%arg9 : memref<!tpu.dma_semaphore, #tpu.memory_space<semaphore_mem>>)
      %mul3A_45 = arith.constant 128 : i32
      %mul3A_46 = arith.muli %add3A_32, %mul3A_45 : i32
      %dma_start3A_47 = arith.constant 0 : i32
      %dma_start3A_48 = arith.constant 0 : i32
      %dma_start3A_49 = arith.constant 0 : i32
      %dma_start3A_50 = tpu.memref_slice %arg7[%dma_start3A_47, %dma_start3A_48, %dma_start3A_49] : memref<2x128x128xf32, #tpu.memory_space<vmem>> -> memref<1x128x128xf32, #tpu.memory_space<vmem>>
      %dma_start3A_51 = tpu.memref_squeeze %dma_start3A_50 : memref<1x128x128xf32, #tpu.memory_space<vmem>> -> memref<128x128xf32, #tpu.memory_space<vmem>>
      %dma_start3A_52 = arith.constant 0 : i32
      %dma_start3A_53 = tpu.memref_slice %arg2[%mul3A_46, %dma_start3A_52] : memref<163840x128xf32, #tpu.memory_space<hbm>> -> memref<128x128xf32, #tpu.memory_space<hbm>>
      %dma_start3A_54 = arith.constant 0 : i32
      %dma_start3A_55 = arith.constant 0 : i32
      %dma_start3A_56 = tpu.memref_slice %arg7[%dma_start3A_47, %dma_start3A_54, %dma_start3A_55] : memref<2x128x128xf32, #tpu.memory_space<vmem>> -> memref<1x128x128xf32, #tpu.memory_space<vmem>>
      %dma_start3A_57 = tpu.memref_squeeze %dma_start3A_56 : memref<1x128x128xf32, #tpu.memory_space<vmem>> -> memref<128x128xf32, #tpu.memory_space<vmem>>
      %dma_start3A_58 = arith.constant 0 : i32
      %dma_start3A_59 = tpu.memref_slice %arg2[%mul3A_46, %dma_start3A_58] : memref<163840x128xf32, #tpu.memory_space<hbm>> -> memref<128x128xf32, #tpu.memory_space<hbm>>
      tpu.enqueue_dma source(%dma_start3A_59 : memref<128x128xf32, #tpu.memory_space<hbm>>) target(%dma_start3A_57 : memref<128x128xf32, #tpu.memory_space<vmem>>) target_semaphore(%arg10 : memref<!tpu.dma_semaphore, #tpu.memory_space<semaphore_mem>>)
      %mul3A_60 = arith.constant 2 : i32
      %mul3A_61 = arith.muli %scan3A_25, %mul3A_60 : i32
      %add3A_62 = arith.constant 1 : i32
      %add3A_63 = arith.addi %mul3A_61, %add3A_62 : i32
      %mul3A_64 = arith.constant 32 : i32
      %mul3A_65 = arith.muli %add3A_63, %mul3A_64 : i32
      %add3A_66 = arith.addi %add3A, %mul3A_65 : i32
      %dma_start3A_67 = arith.constant 1 : i32
      %dma_start3A_68 = arith.constant 0 : i32
      %dma_start3A_69 = tpu.memref_slice %arg6[%dma_start3A_67, %dma_start3A_68] : memref<2x128xi32, #tpu.memory_space<vmem>> -> memref<1x128xi32, #tpu.memory_space<vmem>>
      %dma_start3A_70 = tpu.memref_squeeze %dma_start3A_69 : memref<1x128xi32, #tpu.memory_space<vmem>> -> memref<128xi32, #tpu.memory_space<vmem>>
      %dma_start3A_71 = arith.constant 0 : i32
      %dma_start3A_72 = tpu.memref_slice %arg3[%add3A_66, %dma_start3A_71] : memref<1280x128xi32, #tpu.memory_space<hbm>> -> memref<1x128xi32, #tpu.memory_space<hbm>>
      %dma_start3A_73 = tpu.memref_squeeze %dma_start3A_72 : memref<1x128xi32, #tpu.memory_space<hbm>> -> memref<128xi32, #tpu.memory_space<hbm>>
      %dma_start3A_74 = arith.constant 0 : i32
      %dma_start3A_75 = tpu.memref_slice %arg6[%dma_start3A_67, %dma_start3A_74] : memref<2x128xi32, #tpu.memory_space<vmem>> -> memref<1x128xi32, #tpu.memory_space<vmem>>
      %dma_start3A_76 = tpu.memref_squeeze %dma_start3A_75 : memref<1x128xi32, #tpu.memory_space<vmem>> -> memref<128xi32, #tpu.memory_space<vmem>>
      %dma_start3A_77 = arith.constant 0 : i32
      %dma_start3A_78 = tpu.memref_slice %arg3[%add3A_66, %dma_start3A_77] : memref<1280x128xi32, #tpu.memory_space<hbm>> -> memref<1x128xi32, #tpu.memory_space<hbm>>
      %dma_start3A_79 = tpu.memref_squeeze %dma_start3A_78 : memref<1x128xi32, #tpu.memory_space<hbm>> -> memref<128xi32, #tpu.memory_space<hbm>>
      tpu.enqueue_dma source(%dma_start3A_79 : memref<128xi32, #tpu.memory_space<hbm>>) target(%dma_start3A_76 : memref<128xi32, #tpu.memory_space<vmem>>) target_semaphore(%arg9 : memref<!tpu.dma_semaphore, #tpu.memory_space<semaphore_mem>>)
      %mul3A_80 = arith.constant 128 : i32
      %mul3A_81 = arith.muli %add3A_66, %mul3A_80 : i32
      %dma_start3A_82 = arith.constant 1 : i32
      %dma_start3A_83 = arith.constant 0 : i32
      %dma_start3A_84 = arith.constant 0 : i32
      %dma_start3A_85 = tpu.memref_slice %arg7[%dma_start3A_82, %dma_start3A_83, %dma_start3A_84] : memref<2x128x128xf32, #tpu.memory_space<vmem>> -> memref<1x128x128xf32, #tpu.memory_space<vmem>>
      %dma_start3A_86 = tpu.memref_squeeze %dma_start3A_85 : memref<1x128x128xf32, #tpu.memory_space<vmem>> -> memref<128x128xf32, #tpu.memory_space<vmem>>
      %dma_start3A_87 = arith.constant 0 : i32
      %dma_start3A_88 = tpu.memref_slice %arg2[%mul3A_81, %dma_start3A_87] : memref<163840x128xf32, #tpu.memory_space<hbm>> -> memref<128x128xf32, #tpu.memory_space<hbm>>
      %dma_start3A_89 = arith.constant 0 : i32
      %dma_start3A_90 = arith.constant 0 : i32
      %dma_start3A_91 = tpu.memref_slice %arg7[%dma_start3A_82, %dma_start3A_89, %dma_start3A_90] : memref<2x128x128xf32, #tpu.memory_space<vmem>> -> memref<1x128x128xf32, #tpu.memory_space<vmem>>
      %dma_start3A_92 = tpu.memref_squeeze %dma_start3A_91 : memref<1x128x128xf32, #tpu.memory_space<vmem>> -> memref<128x128xf32, #tpu.memory_space<vmem>>
      %dma_start3A_93 = arith.constant 0 : i32
      %dma_start3A_94 = tpu.memref_slice %arg2[%mul3A_81, %dma_start3A_93] : memref<163840x128xf32, #tpu.memory_space<hbm>> -> memref<128x128xf32, #tpu.memory_space<hbm>>
      tpu.enqueue_dma source(%dma_start3A_94 : memref<128x128xf32, #tpu.memory_space<hbm>>) target(%dma_start3A_92 : memref<128x128xf32, #tpu.memory_space<vmem>>) target_semaphore(%arg10 : memref<!tpu.dma_semaphore, #tpu.memory_space<semaphore_mem>>)
      %dma_wait3A = arith.constant 0 : i32
      %dma_wait3A_95 = arith.constant 0 : i32
      %dma_wait3A_96 = tpu.memref_slice %arg6[%dma_wait3A, %dma_wait3A_95] : memref<2x128xi32, #tpu.memory_space<vmem>> -> memref<1x128xi32, #tpu.memory_space<vmem>>
      %dma_wait3A_97 = tpu.memref_squeeze %dma_wait3A_96 : memref<1x128xi32, #tpu.memory_space<vmem>> -> memref<128xi32, #tpu.memory_space<vmem>>
      %dma_wait3A_98 = arith.constant 0 : i32
      %dma_wait3A_99 = tpu.memref_slice %arg3[%add3A_32, %dma_wait3A_98] : memref<1280x128xi32, #tpu.memory_space<hbm>> -> memref<1x128xi32, #tpu.memory_space<hbm>>
      %dma_wait3A_100 = tpu.memref_squeeze %dma_wait3A_99 : memref<1x128xi32, #tpu.memory_space<hbm>> -> memref<128xi32, #tpu.memory_space<hbm>>
      %dma_wait3A_101 = arith.constant 0 : i32
      %dma_wait3A_102 = tpu.memref_slice %arg6[%dma_wait3A, %dma_wait3A_101] : memref<2x128xi32, #tpu.memory_space<vmem>> -> memref<1x128xi32, #tpu.memory_space<vmem>>
      %dma_wait3A_103 = tpu.memref_squeeze %dma_wait3A_102 : memref<1x128xi32, #tpu.memory_space<vmem>> -> memref<128xi32, #tpu.memory_space<vmem>>
      %dma_wait3A_104 = arith.constant 0 : i32
      %dma_wait3A_105 = tpu.memref_slice %arg3[%add3A_32, %dma_wait3A_104] : memref<1280x128xi32, #tpu.memory_space<hbm>> -> memref<1x128xi32, #tpu.memory_space<hbm>>
      %dma_wait3A_106 = tpu.memref_squeeze %dma_wait3A_105 : memref<1x128xi32, #tpu.memory_space<hbm>> -> memref<128xi32, #tpu.memory_space<hbm>>
      tpu.wait_dma2 semaphore(%arg9 : memref<!tpu.dma_semaphore, #tpu.memory_space<semaphore_mem>>) src(%dma_wait3A_106 : memref<128xi32, #tpu.memory_space<hbm>>) dst(%dma_wait3A_103 : memref<128xi32, #tpu.memory_space<vmem>>)
      %dma_wait3A_107 = arith.constant 0 : i32
      %dma_wait3A_108 = arith.constant 0 : i32
      %dma_wait3A_109 = arith.constant 0 : i32
      %dma_wait3A_110 = tpu.memref_slice %arg7[%dma_wait3A_107, %dma_wait3A_108, %dma_wait3A_109] : memref<2x128x128xf32, #tpu.memory_space<vmem>> -> memref<1x128x128xf32, #tpu.memory_space<vmem>>
      %dma_wait3A_111 = tpu.memref_squeeze %dma_wait3A_110 : memref<1x128x128xf32, #tpu.memory_space<vmem>> -> memref<128x128xf32, #tpu.memory_space<vmem>>
      %dma_wait3A_112 = arith.constant 0 : i32
      %dma_wait3A_113 = tpu.memref_slice %arg2[%mul3A_46, %dma_wait3A_112] : memref<163840x128xf32, #tpu.memory_space<hbm>> -> memref<128x128xf32, #tpu.memory_space<hbm>>
      %dma_wait3A_114 = arith.constant 0 : i32
      %dma_wait3A_115 = arith.constant 0 : i32
      %dma_wait3A_116 = tpu.memref_slice %arg7[%dma_wait3A_107, %dma_wait3A_114, %dma_wait3A_115] : memref<2x128x128xf32, #tpu.memory_space<vmem>> -> memref<1x128x128xf32, #tpu.memory_space<vmem>>
      %dma_wait3A_117 = tpu.memref_squeeze %dma_wait3A_116 : memref<1x128x128xf32, #tpu.memory_space<vmem>> -> memref<128x128xf32, #tpu.memory_space<vmem>>
      %dma_wait3A_118 = arith.constant 0 : i32
      %dma_wait3A_119 = tpu.memref_slice %arg2[%mul3A_46, %dma_wait3A_118] : memref<163840x128xf32, #tpu.memory_space<hbm>> -> memref<128x128xf32, #tpu.memory_space<hbm>>
      tpu.wait_dma2 semaphore(%arg10 : memref<!tpu.dma_semaphore, #tpu.memory_space<semaphore_mem>>) src(%dma_wait3A_119 : memref<128x128xf32, #tpu.memory_space<hbm>>) dst(%dma_wait3A_117 : memref<128x128xf32, #tpu.memory_space<vmem>>)
      %dma_start3A_120 = arith.constant 0 : i32
      %dma_start3A_121 = arith.constant 0 : i32
      %dma_start3A_122 = arith.constant 0 : i32
      %dma_start3A_123 = arith.constant 0 : i32
      %dma_start3A_124 = tpu.memref_slice %arg7[%dma_start3A_120, %dma_start3A_122, %dma_start3A_123] : memref<2x128x128xf32, #tpu.memory_space<vmem>> -> memref<1x128x128xf32, #tpu.memory_space<vmem>>
      %dma_start3A_125 = tpu.memref_squeeze %dma_start3A_124 : memref<1x128x128xf32, #tpu.memory_space<vmem>> -> memref<128x128xf32, #tpu.memory_space<vmem>>
      %dma_start3A_126 = arith.constant 0 : i32
      %dma_start3A_127 = tpu.memref_slice %arg6[%dma_start3A_121, %dma_start3A_126] : memref<2x128xi32, #tpu.memory_space<vmem>> -> memref<1x128xi32, #tpu.memory_space<vmem>>
      %dma_start3A_128 = tpu.memref_squeeze %dma_start3A_127 : memref<1x128xi32, #tpu.memory_space<vmem>> -> memref<128xi32, #tpu.memory_space<vmem>>
      %dma_start3A_129 = arith.constant 0 : i32
      %dma_start3A_130 = arith.constant 0 : i32
      %dma_start3A_131 = tpu.memref_slice %arg8[%dma_start3A_129, %dma_start3A_130] : memref<10240x128xf32, #tpu.memory_space<vmem_shared>> -> memref<10240x128xf32, #tpu.memory_space<vmem_shared>>
      tpu.enqueue_indirect_dma source(%dma_start3A_125 : memref<128x128xf32, #tpu.memory_space<vmem>>) target(%dma_start3A_131 : memref<10240x128xf32, #tpu.memory_space<vmem_shared>>) offsets(%dma_start3A_128 : memref<128xi32, #tpu.memory_space<vmem>>) semaphore(%arg11 : memref<!tpu.dma_semaphore, #tpu.memory_space<semaphore_mem>>) {add = true}
      %dma_wait3A_132 = arith.constant 1 : i32
      %dma_wait3A_133 = arith.constant 0 : i32
      %dma_wait3A_134 = tpu.memref_slice %arg6[%dma_wait3A_132, %dma_wait3A_133] : memref<2x128xi32, #tpu.memory_space<vmem>> -> memref<1x128xi32, #tpu.memory_space<vmem>>
      %dma_wait3A_135 = tpu.memref_squeeze %dma_wait3A_134 : memref<1x128xi32, #tpu.memory_space<vmem>> -> memref<128xi32, #tpu.memory_space<vmem>>
      %dma_wait3A_136 = arith.constant 0 : i32
      %dma_wait3A_137 = tpu.memref_slice %arg3[%add3A_66, %dma_wait3A_136] : memref<1280x128xi32, #tpu.memory_space<hbm>> -> memref<1x128xi32, #tpu.memory_space<hbm>>
      %dma_wait3A_138 = tpu.memref_squeeze %dma_wait3A_137 : memref<1x128xi32, #tpu.memory_space<hbm>> -> memref<128xi32, #tpu.memory_space<hbm>>
      %dma_wait3A_139 = arith.constant 0 : i32
      %dma_wait3A_140 = tpu.memref_slice %arg6[%dma_wait3A_132, %dma_wait3A_139] : memref<2x128xi32, #tpu.memory_space<vmem>> -> memref<1x128xi32, #tpu.memory_space<vmem>>
      %dma_wait3A_141 = tpu.memref_squeeze %dma_wait3A_140 : memref<1x128xi32, #tpu.memory_space<vmem>> -> memref<128xi32, #tpu.memory_space<vmem>>
      %dma_wait3A_142 = arith.constant 0 : i32
      %dma_wait3A_143 = tpu.memref_slice %arg3[%add3A_66, %dma_wait3A_142] : memref<1280x128xi32, #tpu.memory_space<hbm>> -> memref<1x128xi32, #tpu.memory_space<hbm>>
      %dma_wait3A_144 = tpu.memref_squeeze %dma_wait3A_143 : memref<1x128xi32, #tpu.memory_space<hbm>> -> memref<128xi32, #tpu.memory_space<hbm>>
      tpu.wait_dma2 semaphore(%arg9 : memref<!tpu.dma_semaphore, #tpu.memory_space<semaphore_mem>>) src(%dma_wait3A_144 : memref<128xi32, #tpu.memory_space<hbm>>) dst(%dma_wait3A_141 : memref<128xi32, #tpu.memory_space<vmem>>)
      %dma_wait3A_145 = arith.constant 1 : i32
      %dma_wait3A_146 = arith.constant 0 : i32
      %dma_wait3A_147 = arith.constant 0 : i32
      %dma_wait3A_148 = tpu.memref_slice %arg7[%dma_wait3A_145, %dma_wait3A_146, %dma_wait3A_147] : memref<2x128x128xf32, #tpu.memory_space<vmem>> -> memref<1x128x128xf32, #tpu.memory_space<vmem>>
      %dma_wait3A_149 = tpu.memref_squeeze %dma_wait3A_148 : memref<1x128x128xf32, #tpu.memory_space<vmem>> -> memref<128x128xf32, #tpu.memory_space<vmem>>
      %dma_wait3A_150 = arith.constant 0 : i32
      %dma_wait3A_151 = tpu.memref_slice %arg2[%mul3A_81, %dma_wait3A_150] : memref<163840x128xf32, #tpu.memory_space<hbm>> -> memref<128x128xf32, #tpu.memory_space<hbm>>
      %dma_wait3A_152 = arith.constant 0 : i32
      %dma_wait3A_153 = arith.constant 0 : i32
      %dma_wait3A_154 = tpu.memref_slice %arg7[%dma_wait3A_145, %dma_wait3A_152, %dma_wait3A_153] : memref<2x128x128xf32, #tpu.memory_space<vmem>> -> memref<1x128x128xf32, #tpu.memory_space<vmem>>
      %dma_wait3A_155 = tpu.memref_squeeze %dma_wait3A_154 : memref<1x128x128xf32, #tpu.memory_space<vmem>> -> memref<128x128xf32, #tpu.memory_space<vmem>>
      %dma_wait3A_156 = arith.constant 0 : i32
      %dma_wait3A_157 = tpu.memref_slice %arg2[%mul3A_81, %dma_wait3A_156] : memref<163840x128xf32, #tpu.memory_space<hbm>> -> memref<128x128xf32, #tpu.memory_space<hbm>>
      tpu.wait_dma2 semaphore(%arg10 : memref<!tpu.dma_semaphore, #tpu.memory_space<semaphore_mem>>) src(%dma_wait3A_157 : memref<128x128xf32, #tpu.memory_space<hbm>>) dst(%dma_wait3A_155 : memref<128x128xf32, #tpu.memory_space<vmem>>)
      %dma_start3A_158 = arith.constant 1 : i32
      %dma_start3A_159 = arith.constant 1 : i32
      %dma_start3A_160 = arith.constant 0 : i32
      %dma_start3A_161 = arith.constant 0 : i32
      %dma_start3A_162 = tpu.memref_slice %arg7[%dma_start3A_158, %dma_start3A_160, %dma_start3A_161] : memref<2x128x128xf32, #tpu.memory_space<vmem>> -> memref<1x128x128xf32, #tpu.memory_space<vmem>>
      %dma_start3A_163 = tpu.memref_squeeze %dma_start3A_162 : memref<1x128x128xf32, #tpu.memory_space<vmem>> -> memref<128x128xf32, #tpu.memory_space<vmem>>
      %dma_start3A_164 = arith.constant 0 : i32
      %dma_start3A_165 = tpu.memref_slice %arg6[%dma_start3A_159, %dma_start3A_164] : memref<2x128xi32, #tpu.memory_space<vmem>> -> memref<1x128xi32, #tpu.memory_space<vmem>>
      %dma_start3A_166 = tpu.memref_squeeze %dma_start3A_165 : memref<1x128xi32, #tpu.memory_space<vmem>> -> memref<128xi32, #tpu.memory_space<vmem>>
      %dma_start3A_167 = arith.constant 0 : i32
      %dma_start3A_168 = arith.constant 0 : i32
      %dma_start3A_169 = tpu.memref_slice %arg8[%dma_start3A_167, %dma_start3A_168] : memref<10240x128xf32, #tpu.memory_space<vmem_shared>> -> memref<10240x128xf32, #tpu.memory_space<vmem_shared>>
      tpu.enqueue_indirect_dma source(%dma_start3A_163 : memref<128x128xf32, #tpu.memory_space<vmem>>) target(%dma_start3A_169 : memref<10240x128xf32, #tpu.memory_space<vmem_shared>>) offsets(%dma_start3A_166 : memref<128xi32, #tpu.memory_space<vmem>>) semaphore(%arg11 : memref<!tpu.dma_semaphore, #tpu.memory_space<semaphore_mem>>) {add = true}
      %dma_wait3A_170 = arith.constant 0 : i32
      %dma_wait3A_171 = arith.constant 0 : i32
      %dma_wait3A_172 = arith.constant 0 : i32
      %dma_wait3A_173 = arith.constant 0 : i32
      %dma_wait3A_174 = tpu.memref_slice %arg7[%dma_wait3A_170, %dma_wait3A_172, %dma_wait3A_173] : memref<2x128x128xf32, #tpu.memory_space<vmem>> -> memref<1x128x128xf32, #tpu.memory_space<vmem>>
      %dma_wait3A_175 = tpu.memref_squeeze %dma_wait3A_174 : memref<1x128x128xf32, #tpu.memory_space<vmem>> -> memref<128x128xf32, #tpu.memory_space<vmem>>
      %dma_wait3A_176 = arith.constant 0 : i32
      %dma_wait3A_177 = tpu.memref_slice %arg6[%dma_wait3A_171, %dma_wait3A_176] : memref<2x128xi32, #tpu.memory_space<vmem>> -> memref<1x128xi32, #tpu.memory_space<vmem>>
      %dma_wait3A_178 = tpu.memref_squeeze %dma_wait3A_177 : memref<1x128xi32, #tpu.memory_space<vmem>> -> memref<128xi32, #tpu.memory_space<vmem>>
      %dma_wait3A_179 = arith.constant 0 : i32
      %dma_wait3A_180 = arith.constant 0 : i32
      %dma_wait3A_181 = tpu.memref_slice %arg8[%dma_wait3A_179, %dma_wait3A_180] : memref<10240x128xf32, #tpu.memory_space<vmem_shared>> -> memref<10240x128xf32, #tpu.memory_space<vmem_shared>>
      tpu.wait_indirect_dma semaphore(%arg11 : memref<!tpu.dma_semaphore, #tpu.memory_space<semaphore_mem>>) src(%dma_wait3A_175 : memref<128x128xf32, #tpu.memory_space<vmem>>) dst(%dma_wait3A_181 : memref<10240x128xf32, #tpu.memory_space<vmem_shared>>)
      %dma_wait3A_182 = arith.constant 1 : i32
      %dma_wait3A_183 = arith.constant 1 : i32
      %dma_wait3A_184 = arith.constant 0 : i32
      %dma_wait3A_185 = arith.constant 0 : i32
      %dma_wait3A_186 = tpu.memref_slice %arg7[%dma_wait3A_182, %dma_wait3A_184, %dma_wait3A_185] : memref<2x128x128xf32, #tpu.memory_space<vmem>> -> memref<1x128x128xf32, #tpu.memory_space<vmem>>
      %dma_wait3A_187 = tpu.memref_squeeze %dma_wait3A_186 : memref<1x128x128xf32, #tpu.memory_space<vmem>> -> memref<128x128xf32, #tpu.memory_space<vmem>>
      %dma_wait3A_188 = arith.constant 0 : i32
      %dma_wait3A_189 = tpu.memref_slice %arg6[%dma_wait3A_183, %dma_wait3A_188] : memref<2x128xi32, #tpu.memory_space<vmem>> -> memref<1x128xi32, #tpu.memory_space<vmem>>
      %dma_wait3A_190 = tpu.memref_squeeze %dma_wait3A_189 : memref<1x128xi32, #tpu.memory_space<vmem>> -> memref<128xi32, #tpu.memory_space<vmem>>
      %dma_wait3A_191 = arith.constant 0 : i32
      %dma_wait3A_192 = arith.constant 0 : i32
      %dma_wait3A_193 = tpu.memref_slice %arg8[%dma_wait3A_191, %dma_wait3A_192] : memref<10240x128xf32, #tpu.memory_space<vmem_shared>> -> memref<10240x128xf32, #tpu.memory_space<vmem_shared>>
      tpu.wait_indirect_dma semaphore(%arg11 : memref<!tpu.dma_semaphore, #tpu.memory_space<semaphore_mem>>) src(%dma_wait3A_187 : memref<128x128xf32, #tpu.memory_space<vmem>>) dst(%dma_wait3A_193 : memref<10240x128xf32, #tpu.memory_space<vmem_shared>>)
    }
    %scan3A_11 = arith.constant 20 : i32
    %while3A = arith.constant 0 : i32
    %while3A_12 = arith.constant 40 : i32
    %while3A_13 = arith.subi %add3A_6, %while3A_12 : i32
    %while3A_14 = arith.addi %while3A_12, %while3A_13 : i32
    %while3A_15 = arith.constant 1 : i32
    %while3A_16 = arith.divsi %while3A_13, %while3A_15 : i32
    %while3A_17 = arith.muli %while3A_16, %while3A_15 : i32
    %while3A_18 = arith.addi %while3A_12, %while3A_17 : i32
    %while3A_19 = arith.constant 1 : i32
    scf.for %while3A_25 = %while3A_12 to %while3A_18 step %while3A_19  : i32 {
      %mul3A_26 = arith.constant 32 : i32
      %mul3A_27 = arith.muli %while3A_25, %mul3A_26 : i32
      %add3A_28 = arith.addi %add3A, %mul3A_27 : i32
      %run_scoped3A = arith.constant 0 : i32
      "tpu.region"() ({
        %run_scoped3A_34 = tpu.sem_alloc : memref<!tpu.dma_semaphore, #tpu.memory_space<semaphore_mem>>
        %dma_start3A = arith.constant 0 : i32
        %dma_start3A_35 = tpu.memref_slice %arg6[%run_scoped3A, %dma_start3A] : memref<2x128xi32, #tpu.memory_space<vmem>> -> memref<1x128xi32, #tpu.memory_space<vmem>>
        %dma_start3A_36 = tpu.memref_squeeze %dma_start3A_35 : memref<1x128xi32, #tpu.memory_space<vmem>> -> memref<128xi32, #tpu.memory_space<vmem>>
        %dma_start3A_37 = arith.constant 0 : i32
        %dma_start3A_38 = tpu.memref_slice %arg3[%add3A_28, %dma_start3A_37] : memref<1280x128xi32, #tpu.memory_space<hbm>> -> memref<1x128xi32, #tpu.memory_space<hbm>>
        %dma_start3A_39 = tpu.memref_squeeze %dma_start3A_38 : memref<1x128xi32, #tpu.memory_space<hbm>> -> memref<128xi32, #tpu.memory_space<hbm>>
        %dma_start3A_40 = arith.constant 0 : i32
        %dma_start3A_41 = tpu.memref_slice %arg6[%run_scoped3A, %dma_start3A_40] : memref<2x128xi32, #tpu.memory_space<vmem>> -> memref<1x128xi32, #tpu.memory_space<vmem>>
        %dma_start3A_42 = tpu.memref_squeeze %dma_start3A_41 : memref<1x128xi32, #tpu.memory_space<vmem>> -> memref<128xi32, #tpu.memory_space<vmem>>
        %dma_start3A_43 = arith.constant 0 : i32
        %dma_start3A_44 = tpu.memref_slice %arg3[%add3A_28, %dma_start3A_43] : memref<1280x128xi32, #tpu.memory_space<hbm>> -> memref<1x128xi32, #tpu.memory_space<hbm>>
        %dma_start3A_45 = tpu.memref_squeeze %dma_start3A_44 : memref<1x128xi32, #tpu.memory_space<hbm>> -> memref<128xi32, #tpu.memory_space<hbm>>
        tpu.enqueue_dma source(%dma_start3A_45 : memref<128xi32, #tpu.memory_space<hbm>>) target(%dma_start3A_42 : memref<128xi32, #tpu.memory_space<vmem>>) target_semaphore(%run_scoped3A_34 : memref<!tpu.dma_semaphore, #tpu.memory_space<semaphore_mem>>)
        %dma_wait3A = arith.constant 0 : i32
        %dma_wait3A_46 = tpu.memref_slice %arg6[%run_scoped3A, %dma_wait3A] : memref<2x128xi32, #tpu.memory_space<vmem>> -> memref<1x128xi32, #tpu.memory_space<vmem>>
        %dma_wait3A_47 = tpu.memref_squeeze %dma_wait3A_46 : memref<1x128xi32, #tpu.memory_space<vmem>> -> memref<128xi32, #tpu.memory_space<vmem>>
        %dma_wait3A_48 = arith.constant 0 : i32
        %dma_wait3A_49 = tpu.memref_slice %arg3[%add3A_28, %dma_wait3A_48] : memref<1280x128xi32, #tpu.memory_space<hbm>> -> memref<1x128xi32, #tpu.memory_space<hbm>>
        %dma_wait3A_50 = tpu.memref_squeeze %dma_wait3A_49 : memref<1x128xi32, #tpu.memory_space<hbm>> -> memref<128xi32, #tpu.memory_space<hbm>>
        %dma_wait3A_51 = arith.constant 0 : i32
        %dma_wait3A_52 = tpu.memref_slice %arg6[%run_scoped3A, %dma_wait3A_51] : memref<2x128xi32, #tpu.memory_space<vmem>> -> memref<1x128xi32, #tpu.memory_space<vmem>>
        %dma_wait3A_53 = tpu.memref_squeeze %dma_wait3A_52 : memref<1x128xi32, #tpu.memory_space<vmem>> -> memref<128xi32, #tpu.memory_space<vmem>>
        %dma_wait3A_54 = arith.constant 0 : i32
        %dma_wait3A_55 = tpu.memref_slice %arg3[%add3A_28, %dma_wait3A_54] : memref<1280x128xi32, #tpu.memory_space<hbm>> -> memref<1x128xi32, #tpu.memory_space<hbm>>
        %dma_wait3A_56 = tpu.memref_squeeze %dma_wait3A_55 : memref<1x128xi32, #tpu.memory_space<hbm>> -> memref<128xi32, #tpu.memory_space<hbm>>
        tpu.wait_dma2 semaphore(%run_scoped3A_34 : memref<!tpu.dma_semaphore, #tpu.memory_space<semaphore_mem>>) src(%dma_wait3A_56 : memref<128xi32, #tpu.memory_space<hbm>>) dst(%dma_wait3A_53 : memref<128xi32, #tpu.memory_space<vmem>>)
        tpu.yield
      }) : () -> ()
      %mul3A_29 = arith.constant 128 : i32
      %mul3A_30 = arith.muli %add3A_28, %mul3A_29 : i32
      %run_scoped3A_31 = arith.constant 0 : i32
      "tpu.region"() ({
        %run_scoped3A_34 = tpu.sem_alloc : memref<!tpu.dma_semaphore, #tpu.memory_space<semaphore_mem>>
        %dma_start3A = arith.constant 0 : i32
        %dma_start3A_35 = arith.constant 0 : i32
        %dma_start3A_36 = tpu.memref_slice %arg7[%run_scoped3A_31, %dma_start3A, %dma_start3A_35] : memref<2x128x128xf32, #tpu.memory_space<vmem>> -> memref<1x128x128xf32, #tpu.memory_space<vmem>>
        %dma_start3A_37 = tpu.memref_squeeze %dma_start3A_36 : memref<1x128x128xf32, #tpu.memory_space<vmem>> -> memref<128x128xf32, #tpu.memory_space<vmem>>
        %dma_start3A_38 = arith.constant 0 : i32
        %dma_start3A_39 = tpu.memref_slice %arg2[%mul3A_30, %dma_start3A_38] : memref<163840x128xf32, #tpu.memory_space<hbm>> -> memref<128x128xf32, #tpu.memory_space<hbm>>
        %dma_start3A_40 = arith.constant 0 : i32
        %dma_start3A_41 = arith.constant 0 : i32
        %dma_start3A_42 = tpu.memref_slice %arg7[%run_scoped3A_31, %dma_start3A_40, %dma_start3A_41] : memref<2x128x128xf32, #tpu.memory_space<vmem>> -> memref<1x128x128xf32, #tpu.memory_space<vmem>>
        %dma_start3A_43 = tpu.memref_squeeze %dma_start3A_42 : memref<1x128x128xf32, #tpu.memory_space<vmem>> -> memref<128x128xf32, #tpu.memory_space<vmem>>
        %dma_start3A_44 = arith.constant 0 : i32
        %dma_start3A_45 = tpu.memref_slice %arg2[%mul3A_30, %dma_start3A_44] : memref<163840x128xf32, #tpu.memory_space<hbm>> -> memref<128x128xf32, #tpu.memory_space<hbm>>
        tpu.enqueue_dma source(%dma_start3A_45 : memref<128x128xf32, #tpu.memory_space<hbm>>) target(%dma_start3A_43 : memref<128x128xf32, #tpu.memory_space<vmem>>) target_semaphore(%run_scoped3A_34 : memref<!tpu.dma_semaphore, #tpu.memory_space<semaphore_mem>>)
        %dma_wait3A = arith.constant 0 : i32
        %dma_wait3A_46 = arith.constant 0 : i32
        %dma_wait3A_47 = tpu.memref_slice %arg7[%run_scoped3A_31, %dma_wait3A, %dma_wait3A_46] : memref<2x128x128xf32, #tpu.memory_space<vmem>> -> memref<1x128x128xf32, #tpu.memory_space<vmem>>
        %dma_wait3A_48 = tpu.memref_squeeze %dma_wait3A_47 : memref<1x128x128xf32, #tpu.memory_space<vmem>> -> memref<128x128xf32, #tpu.memory_space<vmem>>
        %dma_wait3A_49 = arith.constant 0 : i32
        %dma_wait3A_50 = tpu.memref_slice %arg2[%mul3A_30, %dma_wait3A_49] : memref<163840x128xf32, #tpu.memory_space<hbm>> -> memref<128x128xf32, #tpu.memory_space<hbm>>
        %dma_wait3A_51 = arith.constant 0 : i32
        %dma_wait3A_52 = arith.constant 0 : i32
        %dma_wait3A_53 = tpu.memref_slice %arg7[%run_scoped3A_31, %dma_wait3A_51, %dma_wait3A_52] : memref<2x128x128xf32, #tpu.memory_space<vmem>> -> memref<1x128x128xf32, #tpu.memory_space<vmem>>
        %dma_wait3A_54 = tpu.memref_squeeze %dma_wait3A_53 : memref<1x128x128xf32, #tpu.memory_space<vmem>> -> memref<128x128xf32, #tpu.memory_space<vmem>>
        %dma_wait3A_55 = arith.constant 0 : i32
        %dma_wait3A_56 = tpu.memref_slice %arg2[%mul3A_30, %dma_wait3A_55] : memref<163840x128xf32, #tpu.memory_space<hbm>> -> memref<128x128xf32, #tpu.memory_space<hbm>>
        tpu.wait_dma2 semaphore(%run_scoped3A_34 : memref<!tpu.dma_semaphore, #tpu.memory_space<semaphore_mem>>) src(%dma_wait3A_56 : memref<128x128xf32, #tpu.memory_space<hbm>>) dst(%dma_wait3A_54 : memref<128x128xf32, #tpu.memory_space<vmem>>)
        tpu.yield
      }) : () -> ()
      %run_scoped3A_32 = arith.constant 0 : i32
      %run_scoped3A_33 = arith.constant 0 : i32
      "tpu.region"() ({
        %run_scoped3A_34 = tpu.sem_alloc : memref<!tpu.dma_semaphore, #tpu.memory_space<semaphore_mem>>
        %dma_start3A = arith.constant 0 : i32
        %dma_start3A_35 = arith.constant 0 : i32
        %dma_start3A_36 = tpu.memref_slice %arg7[%run_scoped3A_32, %dma_start3A, %dma_start3A_35] : memref<2x128x128xf32, #tpu.memory_space<vmem>> -> memref<1x128x128xf32, #tpu.memory_space<vmem>>
        %dma_start3A_37 = tpu.memref_squeeze %dma_start3A_36 : memref<1x128x128xf32, #tpu.memory_space<vmem>> -> memref<128x128xf32, #tpu.memory_space<vmem>>
        %dma_start3A_38 = arith.constant 0 : i32
        %dma_start3A_39 = tpu.memref_slice %arg6[%run_scoped3A_33, %dma_start3A_38] : memref<2x128xi32, #tpu.memory_space<vmem>> -> memref<1x128xi32, #tpu.memory_space<vmem>>
        %dma_start3A_40 = tpu.memref_squeeze %dma_start3A_39 : memref<1x128xi32, #tpu.memory_space<vmem>> -> memref<128xi32, #tpu.memory_space<vmem>>
        %dma_start3A_41 = arith.constant 0 : i32
        %dma_start3A_42 = arith.constant 0 : i32
        %dma_start3A_43 = tpu.memref_slice %arg8[%dma_start3A_41, %dma_start3A_42] : memref<10240x128xf32, #tpu.memory_space<vmem_shared>> -> memref<10240x128xf32, #tpu.memory_space<vmem_shared>>
        tpu.enqueue_indirect_dma source(%dma_start3A_37 : memref<128x128xf32, #tpu.memory_space<vmem>>) target(%dma_start3A_43 : memref<10240x128xf32, #tpu.memory_space<vmem_shared>>) offsets(%dma_start3A_40 : memref<128xi32, #tpu.memory_space<vmem>>) semaphore(%run_scoped3A_34 : memref<!tpu.dma_semaphore, #tpu.memory_space<semaphore_mem>>) {add = true}
        %dma_wait3A = arith.constant 0 : i32
        %dma_wait3A_44 = arith.constant 0 : i32
        %dma_wait3A_45 = tpu.memref_slice %arg7[%run_scoped3A_32, %dma_wait3A, %dma_wait3A_44] : memref<2x128x128xf32, #tpu.memory_space<vmem>> -> memref<1x128x128xf32, #tpu.memory_space<vmem>>
        %dma_wait3A_46 = tpu.memref_squeeze %dma_wait3A_45 : memref<1x128x128xf32, #tpu.memory_space<vmem>> -> memref<128x128xf32, #tpu.memory_space<vmem>>
        %dma_wait3A_47 = arith.constant 0 : i32
        %dma_wait3A_48 = tpu.memref_slice %arg6[%run_scoped3A_33, %dma_wait3A_47] : memref<2x128xi32, #tpu.memory_space<vmem>> -> memref<1x128xi32, #tpu.memory_space<vmem>>
        %dma_wait3A_49 = tpu.memref_squeeze %dma_wait3A_48 : memref<1x128xi32, #tpu.memory_space<vmem>> -> memref<128xi32, #tpu.memory_space<vmem>>
        %dma_wait3A_50 = arith.constant 0 : i32
        %dma_wait3A_51 = arith.constant 0 : i32
        %dma_wait3A_52 = tpu.memref_slice %arg8[%dma_wait3A_50, %dma_wait3A_51] : memref<10240x128xf32, #tpu.memory_space<vmem_shared>> -> memref<10240x128xf32, #tpu.memory_space<vmem_shared>>
        tpu.wait_indirect_dma semaphore(%run_scoped3A_34 : memref<!tpu.dma_semaphore, #tpu.memory_space<semaphore_mem>>) src(%dma_wait3A_46 : memref<128x128xf32, #tpu.memory_space<vmem>>) dst(%dma_wait3A_52 : memref<10240x128xf32, #tpu.memory_space<vmem_shared>>)
        tpu.yield
      }) : () -> ()
    }
    %while3A_20 = arith.constant 1 : i32
    scf.for %while3A_25 = %while3A_18 to %while3A_14 step %while3A_20  : i32 {
      %mul3A_26 = arith.constant 32 : i32
      %mul3A_27 = arith.muli %while3A_25, %mul3A_26 : i32
      %add3A_28 = arith.addi %add3A, %mul3A_27 : i32
      %run_scoped3A = arith.constant 0 : i32
      "tpu.region"() ({
        %run_scoped3A_34 = tpu.sem_alloc : memref<!tpu.dma_semaphore, #tpu.memory_space<semaphore_mem>>
        %dma_start3A = arith.constant 0 : i32
        %dma_start3A_35 = tpu.memref_slice %arg6[%run_scoped3A, %dma_start3A] : memref<2x128xi32, #tpu.memory_space<vmem>> -> memref<1x128xi32, #tpu.memory_space<vmem>>
        %dma_start3A_36 = tpu.memref_squeeze %dma_start3A_35 : memref<1x128xi32, #tpu.memory_space<vmem>> -> memref<128xi32, #tpu.memory_space<vmem>>
        %dma_start3A_37 = arith.constant 0 : i32
        %dma_start3A_38 = tpu.memref_slice %arg3[%add3A_28, %dma_start3A_37] : memref<1280x128xi32, #tpu.memory_space<hbm>> -> memref<1x128xi32, #tpu.memory_space<hbm>>
        %dma_start3A_39 = tpu.memref_squeeze %dma_start3A_38 : memref<1x128xi32, #tpu.memory_space<hbm>> -> memref<128xi32, #tpu.memory_space<hbm>>
        %dma_start3A_40 = arith.constant 0 : i32
        %dma_start3A_41 = tpu.memref_slice %arg6[%run_scoped3A, %dma_start3A_40] : memref<2x128xi32, #tpu.memory_space<vmem>> -> memref<1x128xi32, #tpu.memory_space<vmem>>
        %dma_start3A_42 = tpu.memref_squeeze %dma_start3A_41 : memref<1x128xi32, #tpu.memory_space<vmem>> -> memref<128xi32, #tpu.memory_space<vmem>>
        %dma_start3A_43 = arith.constant 0 : i32
        %dma_start3A_44 = tpu.memref_slice %arg3[%add3A_28, %dma_start3A_43] : memref<1280x128xi32, #tpu.memory_space<hbm>> -> memref<1x128xi32, #tpu.memory_space<hbm>>
        %dma_start3A_45 = tpu.memref_squeeze %dma_start3A_44 : memref<1x128xi32, #tpu.memory_space<hbm>> -> memref<128xi32, #tpu.memory_space<hbm>>
        tpu.enqueue_dma source(%dma_start3A_45 : memref<128xi32, #tpu.memory_space<hbm>>) target(%dma_start3A_42 : memref<128xi32, #tpu.memory_space<vmem>>) target_semaphore(%run_scoped3A_34 : memref<!tpu.dma_semaphore, #tpu.memory_space<semaphore_mem>>)
        %dma_wait3A = arith.constant 0 : i32
        %dma_wait3A_46 = tpu.memref_slice %arg6[%run_scoped3A, %dma_wait3A] : memref<2x128xi32, #tpu.memory_space<vmem>> -> memref<1x128xi32, #tpu.memory_space<vmem>>
        %dma_wait3A_47 = tpu.memref_squeeze %dma_wait3A_46 : memref<1x128xi32, #tpu.memory_space<vmem>> -> memref<128xi32, #tpu.memory_space<vmem>>
        %dma_wait3A_48 = arith.constant 0 : i32
        %dma_wait3A_49 = tpu.memref_slice %arg3[%add3A_28, %dma_wait3A_48] : memref<1280x128xi32, #tpu.memory_space<hbm>> -> memref<1x128xi32, #tpu.memory_space<hbm>>
        %dma_wait3A_50 = tpu.memref_squeeze %dma_wait3A_49 : memref<1x128xi32, #tpu.memory_space<hbm>> -> memref<128xi32, #tpu.memory_space<hbm>>
        %dma_wait3A_51 = arith.constant 0 : i32
        %dma_wait3A_52 = tpu.memref_slice %arg6[%run_scoped3A, %dma_wait3A_51] : memref<2x128xi32, #tpu.memory_space<vmem>> -> memref<1x128xi32, #tpu.memory_space<vmem>>
        %dma_wait3A_53 = tpu.memref_squeeze %dma_wait3A_52 : memref<1x128xi32, #tpu.memory_space<vmem>> -> memref<128xi32, #tpu.memory_space<vmem>>
        %dma_wait3A_54 = arith.constant 0 : i32
        %dma_wait3A_55 = tpu.memref_slice %arg3[%add3A_28, %dma_wait3A_54] : memref<1280x128xi32, #tpu.memory_space<hbm>> -> memref<1x128xi32, #tpu.memory_space<hbm>>
        %dma_wait3A_56 = tpu.memref_squeeze %dma_wait3A_55 : memref<1x128xi32, #tpu.memory_space<hbm>> -> memref<128xi32, #tpu.memory_space<hbm>>
        tpu.wait_dma2 semaphore(%run_scoped3A_34 : memref<!tpu.dma_semaphore, #tpu.memory_space<semaphore_mem>>) src(%dma_wait3A_56 : memref<128xi32, #tpu.memory_space<hbm>>) dst(%dma_wait3A_53 : memref<128xi32, #tpu.memory_space<vmem>>)
        tpu.yield
      }) : () -> ()
      %mul3A_29 = arith.constant 128 : i32
      %mul3A_30 = arith.muli %add3A_28, %mul3A_29 : i32
      %run_scoped3A_31 = arith.constant 0 : i32
      "tpu.region"() ({
        %run_scoped3A_34 = tpu.sem_alloc : memref<!tpu.dma_semaphore, #tpu.memory_space<semaphore_mem>>
        %dma_start3A = arith.constant 0 : i32
        %dma_start3A_35 = arith.constant 0 : i32
        %dma_start3A_36 = tpu.memref_slice %arg7[%run_scoped3A_31, %dma_start3A, %dma_start3A_35] : memref<2x128x128xf32, #tpu.memory_space<vmem>> -> memref<1x128x128xf32, #tpu.memory_space<vmem>>
        %dma_start3A_37 = tpu.memref_squeeze %dma_start3A_36 : memref<1x128x128xf32, #tpu.memory_space<vmem>> -> memref<128x128xf32, #tpu.memory_space<vmem>>
        %dma_start3A_38 = arith.constant 0 : i32
        %dma_start3A_39 = tpu.memref_slice %arg2[%mul3A_30, %dma_start3A_38] : memref<163840x128xf32, #tpu.memory_space<hbm>> -> memref<128x128xf32, #tpu.memory_space<hbm>>
        %dma_start3A_40 = arith.constant 0 : i32
        %dma_start3A_41 = arith.constant 0 : i32
        %dma_start3A_42 = tpu.memref_slice %arg7[%run_scoped3A_31, %dma_start3A_40, %dma_start3A_41] : memref<2x128x128xf32, #tpu.memory_space<vmem>> -> memref<1x128x128xf32, #tpu.memory_space<vmem>>
        %dma_start3A_43 = tpu.memref_squeeze %dma_start3A_42 : memref<1x128x128xf32, #tpu.memory_space<vmem>> -> memref<128x128xf32, #tpu.memory_space<vmem>>
        %dma_start3A_44 = arith.constant 0 : i32
        %dma_start3A_45 = tpu.memref_slice %arg2[%mul3A_30, %dma_start3A_44] : memref<163840x128xf32, #tpu.memory_space<hbm>> -> memref<128x128xf32, #tpu.memory_space<hbm>>
        tpu.enqueue_dma source(%dma_start3A_45 : memref<128x128xf32, #tpu.memory_space<hbm>>) target(%dma_start3A_43 : memref<128x128xf32, #tpu.memory_space<vmem>>) target_semaphore(%run_scoped3A_34 : memref<!tpu.dma_semaphore, #tpu.memory_space<semaphore_mem>>)
        %dma_wait3A = arith.constant 0 : i32
        %dma_wait3A_46 = arith.constant 0 : i32
        %dma_wait3A_47 = tpu.memref_slice %arg7[%run_scoped3A_31, %dma_wait3A, %dma_wait3A_46] : memref<2x128x128xf32, #tpu.memory_space<vmem>> -> memref<1x128x128xf32, #tpu.memory_space<vmem>>
        %dma_wait3A_48 = tpu.memref_squeeze %dma_wait3A_47 : memref<1x128x128xf32, #tpu.memory_space<vmem>> -> memref<128x128xf32, #tpu.memory_space<vmem>>
        %dma_wait3A_49 = arith.constant 0 : i32
        %dma_wait3A_50 = tpu.memref_slice %arg2[%mul3A_30, %dma_wait3A_49] : memref<163840x128xf32, #tpu.memory_space<hbm>> -> memref<128x128xf32, #tpu.memory_space<hbm>>
        %dma_wait3A_51 = arith.constant 0 : i32
        %dma_wait3A_52 = arith.constant 0 : i32
        %dma_wait3A_53 = tpu.memref_slice %arg7[%run_scoped3A_31, %dma_wait3A_51, %dma_wait3A_52] : memref<2x128x128xf32, #tpu.memory_space<vmem>> -> memref<1x128x128xf32, #tpu.memory_space<vmem>>
        %dma_wait3A_54 = tpu.memref_squeeze %dma_wait3A_53 : memref<1x128x128xf32, #tpu.memory_space<vmem>> -> memref<128x128xf32, #tpu.memory_space<vmem>>
        %dma_wait3A_55 = arith.constant 0 : i32
        %dma_wait3A_56 = tpu.memref_slice %arg2[%mul3A_30, %dma_wait3A_55] : memref<163840x128xf32, #tpu.memory_space<hbm>> -> memref<128x128xf32, #tpu.memory_space<hbm>>
        tpu.wait_dma2 semaphore(%run_scoped3A_34 : memref<!tpu.dma_semaphore, #tpu.memory_space<semaphore_mem>>) src(%dma_wait3A_56 : memref<128x128xf32, #tpu.memory_space<hbm>>) dst(%dma_wait3A_54 : memref<128x128xf32, #tpu.memory_space<vmem>>)
        tpu.yield
      }) : () -> ()
      %run_scoped3A_32 = arith.constant 0 : i32
      %run_scoped3A_33 = arith.constant 0 : i32
      "tpu.region"() ({
        %run_scoped3A_34 = tpu.sem_alloc : memref<!tpu.dma_semaphore, #tpu.memory_space<semaphore_mem>>
        %dma_start3A = arith.constant 0 : i32
        %dma_start3A_35 = arith.constant 0 : i32
        %dma_start3A_36 = tpu.memref_slice %arg7[%run_scoped3A_32, %dma_start3A, %dma_start3A_35] : memref<2x128x128xf32, #tpu.memory_space<vmem>> -> memref<1x128x128xf32, #tpu.memory_space<vmem>>
        %dma_start3A_37 = tpu.memref_squeeze %dma_start3A_36 : memref<1x128x128xf32, #tpu.memory_space<vmem>> -> memref<128x128xf32, #tpu.memory_space<vmem>>
        %dma_start3A_38 = arith.constant 0 : i32
        %dma_start3A_39 = tpu.memref_slice %arg6[%run_scoped3A_33, %dma_start3A_38] : memref<2x128xi32, #tpu.memory_space<vmem>> -> memref<1x128xi32, #tpu.memory_space<vmem>>
        %dma_start3A_40 = tpu.memref_squeeze %dma_start3A_39 : memref<1x128xi32, #tpu.memory_space<vmem>> -> memref<128xi32, #tpu.memory_space<vmem>>
        %dma_start3A_41 = arith.constant 0 : i32
        %dma_start3A_42 = arith.constant 0 : i32
        %dma_start3A_43 = tpu.memref_slice %arg8[%dma_start3A_41, %dma_start3A_42] : memref<10240x128xf32, #tpu.memory_space<vmem_shared>> -> memref<10240x128xf32, #tpu.memory_space<vmem_shared>>
        tpu.enqueue_indirect_dma source(%dma_start3A_37 : memref<128x128xf32, #tpu.memory_space<vmem>>) target(%dma_start3A_43 : memref<10240x128xf32, #tpu.memory_space<vmem_shared>>) offsets(%dma_start3A_40 : memref<128xi32, #tpu.memory_space<vmem>>) semaphore(%run_scoped3A_34 : memref<!tpu.dma_semaphore, #tpu.memory_space<semaphore_mem>>) {add = true}
        %dma_wait3A = arith.constant 0 : i32
        %dma_wait3A_44 = arith.constant 0 : i32
        %dma_wait3A_45 = tpu.memref_slice %arg7[%run_scoped3A_32, %dma_wait3A, %dma_wait3A_44] : memref<2x128x128xf32, #tpu.memory_space<vmem>> -> memref<1x128x128xf32, #tpu.memory_space<vmem>>
        %dma_wait3A_46 = tpu.memref_squeeze %dma_wait3A_45 : memref<1x128x128xf32, #tpu.memory_space<vmem>> -> memref<128x128xf32, #tpu.memory_space<vmem>>
        %dma_wait3A_47 = arith.constant 0 : i32
        %dma_wait3A_48 = tpu.memref_slice %arg6[%run_scoped3A_33, %dma_wait3A_47] : memref<2x128xi32, #tpu.memory_space<vmem>> -> memref<1x128xi32, #tpu.memory_space<vmem>>
        %dma_wait3A_49 = tpu.memref_squeeze %dma_wait3A_48 : memref<1x128xi32, #tpu.memory_space<vmem>> -> memref<128xi32, #tpu.memory_space<vmem>>
        %dma_wait3A_50 = arith.constant 0 : i32
        %dma_wait3A_51 = arith.constant 0 : i32
        %dma_wait3A_52 = tpu.memref_slice %arg8[%dma_wait3A_50, %dma_wait3A_51] : memref<10240x128xf32, #tpu.memory_space<vmem_shared>> -> memref<10240x128xf32, #tpu.memory_space<vmem_shared>>
        tpu.wait_indirect_dma semaphore(%run_scoped3A_34 : memref<!tpu.dma_semaphore, #tpu.memory_space<semaphore_mem>>) src(%dma_wait3A_46 : memref<128x128xf32, #tpu.memory_space<vmem>>) dst(%dma_wait3A_52 : memref<10240x128xf32, #tpu.memory_space<vmem_shared>>)
        tpu.yield
      }) : () -> ()
    }
    %barrier3A_21 = arith.constant 0 : index
    tpu.barrier barrier_id(%barrier3A_21)
    %mul3A_22 = arith.constant 10240 : i32
    %mul3A_23 = arith.muli %arg0, %mul3A_22 : i32
    %add3A_24 = arith.addi %mul3A_23, %mul3A_2 : i32
    "tpu.region"() ({
      %run_scoped3A = tpu.sem_alloc : memref<!tpu.dma_semaphore, #tpu.memory_space<semaphore_mem>>
      %dma_start3A = arith.constant 0 : i32
      %dma_start3A_25 = tpu.memref_slice %arg5[%add3A_24, %dma_start3A] : memref<20480x128xf32, #tpu.memory_space<hbm>> -> memref<640x128xf32, #tpu.memory_space<hbm>>
      %dma_start3A_26 = arith.constant 0 : i32
      %dma_start3A_27 = tpu.memref_slice %arg8[%mul3A_2, %dma_start3A_26] : memref<10240x128xf32, #tpu.memory_space<vmem_shared>> -> memref<640x128xf32, #tpu.memory_space<vmem_shared>>
      tpu.enqueue_dma source(%dma_start3A_27 : memref<640x128xf32, #tpu.memory_space<vmem_shared>>) target(%dma_start3A_25 : memref<640x128xf32, #tpu.memory_space<hbm>>) target_semaphore(%run_scoped3A : memref<!tpu.dma_semaphore, #tpu.memory_space<semaphore_mem>>)
      %dma_wait3A = arith.constant 0 : i32
      %dma_wait3A_28 = tpu.memref_slice %arg5[%add3A_24, %dma_wait3A] : memref<20480x128xf32, #tpu.memory_space<hbm>> -> memref<640x128xf32, #tpu.memory_space<hbm>>
      %dma_wait3A_29 = arith.constant 0 : i32
      %dma_wait3A_30 = tpu.memref_slice %arg8[%mul3A_2, %dma_wait3A_29] : memref<10240x128xf32, #tpu.memory_space<vmem_shared>> -> memref<640x128xf32, #tpu.memory_space<vmem_shared>>
      tpu.wait_dma2 semaphore(%run_scoped3A : memref<!tpu.dma_semaphore, #tpu.memory_space<semaphore_mem>>) src(%dma_wait3A_30 : memref<640x128xf32, #tpu.memory_space<vmem_shared>>) dst(%dma_wait3A_28 : memref<640x128xf32, #tpu.memory_space<hbm>>)
      tpu.yield
    }) : () -> ()
    return
  }
}

#map = affine_map<(d0, d1) -> (0, 0)>
#map1 = affine_map<(d0, d1) -> (0)>
#map2 = affine_map<(d0, d1) -> (0, 0, 0)>
module attributes {stable_mosaic.version = 14 : i64} {
  func.func @body(%arg0: i32, %arg1: i32, %arg2: memref<10000x128xf32, #tpu.memory_space<hbm>>, %arg3: memref<10001x128xf32, #tpu.memory_space<hbm>>, %arg4: memref<10000x128xf32, #tpu.memory_space<hbm>>, %arg5: memref<491520xi32, #tpu.memory_space<hbm>>, %arg6: memref<3x163840x128xf32, #tpu.memory_space<hbm>>, %arg7: memref<15360xi32, #tpu.memory_space<vmem>>, %arg8: memref<3x3x80x128xf32, #tpu.memory_space<vmem>>, %arg9: memref<!tpu.dma_semaphore, #tpu.memory_space<semaphore_mem>>, %arg10: memref<!tpu.dma_semaphore, #tpu.memory_space<semaphore_mem>>) attributes {dimension_semantics = [#tpu.dimension_semantics<core_parallel>, #tpu.dimension_semantics<subcore_parallel>], iteration_bounds = array<i64: 2, 16>, scalar_prefetch = 0 : i64, scratch_operands = 4 : i64, tpu.core_type = #tpu.core_type<sc_vector_subcore>, window_params = [{transform_indices = #map}, {transform_indices = #map}, {transform_indices = #map}, {transform_indices = #map1}, {transform_indices = #map2}]} {
    %mul3A = arith.constant 2 : i32
    %mul3A_0 = arith.muli %arg1, %mul3A : i32
    %add3A = arith.addi %mul3A_0, %arg0 : i32
    %mul3A_1 = arith.constant 5120 : i32
    %mul3A_2 = arith.muli %add3A, %mul3A_1 : i32
    %mul3A_3 = arith.constant 15360 : i32
    %mul3A_4 = arith.muli %add3A, %mul3A_3 : i32
    "tpu.region"() ({
      %run_scoped3A = tpu.sem_alloc : memref<!tpu.dma_semaphore, #tpu.memory_space<semaphore_mem>>
      %dma_start3A_194 = tpu.memref_slice %arg5[%mul3A_4] : memref<491520xi32, #tpu.memory_space<hbm>> -> memref<15360xi32, #tpu.memory_space<hbm>>
      %dma_start3A_195 = tpu.memref_slice %arg5[%mul3A_4] : memref<491520xi32, #tpu.memory_space<hbm>> -> memref<15360xi32, #tpu.memory_space<hbm>>
      tpu.enqueue_dma source(%dma_start3A_195 : memref<15360xi32, #tpu.memory_space<hbm>>) target(%arg7 : memref<15360xi32, #tpu.memory_space<vmem>>) target_semaphore(%run_scoped3A : memref<!tpu.dma_semaphore, #tpu.memory_space<semaphore_mem>>)
      %dma_wait3A_196 = tpu.memref_slice %arg5[%mul3A_4] : memref<491520xi32, #tpu.memory_space<hbm>> -> memref<15360xi32, #tpu.memory_space<hbm>>
      %dma_wait3A_197 = tpu.memref_slice %arg5[%mul3A_4] : memref<491520xi32, #tpu.memory_space<hbm>> -> memref<15360xi32, #tpu.memory_space<hbm>>
      tpu.wait_dma2 semaphore(%run_scoped3A : memref<!tpu.dma_semaphore, #tpu.memory_space<semaphore_mem>>) src(%dma_wait3A_197 : memref<15360xi32, #tpu.memory_space<hbm>>) dst(%arg7 : memref<15360xi32, #tpu.memory_space<vmem>>)
      tpu.yield
    }) : () -> ()
    %scan3A = arith.constant 0 : i32
    %scan3A_5 = arith.constant 0 : i32
    %scan3A_6 = arith.constant 21 : i32
    %scan3A_7 = arith.addi %scan3A_5, %scan3A_6 : i32
    %scan3A_8 = arith.constant 1 : i32
    scf.for %scan3A_194 = %scan3A_5 to %scan3A_7 step %scan3A_8  : i32 {
      %mul3A_195 = arith.constant 240 : i32
      %mul3A_196 = arith.muli %scan3A_194, %mul3A_195 : i32
      %add3A_197 = arith.addi %mul3A_2, %mul3A_196 : i32
      %mul3A_198 = arith.constant 3 : i32
      %mul3A_199 = arith.muli %scan3A_194, %mul3A_198 : i32
      %add3A_200 = arith.constant 0 : i32
      %add3A_201 = arith.addi %mul3A_199, %add3A_200 : i32
      %mul3A_202 = arith.constant 3 : i32
      %mul3A_203 = arith.muli %add3A_201, %mul3A_202 : i32
      %mul3A_204 = arith.constant 80 : i32
      %mul3A_205 = arith.muli %mul3A_203, %mul3A_204 : i32
      %add3A_206 = arith.constant 0 : i32
      %add3A_207 = arith.addi %mul3A_205, %add3A_206 : i32
      %dma_start3A_208 = arith.constant 0 : i32
      %dma_start3A_209 = arith.constant 0 : i32
      %dma_start3A_210 = arith.constant 0 : i32
      %dma_start3A_211 = arith.constant 0 : i32
      %dma_start3A_212 = tpu.memref_slice %arg8[%dma_start3A_208, %dma_start3A_209, %dma_start3A_210, %dma_start3A_211] : memref<3x3x80x128xf32, #tpu.memory_space<vmem>> -> memref<1x1x80x128xf32, #tpu.memory_space<vmem>>
      %dma_start3A_213 = tpu.memref_squeeze %dma_start3A_212 : memref<1x1x80x128xf32, #tpu.memory_space<vmem>> -> memref<80x128xf32, #tpu.memory_space<vmem>>
      %dma_start3A_214 = tpu.memref_slice %arg7[%add3A_207] : memref<15360xi32, #tpu.memory_space<vmem>> -> memref<80xi32, #tpu.memory_space<vmem>>
      %dma_start3A_215 = arith.constant 0 : i32
      %dma_start3A_216 = arith.constant 0 : i32
      %dma_start3A_217 = tpu.memref_slice %arg2[%dma_start3A_215, %dma_start3A_216] : memref<10000x128xf32, #tpu.memory_space<hbm>> -> memref<10000x128xf32, #tpu.memory_space<hbm>>
      tpu.enqueue_indirect_dma source(%dma_start3A_217 : memref<10000x128xf32, #tpu.memory_space<hbm>>) target(%dma_start3A_213 : memref<80x128xf32, #tpu.memory_space<vmem>>) offsets(%dma_start3A_214 : memref<80xi32, #tpu.memory_space<vmem>>) semaphore(%arg9 : memref<!tpu.dma_semaphore, #tpu.memory_space<semaphore_mem>>)
      %mul3A_218 = arith.constant 3 : i32
      %mul3A_219 = arith.muli %scan3A_194, %mul3A_218 : i32
      %add3A_220 = arith.constant 0 : i32
      %add3A_221 = arith.addi %mul3A_219, %add3A_220 : i32
      %mul3A_222 = arith.constant 3 : i32
      %mul3A_223 = arith.muli %add3A_221, %mul3A_222 : i32
      %mul3A_224 = arith.constant 80 : i32
      %mul3A_225 = arith.muli %mul3A_223, %mul3A_224 : i32
      %add3A_226 = arith.constant 80 : i32
      %add3A_227 = arith.addi %mul3A_225, %add3A_226 : i32
      %dma_start3A_228 = arith.constant 0 : i32
      %dma_start3A_229 = arith.constant 1 : i32
      %dma_start3A_230 = arith.constant 0 : i32
      %dma_start3A_231 = arith.constant 0 : i32
      %dma_start3A_232 = tpu.memref_slice %arg8[%dma_start3A_228, %dma_start3A_229, %dma_start3A_230, %dma_start3A_231] : memref<3x3x80x128xf32, #tpu.memory_space<vmem>> -> memref<1x1x80x128xf32, #tpu.memory_space<vmem>>
      %dma_start3A_233 = tpu.memref_squeeze %dma_start3A_232 : memref<1x1x80x128xf32, #tpu.memory_space<vmem>> -> memref<80x128xf32, #tpu.memory_space<vmem>>
      %dma_start3A_234 = tpu.memref_slice %arg7[%add3A_227] : memref<15360xi32, #tpu.memory_space<vmem>> -> memref<80xi32, #tpu.memory_space<vmem>>
      %dma_start3A_235 = arith.constant 0 : i32
      %dma_start3A_236 = arith.constant 0 : i32
      %dma_start3A_237 = tpu.memref_slice %arg3[%dma_start3A_235, %dma_start3A_236] : memref<10001x128xf32, #tpu.memory_space<hbm>> -> memref<10001x128xf32, #tpu.memory_space<hbm>>
      tpu.enqueue_indirect_dma source(%dma_start3A_237 : memref<10001x128xf32, #tpu.memory_space<hbm>>) target(%dma_start3A_233 : memref<80x128xf32, #tpu.memory_space<vmem>>) offsets(%dma_start3A_234 : memref<80xi32, #tpu.memory_space<vmem>>) semaphore(%arg9 : memref<!tpu.dma_semaphore, #tpu.memory_space<semaphore_mem>>)
      %mul3A_238 = arith.constant 3 : i32
      %mul3A_239 = arith.muli %scan3A_194, %mul3A_238 : i32
      %add3A_240 = arith.constant 0 : i32
      %add3A_241 = arith.addi %mul3A_239, %add3A_240 : i32
      %mul3A_242 = arith.constant 3 : i32
      %mul3A_243 = arith.muli %add3A_241, %mul3A_242 : i32
      %mul3A_244 = arith.constant 80 : i32
      %mul3A_245 = arith.muli %mul3A_243, %mul3A_244 : i32
      %add3A_246 = arith.constant 160 : i32
      %add3A_247 = arith.addi %mul3A_245, %add3A_246 : i32
      %dma_start3A_248 = arith.constant 0 : i32
      %dma_start3A_249 = arith.constant 2 : i32
      %dma_start3A_250 = arith.constant 0 : i32
      %dma_start3A_251 = arith.constant 0 : i32
      %dma_start3A_252 = tpu.memref_slice %arg8[%dma_start3A_248, %dma_start3A_249, %dma_start3A_250, %dma_start3A_251] : memref<3x3x80x128xf32, #tpu.memory_space<vmem>> -> memref<1x1x80x128xf32, #tpu.memory_space<vmem>>
      %dma_start3A_253 = tpu.memref_squeeze %dma_start3A_252 : memref<1x1x80x128xf32, #tpu.memory_space<vmem>> -> memref<80x128xf32, #tpu.memory_space<vmem>>
      %dma_start3A_254 = tpu.memref_slice %arg7[%add3A_247] : memref<15360xi32, #tpu.memory_space<vmem>> -> memref<80xi32, #tpu.memory_space<vmem>>
      %dma_start3A_255 = arith.constant 0 : i32
      %dma_start3A_256 = arith.constant 0 : i32
      %dma_start3A_257 = tpu.memref_slice %arg4[%dma_start3A_255, %dma_start3A_256] : memref<10000x128xf32, #tpu.memory_space<hbm>> -> memref<10000x128xf32, #tpu.memory_space<hbm>>
      tpu.enqueue_indirect_dma source(%dma_start3A_257 : memref<10000x128xf32, #tpu.memory_space<hbm>>) target(%dma_start3A_253 : memref<80x128xf32, #tpu.memory_space<vmem>>) offsets(%dma_start3A_254 : memref<80xi32, #tpu.memory_space<vmem>>) semaphore(%arg9 : memref<!tpu.dma_semaphore, #tpu.memory_space<semaphore_mem>>)
      %mul3A_258 = arith.constant 3 : i32
      %mul3A_259 = arith.muli %scan3A_194, %mul3A_258 : i32
      %add3A_260 = arith.constant 1 : i32
      %add3A_261 = arith.addi %mul3A_259, %add3A_260 : i32
      %mul3A_262 = arith.constant 3 : i32
      %mul3A_263 = arith.muli %add3A_261, %mul3A_262 : i32
      %mul3A_264 = arith.constant 80 : i32
      %mul3A_265 = arith.muli %mul3A_263, %mul3A_264 : i32
      %add3A_266 = arith.constant 0 : i32
      %add3A_267 = arith.addi %mul3A_265, %add3A_266 : i32
      %dma_start3A_268 = arith.constant 1 : i32
      %dma_start3A_269 = arith.constant 0 : i32
      %dma_start3A_270 = arith.constant 0 : i32
      %dma_start3A_271 = arith.constant 0 : i32
      %dma_start3A_272 = tpu.memref_slice %arg8[%dma_start3A_268, %dma_start3A_269, %dma_start3A_270, %dma_start3A_271] : memref<3x3x80x128xf32, #tpu.memory_space<vmem>> -> memref<1x1x80x128xf32, #tpu.memory_space<vmem>>
      %dma_start3A_273 = tpu.memref_squeeze %dma_start3A_272 : memref<1x1x80x128xf32, #tpu.memory_space<vmem>> -> memref<80x128xf32, #tpu.memory_space<vmem>>
      %dma_start3A_274 = tpu.memref_slice %arg7[%add3A_267] : memref<15360xi32, #tpu.memory_space<vmem>> -> memref<80xi32, #tpu.memory_space<vmem>>
      %dma_start3A_275 = arith.constant 0 : i32
      %dma_start3A_276 = arith.constant 0 : i32
      %dma_start3A_277 = tpu.memref_slice %arg2[%dma_start3A_275, %dma_start3A_276] : memref<10000x128xf32, #tpu.memory_space<hbm>> -> memref<10000x128xf32, #tpu.memory_space<hbm>>
      tpu.enqueue_indirect_dma source(%dma_start3A_277 : memref<10000x128xf32, #tpu.memory_space<hbm>>) target(%dma_start3A_273 : memref<80x128xf32, #tpu.memory_space<vmem>>) offsets(%dma_start3A_274 : memref<80xi32, #tpu.memory_space<vmem>>) semaphore(%arg9 : memref<!tpu.dma_semaphore, #tpu.memory_space<semaphore_mem>>)
      %mul3A_278 = arith.constant 3 : i32
      %mul3A_279 = arith.muli %scan3A_194, %mul3A_278 : i32
      %add3A_280 = arith.constant 1 : i32
      %add3A_281 = arith.addi %mul3A_279, %add3A_280 : i32
      %mul3A_282 = arith.constant 3 : i32
      %mul3A_283 = arith.muli %add3A_281, %mul3A_282 : i32
      %mul3A_284 = arith.constant 80 : i32
      %mul3A_285 = arith.muli %mul3A_283, %mul3A_284 : i32
      %add3A_286 = arith.constant 80 : i32
      %add3A_287 = arith.addi %mul3A_285, %add3A_286 : i32
      %dma_start3A_288 = arith.constant 1 : i32
      %dma_start3A_289 = arith.constant 1 : i32
      %dma_start3A_290 = arith.constant 0 : i32
      %dma_start3A_291 = arith.constant 0 : i32
      %dma_start3A_292 = tpu.memref_slice %arg8[%dma_start3A_288, %dma_start3A_289, %dma_start3A_290, %dma_start3A_291] : memref<3x3x80x128xf32, #tpu.memory_space<vmem>> -> memref<1x1x80x128xf32, #tpu.memory_space<vmem>>
      %dma_start3A_293 = tpu.memref_squeeze %dma_start3A_292 : memref<1x1x80x128xf32, #tpu.memory_space<vmem>> -> memref<80x128xf32, #tpu.memory_space<vmem>>
      %dma_start3A_294 = tpu.memref_slice %arg7[%add3A_287] : memref<15360xi32, #tpu.memory_space<vmem>> -> memref<80xi32, #tpu.memory_space<vmem>>
      %dma_start3A_295 = arith.constant 0 : i32
      %dma_start3A_296 = arith.constant 0 : i32
      %dma_start3A_297 = tpu.memref_slice %arg3[%dma_start3A_295, %dma_start3A_296] : memref<10001x128xf32, #tpu.memory_space<hbm>> -> memref<10001x128xf32, #tpu.memory_space<hbm>>
      tpu.enqueue_indirect_dma source(%dma_start3A_297 : memref<10001x128xf32, #tpu.memory_space<hbm>>) target(%dma_start3A_293 : memref<80x128xf32, #tpu.memory_space<vmem>>) offsets(%dma_start3A_294 : memref<80xi32, #tpu.memory_space<vmem>>) semaphore(%arg9 : memref<!tpu.dma_semaphore, #tpu.memory_space<semaphore_mem>>)
      %mul3A_298 = arith.constant 3 : i32
      %mul3A_299 = arith.muli %scan3A_194, %mul3A_298 : i32
      %add3A_300 = arith.constant 1 : i32
      %add3A_301 = arith.addi %mul3A_299, %add3A_300 : i32
      %mul3A_302 = arith.constant 3 : i32
      %mul3A_303 = arith.muli %add3A_301, %mul3A_302 : i32
      %mul3A_304 = arith.constant 80 : i32
      %mul3A_305 = arith.muli %mul3A_303, %mul3A_304 : i32
      %add3A_306 = arith.constant 160 : i32
      %add3A_307 = arith.addi %mul3A_305, %add3A_306 : i32
      %dma_start3A_308 = arith.constant 1 : i32
      %dma_start3A_309 = arith.constant 2 : i32
      %dma_start3A_310 = arith.constant 0 : i32
      %dma_start3A_311 = arith.constant 0 : i32
      %dma_start3A_312 = tpu.memref_slice %arg8[%dma_start3A_308, %dma_start3A_309, %dma_start3A_310, %dma_start3A_311] : memref<3x3x80x128xf32, #tpu.memory_space<vmem>> -> memref<1x1x80x128xf32, #tpu.memory_space<vmem>>
      %dma_start3A_313 = tpu.memref_squeeze %dma_start3A_312 : memref<1x1x80x128xf32, #tpu.memory_space<vmem>> -> memref<80x128xf32, #tpu.memory_space<vmem>>
      %dma_start3A_314 = tpu.memref_slice %arg7[%add3A_307] : memref<15360xi32, #tpu.memory_space<vmem>> -> memref<80xi32, #tpu.memory_space<vmem>>
      %dma_start3A_315 = arith.constant 0 : i32
      %dma_start3A_316 = arith.constant 0 : i32
      %dma_start3A_317 = tpu.memref_slice %arg4[%dma_start3A_315, %dma_start3A_316] : memref<10000x128xf32, #tpu.memory_space<hbm>> -> memref<10000x128xf32, #tpu.memory_space<hbm>>
      tpu.enqueue_indirect_dma source(%dma_start3A_317 : memref<10000x128xf32, #tpu.memory_space<hbm>>) target(%dma_start3A_313 : memref<80x128xf32, #tpu.memory_space<vmem>>) offsets(%dma_start3A_314 : memref<80xi32, #tpu.memory_space<vmem>>) semaphore(%arg9 : memref<!tpu.dma_semaphore, #tpu.memory_space<semaphore_mem>>)
      %mul3A_318 = arith.constant 3 : i32
      %mul3A_319 = arith.muli %scan3A_194, %mul3A_318 : i32
      %add3A_320 = arith.constant 2 : i32
      %add3A_321 = arith.addi %mul3A_319, %add3A_320 : i32
      %mul3A_322 = arith.constant 3 : i32
      %mul3A_323 = arith.muli %add3A_321, %mul3A_322 : i32
      %mul3A_324 = arith.constant 80 : i32
      %mul3A_325 = arith.muli %mul3A_323, %mul3A_324 : i32
      %add3A_326 = arith.constant 0 : i32
      %add3A_327 = arith.addi %mul3A_325, %add3A_326 : i32
      %dma_start3A_328 = arith.constant 2 : i32
      %dma_start3A_329 = arith.constant 0 : i32
      %dma_start3A_330 = arith.constant 0 : i32
      %dma_start3A_331 = arith.constant 0 : i32
      %dma_start3A_332 = tpu.memref_slice %arg8[%dma_start3A_328, %dma_start3A_329, %dma_start3A_330, %dma_start3A_331] : memref<3x3x80x128xf32, #tpu.memory_space<vmem>> -> memref<1x1x80x128xf32, #tpu.memory_space<vmem>>
      %dma_start3A_333 = tpu.memref_squeeze %dma_start3A_332 : memref<1x1x80x128xf32, #tpu.memory_space<vmem>> -> memref<80x128xf32, #tpu.memory_space<vmem>>
      %dma_start3A_334 = tpu.memref_slice %arg7[%add3A_327] : memref<15360xi32, #tpu.memory_space<vmem>> -> memref<80xi32, #tpu.memory_space<vmem>>
      %dma_start3A_335 = arith.constant 0 : i32
      %dma_start3A_336 = arith.constant 0 : i32
      %dma_start3A_337 = tpu.memref_slice %arg2[%dma_start3A_335, %dma_start3A_336] : memref<10000x128xf32, #tpu.memory_space<hbm>> -> memref<10000x128xf32, #tpu.memory_space<hbm>>
      tpu.enqueue_indirect_dma source(%dma_start3A_337 : memref<10000x128xf32, #tpu.memory_space<hbm>>) target(%dma_start3A_333 : memref<80x128xf32, #tpu.memory_space<vmem>>) offsets(%dma_start3A_334 : memref<80xi32, #tpu.memory_space<vmem>>) semaphore(%arg9 : memref<!tpu.dma_semaphore, #tpu.memory_space<semaphore_mem>>)
      %mul3A_338 = arith.constant 3 : i32
      %mul3A_339 = arith.muli %scan3A_194, %mul3A_338 : i32
      %add3A_340 = arith.constant 2 : i32
      %add3A_341 = arith.addi %mul3A_339, %add3A_340 : i32
      %mul3A_342 = arith.constant 3 : i32
      %mul3A_343 = arith.muli %add3A_341, %mul3A_342 : i32
      %mul3A_344 = arith.constant 80 : i32
      %mul3A_345 = arith.muli %mul3A_343, %mul3A_344 : i32
      %add3A_346 = arith.constant 80 : i32
      %add3A_347 = arith.addi %mul3A_345, %add3A_346 : i32
      %dma_start3A_348 = arith.constant 2 : i32
      %dma_start3A_349 = arith.constant 1 : i32
      %dma_start3A_350 = arith.constant 0 : i32
      %dma_start3A_351 = arith.constant 0 : i32
      %dma_start3A_352 = tpu.memref_slice %arg8[%dma_start3A_348, %dma_start3A_349, %dma_start3A_350, %dma_start3A_351] : memref<3x3x80x128xf32, #tpu.memory_space<vmem>> -> memref<1x1x80x128xf32, #tpu.memory_space<vmem>>
      %dma_start3A_353 = tpu.memref_squeeze %dma_start3A_352 : memref<1x1x80x128xf32, #tpu.memory_space<vmem>> -> memref<80x128xf32, #tpu.memory_space<vmem>>
      %dma_start3A_354 = tpu.memref_slice %arg7[%add3A_347] : memref<15360xi32, #tpu.memory_space<vmem>> -> memref<80xi32, #tpu.memory_space<vmem>>
      %dma_start3A_355 = arith.constant 0 : i32
      %dma_start3A_356 = arith.constant 0 : i32
      %dma_start3A_357 = tpu.memref_slice %arg3[%dma_start3A_355, %dma_start3A_356] : memref<10001x128xf32, #tpu.memory_space<hbm>> -> memref<10001x128xf32, #tpu.memory_space<hbm>>
      tpu.enqueue_indirect_dma source(%dma_start3A_357 : memref<10001x128xf32, #tpu.memory_space<hbm>>) target(%dma_start3A_353 : memref<80x128xf32, #tpu.memory_space<vmem>>) offsets(%dma_start3A_354 : memref<80xi32, #tpu.memory_space<vmem>>) semaphore(%arg9 : memref<!tpu.dma_semaphore, #tpu.memory_space<semaphore_mem>>)
      %mul3A_358 = arith.constant 3 : i32
      %mul3A_359 = arith.muli %scan3A_194, %mul3A_358 : i32
      %add3A_360 = arith.constant 2 : i32
      %add3A_361 = arith.addi %mul3A_359, %add3A_360 : i32
      %mul3A_362 = arith.constant 3 : i32
      %mul3A_363 = arith.muli %add3A_361, %mul3A_362 : i32
      %mul3A_364 = arith.constant 80 : i32
      %mul3A_365 = arith.muli %mul3A_363, %mul3A_364 : i32
      %add3A_366 = arith.constant 160 : i32
      %add3A_367 = arith.addi %mul3A_365, %add3A_366 : i32
      %dma_start3A_368 = arith.constant 2 : i32
      %dma_start3A_369 = arith.constant 2 : i32
      %dma_start3A_370 = arith.constant 0 : i32
      %dma_start3A_371 = arith.constant 0 : i32
      %dma_start3A_372 = tpu.memref_slice %arg8[%dma_start3A_368, %dma_start3A_369, %dma_start3A_370, %dma_start3A_371] : memref<3x3x80x128xf32, #tpu.memory_space<vmem>> -> memref<1x1x80x128xf32, #tpu.memory_space<vmem>>
      %dma_start3A_373 = tpu.memref_squeeze %dma_start3A_372 : memref<1x1x80x128xf32, #tpu.memory_space<vmem>> -> memref<80x128xf32, #tpu.memory_space<vmem>>
      %dma_start3A_374 = tpu.memref_slice %arg7[%add3A_367] : memref<15360xi32, #tpu.memory_space<vmem>> -> memref<80xi32, #tpu.memory_space<vmem>>
      %dma_start3A_375 = arith.constant 0 : i32
      %dma_start3A_376 = arith.constant 0 : i32
      %dma_start3A_377 = tpu.memref_slice %arg4[%dma_start3A_375, %dma_start3A_376] : memref<10000x128xf32, #tpu.memory_space<hbm>> -> memref<10000x128xf32, #tpu.memory_space<hbm>>
      tpu.enqueue_indirect_dma source(%dma_start3A_377 : memref<10000x128xf32, #tpu.memory_space<hbm>>) target(%dma_start3A_373 : memref<80x128xf32, #tpu.memory_space<vmem>>) offsets(%dma_start3A_374 : memref<80xi32, #tpu.memory_space<vmem>>) semaphore(%arg9 : memref<!tpu.dma_semaphore, #tpu.memory_space<semaphore_mem>>)
      %dma_wait3A_378 = arith.constant 0 : i32
      %dma_wait3A_379 = arith.constant 0 : i32
      %dma_wait3A_380 = arith.constant 0 : i32
      %dma_wait3A_381 = arith.constant 0 : i32
      %dma_wait3A_382 = tpu.memref_slice %arg8[%dma_wait3A_378, %dma_wait3A_379, %dma_wait3A_380, %dma_wait3A_381] : memref<3x3x80x128xf32, #tpu.memory_space<vmem>> -> memref<1x1x80x128xf32, #tpu.memory_space<vmem>>
      %dma_wait3A_383 = tpu.memref_squeeze %dma_wait3A_382 : memref<1x1x80x128xf32, #tpu.memory_space<vmem>> -> memref<80x128xf32, #tpu.memory_space<vmem>>
      %dma_wait3A_384 = tpu.memref_slice %arg7[%add3A_207] : memref<15360xi32, #tpu.memory_space<vmem>> -> memref<80xi32, #tpu.memory_space<vmem>>
      %dma_wait3A_385 = arith.constant 0 : i32
      %dma_wait3A_386 = arith.constant 0 : i32
      %dma_wait3A_387 = tpu.memref_slice %arg2[%dma_wait3A_385, %dma_wait3A_386] : memref<10000x128xf32, #tpu.memory_space<hbm>> -> memref<10000x128xf32, #tpu.memory_space<hbm>>
      tpu.wait_indirect_dma semaphore(%arg9 : memref<!tpu.dma_semaphore, #tpu.memory_space<semaphore_mem>>) src(%dma_wait3A_387 : memref<10000x128xf32, #tpu.memory_space<hbm>>) dst(%dma_wait3A_383 : memref<80x128xf32, #tpu.memory_space<vmem>>)
      %dma_wait3A_388 = arith.constant 0 : i32
      %dma_wait3A_389 = arith.constant 1 : i32
      %dma_wait3A_390 = arith.constant 0 : i32
      %dma_wait3A_391 = arith.constant 0 : i32
      %dma_wait3A_392 = tpu.memref_slice %arg8[%dma_wait3A_388, %dma_wait3A_389, %dma_wait3A_390, %dma_wait3A_391] : memref<3x3x80x128xf32, #tpu.memory_space<vmem>> -> memref<1x1x80x128xf32, #tpu.memory_space<vmem>>
      %dma_wait3A_393 = tpu.memref_squeeze %dma_wait3A_392 : memref<1x1x80x128xf32, #tpu.memory_space<vmem>> -> memref<80x128xf32, #tpu.memory_space<vmem>>
      %dma_wait3A_394 = tpu.memref_slice %arg7[%add3A_227] : memref<15360xi32, #tpu.memory_space<vmem>> -> memref<80xi32, #tpu.memory_space<vmem>>
      %dma_wait3A_395 = arith.constant 0 : i32
      %dma_wait3A_396 = arith.constant 0 : i32
      %dma_wait3A_397 = tpu.memref_slice %arg3[%dma_wait3A_395, %dma_wait3A_396] : memref<10001x128xf32, #tpu.memory_space<hbm>> -> memref<10001x128xf32, #tpu.memory_space<hbm>>
      tpu.wait_indirect_dma semaphore(%arg9 : memref<!tpu.dma_semaphore, #tpu.memory_space<semaphore_mem>>) src(%dma_wait3A_397 : memref<10001x128xf32, #tpu.memory_space<hbm>>) dst(%dma_wait3A_393 : memref<80x128xf32, #tpu.memory_space<vmem>>)
      %dma_wait3A_398 = arith.constant 0 : i32
      %dma_wait3A_399 = arith.constant 2 : i32
      %dma_wait3A_400 = arith.constant 0 : i32
      %dma_wait3A_401 = arith.constant 0 : i32
      %dma_wait3A_402 = tpu.memref_slice %arg8[%dma_wait3A_398, %dma_wait3A_399, %dma_wait3A_400, %dma_wait3A_401] : memref<3x3x80x128xf32, #tpu.memory_space<vmem>> -> memref<1x1x80x128xf32, #tpu.memory_space<vmem>>
      %dma_wait3A_403 = tpu.memref_squeeze %dma_wait3A_402 : memref<1x1x80x128xf32, #tpu.memory_space<vmem>> -> memref<80x128xf32, #tpu.memory_space<vmem>>
      %dma_wait3A_404 = tpu.memref_slice %arg7[%add3A_247] : memref<15360xi32, #tpu.memory_space<vmem>> -> memref<80xi32, #tpu.memory_space<vmem>>
      %dma_wait3A_405 = arith.constant 0 : i32
      %dma_wait3A_406 = arith.constant 0 : i32
      %dma_wait3A_407 = tpu.memref_slice %arg4[%dma_wait3A_405, %dma_wait3A_406] : memref<10000x128xf32, #tpu.memory_space<hbm>> -> memref<10000x128xf32, #tpu.memory_space<hbm>>
      tpu.wait_indirect_dma semaphore(%arg9 : memref<!tpu.dma_semaphore, #tpu.memory_space<semaphore_mem>>) src(%dma_wait3A_407 : memref<10000x128xf32, #tpu.memory_space<hbm>>) dst(%dma_wait3A_403 : memref<80x128xf32, #tpu.memory_space<vmem>>)
      %add3A_408 = arith.constant 0 : i32
      %add3A_409 = arith.addi %add3A_197, %add3A_408 : i32
      %dma_start3A_410 = arith.constant 0 : i32
      %dma_start3A_411 = arith.constant 0 : i32
      %dma_start3A_412 = arith.constant 0 : i32
      %dma_start3A_413 = arith.constant 0 : i32
      %dma_start3A_414 = arith.constant 0 : i32
      %dma_start3A_415 = tpu.memref_slice %arg8[%dma_start3A_410, %dma_start3A_411, %dma_start3A_413, %dma_start3A_414] : memref<3x3x80x128xf32, #tpu.memory_space<vmem>> -> memref<1x1x80x128xf32, #tpu.memory_space<vmem>>
      %dma_start3A_416 = tpu.memref_squeeze %dma_start3A_415 : memref<1x1x80x128xf32, #tpu.memory_space<vmem>> -> memref<80x128xf32, #tpu.memory_space<vmem>>
      %dma_start3A_417 = arith.constant 0 : i32
      %dma_start3A_418 = tpu.memref_slice %arg6[%dma_start3A_412, %add3A_409, %dma_start3A_417] : memref<3x163840x128xf32, #tpu.memory_space<hbm>> -> memref<1x80x128xf32, #tpu.memory_space<hbm>>
      %dma_start3A_419 = tpu.memref_squeeze %dma_start3A_418 : memref<1x80x128xf32, #tpu.memory_space<hbm>> -> memref<80x128xf32, #tpu.memory_space<hbm>>
      %dma_start3A_420 = arith.constant 0 : i32
      %dma_start3A_421 = tpu.memref_slice %arg6[%dma_start3A_412, %add3A_409, %dma_start3A_420] : memref<3x163840x128xf32, #tpu.memory_space<hbm>> -> memref<1x80x128xf32, #tpu.memory_space<hbm>>
      %dma_start3A_422 = tpu.memref_squeeze %dma_start3A_421 : memref<1x80x128xf32, #tpu.memory_space<hbm>> -> memref<80x128xf32, #tpu.memory_space<hbm>>
      %dma_start3A_423 = arith.constant 0 : i32
      %dma_start3A_424 = arith.constant 0 : i32
      %dma_start3A_425 = tpu.memref_slice %arg8[%dma_start3A_410, %dma_start3A_411, %dma_start3A_423, %dma_start3A_424] : memref<3x3x80x128xf32, #tpu.memory_space<vmem>> -> memref<1x1x80x128xf32, #tpu.memory_space<vmem>>
      %dma_start3A_426 = tpu.memref_squeeze %dma_start3A_425 : memref<1x1x80x128xf32, #tpu.memory_space<vmem>> -> memref<80x128xf32, #tpu.memory_space<vmem>>
      tpu.enqueue_dma source(%dma_start3A_426 : memref<80x128xf32, #tpu.memory_space<vmem>>) target(%dma_start3A_422 : memref<80x128xf32, #tpu.memory_space<hbm>>) target_semaphore(%arg10 : memref<!tpu.dma_semaphore, #tpu.memory_space<semaphore_mem>>)
      %add3A_427 = arith.constant 0 : i32
      %add3A_428 = arith.addi %add3A_197, %add3A_427 : i32
      %dma_start3A_429 = arith.constant 0 : i32
      %dma_start3A_430 = arith.constant 1 : i32
      %dma_start3A_431 = arith.constant 1 : i32
      %dma_start3A_432 = arith.constant 0 : i32
      %dma_start3A_433 = arith.constant 0 : i32
      %dma_start3A_434 = tpu.memref_slice %arg8[%dma_start3A_429, %dma_start3A_430, %dma_start3A_432, %dma_start3A_433] : memref<3x3x80x128xf32, #tpu.memory_space<vmem>> -> memref<1x1x80x128xf32, #tpu.memory_space<vmem>>
      %dma_start3A_435 = tpu.memref_squeeze %dma_start3A_434 : memref<1x1x80x128xf32, #tpu.memory_space<vmem>> -> memref<80x128xf32, #tpu.memory_space<vmem>>
      %dma_start3A_436 = arith.constant 0 : i32
      %dma_start3A_437 = tpu.memref_slice %arg6[%dma_start3A_431, %add3A_428, %dma_start3A_436] : memref<3x163840x128xf32, #tpu.memory_space<hbm>> -> memref<1x80x128xf32, #tpu.memory_space<hbm>>
      %dma_start3A_438 = tpu.memref_squeeze %dma_start3A_437 : memref<1x80x128xf32, #tpu.memory_space<hbm>> -> memref<80x128xf32, #tpu.memory_space<hbm>>
      %dma_start3A_439 = arith.constant 0 : i32
      %dma_start3A_440 = tpu.memref_slice %arg6[%dma_start3A_431, %add3A_428, %dma_start3A_439] : memref<3x163840x128xf32, #tpu.memory_space<hbm>> -> memref<1x80x128xf32, #tpu.memory_space<hbm>>
      %dma_start3A_441 = tpu.memref_squeeze %dma_start3A_440 : memref<1x80x128xf32, #tpu.memory_space<hbm>> -> memref<80x128xf32, #tpu.memory_space<hbm>>
      %dma_start3A_442 = arith.constant 0 : i32
      %dma_start3A_443 = arith.constant 0 : i32
      %dma_start3A_444 = tpu.memref_slice %arg8[%dma_start3A_429, %dma_start3A_430, %dma_start3A_442, %dma_start3A_443] : memref<3x3x80x128xf32, #tpu.memory_space<vmem>> -> memref<1x1x80x128xf32, #tpu.memory_space<vmem>>
      %dma_start3A_445 = tpu.memref_squeeze %dma_start3A_444 : memref<1x1x80x128xf32, #tpu.memory_space<vmem>> -> memref<80x128xf32, #tpu.memory_space<vmem>>
      tpu.enqueue_dma source(%dma_start3A_445 : memref<80x128xf32, #tpu.memory_space<vmem>>) target(%dma_start3A_441 : memref<80x128xf32, #tpu.memory_space<hbm>>) target_semaphore(%arg10 : memref<!tpu.dma_semaphore, #tpu.memory_space<semaphore_mem>>)
      %add3A_446 = arith.constant 0 : i32
      %add3A_447 = arith.addi %add3A_197, %add3A_446 : i32
      %dma_start3A_448 = arith.constant 0 : i32
      %dma_start3A_449 = arith.constant 2 : i32
      %dma_start3A_450 = arith.constant 2 : i32
      %dma_start3A_451 = arith.constant 0 : i32
      %dma_start3A_452 = arith.constant 0 : i32
      %dma_start3A_453 = tpu.memref_slice %arg8[%dma_start3A_448, %dma_start3A_449, %dma_start3A_451, %dma_start3A_452] : memref<3x3x80x128xf32, #tpu.memory_space<vmem>> -> memref<1x1x80x128xf32, #tpu.memory_space<vmem>>
      %dma_start3A_454 = tpu.memref_squeeze %dma_start3A_453 : memref<1x1x80x128xf32, #tpu.memory_space<vmem>> -> memref<80x128xf32, #tpu.memory_space<vmem>>
      %dma_start3A_455 = arith.constant 0 : i32
      %dma_start3A_456 = tpu.memref_slice %arg6[%dma_start3A_450, %add3A_447, %dma_start3A_455] : memref<3x163840x128xf32, #tpu.memory_space<hbm>> -> memref<1x80x128xf32, #tpu.memory_space<hbm>>
      %dma_start3A_457 = tpu.memref_squeeze %dma_start3A_456 : memref<1x80x128xf32, #tpu.memory_space<hbm>> -> memref<80x128xf32, #tpu.memory_space<hbm>>
      %dma_start3A_458 = arith.constant 0 : i32
      %dma_start3A_459 = tpu.memref_slice %arg6[%dma_start3A_450, %add3A_447, %dma_start3A_458] : memref<3x163840x128xf32, #tpu.memory_space<hbm>> -> memref<1x80x128xf32, #tpu.memory_space<hbm>>
      %dma_start3A_460 = tpu.memref_squeeze %dma_start3A_459 : memref<1x80x128xf32, #tpu.memory_space<hbm>> -> memref<80x128xf32, #tpu.memory_space<hbm>>
      %dma_start3A_461 = arith.constant 0 : i32
      %dma_start3A_462 = arith.constant 0 : i32
      %dma_start3A_463 = tpu.memref_slice %arg8[%dma_start3A_448, %dma_start3A_449, %dma_start3A_461, %dma_start3A_462] : memref<3x3x80x128xf32, #tpu.memory_space<vmem>> -> memref<1x1x80x128xf32, #tpu.memory_space<vmem>>
      %dma_start3A_464 = tpu.memref_squeeze %dma_start3A_463 : memref<1x1x80x128xf32, #tpu.memory_space<vmem>> -> memref<80x128xf32, #tpu.memory_space<vmem>>
      tpu.enqueue_dma source(%dma_start3A_464 : memref<80x128xf32, #tpu.memory_space<vmem>>) target(%dma_start3A_460 : memref<80x128xf32, #tpu.memory_space<hbm>>) target_semaphore(%arg10 : memref<!tpu.dma_semaphore, #tpu.memory_space<semaphore_mem>>)
      %dma_wait3A_465 = arith.constant 1 : i32
      %dma_wait3A_466 = arith.constant 0 : i32
      %dma_wait3A_467 = arith.constant 0 : i32
      %dma_wait3A_468 = arith.constant 0 : i32
      %dma_wait3A_469 = tpu.memref_slice %arg8[%dma_wait3A_465, %dma_wait3A_466, %dma_wait3A_467, %dma_wait3A_468] : memref<3x3x80x128xf32, #tpu.memory_space<vmem>> -> memref<1x1x80x128xf32, #tpu.memory_space<vmem>>
      %dma_wait3A_470 = tpu.memref_squeeze %dma_wait3A_469 : memref<1x1x80x128xf32, #tpu.memory_space<vmem>> -> memref<80x128xf32, #tpu.memory_space<vmem>>
      %dma_wait3A_471 = tpu.memref_slice %arg7[%add3A_267] : memref<15360xi32, #tpu.memory_space<vmem>> -> memref<80xi32, #tpu.memory_space<vmem>>
      %dma_wait3A_472 = arith.constant 0 : i32
      %dma_wait3A_473 = arith.constant 0 : i32
      %dma_wait3A_474 = tpu.memref_slice %arg2[%dma_wait3A_472, %dma_wait3A_473] : memref<10000x128xf32, #tpu.memory_space<hbm>> -> memref<10000x128xf32, #tpu.memory_space<hbm>>
      tpu.wait_indirect_dma semaphore(%arg9 : memref<!tpu.dma_semaphore, #tpu.memory_space<semaphore_mem>>) src(%dma_wait3A_474 : memref<10000x128xf32, #tpu.memory_space<hbm>>) dst(%dma_wait3A_470 : memref<80x128xf32, #tpu.memory_space<vmem>>)
      %dma_wait3A_475 = arith.constant 1 : i32
      %dma_wait3A_476 = arith.constant 1 : i32
      %dma_wait3A_477 = arith.constant 0 : i32
      %dma_wait3A_478 = arith.constant 0 : i32
      %dma_wait3A_479 = tpu.memref_slice %arg8[%dma_wait3A_475, %dma_wait3A_476, %dma_wait3A_477, %dma_wait3A_478] : memref<3x3x80x128xf32, #tpu.memory_space<vmem>> -> memref<1x1x80x128xf32, #tpu.memory_space<vmem>>
      %dma_wait3A_480 = tpu.memref_squeeze %dma_wait3A_479 : memref<1x1x80x128xf32, #tpu.memory_space<vmem>> -> memref<80x128xf32, #tpu.memory_space<vmem>>
      %dma_wait3A_481 = tpu.memref_slice %arg7[%add3A_287] : memref<15360xi32, #tpu.memory_space<vmem>> -> memref<80xi32, #tpu.memory_space<vmem>>
      %dma_wait3A_482 = arith.constant 0 : i32
      %dma_wait3A_483 = arith.constant 0 : i32
      %dma_wait3A_484 = tpu.memref_slice %arg3[%dma_wait3A_482, %dma_wait3A_483] : memref<10001x128xf32, #tpu.memory_space<hbm>> -> memref<10001x128xf32, #tpu.memory_space<hbm>>
      tpu.wait_indirect_dma semaphore(%arg9 : memref<!tpu.dma_semaphore, #tpu.memory_space<semaphore_mem>>) src(%dma_wait3A_484 : memref<10001x128xf32, #tpu.memory_space<hbm>>) dst(%dma_wait3A_480 : memref<80x128xf32, #tpu.memory_space<vmem>>)
      %dma_wait3A_485 = arith.constant 1 : i32
      %dma_wait3A_486 = arith.constant 2 : i32
      %dma_wait3A_487 = arith.constant 0 : i32
      %dma_wait3A_488 = arith.constant 0 : i32
      %dma_wait3A_489 = tpu.memref_slice %arg8[%dma_wait3A_485, %dma_wait3A_486, %dma_wait3A_487, %dma_wait3A_488] : memref<3x3x80x128xf32, #tpu.memory_space<vmem>> -> memref<1x1x80x128xf32, #tpu.memory_space<vmem>>
      %dma_wait3A_490 = tpu.memref_squeeze %dma_wait3A_489 : memref<1x1x80x128xf32, #tpu.memory_space<vmem>> -> memref<80x128xf32, #tpu.memory_space<vmem>>
      %dma_wait3A_491 = tpu.memref_slice %arg7[%add3A_307] : memref<15360xi32, #tpu.memory_space<vmem>> -> memref<80xi32, #tpu.memory_space<vmem>>
      %dma_wait3A_492 = arith.constant 0 : i32
      %dma_wait3A_493 = arith.constant 0 : i32
      %dma_wait3A_494 = tpu.memref_slice %arg4[%dma_wait3A_492, %dma_wait3A_493] : memref<10000x128xf32, #tpu.memory_space<hbm>> -> memref<10000x128xf32, #tpu.memory_space<hbm>>
      tpu.wait_indirect_dma semaphore(%arg9 : memref<!tpu.dma_semaphore, #tpu.memory_space<semaphore_mem>>) src(%dma_wait3A_494 : memref<10000x128xf32, #tpu.memory_space<hbm>>) dst(%dma_wait3A_490 : memref<80x128xf32, #tpu.memory_space<vmem>>)
      %add3A_495 = arith.constant 80 : i32
      %add3A_496 = arith.addi %add3A_197, %add3A_495 : i32
      %dma_start3A_497 = arith.constant 1 : i32
      %dma_start3A_498 = arith.constant 0 : i32
      %dma_start3A_499 = arith.constant 0 : i32
      %dma_start3A_500 = arith.constant 0 : i32
      %dma_start3A_501 = arith.constant 0 : i32
      %dma_start3A_502 = tpu.memref_slice %arg8[%dma_start3A_497, %dma_start3A_498, %dma_start3A_500, %dma_start3A_501] : memref<3x3x80x128xf32, #tpu.memory_space<vmem>> -> memref<1x1x80x128xf32, #tpu.memory_space<vmem>>
      %dma_start3A_503 = tpu.memref_squeeze %dma_start3A_502 : memref<1x1x80x128xf32, #tpu.memory_space<vmem>> -> memref<80x128xf32, #tpu.memory_space<vmem>>
      %dma_start3A_504 = arith.constant 0 : i32
      %dma_start3A_505 = tpu.memref_slice %arg6[%dma_start3A_499, %add3A_496, %dma_start3A_504] : memref<3x163840x128xf32, #tpu.memory_space<hbm>> -> memref<1x80x128xf32, #tpu.memory_space<hbm>>
      %dma_start3A_506 = tpu.memref_squeeze %dma_start3A_505 : memref<1x80x128xf32, #tpu.memory_space<hbm>> -> memref<80x128xf32, #tpu.memory_space<hbm>>
      %dma_start3A_507 = arith.constant 0 : i32
      %dma_start3A_508 = tpu.memref_slice %arg6[%dma_start3A_499, %add3A_496, %dma_start3A_507] : memref<3x163840x128xf32, #tpu.memory_space<hbm>> -> memref<1x80x128xf32, #tpu.memory_space<hbm>>
      %dma_start3A_509 = tpu.memref_squeeze %dma_start3A_508 : memref<1x80x128xf32, #tpu.memory_space<hbm>> -> memref<80x128xf32, #tpu.memory_space<hbm>>
      %dma_start3A_510 = arith.constant 0 : i32
      %dma_start3A_511 = arith.constant 0 : i32
      %dma_start3A_512 = tpu.memref_slice %arg8[%dma_start3A_497, %dma_start3A_498, %dma_start3A_510, %dma_start3A_511] : memref<3x3x80x128xf32, #tpu.memory_space<vmem>> -> memref<1x1x80x128xf32, #tpu.memory_space<vmem>>
      %dma_start3A_513 = tpu.memref_squeeze %dma_start3A_512 : memref<1x1x80x128xf32, #tpu.memory_space<vmem>> -> memref<80x128xf32, #tpu.memory_space<vmem>>
      tpu.enqueue_dma source(%dma_start3A_513 : memref<80x128xf32, #tpu.memory_space<vmem>>) target(%dma_start3A_509 : memref<80x128xf32, #tpu.memory_space<hbm>>) target_semaphore(%arg10 : memref<!tpu.dma_semaphore, #tpu.memory_space<semaphore_mem>>)
      %add3A_514 = arith.constant 80 : i32
      %add3A_515 = arith.addi %add3A_197, %add3A_514 : i32
      %dma_start3A_516 = arith.constant 1 : i32
      %dma_start3A_517 = arith.constant 1 : i32
      %dma_start3A_518 = arith.constant 1 : i32
      %dma_start3A_519 = arith.constant 0 : i32
      %dma_start3A_520 = arith.constant 0 : i32
      %dma_start3A_521 = tpu.memref_slice %arg8[%dma_start3A_516, %dma_start3A_517, %dma_start3A_519, %dma_start3A_520] : memref<3x3x80x128xf32, #tpu.memory_space<vmem>> -> memref<1x1x80x128xf32, #tpu.memory_space<vmem>>
      %dma_start3A_522 = tpu.memref_squeeze %dma_start3A_521 : memref<1x1x80x128xf32, #tpu.memory_space<vmem>> -> memref<80x128xf32, #tpu.memory_space<vmem>>
      %dma_start3A_523 = arith.constant 0 : i32
      %dma_start3A_524 = tpu.memref_slice %arg6[%dma_start3A_518, %add3A_515, %dma_start3A_523] : memref<3x163840x128xf32, #tpu.memory_space<hbm>> -> memref<1x80x128xf32, #tpu.memory_space<hbm>>
      %dma_start3A_525 = tpu.memref_squeeze %dma_start3A_524 : memref<1x80x128xf32, #tpu.memory_space<hbm>> -> memref<80x128xf32, #tpu.memory_space<hbm>>
      %dma_start3A_526 = arith.constant 0 : i32
      %dma_start3A_527 = tpu.memref_slice %arg6[%dma_start3A_518, %add3A_515, %dma_start3A_526] : memref<3x163840x128xf32, #tpu.memory_space<hbm>> -> memref<1x80x128xf32, #tpu.memory_space<hbm>>
      %dma_start3A_528 = tpu.memref_squeeze %dma_start3A_527 : memref<1x80x128xf32, #tpu.memory_space<hbm>> -> memref<80x128xf32, #tpu.memory_space<hbm>>
      %dma_start3A_529 = arith.constant 0 : i32
      %dma_start3A_530 = arith.constant 0 : i32
      %dma_start3A_531 = tpu.memref_slice %arg8[%dma_start3A_516, %dma_start3A_517, %dma_start3A_529, %dma_start3A_530] : memref<3x3x80x128xf32, #tpu.memory_space<vmem>> -> memref<1x1x80x128xf32, #tpu.memory_space<vmem>>
      %dma_start3A_532 = tpu.memref_squeeze %dma_start3A_531 : memref<1x1x80x128xf32, #tpu.memory_space<vmem>> -> memref<80x128xf32, #tpu.memory_space<vmem>>
      tpu.enqueue_dma source(%dma_start3A_532 : memref<80x128xf32, #tpu.memory_space<vmem>>) target(%dma_start3A_528 : memref<80x128xf32, #tpu.memory_space<hbm>>) target_semaphore(%arg10 : memref<!tpu.dma_semaphore, #tpu.memory_space<semaphore_mem>>)
      %add3A_533 = arith.constant 80 : i32
      %add3A_534 = arith.addi %add3A_197, %add3A_533 : i32
      %dma_start3A_535 = arith.constant 1 : i32
      %dma_start3A_536 = arith.constant 2 : i32
      %dma_start3A_537 = arith.constant 2 : i32
      %dma_start3A_538 = arith.constant 0 : i32
      %dma_start3A_539 = arith.constant 0 : i32
      %dma_start3A_540 = tpu.memref_slice %arg8[%dma_start3A_535, %dma_start3A_536, %dma_start3A_538, %dma_start3A_539] : memref<3x3x80x128xf32, #tpu.memory_space<vmem>> -> memref<1x1x80x128xf32, #tpu.memory_space<vmem>>
      %dma_start3A_541 = tpu.memref_squeeze %dma_start3A_540 : memref<1x1x80x128xf32, #tpu.memory_space<vmem>> -> memref<80x128xf32, #tpu.memory_space<vmem>>
      %dma_start3A_542 = arith.constant 0 : i32
      %dma_start3A_543 = tpu.memref_slice %arg6[%dma_start3A_537, %add3A_534, %dma_start3A_542] : memref<3x163840x128xf32, #tpu.memory_space<hbm>> -> memref<1x80x128xf32, #tpu.memory_space<hbm>>
      %dma_start3A_544 = tpu.memref_squeeze %dma_start3A_543 : memref<1x80x128xf32, #tpu.memory_space<hbm>> -> memref<80x128xf32, #tpu.memory_space<hbm>>
      %dma_start3A_545 = arith.constant 0 : i32
      %dma_start3A_546 = tpu.memref_slice %arg6[%dma_start3A_537, %add3A_534, %dma_start3A_545] : memref<3x163840x128xf32, #tpu.memory_space<hbm>> -> memref<1x80x128xf32, #tpu.memory_space<hbm>>
      %dma_start3A_547 = tpu.memref_squeeze %dma_start3A_546 : memref<1x80x128xf32, #tpu.memory_space<hbm>> -> memref<80x128xf32, #tpu.memory_space<hbm>>
      %dma_start3A_548 = arith.constant 0 : i32
      %dma_start3A_549 = arith.constant 0 : i32
      %dma_start3A_550 = tpu.memref_slice %arg8[%dma_start3A_535, %dma_start3A_536, %dma_start3A_548, %dma_start3A_549] : memref<3x3x80x128xf32, #tpu.memory_space<vmem>> -> memref<1x1x80x128xf32, #tpu.memory_space<vmem>>
      %dma_start3A_551 = tpu.memref_squeeze %dma_start3A_550 : memref<1x1x80x128xf32, #tpu.memory_space<vmem>> -> memref<80x128xf32, #tpu.memory_space<vmem>>
      tpu.enqueue_dma source(%dma_start3A_551 : memref<80x128xf32, #tpu.memory_space<vmem>>) target(%dma_start3A_547 : memref<80x128xf32, #tpu.memory_space<hbm>>) target_semaphore(%arg10 : memref<!tpu.dma_semaphore, #tpu.memory_space<semaphore_mem>>)
      %dma_wait3A_552 = arith.constant 2 : i32
      %dma_wait3A_553 = arith.constant 0 : i32
      %dma_wait3A_554 = arith.constant 0 : i32
      %dma_wait3A_555 = arith.constant 0 : i32
      %dma_wait3A_556 = tpu.memref_slice %arg8[%dma_wait3A_552, %dma_wait3A_553, %dma_wait3A_554, %dma_wait3A_555] : memref<3x3x80x128xf32, #tpu.memory_space<vmem>> -> memref<1x1x80x128xf32, #tpu.memory_space<vmem>>
      %dma_wait3A_557 = tpu.memref_squeeze %dma_wait3A_556 : memref<1x1x80x128xf32, #tpu.memory_space<vmem>> -> memref<80x128xf32, #tpu.memory_space<vmem>>
      %dma_wait3A_558 = tpu.memref_slice %arg7[%add3A_327] : memref<15360xi32, #tpu.memory_space<vmem>> -> memref<80xi32, #tpu.memory_space<vmem>>
      %dma_wait3A_559 = arith.constant 0 : i32
      %dma_wait3A_560 = arith.constant 0 : i32
      %dma_wait3A_561 = tpu.memref_slice %arg2[%dma_wait3A_559, %dma_wait3A_560] : memref<10000x128xf32, #tpu.memory_space<hbm>> -> memref<10000x128xf32, #tpu.memory_space<hbm>>
      tpu.wait_indirect_dma semaphore(%arg9 : memref<!tpu.dma_semaphore, #tpu.memory_space<semaphore_mem>>) src(%dma_wait3A_561 : memref<10000x128xf32, #tpu.memory_space<hbm>>) dst(%dma_wait3A_557 : memref<80x128xf32, #tpu.memory_space<vmem>>)
      %dma_wait3A_562 = arith.constant 2 : i32
      %dma_wait3A_563 = arith.constant 1 : i32
      %dma_wait3A_564 = arith.constant 0 : i32
      %dma_wait3A_565 = arith.constant 0 : i32
      %dma_wait3A_566 = tpu.memref_slice %arg8[%dma_wait3A_562, %dma_wait3A_563, %dma_wait3A_564, %dma_wait3A_565] : memref<3x3x80x128xf32, #tpu.memory_space<vmem>> -> memref<1x1x80x128xf32, #tpu.memory_space<vmem>>
      %dma_wait3A_567 = tpu.memref_squeeze %dma_wait3A_566 : memref<1x1x80x128xf32, #tpu.memory_space<vmem>> -> memref<80x128xf32, #tpu.memory_space<vmem>>
      %dma_wait3A_568 = tpu.memref_slice %arg7[%add3A_347] : memref<15360xi32, #tpu.memory_space<vmem>> -> memref<80xi32, #tpu.memory_space<vmem>>
      %dma_wait3A_569 = arith.constant 0 : i32
      %dma_wait3A_570 = arith.constant 0 : i32
      %dma_wait3A_571 = tpu.memref_slice %arg3[%dma_wait3A_569, %dma_wait3A_570] : memref<10001x128xf32, #tpu.memory_space<hbm>> -> memref<10001x128xf32, #tpu.memory_space<hbm>>
      tpu.wait_indirect_dma semaphore(%arg9 : memref<!tpu.dma_semaphore, #tpu.memory_space<semaphore_mem>>) src(%dma_wait3A_571 : memref<10001x128xf32, #tpu.memory_space<hbm>>) dst(%dma_wait3A_567 : memref<80x128xf32, #tpu.memory_space<vmem>>)
      %dma_wait3A_572 = arith.constant 2 : i32
      %dma_wait3A_573 = arith.constant 2 : i32
      %dma_wait3A_574 = arith.constant 0 : i32
      %dma_wait3A_575 = arith.constant 0 : i32
      %dma_wait3A_576 = tpu.memref_slice %arg8[%dma_wait3A_572, %dma_wait3A_573, %dma_wait3A_574, %dma_wait3A_575] : memref<3x3x80x128xf32, #tpu.memory_space<vmem>> -> memref<1x1x80x128xf32, #tpu.memory_space<vmem>>
      %dma_wait3A_577 = tpu.memref_squeeze %dma_wait3A_576 : memref<1x1x80x128xf32, #tpu.memory_space<vmem>> -> memref<80x128xf32, #tpu.memory_space<vmem>>
      %dma_wait3A_578 = tpu.memref_slice %arg7[%add3A_367] : memref<15360xi32, #tpu.memory_space<vmem>> -> memref<80xi32, #tpu.memory_space<vmem>>
      %dma_wait3A_579 = arith.constant 0 : i32
      %dma_wait3A_580 = arith.constant 0 : i32
      %dma_wait3A_581 = tpu.memref_slice %arg4[%dma_wait3A_579, %dma_wait3A_580] : memref<10000x128xf32, #tpu.memory_space<hbm>> -> memref<10000x128xf32, #tpu.memory_space<hbm>>
      tpu.wait_indirect_dma semaphore(%arg9 : memref<!tpu.dma_semaphore, #tpu.memory_space<semaphore_mem>>) src(%dma_wait3A_581 : memref<10000x128xf32, #tpu.memory_space<hbm>>) dst(%dma_wait3A_577 : memref<80x128xf32, #tpu.memory_space<vmem>>)
      %add3A_582 = arith.constant 160 : i32
      %add3A_583 = arith.addi %add3A_197, %add3A_582 : i32
      %dma_start3A_584 = arith.constant 2 : i32
      %dma_start3A_585 = arith.constant 0 : i32
      %dma_start3A_586 = arith.constant 0 : i32
      %dma_start3A_587 = arith.constant 0 : i32
      %dma_start3A_588 = arith.constant 0 : i32
      %dma_start3A_589 = tpu.memref_slice %arg8[%dma_start3A_584, %dma_start3A_585, %dma_start3A_587, %dma_start3A_588] : memref<3x3x80x128xf32, #tpu.memory_space<vmem>> -> memref<1x1x80x128xf32, #tpu.memory_space<vmem>>
      %dma_start3A_590 = tpu.memref_squeeze %dma_start3A_589 : memref<1x1x80x128xf32, #tpu.memory_space<vmem>> -> memref<80x128xf32, #tpu.memory_space<vmem>>
      %dma_start3A_591 = arith.constant 0 : i32
      %dma_start3A_592 = tpu.memref_slice %arg6[%dma_start3A_586, %add3A_583, %dma_start3A_591] : memref<3x163840x128xf32, #tpu.memory_space<hbm>> -> memref<1x80x128xf32, #tpu.memory_space<hbm>>
      %dma_start3A_593 = tpu.memref_squeeze %dma_start3A_592 : memref<1x80x128xf32, #tpu.memory_space<hbm>> -> memref<80x128xf32, #tpu.memory_space<hbm>>
      %dma_start3A_594 = arith.constant 0 : i32
      %dma_start3A_595 = tpu.memref_slice %arg6[%dma_start3A_586, %add3A_583, %dma_start3A_594] : memref<3x163840x128xf32, #tpu.memory_space<hbm>> -> memref<1x80x128xf32, #tpu.memory_space<hbm>>
      %dma_start3A_596 = tpu.memref_squeeze %dma_start3A_595 : memref<1x80x128xf32, #tpu.memory_space<hbm>> -> memref<80x128xf32, #tpu.memory_space<hbm>>
      %dma_start3A_597 = arith.constant 0 : i32
      %dma_start3A_598 = arith.constant 0 : i32
      %dma_start3A_599 = tpu.memref_slice %arg8[%dma_start3A_584, %dma_start3A_585, %dma_start3A_597, %dma_start3A_598] : memref<3x3x80x128xf32, #tpu.memory_space<vmem>> -> memref<1x1x80x128xf32, #tpu.memory_space<vmem>>
      %dma_start3A_600 = tpu.memref_squeeze %dma_start3A_599 : memref<1x1x80x128xf32, #tpu.memory_space<vmem>> -> memref<80x128xf32, #tpu.memory_space<vmem>>
      tpu.enqueue_dma source(%dma_start3A_600 : memref<80x128xf32, #tpu.memory_space<vmem>>) target(%dma_start3A_596 : memref<80x128xf32, #tpu.memory_space<hbm>>) target_semaphore(%arg10 : memref<!tpu.dma_semaphore, #tpu.memory_space<semaphore_mem>>)
      %add3A_601 = arith.constant 160 : i32
      %add3A_602 = arith.addi %add3A_197, %add3A_601 : i32
      %dma_start3A_603 = arith.constant 2 : i32
      %dma_start3A_604 = arith.constant 1 : i32
      %dma_start3A_605 = arith.constant 1 : i32
      %dma_start3A_606 = arith.constant 0 : i32
      %dma_start3A_607 = arith.constant 0 : i32
      %dma_start3A_608 = tpu.memref_slice %arg8[%dma_start3A_603, %dma_start3A_604, %dma_start3A_606, %dma_start3A_607] : memref<3x3x80x128xf32, #tpu.memory_space<vmem>> -> memref<1x1x80x128xf32, #tpu.memory_space<vmem>>
      %dma_start3A_609 = tpu.memref_squeeze %dma_start3A_608 : memref<1x1x80x128xf32, #tpu.memory_space<vmem>> -> memref<80x128xf32, #tpu.memory_space<vmem>>
      %dma_start3A_610 = arith.constant 0 : i32
      %dma_start3A_611 = tpu.memref_slice %arg6[%dma_start3A_605, %add3A_602, %dma_start3A_610] : memref<3x163840x128xf32, #tpu.memory_space<hbm>> -> memref<1x80x128xf32, #tpu.memory_space<hbm>>
      %dma_start3A_612 = tpu.memref_squeeze %dma_start3A_611 : memref<1x80x128xf32, #tpu.memory_space<hbm>> -> memref<80x128xf32, #tpu.memory_space<hbm>>
      %dma_start3A_613 = arith.constant 0 : i32
      %dma_start3A_614 = tpu.memref_slice %arg6[%dma_start3A_605, %add3A_602, %dma_start3A_613] : memref<3x163840x128xf32, #tpu.memory_space<hbm>> -> memref<1x80x128xf32, #tpu.memory_space<hbm>>
      %dma_start3A_615 = tpu.memref_squeeze %dma_start3A_614 : memref<1x80x128xf32, #tpu.memory_space<hbm>> -> memref<80x128xf32, #tpu.memory_space<hbm>>
      %dma_start3A_616 = arith.constant 0 : i32
      %dma_start3A_617 = arith.constant 0 : i32
      %dma_start3A_618 = tpu.memref_slice %arg8[%dma_start3A_603, %dma_start3A_604, %dma_start3A_616, %dma_start3A_617] : memref<3x3x80x128xf32, #tpu.memory_space<vmem>> -> memref<1x1x80x128xf32, #tpu.memory_space<vmem>>
      %dma_start3A_619 = tpu.memref_squeeze %dma_start3A_618 : memref<1x1x80x128xf32, #tpu.memory_space<vmem>> -> memref<80x128xf32, #tpu.memory_space<vmem>>
      tpu.enqueue_dma source(%dma_start3A_619 : memref<80x128xf32, #tpu.memory_space<vmem>>) target(%dma_start3A_615 : memref<80x128xf32, #tpu.memory_space<hbm>>) target_semaphore(%arg10 : memref<!tpu.dma_semaphore, #tpu.memory_space<semaphore_mem>>)
      %add3A_620 = arith.constant 160 : i32
      %add3A_621 = arith.addi %add3A_197, %add3A_620 : i32
      %dma_start3A_622 = arith.constant 2 : i32
      %dma_start3A_623 = arith.constant 2 : i32
      %dma_start3A_624 = arith.constant 2 : i32
      %dma_start3A_625 = arith.constant 0 : i32
      %dma_start3A_626 = arith.constant 0 : i32
      %dma_start3A_627 = tpu.memref_slice %arg8[%dma_start3A_622, %dma_start3A_623, %dma_start3A_625, %dma_start3A_626] : memref<3x3x80x128xf32, #tpu.memory_space<vmem>> -> memref<1x1x80x128xf32, #tpu.memory_space<vmem>>
      %dma_start3A_628 = tpu.memref_squeeze %dma_start3A_627 : memref<1x1x80x128xf32, #tpu.memory_space<vmem>> -> memref<80x128xf32, #tpu.memory_space<vmem>>
      %dma_start3A_629 = arith.constant 0 : i32
      %dma_start3A_630 = tpu.memref_slice %arg6[%dma_start3A_624, %add3A_621, %dma_start3A_629] : memref<3x163840x128xf32, #tpu.memory_space<hbm>> -> memref<1x80x128xf32, #tpu.memory_space<hbm>>
      %dma_start3A_631 = tpu.memref_squeeze %dma_start3A_630 : memref<1x80x128xf32, #tpu.memory_space<hbm>> -> memref<80x128xf32, #tpu.memory_space<hbm>>
      %dma_start3A_632 = arith.constant 0 : i32
      %dma_start3A_633 = tpu.memref_slice %arg6[%dma_start3A_624, %add3A_621, %dma_start3A_632] : memref<3x163840x128xf32, #tpu.memory_space<hbm>> -> memref<1x80x128xf32, #tpu.memory_space<hbm>>
      %dma_start3A_634 = tpu.memref_squeeze %dma_start3A_633 : memref<1x80x128xf32, #tpu.memory_space<hbm>> -> memref<80x128xf32, #tpu.memory_space<hbm>>
      %dma_start3A_635 = arith.constant 0 : i32
      %dma_start3A_636 = arith.constant 0 : i32
      %dma_start3A_637 = tpu.memref_slice %arg8[%dma_start3A_622, %dma_start3A_623, %dma_start3A_635, %dma_start3A_636] : memref<3x3x80x128xf32, #tpu.memory_space<vmem>> -> memref<1x1x80x128xf32, #tpu.memory_space<vmem>>
      %dma_start3A_638 = tpu.memref_squeeze %dma_start3A_637 : memref<1x1x80x128xf32, #tpu.memory_space<vmem>> -> memref<80x128xf32, #tpu.memory_space<vmem>>
      tpu.enqueue_dma source(%dma_start3A_638 : memref<80x128xf32, #tpu.memory_space<vmem>>) target(%dma_start3A_634 : memref<80x128xf32, #tpu.memory_space<hbm>>) target_semaphore(%arg10 : memref<!tpu.dma_semaphore, #tpu.memory_space<semaphore_mem>>)
      %dma_wait3A_639 = arith.constant 0 : i32
      %dma_wait3A_640 = arith.constant 0 : i32
      %dma_wait3A_641 = arith.constant 0 : i32
      %dma_wait3A_642 = arith.constant 0 : i32
      %dma_wait3A_643 = arith.constant 0 : i32
      %dma_wait3A_644 = tpu.memref_slice %arg8[%dma_wait3A_639, %dma_wait3A_640, %dma_wait3A_642, %dma_wait3A_643] : memref<3x3x80x128xf32, #tpu.memory_space<vmem>> -> memref<1x1x80x128xf32, #tpu.memory_space<vmem>>
      %dma_wait3A_645 = tpu.memref_squeeze %dma_wait3A_644 : memref<1x1x80x128xf32, #tpu.memory_space<vmem>> -> memref<80x128xf32, #tpu.memory_space<vmem>>
      %dma_wait3A_646 = arith.constant 0 : i32
      %dma_wait3A_647 = tpu.memref_slice %arg6[%dma_wait3A_641, %add3A_409, %dma_wait3A_646] : memref<3x163840x128xf32, #tpu.memory_space<hbm>> -> memref<1x80x128xf32, #tpu.memory_space<hbm>>
      %dma_wait3A_648 = tpu.memref_squeeze %dma_wait3A_647 : memref<1x80x128xf32, #tpu.memory_space<hbm>> -> memref<80x128xf32, #tpu.memory_space<hbm>>
      %dma_wait3A_649 = arith.constant 0 : i32
      %dma_wait3A_650 = tpu.memref_slice %arg6[%dma_wait3A_641, %add3A_409, %dma_wait3A_649] : memref<3x163840x128xf32, #tpu.memory_space<hbm>> -> memref<1x80x128xf32, #tpu.memory_space<hbm>>
      %dma_wait3A_651 = tpu.memref_squeeze %dma_wait3A_650 : memref<1x80x128xf32, #tpu.memory_space<hbm>> -> memref<80x128xf32, #tpu.memory_space<hbm>>
      %dma_wait3A_652 = arith.constant 0 : i32
      %dma_wait3A_653 = arith.constant 0 : i32
      %dma_wait3A_654 = tpu.memref_slice %arg8[%dma_wait3A_639, %dma_wait3A_640, %dma_wait3A_652, %dma_wait3A_653] : memref<3x3x80x128xf32, #tpu.memory_space<vmem>> -> memref<1x1x80x128xf32, #tpu.memory_space<vmem>>
      %dma_wait3A_655 = tpu.memref_squeeze %dma_wait3A_654 : memref<1x1x80x128xf32, #tpu.memory_space<vmem>> -> memref<80x128xf32, #tpu.memory_space<vmem>>
      tpu.wait_dma2 semaphore(%arg10 : memref<!tpu.dma_semaphore, #tpu.memory_space<semaphore_mem>>) src(%dma_wait3A_655 : memref<80x128xf32, #tpu.memory_space<vmem>>) dst(%dma_wait3A_651 : memref<80x128xf32, #tpu.memory_space<hbm>>)
      %dma_wait3A_656 = arith.constant 0 : i32
      %dma_wait3A_657 = arith.constant 1 : i32
      %dma_wait3A_658 = arith.constant 1 : i32
      %dma_wait3A_659 = arith.constant 0 : i32
      %dma_wait3A_660 = arith.constant 0 : i32
      %dma_wait3A_661 = tpu.memref_slice %arg8[%dma_wait3A_656, %dma_wait3A_657, %dma_wait3A_659, %dma_wait3A_660] : memref<3x3x80x128xf32, #tpu.memory_space<vmem>> -> memref<1x1x80x128xf32, #tpu.memory_space<vmem>>
      %dma_wait3A_662 = tpu.memref_squeeze %dma_wait3A_661 : memref<1x1x80x128xf32, #tpu.memory_space<vmem>> -> memref<80x128xf32, #tpu.memory_space<vmem>>
      %dma_wait3A_663 = arith.constant 0 : i32
      %dma_wait3A_664 = tpu.memref_slice %arg6[%dma_wait3A_658, %add3A_428, %dma_wait3A_663] : memref<3x163840x128xf32, #tpu.memory_space<hbm>> -> memref<1x80x128xf32, #tpu.memory_space<hbm>>
      %dma_wait3A_665 = tpu.memref_squeeze %dma_wait3A_664 : memref<1x80x128xf32, #tpu.memory_space<hbm>> -> memref<80x128xf32, #tpu.memory_space<hbm>>
      %dma_wait3A_666 = arith.constant 0 : i32
      %dma_wait3A_667 = tpu.memref_slice %arg6[%dma_wait3A_658, %add3A_428, %dma_wait3A_666] : memref<3x163840x128xf32, #tpu.memory_space<hbm>> -> memref<1x80x128xf32, #tpu.memory_space<hbm>>
      %dma_wait3A_668 = tpu.memref_squeeze %dma_wait3A_667 : memref<1x80x128xf32, #tpu.memory_space<hbm>> -> memref<80x128xf32, #tpu.memory_space<hbm>>
      %dma_wait3A_669 = arith.constant 0 : i32
      %dma_wait3A_670 = arith.constant 0 : i32
      %dma_wait3A_671 = tpu.memref_slice %arg8[%dma_wait3A_656, %dma_wait3A_657, %dma_wait3A_669, %dma_wait3A_670] : memref<3x3x80x128xf32, #tpu.memory_space<vmem>> -> memref<1x1x80x128xf32, #tpu.memory_space<vmem>>
      %dma_wait3A_672 = tpu.memref_squeeze %dma_wait3A_671 : memref<1x1x80x128xf32, #tpu.memory_space<vmem>> -> memref<80x128xf32, #tpu.memory_space<vmem>>
      tpu.wait_dma2 semaphore(%arg10 : memref<!tpu.dma_semaphore, #tpu.memory_space<semaphore_mem>>) src(%dma_wait3A_672 : memref<80x128xf32, #tpu.memory_space<vmem>>) dst(%dma_wait3A_668 : memref<80x128xf32, #tpu.memory_space<hbm>>)
      %dma_wait3A_673 = arith.constant 0 : i32
      %dma_wait3A_674 = arith.constant 2 : i32
      %dma_wait3A_675 = arith.constant 2 : i32
      %dma_wait3A_676 = arith.constant 0 : i32
      %dma_wait3A_677 = arith.constant 0 : i32
      %dma_wait3A_678 = tpu.memref_slice %arg8[%dma_wait3A_673, %dma_wait3A_674, %dma_wait3A_676, %dma_wait3A_677] : memref<3x3x80x128xf32, #tpu.memory_space<vmem>> -> memref<1x1x80x128xf32, #tpu.memory_space<vmem>>
      %dma_wait3A_679 = tpu.memref_squeeze %dma_wait3A_678 : memref<1x1x80x128xf32, #tpu.memory_space<vmem>> -> memref<80x128xf32, #tpu.memory_space<vmem>>
      %dma_wait3A_680 = arith.constant 0 : i32
      %dma_wait3A_681 = tpu.memref_slice %arg6[%dma_wait3A_675, %add3A_447, %dma_wait3A_680] : memref<3x163840x128xf32, #tpu.memory_space<hbm>> -> memref<1x80x128xf32, #tpu.memory_space<hbm>>
      %dma_wait3A_682 = tpu.memref_squeeze %dma_wait3A_681 : memref<1x80x128xf32, #tpu.memory_space<hbm>> -> memref<80x128xf32, #tpu.memory_space<hbm>>
      %dma_wait3A_683 = arith.constant 0 : i32
      %dma_wait3A_684 = tpu.memref_slice %arg6[%dma_wait3A_675, %add3A_447, %dma_wait3A_683] : memref<3x163840x128xf32, #tpu.memory_space<hbm>> -> memref<1x80x128xf32, #tpu.memory_space<hbm>>
      %dma_wait3A_685 = tpu.memref_squeeze %dma_wait3A_684 : memref<1x80x128xf32, #tpu.memory_space<hbm>> -> memref<80x128xf32, #tpu.memory_space<hbm>>
      %dma_wait3A_686 = arith.constant 0 : i32
      %dma_wait3A_687 = arith.constant 0 : i32
      %dma_wait3A_688 = tpu.memref_slice %arg8[%dma_wait3A_673, %dma_wait3A_674, %dma_wait3A_686, %dma_wait3A_687] : memref<3x3x80x128xf32, #tpu.memory_space<vmem>> -> memref<1x1x80x128xf32, #tpu.memory_space<vmem>>
      %dma_wait3A_689 = tpu.memref_squeeze %dma_wait3A_688 : memref<1x1x80x128xf32, #tpu.memory_space<vmem>> -> memref<80x128xf32, #tpu.memory_space<vmem>>
      tpu.wait_dma2 semaphore(%arg10 : memref<!tpu.dma_semaphore, #tpu.memory_space<semaphore_mem>>) src(%dma_wait3A_689 : memref<80x128xf32, #tpu.memory_space<vmem>>) dst(%dma_wait3A_685 : memref<80x128xf32, #tpu.memory_space<hbm>>)
      %dma_wait3A_690 = arith.constant 1 : i32
      %dma_wait3A_691 = arith.constant 0 : i32
      %dma_wait3A_692 = arith.constant 0 : i32
      %dma_wait3A_693 = arith.constant 0 : i32
      %dma_wait3A_694 = arith.constant 0 : i32
      %dma_wait3A_695 = tpu.memref_slice %arg8[%dma_wait3A_690, %dma_wait3A_691, %dma_wait3A_693, %dma_wait3A_694] : memref<3x3x80x128xf32, #tpu.memory_space<vmem>> -> memref<1x1x80x128xf32, #tpu.memory_space<vmem>>
      %dma_wait3A_696 = tpu.memref_squeeze %dma_wait3A_695 : memref<1x1x80x128xf32, #tpu.memory_space<vmem>> -> memref<80x128xf32, #tpu.memory_space<vmem>>
      %dma_wait3A_697 = arith.constant 0 : i32
      %dma_wait3A_698 = tpu.memref_slice %arg6[%dma_wait3A_692, %add3A_496, %dma_wait3A_697] : memref<3x163840x128xf32, #tpu.memory_space<hbm>> -> memref<1x80x128xf32, #tpu.memory_space<hbm>>
      %dma_wait3A_699 = tpu.memref_squeeze %dma_wait3A_698 : memref<1x80x128xf32, #tpu.memory_space<hbm>> -> memref<80x128xf32, #tpu.memory_space<hbm>>
      %dma_wait3A_700 = arith.constant 0 : i32
      %dma_wait3A_701 = tpu.memref_slice %arg6[%dma_wait3A_692, %add3A_496, %dma_wait3A_700] : memref<3x163840x128xf32, #tpu.memory_space<hbm>> -> memref<1x80x128xf32, #tpu.memory_space<hbm>>
      %dma_wait3A_702 = tpu.memref_squeeze %dma_wait3A_701 : memref<1x80x128xf32, #tpu.memory_space<hbm>> -> memref<80x128xf32, #tpu.memory_space<hbm>>
      %dma_wait3A_703 = arith.constant 0 : i32
      %dma_wait3A_704 = arith.constant 0 : i32
      %dma_wait3A_705 = tpu.memref_slice %arg8[%dma_wait3A_690, %dma_wait3A_691, %dma_wait3A_703, %dma_wait3A_704] : memref<3x3x80x128xf32, #tpu.memory_space<vmem>> -> memref<1x1x80x128xf32, #tpu.memory_space<vmem>>
      %dma_wait3A_706 = tpu.memref_squeeze %dma_wait3A_705 : memref<1x1x80x128xf32, #tpu.memory_space<vmem>> -> memref<80x128xf32, #tpu.memory_space<vmem>>
      tpu.wait_dma2 semaphore(%arg10 : memref<!tpu.dma_semaphore, #tpu.memory_space<semaphore_mem>>) src(%dma_wait3A_706 : memref<80x128xf32, #tpu.memory_space<vmem>>) dst(%dma_wait3A_702 : memref<80x128xf32, #tpu.memory_space<hbm>>)
      %dma_wait3A_707 = arith.constant 1 : i32
      %dma_wait3A_708 = arith.constant 1 : i32
      %dma_wait3A_709 = arith.constant 1 : i32
      %dma_wait3A_710 = arith.constant 0 : i32
      %dma_wait3A_711 = arith.constant 0 : i32
      %dma_wait3A_712 = tpu.memref_slice %arg8[%dma_wait3A_707, %dma_wait3A_708, %dma_wait3A_710, %dma_wait3A_711] : memref<3x3x80x128xf32, #tpu.memory_space<vmem>> -> memref<1x1x80x128xf32, #tpu.memory_space<vmem>>
      %dma_wait3A_713 = tpu.memref_squeeze %dma_wait3A_712 : memref<1x1x80x128xf32, #tpu.memory_space<vmem>> -> memref<80x128xf32, #tpu.memory_space<vmem>>
      %dma_wait3A_714 = arith.constant 0 : i32
      %dma_wait3A_715 = tpu.memref_slice %arg6[%dma_wait3A_709, %add3A_515, %dma_wait3A_714] : memref<3x163840x128xf32, #tpu.memory_space<hbm>> -> memref<1x80x128xf32, #tpu.memory_space<hbm>>
      %dma_wait3A_716 = tpu.memref_squeeze %dma_wait3A_715 : memref<1x80x128xf32, #tpu.memory_space<hbm>> -> memref<80x128xf32, #tpu.memory_space<hbm>>
      %dma_wait3A_717 = arith.constant 0 : i32
      %dma_wait3A_718 = tpu.memref_slice %arg6[%dma_wait3A_709, %add3A_515, %dma_wait3A_717] : memref<3x163840x128xf32, #tpu.memory_space<hbm>> -> memref<1x80x128xf32, #tpu.memory_space<hbm>>
      %dma_wait3A_719 = tpu.memref_squeeze %dma_wait3A_718 : memref<1x80x128xf32, #tpu.memory_space<hbm>> -> memref<80x128xf32, #tpu.memory_space<hbm>>
      %dma_wait3A_720 = arith.constant 0 : i32
      %dma_wait3A_721 = arith.constant 0 : i32
      %dma_wait3A_722 = tpu.memref_slice %arg8[%dma_wait3A_707, %dma_wait3A_708, %dma_wait3A_720, %dma_wait3A_721] : memref<3x3x80x128xf32, #tpu.memory_space<vmem>> -> memref<1x1x80x128xf32, #tpu.memory_space<vmem>>
      %dma_wait3A_723 = tpu.memref_squeeze %dma_wait3A_722 : memref<1x1x80x128xf32, #tpu.memory_space<vmem>> -> memref<80x128xf32, #tpu.memory_space<vmem>>
      tpu.wait_dma2 semaphore(%arg10 : memref<!tpu.dma_semaphore, #tpu.memory_space<semaphore_mem>>) src(%dma_wait3A_723 : memref<80x128xf32, #tpu.memory_space<vmem>>) dst(%dma_wait3A_719 : memref<80x128xf32, #tpu.memory_space<hbm>>)
      %dma_wait3A_724 = arith.constant 1 : i32
      %dma_wait3A_725 = arith.constant 2 : i32
      %dma_wait3A_726 = arith.constant 2 : i32
      %dma_wait3A_727 = arith.constant 0 : i32
      %dma_wait3A_728 = arith.constant 0 : i32
      %dma_wait3A_729 = tpu.memref_slice %arg8[%dma_wait3A_724, %dma_wait3A_725, %dma_wait3A_727, %dma_wait3A_728] : memref<3x3x80x128xf32, #tpu.memory_space<vmem>> -> memref<1x1x80x128xf32, #tpu.memory_space<vmem>>
      %dma_wait3A_730 = tpu.memref_squeeze %dma_wait3A_729 : memref<1x1x80x128xf32, #tpu.memory_space<vmem>> -> memref<80x128xf32, #tpu.memory_space<vmem>>
      %dma_wait3A_731 = arith.constant 0 : i32
      %dma_wait3A_732 = tpu.memref_slice %arg6[%dma_wait3A_726, %add3A_534, %dma_wait3A_731] : memref<3x163840x128xf32, #tpu.memory_space<hbm>> -> memref<1x80x128xf32, #tpu.memory_space<hbm>>
      %dma_wait3A_733 = tpu.memref_squeeze %dma_wait3A_732 : memref<1x80x128xf32, #tpu.memory_space<hbm>> -> memref<80x128xf32, #tpu.memory_space<hbm>>
      %dma_wait3A_734 = arith.constant 0 : i32
      %dma_wait3A_735 = tpu.memref_slice %arg6[%dma_wait3A_726, %add3A_534, %dma_wait3A_734] : memref<3x163840x128xf32, #tpu.memory_space<hbm>> -> memref<1x80x128xf32, #tpu.memory_space<hbm>>
      %dma_wait3A_736 = tpu.memref_squeeze %dma_wait3A_735 : memref<1x80x128xf32, #tpu.memory_space<hbm>> -> memref<80x128xf32, #tpu.memory_space<hbm>>
      %dma_wait3A_737 = arith.constant 0 : i32
      %dma_wait3A_738 = arith.constant 0 : i32
      %dma_wait3A_739 = tpu.memref_slice %arg8[%dma_wait3A_724, %dma_wait3A_725, %dma_wait3A_737, %dma_wait3A_738] : memref<3x3x80x128xf32, #tpu.memory_space<vmem>> -> memref<1x1x80x128xf32, #tpu.memory_space<vmem>>
      %dma_wait3A_740 = tpu.memref_squeeze %dma_wait3A_739 : memref<1x1x80x128xf32, #tpu.memory_space<vmem>> -> memref<80x128xf32, #tpu.memory_space<vmem>>
      tpu.wait_dma2 semaphore(%arg10 : memref<!tpu.dma_semaphore, #tpu.memory_space<semaphore_mem>>) src(%dma_wait3A_740 : memref<80x128xf32, #tpu.memory_space<vmem>>) dst(%dma_wait3A_736 : memref<80x128xf32, #tpu.memory_space<hbm>>)
      %dma_wait3A_741 = arith.constant 2 : i32
      %dma_wait3A_742 = arith.constant 0 : i32
      %dma_wait3A_743 = arith.constant 0 : i32
      %dma_wait3A_744 = arith.constant 0 : i32
      %dma_wait3A_745 = arith.constant 0 : i32
      %dma_wait3A_746 = tpu.memref_slice %arg8[%dma_wait3A_741, %dma_wait3A_742, %dma_wait3A_744, %dma_wait3A_745] : memref<3x3x80x128xf32, #tpu.memory_space<vmem>> -> memref<1x1x80x128xf32, #tpu.memory_space<vmem>>
      %dma_wait3A_747 = tpu.memref_squeeze %dma_wait3A_746 : memref<1x1x80x128xf32, #tpu.memory_space<vmem>> -> memref<80x128xf32, #tpu.memory_space<vmem>>
      %dma_wait3A_748 = arith.constant 0 : i32
      %dma_wait3A_749 = tpu.memref_slice %arg6[%dma_wait3A_743, %add3A_583, %dma_wait3A_748] : memref<3x163840x128xf32, #tpu.memory_space<hbm>> -> memref<1x80x128xf32, #tpu.memory_space<hbm>>
      %dma_wait3A_750 = tpu.memref_squeeze %dma_wait3A_749 : memref<1x80x128xf32, #tpu.memory_space<hbm>> -> memref<80x128xf32, #tpu.memory_space<hbm>>
      %dma_wait3A_751 = arith.constant 0 : i32
      %dma_wait3A_752 = tpu.memref_slice %arg6[%dma_wait3A_743, %add3A_583, %dma_wait3A_751] : memref<3x163840x128xf32, #tpu.memory_space<hbm>> -> memref<1x80x128xf32, #tpu.memory_space<hbm>>
      %dma_wait3A_753 = tpu.memref_squeeze %dma_wait3A_752 : memref<1x80x128xf32, #tpu.memory_space<hbm>> -> memref<80x128xf32, #tpu.memory_space<hbm>>
      %dma_wait3A_754 = arith.constant 0 : i32
      %dma_wait3A_755 = arith.constant 0 : i32
      %dma_wait3A_756 = tpu.memref_slice %arg8[%dma_wait3A_741, %dma_wait3A_742, %dma_wait3A_754, %dma_wait3A_755] : memref<3x3x80x128xf32, #tpu.memory_space<vmem>> -> memref<1x1x80x128xf32, #tpu.memory_space<vmem>>
      %dma_wait3A_757 = tpu.memref_squeeze %dma_wait3A_756 : memref<1x1x80x128xf32, #tpu.memory_space<vmem>> -> memref<80x128xf32, #tpu.memory_space<vmem>>
      tpu.wait_dma2 semaphore(%arg10 : memref<!tpu.dma_semaphore, #tpu.memory_space<semaphore_mem>>) src(%dma_wait3A_757 : memref<80x128xf32, #tpu.memory_space<vmem>>) dst(%dma_wait3A_753 : memref<80x128xf32, #tpu.memory_space<hbm>>)
      %dma_wait3A_758 = arith.constant 2 : i32
      %dma_wait3A_759 = arith.constant 1 : i32
      %dma_wait3A_760 = arith.constant 1 : i32
      %dma_wait3A_761 = arith.constant 0 : i32
      %dma_wait3A_762 = arith.constant 0 : i32
      %dma_wait3A_763 = tpu.memref_slice %arg8[%dma_wait3A_758, %dma_wait3A_759, %dma_wait3A_761, %dma_wait3A_762] : memref<3x3x80x128xf32, #tpu.memory_space<vmem>> -> memref<1x1x80x128xf32, #tpu.memory_space<vmem>>
      %dma_wait3A_764 = tpu.memref_squeeze %dma_wait3A_763 : memref<1x1x80x128xf32, #tpu.memory_space<vmem>> -> memref<80x128xf32, #tpu.memory_space<vmem>>
      %dma_wait3A_765 = arith.constant 0 : i32
      %dma_wait3A_766 = tpu.memref_slice %arg6[%dma_wait3A_760, %add3A_602, %dma_wait3A_765] : memref<3x163840x128xf32, #tpu.memory_space<hbm>> -> memref<1x80x128xf32, #tpu.memory_space<hbm>>
      %dma_wait3A_767 = tpu.memref_squeeze %dma_wait3A_766 : memref<1x80x128xf32, #tpu.memory_space<hbm>> -> memref<80x128xf32, #tpu.memory_space<hbm>>
      %dma_wait3A_768 = arith.constant 0 : i32
      %dma_wait3A_769 = tpu.memref_slice %arg6[%dma_wait3A_760, %add3A_602, %dma_wait3A_768] : memref<3x163840x128xf32, #tpu.memory_space<hbm>> -> memref<1x80x128xf32, #tpu.memory_space<hbm>>
      %dma_wait3A_770 = tpu.memref_squeeze %dma_wait3A_769 : memref<1x80x128xf32, #tpu.memory_space<hbm>> -> memref<80x128xf32, #tpu.memory_space<hbm>>
      %dma_wait3A_771 = arith.constant 0 : i32
      %dma_wait3A_772 = arith.constant 0 : i32
      %dma_wait3A_773 = tpu.memref_slice %arg8[%dma_wait3A_758, %dma_wait3A_759, %dma_wait3A_771, %dma_wait3A_772] : memref<3x3x80x128xf32, #tpu.memory_space<vmem>> -> memref<1x1x80x128xf32, #tpu.memory_space<vmem>>
      %dma_wait3A_774 = tpu.memref_squeeze %dma_wait3A_773 : memref<1x1x80x128xf32, #tpu.memory_space<vmem>> -> memref<80x128xf32, #tpu.memory_space<vmem>>
      tpu.wait_dma2 semaphore(%arg10 : memref<!tpu.dma_semaphore, #tpu.memory_space<semaphore_mem>>) src(%dma_wait3A_774 : memref<80x128xf32, #tpu.memory_space<vmem>>) dst(%dma_wait3A_770 : memref<80x128xf32, #tpu.memory_space<hbm>>)
      %dma_wait3A_775 = arith.constant 2 : i32
      %dma_wait3A_776 = arith.constant 2 : i32
      %dma_wait3A_777 = arith.constant 2 : i32
      %dma_wait3A_778 = arith.constant 0 : i32
      %dma_wait3A_779 = arith.constant 0 : i32
      %dma_wait3A_780 = tpu.memref_slice %arg8[%dma_wait3A_775, %dma_wait3A_776, %dma_wait3A_778, %dma_wait3A_779] : memref<3x3x80x128xf32, #tpu.memory_space<vmem>> -> memref<1x1x80x128xf32, #tpu.memory_space<vmem>>
      %dma_wait3A_781 = tpu.memref_squeeze %dma_wait3A_780 : memref<1x1x80x128xf32, #tpu.memory_space<vmem>> -> memref<80x128xf32, #tpu.memory_space<vmem>>
      %dma_wait3A_782 = arith.constant 0 : i32
      %dma_wait3A_783 = tpu.memref_slice %arg6[%dma_wait3A_777, %add3A_621, %dma_wait3A_782] : memref<3x163840x128xf32, #tpu.memory_space<hbm>> -> memref<1x80x128xf32, #tpu.memory_space<hbm>>
      %dma_wait3A_784 = tpu.memref_squeeze %dma_wait3A_783 : memref<1x80x128xf32, #tpu.memory_space<hbm>> -> memref<80x128xf32, #tpu.memory_space<hbm>>
      %dma_wait3A_785 = arith.constant 0 : i32
      %dma_wait3A_786 = tpu.memref_slice %arg6[%dma_wait3A_777, %add3A_621, %dma_wait3A_785] : memref<3x163840x128xf32, #tpu.memory_space<hbm>> -> memref<1x80x128xf32, #tpu.memory_space<hbm>>
      %dma_wait3A_787 = tpu.memref_squeeze %dma_wait3A_786 : memref<1x80x128xf32, #tpu.memory_space<hbm>> -> memref<80x128xf32, #tpu.memory_space<hbm>>
      %dma_wait3A_788 = arith.constant 0 : i32
      %dma_wait3A_789 = arith.constant 0 : i32
      %dma_wait3A_790 = tpu.memref_slice %arg8[%dma_wait3A_775, %dma_wait3A_776, %dma_wait3A_788, %dma_wait3A_789] : memref<3x3x80x128xf32, #tpu.memory_space<vmem>> -> memref<1x1x80x128xf32, #tpu.memory_space<vmem>>
      %dma_wait3A_791 = tpu.memref_squeeze %dma_wait3A_790 : memref<1x1x80x128xf32, #tpu.memory_space<vmem>> -> memref<80x128xf32, #tpu.memory_space<vmem>>
      tpu.wait_dma2 semaphore(%arg10 : memref<!tpu.dma_semaphore, #tpu.memory_space<semaphore_mem>>) src(%dma_wait3A_791 : memref<80x128xf32, #tpu.memory_space<vmem>>) dst(%dma_wait3A_787 : memref<80x128xf32, #tpu.memory_space<hbm>>)
    }
    %scan3A_9 = arith.constant 21 : i32
    %scan3A_10 = arith.constant 0 : i32
    %scan3A_11 = arith.constant 63 : i32
    %mul3A_12 = arith.constant 80 : i32
    %mul3A_13 = arith.muli %scan3A_11, %mul3A_12 : i32
    %add3A_14 = arith.addi %mul3A_2, %mul3A_13 : i32
    %mul3A_15 = arith.constant 3 : i32
    %mul3A_16 = arith.muli %scan3A_11, %mul3A_15 : i32
    %mul3A_17 = arith.constant 80 : i32
    %mul3A_18 = arith.muli %mul3A_16, %mul3A_17 : i32
    %add3A_19 = arith.constant 0 : i32
    %add3A_20 = arith.addi %mul3A_18, %add3A_19 : i32
    %dma_start3A = arith.constant 0 : i32
    %dma_start3A_21 = arith.constant 0 : i32
    %dma_start3A_22 = arith.constant 0 : i32
    %dma_start3A_23 = arith.constant 0 : i32
    %dma_start3A_24 = tpu.memref_slice %arg8[%dma_start3A, %dma_start3A_21, %dma_start3A_22, %dma_start3A_23] : memref<3x3x80x128xf32, #tpu.memory_space<vmem>> -> memref<1x1x80x128xf32, #tpu.memory_space<vmem>>
    %dma_start3A_25 = tpu.memref_squeeze %dma_start3A_24 : memref<1x1x80x128xf32, #tpu.memory_space<vmem>> -> memref<80x128xf32, #tpu.memory_space<vmem>>
    %dma_start3A_26 = tpu.memref_slice %arg7[%add3A_20] : memref<15360xi32, #tpu.memory_space<vmem>> -> memref<80xi32, #tpu.memory_space<vmem>>
    %dma_start3A_27 = arith.constant 0 : i32
    %dma_start3A_28 = arith.constant 0 : i32
    %dma_start3A_29 = tpu.memref_slice %arg2[%dma_start3A_27, %dma_start3A_28] : memref<10000x128xf32, #tpu.memory_space<hbm>> -> memref<10000x128xf32, #tpu.memory_space<hbm>>
    tpu.enqueue_indirect_dma source(%dma_start3A_29 : memref<10000x128xf32, #tpu.memory_space<hbm>>) target(%dma_start3A_25 : memref<80x128xf32, #tpu.memory_space<vmem>>) offsets(%dma_start3A_26 : memref<80xi32, #tpu.memory_space<vmem>>) semaphore(%arg9 : memref<!tpu.dma_semaphore, #tpu.memory_space<semaphore_mem>>)
    %mul3A_30 = arith.constant 3 : i32
    %mul3A_31 = arith.muli %scan3A_11, %mul3A_30 : i32
    %mul3A_32 = arith.constant 80 : i32
    %mul3A_33 = arith.muli %mul3A_31, %mul3A_32 : i32
    %add3A_34 = arith.constant 80 : i32
    %add3A_35 = arith.addi %mul3A_33, %add3A_34 : i32
    %dma_start3A_36 = arith.constant 0 : i32
    %dma_start3A_37 = arith.constant 1 : i32
    %dma_start3A_38 = arith.constant 0 : i32
    %dma_start3A_39 = arith.constant 0 : i32
    %dma_start3A_40 = tpu.memref_slice %arg8[%dma_start3A_36, %dma_start3A_37, %dma_start3A_38, %dma_start3A_39] : memref<3x3x80x128xf32, #tpu.memory_space<vmem>> -> memref<1x1x80x128xf32, #tpu.memory_space<vmem>>
    %dma_start3A_41 = tpu.memref_squeeze %dma_start3A_40 : memref<1x1x80x128xf32, #tpu.memory_space<vmem>> -> memref<80x128xf32, #tpu.memory_space<vmem>>
    %dma_start3A_42 = tpu.memref_slice %arg7[%add3A_35] : memref<15360xi32, #tpu.memory_space<vmem>> -> memref<80xi32, #tpu.memory_space<vmem>>
    %dma_start3A_43 = arith.constant 0 : i32
    %dma_start3A_44 = arith.constant 0 : i32
    %dma_start3A_45 = tpu.memref_slice %arg3[%dma_start3A_43, %dma_start3A_44] : memref<10001x128xf32, #tpu.memory_space<hbm>> -> memref<10001x128xf32, #tpu.memory_space<hbm>>
    tpu.enqueue_indirect_dma source(%dma_start3A_45 : memref<10001x128xf32, #tpu.memory_space<hbm>>) target(%dma_start3A_41 : memref<80x128xf32, #tpu.memory_space<vmem>>) offsets(%dma_start3A_42 : memref<80xi32, #tpu.memory_space<vmem>>) semaphore(%arg9 : memref<!tpu.dma_semaphore, #tpu.memory_space<semaphore_mem>>)
    %mul3A_46 = arith.constant 3 : i32
    %mul3A_47 = arith.muli %scan3A_11, %mul3A_46 : i32
    %mul3A_48 = arith.constant 80 : i32
    %mul3A_49 = arith.muli %mul3A_47, %mul3A_48 : i32
    %add3A_50 = arith.constant 160 : i32
    %add3A_51 = arith.addi %mul3A_49, %add3A_50 : i32
    %dma_start3A_52 = arith.constant 0 : i32
    %dma_start3A_53 = arith.constant 2 : i32
    %dma_start3A_54 = arith.constant 0 : i32
    %dma_start3A_55 = arith.constant 0 : i32
    %dma_start3A_56 = tpu.memref_slice %arg8[%dma_start3A_52, %dma_start3A_53, %dma_start3A_54, %dma_start3A_55] : memref<3x3x80x128xf32, #tpu.memory_space<vmem>> -> memref<1x1x80x128xf32, #tpu.memory_space<vmem>>
    %dma_start3A_57 = tpu.memref_squeeze %dma_start3A_56 : memref<1x1x80x128xf32, #tpu.memory_space<vmem>> -> memref<80x128xf32, #tpu.memory_space<vmem>>
    %dma_start3A_58 = tpu.memref_slice %arg7[%add3A_51] : memref<15360xi32, #tpu.memory_space<vmem>> -> memref<80xi32, #tpu.memory_space<vmem>>
    %dma_start3A_59 = arith.constant 0 : i32
    %dma_start3A_60 = arith.constant 0 : i32
    %dma_start3A_61 = tpu.memref_slice %arg4[%dma_start3A_59, %dma_start3A_60] : memref<10000x128xf32, #tpu.memory_space<hbm>> -> memref<10000x128xf32, #tpu.memory_space<hbm>>
    tpu.enqueue_indirect_dma source(%dma_start3A_61 : memref<10000x128xf32, #tpu.memory_space<hbm>>) target(%dma_start3A_57 : memref<80x128xf32, #tpu.memory_space<vmem>>) offsets(%dma_start3A_58 : memref<80xi32, #tpu.memory_space<vmem>>) semaphore(%arg9 : memref<!tpu.dma_semaphore, #tpu.memory_space<semaphore_mem>>)
    %dma_wait3A = arith.constant 0 : i32
    %dma_wait3A_62 = arith.constant 0 : i32
    %dma_wait3A_63 = arith.constant 0 : i32
    %dma_wait3A_64 = arith.constant 0 : i32
    %dma_wait3A_65 = tpu.memref_slice %arg8[%dma_wait3A, %dma_wait3A_62, %dma_wait3A_63, %dma_wait3A_64] : memref<3x3x80x128xf32, #tpu.memory_space<vmem>> -> memref<1x1x80x128xf32, #tpu.memory_space<vmem>>
    %dma_wait3A_66 = tpu.memref_squeeze %dma_wait3A_65 : memref<1x1x80x128xf32, #tpu.memory_space<vmem>> -> memref<80x128xf32, #tpu.memory_space<vmem>>
    %dma_wait3A_67 = tpu.memref_slice %arg7[%add3A_20] : memref<15360xi32, #tpu.memory_space<vmem>> -> memref<80xi32, #tpu.memory_space<vmem>>
    %dma_wait3A_68 = arith.constant 0 : i32
    %dma_wait3A_69 = arith.constant 0 : i32
    %dma_wait3A_70 = tpu.memref_slice %arg2[%dma_wait3A_68, %dma_wait3A_69] : memref<10000x128xf32, #tpu.memory_space<hbm>> -> memref<10000x128xf32, #tpu.memory_space<hbm>>
    tpu.wait_indirect_dma semaphore(%arg9 : memref<!tpu.dma_semaphore, #tpu.memory_space<semaphore_mem>>) src(%dma_wait3A_70 : memref<10000x128xf32, #tpu.memory_space<hbm>>) dst(%dma_wait3A_66 : memref<80x128xf32, #tpu.memory_space<vmem>>)
    %dma_wait3A_71 = arith.constant 0 : i32
    %dma_wait3A_72 = arith.constant 1 : i32
    %dma_wait3A_73 = arith.constant 0 : i32
    %dma_wait3A_74 = arith.constant 0 : i32
    %dma_wait3A_75 = tpu.memref_slice %arg8[%dma_wait3A_71, %dma_wait3A_72, %dma_wait3A_73, %dma_wait3A_74] : memref<3x3x80x128xf32, #tpu.memory_space<vmem>> -> memref<1x1x80x128xf32, #tpu.memory_space<vmem>>
    %dma_wait3A_76 = tpu.memref_squeeze %dma_wait3A_75 : memref<1x1x80x128xf32, #tpu.memory_space<vmem>> -> memref<80x128xf32, #tpu.memory_space<vmem>>
    %dma_wait3A_77 = tpu.memref_slice %arg7[%add3A_35] : memref<15360xi32, #tpu.memory_space<vmem>> -> memref<80xi32, #tpu.memory_space<vmem>>
    %dma_wait3A_78 = arith.constant 0 : i32
    %dma_wait3A_79 = arith.constant 0 : i32
    %dma_wait3A_80 = tpu.memref_slice %arg3[%dma_wait3A_78, %dma_wait3A_79] : memref<10001x128xf32, #tpu.memory_space<hbm>> -> memref<10001x128xf32, #tpu.memory_space<hbm>>
    tpu.wait_indirect_dma semaphore(%arg9 : memref<!tpu.dma_semaphore, #tpu.memory_space<semaphore_mem>>) src(%dma_wait3A_80 : memref<10001x128xf32, #tpu.memory_space<hbm>>) dst(%dma_wait3A_76 : memref<80x128xf32, #tpu.memory_space<vmem>>)
    %dma_wait3A_81 = arith.constant 0 : i32
    %dma_wait3A_82 = arith.constant 2 : i32
    %dma_wait3A_83 = arith.constant 0 : i32
    %dma_wait3A_84 = arith.constant 0 : i32
    %dma_wait3A_85 = tpu.memref_slice %arg8[%dma_wait3A_81, %dma_wait3A_82, %dma_wait3A_83, %dma_wait3A_84] : memref<3x3x80x128xf32, #tpu.memory_space<vmem>> -> memref<1x1x80x128xf32, #tpu.memory_space<vmem>>
    %dma_wait3A_86 = tpu.memref_squeeze %dma_wait3A_85 : memref<1x1x80x128xf32, #tpu.memory_space<vmem>> -> memref<80x128xf32, #tpu.memory_space<vmem>>
    %dma_wait3A_87 = tpu.memref_slice %arg7[%add3A_51] : memref<15360xi32, #tpu.memory_space<vmem>> -> memref<80xi32, #tpu.memory_space<vmem>>
    %dma_wait3A_88 = arith.constant 0 : i32
    %dma_wait3A_89 = arith.constant 0 : i32
    %dma_wait3A_90 = tpu.memref_slice %arg4[%dma_wait3A_88, %dma_wait3A_89] : memref<10000x128xf32, #tpu.memory_space<hbm>> -> memref<10000x128xf32, #tpu.memory_space<hbm>>
    tpu.wait_indirect_dma semaphore(%arg9 : memref<!tpu.dma_semaphore, #tpu.memory_space<semaphore_mem>>) src(%dma_wait3A_90 : memref<10000x128xf32, #tpu.memory_space<hbm>>) dst(%dma_wait3A_86 : memref<80x128xf32, #tpu.memory_space<vmem>>)
    %dma_start3A_91 = arith.constant 0 : i32
    %dma_start3A_92 = arith.constant 0 : i32
    %dma_start3A_93 = arith.constant 0 : i32
    %dma_start3A_94 = arith.constant 0 : i32
    %dma_start3A_95 = arith.constant 0 : i32
    %dma_start3A_96 = tpu.memref_slice %arg8[%dma_start3A_91, %dma_start3A_92, %dma_start3A_94, %dma_start3A_95] : memref<3x3x80x128xf32, #tpu.memory_space<vmem>> -> memref<1x1x80x128xf32, #tpu.memory_space<vmem>>
    %dma_start3A_97 = tpu.memref_squeeze %dma_start3A_96 : memref<1x1x80x128xf32, #tpu.memory_space<vmem>> -> memref<80x128xf32, #tpu.memory_space<vmem>>
    %dma_start3A_98 = arith.constant 0 : i32
    %dma_start3A_99 = tpu.memref_slice %arg6[%dma_start3A_93, %add3A_14, %dma_start3A_98] : memref<3x163840x128xf32, #tpu.memory_space<hbm>> -> memref<1x80x128xf32, #tpu.memory_space<hbm>>
    %dma_start3A_100 = tpu.memref_squeeze %dma_start3A_99 : memref<1x80x128xf32, #tpu.memory_space<hbm>> -> memref<80x128xf32, #tpu.memory_space<hbm>>
    %dma_start3A_101 = arith.constant 0 : i32
    %dma_start3A_102 = tpu.memref_slice %arg6[%dma_start3A_93, %add3A_14, %dma_start3A_101] : memref<3x163840x128xf32, #tpu.memory_space<hbm>> -> memref<1x80x128xf32, #tpu.memory_space<hbm>>
    %dma_start3A_103 = tpu.memref_squeeze %dma_start3A_102 : memref<1x80x128xf32, #tpu.memory_space<hbm>> -> memref<80x128xf32, #tpu.memory_space<hbm>>
    %dma_start3A_104 = arith.constant 0 : i32
    %dma_start3A_105 = arith.constant 0 : i32
    %dma_start3A_106 = tpu.memref_slice %arg8[%dma_start3A_91, %dma_start3A_92, %dma_start3A_104, %dma_start3A_105] : memref<3x3x80x128xf32, #tpu.memory_space<vmem>> -> memref<1x1x80x128xf32, #tpu.memory_space<vmem>>
    %dma_start3A_107 = tpu.memref_squeeze %dma_start3A_106 : memref<1x1x80x128xf32, #tpu.memory_space<vmem>> -> memref<80x128xf32, #tpu.memory_space<vmem>>
    tpu.enqueue_dma source(%dma_start3A_107 : memref<80x128xf32, #tpu.memory_space<vmem>>) target(%dma_start3A_103 : memref<80x128xf32, #tpu.memory_space<hbm>>) target_semaphore(%arg10 : memref<!tpu.dma_semaphore, #tpu.memory_space<semaphore_mem>>)
    %dma_start3A_108 = arith.constant 0 : i32
    %dma_start3A_109 = arith.constant 1 : i32
    %dma_start3A_110 = arith.constant 1 : i32
    %dma_start3A_111 = arith.constant 0 : i32
    %dma_start3A_112 = arith.constant 0 : i32
    %dma_start3A_113 = tpu.memref_slice %arg8[%dma_start3A_108, %dma_start3A_109, %dma_start3A_111, %dma_start3A_112] : memref<3x3x80x128xf32, #tpu.memory_space<vmem>> -> memref<1x1x80x128xf32, #tpu.memory_space<vmem>>
    %dma_start3A_114 = tpu.memref_squeeze %dma_start3A_113 : memref<1x1x80x128xf32, #tpu.memory_space<vmem>> -> memref<80x128xf32, #tpu.memory_space<vmem>>
    %dma_start3A_115 = arith.constant 0 : i32
    %dma_start3A_116 = tpu.memref_slice %arg6[%dma_start3A_110, %add3A_14, %dma_start3A_115] : memref<3x163840x128xf32, #tpu.memory_space<hbm>> -> memref<1x80x128xf32, #tpu.memory_space<hbm>>
    %dma_start3A_117 = tpu.memref_squeeze %dma_start3A_116 : memref<1x80x128xf32, #tpu.memory_space<hbm>> -> memref<80x128xf32, #tpu.memory_space<hbm>>
    %dma_start3A_118 = arith.constant 0 : i32
    %dma_start3A_119 = tpu.memref_slice %arg6[%dma_start3A_110, %add3A_14, %dma_start3A_118] : memref<3x163840x128xf32, #tpu.memory_space<hbm>> -> memref<1x80x128xf32, #tpu.memory_space<hbm>>
    %dma_start3A_120 = tpu.memref_squeeze %dma_start3A_119 : memref<1x80x128xf32, #tpu.memory_space<hbm>> -> memref<80x128xf32, #tpu.memory_space<hbm>>
    %dma_start3A_121 = arith.constant 0 : i32
    %dma_start3A_122 = arith.constant 0 : i32
    %dma_start3A_123 = tpu.memref_slice %arg8[%dma_start3A_108, %dma_start3A_109, %dma_start3A_121, %dma_start3A_122] : memref<3x3x80x128xf32, #tpu.memory_space<vmem>> -> memref<1x1x80x128xf32, #tpu.memory_space<vmem>>
    %dma_start3A_124 = tpu.memref_squeeze %dma_start3A_123 : memref<1x1x80x128xf32, #tpu.memory_space<vmem>> -> memref<80x128xf32, #tpu.memory_space<vmem>>
    tpu.enqueue_dma source(%dma_start3A_124 : memref<80x128xf32, #tpu.memory_space<vmem>>) target(%dma_start3A_120 : memref<80x128xf32, #tpu.memory_space<hbm>>) target_semaphore(%arg10 : memref<!tpu.dma_semaphore, #tpu.memory_space<semaphore_mem>>)
    %dma_start3A_125 = arith.constant 0 : i32
    %dma_start3A_126 = arith.constant 2 : i32
    %dma_start3A_127 = arith.constant 2 : i32
    %dma_start3A_128 = arith.constant 0 : i32
    %dma_start3A_129 = arith.constant 0 : i32
    %dma_start3A_130 = tpu.memref_slice %arg8[%dma_start3A_125, %dma_start3A_126, %dma_start3A_128, %dma_start3A_129] : memref<3x3x80x128xf32, #tpu.memory_space<vmem>> -> memref<1x1x80x128xf32, #tpu.memory_space<vmem>>
    %dma_start3A_131 = tpu.memref_squeeze %dma_start3A_130 : memref<1x1x80x128xf32, #tpu.memory_space<vmem>> -> memref<80x128xf32, #tpu.memory_space<vmem>>
    %dma_start3A_132 = arith.constant 0 : i32
    %dma_start3A_133 = tpu.memref_slice %arg6[%dma_start3A_127, %add3A_14, %dma_start3A_132] : memref<3x163840x128xf32, #tpu.memory_space<hbm>> -> memref<1x80x128xf32, #tpu.memory_space<hbm>>
    %dma_start3A_134 = tpu.memref_squeeze %dma_start3A_133 : memref<1x80x128xf32, #tpu.memory_space<hbm>> -> memref<80x128xf32, #tpu.memory_space<hbm>>
    %dma_start3A_135 = arith.constant 0 : i32
    %dma_start3A_136 = tpu.memref_slice %arg6[%dma_start3A_127, %add3A_14, %dma_start3A_135] : memref<3x163840x128xf32, #tpu.memory_space<hbm>> -> memref<1x80x128xf32, #tpu.memory_space<hbm>>
    %dma_start3A_137 = tpu.memref_squeeze %dma_start3A_136 : memref<1x80x128xf32, #tpu.memory_space<hbm>> -> memref<80x128xf32, #tpu.memory_space<hbm>>
    %dma_start3A_138 = arith.constant 0 : i32
    %dma_start3A_139 = arith.constant 0 : i32
    %dma_start3A_140 = tpu.memref_slice %arg8[%dma_start3A_125, %dma_start3A_126, %dma_start3A_138, %dma_start3A_139] : memref<3x3x80x128xf32, #tpu.memory_space<vmem>> -> memref<1x1x80x128xf32, #tpu.memory_space<vmem>>
    %dma_start3A_141 = tpu.memref_squeeze %dma_start3A_140 : memref<1x1x80x128xf32, #tpu.memory_space<vmem>> -> memref<80x128xf32, #tpu.memory_space<vmem>>
    tpu.enqueue_dma source(%dma_start3A_141 : memref<80x128xf32, #tpu.memory_space<vmem>>) target(%dma_start3A_137 : memref<80x128xf32, #tpu.memory_space<hbm>>) target_semaphore(%arg10 : memref<!tpu.dma_semaphore, #tpu.memory_space<semaphore_mem>>)
    %dma_wait3A_142 = arith.constant 0 : i32
    %dma_wait3A_143 = arith.constant 0 : i32
    %dma_wait3A_144 = arith.constant 0 : i32
    %dma_wait3A_145 = arith.constant 0 : i32
    %dma_wait3A_146 = arith.constant 0 : i32
    %dma_wait3A_147 = tpu.memref_slice %arg8[%dma_wait3A_142, %dma_wait3A_143, %dma_wait3A_145, %dma_wait3A_146] : memref<3x3x80x128xf32, #tpu.memory_space<vmem>> -> memref<1x1x80x128xf32, #tpu.memory_space<vmem>>
    %dma_wait3A_148 = tpu.memref_squeeze %dma_wait3A_147 : memref<1x1x80x128xf32, #tpu.memory_space<vmem>> -> memref<80x128xf32, #tpu.memory_space<vmem>>
    %dma_wait3A_149 = arith.constant 0 : i32
    %dma_wait3A_150 = tpu.memref_slice %arg6[%dma_wait3A_144, %add3A_14, %dma_wait3A_149] : memref<3x163840x128xf32, #tpu.memory_space<hbm>> -> memref<1x80x128xf32, #tpu.memory_space<hbm>>
    %dma_wait3A_151 = tpu.memref_squeeze %dma_wait3A_150 : memref<1x80x128xf32, #tpu.memory_space<hbm>> -> memref<80x128xf32, #tpu.memory_space<hbm>>
    %dma_wait3A_152 = arith.constant 0 : i32
    %dma_wait3A_153 = tpu.memref_slice %arg6[%dma_wait3A_144, %add3A_14, %dma_wait3A_152] : memref<3x163840x128xf32, #tpu.memory_space<hbm>> -> memref<1x80x128xf32, #tpu.memory_space<hbm>>
    %dma_wait3A_154 = tpu.memref_squeeze %dma_wait3A_153 : memref<1x80x128xf32, #tpu.memory_space<hbm>> -> memref<80x128xf32, #tpu.memory_space<hbm>>
    %dma_wait3A_155 = arith.constant 0 : i32
    %dma_wait3A_156 = arith.constant 0 : i32
    %dma_wait3A_157 = tpu.memref_slice %arg8[%dma_wait3A_142, %dma_wait3A_143, %dma_wait3A_155, %dma_wait3A_156] : memref<3x3x80x128xf32, #tpu.memory_space<vmem>> -> memref<1x1x80x128xf32, #tpu.memory_space<vmem>>
    %dma_wait3A_158 = tpu.memref_squeeze %dma_wait3A_157 : memref<1x1x80x128xf32, #tpu.memory_space<vmem>> -> memref<80x128xf32, #tpu.memory_space<vmem>>
    tpu.wait_dma2 semaphore(%arg10 : memref<!tpu.dma_semaphore, #tpu.memory_space<semaphore_mem>>) src(%dma_wait3A_158 : memref<80x128xf32, #tpu.memory_space<vmem>>) dst(%dma_wait3A_154 : memref<80x128xf32, #tpu.memory_space<hbm>>)
    %dma_wait3A_159 = arith.constant 0 : i32
    %dma_wait3A_160 = arith.constant 1 : i32
    %dma_wait3A_161 = arith.constant 1 : i32
    %dma_wait3A_162 = arith.constant 0 : i32
    %dma_wait3A_163 = arith.constant 0 : i32
    %dma_wait3A_164 = tpu.memref_slice %arg8[%dma_wait3A_159, %dma_wait3A_160, %dma_wait3A_162, %dma_wait3A_163] : memref<3x3x80x128xf32, #tpu.memory_space<vmem>> -> memref<1x1x80x128xf32, #tpu.memory_space<vmem>>
    %dma_wait3A_165 = tpu.memref_squeeze %dma_wait3A_164 : memref<1x1x80x128xf32, #tpu.memory_space<vmem>> -> memref<80x128xf32, #tpu.memory_space<vmem>>
    %dma_wait3A_166 = arith.constant 0 : i32
    %dma_wait3A_167 = tpu.memref_slice %arg6[%dma_wait3A_161, %add3A_14, %dma_wait3A_166] : memref<3x163840x128xf32, #tpu.memory_space<hbm>> -> memref<1x80x128xf32, #tpu.memory_space<hbm>>
    %dma_wait3A_168 = tpu.memref_squeeze %dma_wait3A_167 : memref<1x80x128xf32, #tpu.memory_space<hbm>> -> memref<80x128xf32, #tpu.memory_space<hbm>>
    %dma_wait3A_169 = arith.constant 0 : i32
    %dma_wait3A_170 = tpu.memref_slice %arg6[%dma_wait3A_161, %add3A_14, %dma_wait3A_169] : memref<3x163840x128xf32, #tpu.memory_space<hbm>> -> memref<1x80x128xf32, #tpu.memory_space<hbm>>
    %dma_wait3A_171 = tpu.memref_squeeze %dma_wait3A_170 : memref<1x80x128xf32, #tpu.memory_space<hbm>> -> memref<80x128xf32, #tpu.memory_space<hbm>>
    %dma_wait3A_172 = arith.constant 0 : i32
    %dma_wait3A_173 = arith.constant 0 : i32
    %dma_wait3A_174 = tpu.memref_slice %arg8[%dma_wait3A_159, %dma_wait3A_160, %dma_wait3A_172, %dma_wait3A_173] : memref<3x3x80x128xf32, #tpu.memory_space<vmem>> -> memref<1x1x80x128xf32, #tpu.memory_space<vmem>>
    %dma_wait3A_175 = tpu.memref_squeeze %dma_wait3A_174 : memref<1x1x80x128xf32, #tpu.memory_space<vmem>> -> memref<80x128xf32, #tpu.memory_space<vmem>>
    tpu.wait_dma2 semaphore(%arg10 : memref<!tpu.dma_semaphore, #tpu.memory_space<semaphore_mem>>) src(%dma_wait3A_175 : memref<80x128xf32, #tpu.memory_space<vmem>>) dst(%dma_wait3A_171 : memref<80x128xf32, #tpu.memory_space<hbm>>)
    %dma_wait3A_176 = arith.constant 0 : i32
    %dma_wait3A_177 = arith.constant 2 : i32
    %dma_wait3A_178 = arith.constant 2 : i32
    %dma_wait3A_179 = arith.constant 0 : i32
    %dma_wait3A_180 = arith.constant 0 : i32
    %dma_wait3A_181 = tpu.memref_slice %arg8[%dma_wait3A_176, %dma_wait3A_177, %dma_wait3A_179, %dma_wait3A_180] : memref<3x3x80x128xf32, #tpu.memory_space<vmem>> -> memref<1x1x80x128xf32, #tpu.memory_space<vmem>>
    %dma_wait3A_182 = tpu.memref_squeeze %dma_wait3A_181 : memref<1x1x80x128xf32, #tpu.memory_space<vmem>> -> memref<80x128xf32, #tpu.memory_space<vmem>>
    %dma_wait3A_183 = arith.constant 0 : i32
    %dma_wait3A_184 = tpu.memref_slice %arg6[%dma_wait3A_178, %add3A_14, %dma_wait3A_183] : memref<3x163840x128xf32, #tpu.memory_space<hbm>> -> memref<1x80x128xf32, #tpu.memory_space<hbm>>
    %dma_wait3A_185 = tpu.memref_squeeze %dma_wait3A_184 : memref<1x80x128xf32, #tpu.memory_space<hbm>> -> memref<80x128xf32, #tpu.memory_space<hbm>>
    %dma_wait3A_186 = arith.constant 0 : i32
    %dma_wait3A_187 = tpu.memref_slice %arg6[%dma_wait3A_178, %add3A_14, %dma_wait3A_186] : memref<3x163840x128xf32, #tpu.memory_space<hbm>> -> memref<1x80x128xf32, #tpu.memory_space<hbm>>
    %dma_wait3A_188 = tpu.memref_squeeze %dma_wait3A_187 : memref<1x80x128xf32, #tpu.memory_space<hbm>> -> memref<80x128xf32, #tpu.memory_space<hbm>>
    %dma_wait3A_189 = arith.constant 0 : i32
    %dma_wait3A_190 = arith.constant 0 : i32
    %dma_wait3A_191 = tpu.memref_slice %arg8[%dma_wait3A_176, %dma_wait3A_177, %dma_wait3A_189, %dma_wait3A_190] : memref<3x3x80x128xf32, #tpu.memory_space<vmem>> -> memref<1x1x80x128xf32, #tpu.memory_space<vmem>>
    %dma_wait3A_192 = tpu.memref_squeeze %dma_wait3A_191 : memref<1x1x80x128xf32, #tpu.memory_space<vmem>> -> memref<80x128xf32, #tpu.memory_space<vmem>>
    tpu.wait_dma2 semaphore(%arg10 : memref<!tpu.dma_semaphore, #tpu.memory_space<semaphore_mem>>) src(%dma_wait3A_192 : memref<80x128xf32, #tpu.memory_space<vmem>>) dst(%dma_wait3A_188 : memref<80x128xf32, #tpu.memory_space<hbm>>)
    %scan3A_193 = arith.constant 1 : i32
    return
  }
}

module attributes {stable_mosaic.version = 14 : i64} {
  func.func @_dense_body(%arg0: i32, %arg1: memref<3x4096x128xf32, #tpu.memory_space<vmem>>, %arg2: memref<128x5xf32, #tpu.memory_space<vmem>>, %arg3: memref<1x5xf32, #tpu.memory_space<vmem>>, %arg4: memref<128x5xf32, #tpu.memory_space<vmem>>, %arg5: memref<128x5xf32, #tpu.memory_space<vmem>>, %arg6: memref<128x5xf32, #tpu.memory_space<vmem>>, %arg7: memref<5x1xf32, #tpu.memory_space<vmem>>, %arg8: memref<1x1xf32, #tpu.memory_space<vmem>>, %arg9: memref<4096x1xf32, #tpu.memory_space<vmem>>, %arg10: memref<4096x128xf32, #tpu.memory_space<vmem>>) attributes {dimension_semantics = [#tpu.dimension_semantics<arbitrary>], iteration_bounds = array<i64: 39>, scalar_prefetch = 0 : i64, scratch_operands = 0 : i64, tpu.core_type = #tpu.core_type<tc>, window_params = [{transform_indices = @transform_0, window_bounds = array<i64: 3, 4096, 128>}, {pipeline_mode = #tpu.pipeline_mode<synchronous>, transform_indices = @transform_1, window_bounds = array<i64: 128, 5>}, {pipeline_mode = #tpu.pipeline_mode<synchronous>, transform_indices = @transform_2, window_bounds = array<i64: 1, 5>}, {pipeline_mode = #tpu.pipeline_mode<synchronous>, transform_indices = @transform_3, window_bounds = array<i64: 128, 5>}, {pipeline_mode = #tpu.pipeline_mode<synchronous>, transform_indices = @transform_4, window_bounds = array<i64: 128, 5>}, {pipeline_mode = #tpu.pipeline_mode<synchronous>, transform_indices = @transform_5, window_bounds = array<i64: 128, 5>}, {pipeline_mode = #tpu.pipeline_mode<synchronous>, transform_indices = @transform_6, window_bounds = array<i64: 5, 1>}, {pipeline_mode = #tpu.pipeline_mode<synchronous>, transform_indices = @transform_7, window_bounds = array<i64: 1, 1>}, {transform_indices = @transform_8, window_bounds = array<i64: 4096, 1>}, {transform_indices = @transform_9, window_bounds = array<i64: 4096, 128>}]} {
    %get3A = arith.constant 0 : index
    %get3A_0 = arith.constant 0 : index
    %get3A_1 = arith.constant 0 : index
    %get3A_2 = vector.load %arg1[%get3A, %get3A_0, %get3A_1] : memref<3x4096x128xf32, #tpu.memory_space<vmem>>, vector<1x4096x128xf32>
    %get3A_3 = vector.shape_cast %get3A_2 : vector<1x4096x128xf32> to vector<4096x128xf32>
    %get3A_4 = arith.constant 1 : index
    %get3A_5 = arith.constant 0 : index
    %get3A_6 = arith.constant 0 : index
    %get3A_7 = vector.load %arg1[%get3A_4, %get3A_5, %get3A_6] : memref<3x4096x128xf32, #tpu.memory_space<vmem>>, vector<1x4096x128xf32>
    %get3A_8 = vector.shape_cast %get3A_7 : vector<1x4096x128xf32> to vector<4096x128xf32>
    %get3A_9 = arith.constant 2 : index
    %get3A_10 = arith.constant 0 : index
    %get3A_11 = arith.constant 0 : index
    %get3A_12 = vector.load %arg1[%get3A_9, %get3A_10, %get3A_11] : memref<3x4096x128xf32, #tpu.memory_space<vmem>>, vector<1x4096x128xf32>
    %get3A_13 = vector.shape_cast %get3A_12 : vector<1x4096x128xf32> to vector<4096x128xf32>
    %get3A_14 = arith.constant 0 : index
    %get3A_15 = arith.constant 0 : index
    %get3A_16 = vector.load %arg2[%get3A_14, %get3A_15] : memref<128x5xf32, #tpu.memory_space<vmem>>, vector<128x5xf32>
    %dot_general3A = arith.constant dense<0.000000e+00> : vector<4096x5xf32>
    %dot_general3A_17 = tpu.matmul %get3A_3, %get3A_16, %dot_general3A {dimension_numbers = #tpu.dot_dimension_numbers<[1], [0], [0], [1], [0, 0, 1, 1], [], []>, transpose_lhs_hint = false} : vector<4096x128xf32>, vector<128x5xf32>, vector<4096x5xf32> -> vector<4096x5xf32>
    %get3A_18 = arith.constant 0 : index
    %get3A_19 = arith.constant 0 : index
    %get3A_20 = vector.load %arg4[%get3A_18, %get3A_19] : memref<128x5xf32, #tpu.memory_space<vmem>>, vector<128x5xf32>
    %dot_general3A_21 = arith.constant dense<0.000000e+00> : vector<4096x5xf32>
    %dot_general3A_22 = tpu.matmul %get3A_8, %get3A_20, %dot_general3A_21 {dimension_numbers = #tpu.dot_dimension_numbers<[1], [0], [0], [1], [0, 0, 1, 1], [], []>, transpose_lhs_hint = false} : vector<4096x128xf32>, vector<128x5xf32>, vector<4096x5xf32> -> vector<4096x5xf32>
    %add3A = arith.addf %dot_general3A_17, %dot_general3A_22 : vector<4096x5xf32>
    %get3A_23 = arith.constant 0 : index
    %get3A_24 = arith.constant 0 : index
    %get3A_25 = vector.load %arg5[%get3A_23, %get3A_24] : memref<128x5xf32, #tpu.memory_space<vmem>>, vector<128x5xf32>
    %dot_general3A_26 = arith.constant dense<0.000000e+00> : vector<4096x5xf32>
    %dot_general3A_27 = tpu.matmul %get3A_13, %get3A_25, %dot_general3A_26 {dimension_numbers = #tpu.dot_dimension_numbers<[1], [0], [0], [1], [0, 0, 1, 1], [], []>, transpose_lhs_hint = false} : vector<4096x128xf32>, vector<128x5xf32>, vector<4096x5xf32> -> vector<4096x5xf32>
    %add3A_28 = arith.addf %add3A, %dot_general3A_27 : vector<4096x5xf32>
    %mul3A = arith.mulf %get3A_8, %get3A_13 : vector<4096x128xf32>
    %get3A_29 = arith.constant 0 : index
    %get3A_30 = arith.constant 0 : index
    %get3A_31 = vector.load %arg6[%get3A_29, %get3A_30] : memref<128x5xf32, #tpu.memory_space<vmem>>, vector<128x5xf32>
    %dot_general3A_32 = arith.constant dense<0.000000e+00> : vector<4096x5xf32>
    %dot_general3A_33 = tpu.matmul %mul3A, %get3A_31, %dot_general3A_32 {dimension_numbers = #tpu.dot_dimension_numbers<[1], [0], [0], [1], [0, 0, 1, 1], [], []>, transpose_lhs_hint = false} : vector<4096x128xf32>, vector<128x5xf32>, vector<4096x5xf32> -> vector<4096x5xf32>
    %add3A_34 = arith.addf %add3A_28, %dot_general3A_33 : vector<4096x5xf32>
    %get3A_35 = arith.constant 0 : index
    %get3A_36 = arith.constant 0 : index
    %get3A_37 = vector.load %arg3[%get3A_35, %get3A_36] : memref<1x5xf32, #tpu.memory_space<vmem>>, vector<1x5xf32>
    %add3A_38 = vector.broadcast %get3A_37 : vector<1x5xf32> to vector<4096x5xf32>
    %add3A_39 = arith.addf %add3A_34, %add3A_38 : vector<4096x5xf32>
    %max3A = arith.constant 0.000000e+00 : f32
    %max3A_40 = vector.broadcast %max3A : f32 to vector<4096x5xf32>
    %max3A_41 = arith.maximumf %add3A_39, %max3A_40 : vector<4096x5xf32>
    %get3A_42 = arith.constant 0 : index
    %get3A_43 = arith.constant 0 : index
    %get3A_44 = vector.load %arg7[%get3A_42, %get3A_43] : memref<5x1xf32, #tpu.memory_space<vmem>>, vector<5x1xf32>
    %dot_general3A_45 = arith.constant dense<0.000000e+00> : vector<4096x1xf32>
    %dot_general3A_46 = tpu.matmul %max3A_41, %get3A_44, %dot_general3A_45 {dimension_numbers = #tpu.dot_dimension_numbers<[1], [0], [0], [1], [0, 0, 1, 1], [], []>, transpose_lhs_hint = false} : vector<4096x5xf32>, vector<5x1xf32>, vector<4096x1xf32> -> vector<4096x1xf32>
    %get3A_47 = arith.constant 0 : index
    %get3A_48 = arith.constant 0 : index
    %get3A_49 = vector.load %arg8[%get3A_47, %get3A_48] : memref<1x1xf32, #tpu.memory_space<vmem>>, vector<1x1xf32>
    %add3A_50 = vector.broadcast %get3A_49 : vector<1x1xf32> to vector<4096x1xf32>
    %add3A_51 = arith.addf %dot_general3A_46, %add3A_50 : vector<4096x1xf32>
    %logistic3A = arith.negf %add3A_51 : vector<4096x1xf32>
    %logistic3A_52 = math.exp %logistic3A : vector<4096x1xf32>
    %logistic3A_53 = arith.constant 1.000000e+00 : f32
    %logistic3A_54 = vector.broadcast %logistic3A_53 : f32 to vector<4096x1xf32>
    %logistic3A_55 = arith.addf %logistic3A_54, %logistic3A_52 : vector<4096x1xf32>
    %logistic3A_56 = arith.divf %logistic3A_54, %logistic3A_55 : vector<4096x1xf32>
    %swap3A = arith.constant 0 : index
    %swap3A_57 = arith.constant 0 : index
    %swap3A_58 = vector.load %arg9[%swap3A, %swap3A_57] : memref<4096x1xf32, #tpu.memory_space<vmem>>, vector<4096x1xf32>
    tpu.vector_store %arg9[%swap3A, %swap3A_57], %logistic3A_56 {strides = array<i32>} : memref<4096x1xf32, #tpu.memory_space<vmem>>, vector<4096x1xf32>,
    %mul3A_59 = arith.mulf %get3A_3, %get3A_8 : vector<4096x128xf32>
    %mul3A_60 = vector.broadcast %logistic3A_56 : vector<4096x1xf32> to vector<4096x128xf32>
    %mul3A_61 = arith.mulf %mul3A_60, %mul3A_59 : vector<4096x128xf32>
    %swap3A_62 = arith.constant 0 : index
    %swap3A_63 = arith.constant 0 : index
    %swap3A_64 = vector.load %arg10[%swap3A_62, %swap3A_63] : memref<4096x128xf32, #tpu.memory_space<vmem>>, vector<4096x128xf32>
    tpu.vector_store %arg10[%swap3A_62, %swap3A_63], %mul3A_61 {strides = array<i32>} : memref<4096x128xf32, #tpu.memory_space<vmem>>, vector<4096x128xf32>,
    return
  }
  func.func @transform_0(%arg0: i32) -> (i32, i32, i32) {
    %c0_i32 = arith.constant 0 : i32
    %c0_i32_0 = arith.constant 0 : i32
    %c0_i32_1 = arith.constant 0 : i32
    return %c0_i32, %arg0, %c0_i32_0 : i32, i32, i32
  }
  func.func @transform_1(%arg0: i32) -> (i32, i32) {
    %c0_i32 = arith.constant 0 : i32
    %c0_i32_0 = arith.constant 0 : i32
    %c0_i32_1 = arith.constant 0 : i32
    return %c0_i32, %c0_i32_0 : i32, i32
  }
  func.func @transform_2(%arg0: i32) -> (i32, i32) {
    %c0_i32 = arith.constant 0 : i32
    %c0_i32_0 = arith.constant 0 : i32
    %c0_i32_1 = arith.constant 0 : i32
    return %c0_i32, %c0_i32_0 : i32, i32
  }
  func.func @transform_3(%arg0: i32) -> (i32, i32) {
    %c0_i32 = arith.constant 0 : i32
    %c0_i32_0 = arith.constant 0 : i32
    %c0_i32_1 = arith.constant 0 : i32
    return %c0_i32, %c0_i32_0 : i32, i32
  }
  func.func @transform_4(%arg0: i32) -> (i32, i32) {
    %c0_i32 = arith.constant 0 : i32
    %c0_i32_0 = arith.constant 0 : i32
    %c0_i32_1 = arith.constant 0 : i32
    return %c0_i32, %c0_i32_0 : i32, i32
  }
  func.func @transform_5(%arg0: i32) -> (i32, i32) {
    %c0_i32 = arith.constant 0 : i32
    %c0_i32_0 = arith.constant 0 : i32
    %c0_i32_1 = arith.constant 0 : i32
    return %c0_i32, %c0_i32_0 : i32, i32
  }
  func.func @transform_6(%arg0: i32) -> (i32, i32) {
    %c0_i32 = arith.constant 0 : i32
    %c0_i32_0 = arith.constant 0 : i32
    %c0_i32_1 = arith.constant 0 : i32
    return %c0_i32, %c0_i32_0 : i32, i32
  }
  func.func @transform_7(%arg0: i32) -> (i32, i32) {
    %c0_i32 = arith.constant 0 : i32
    %c0_i32_0 = arith.constant 0 : i32
    %c0_i32_1 = arith.constant 0 : i32
    return %c0_i32, %c0_i32_0 : i32, i32
  }
  func.func @transform_8(%arg0: i32) -> (i32, i32) {
    %c0_i32 = arith.constant 0 : i32
    %c0_i32_0 = arith.constant 0 : i32
    return %arg0, %c0_i32 : i32, i32
  }
  func.func @transform_9(%arg0: i32) -> (i32, i32) {
    %c0_i32 = arith.constant 0 : i32
    %c0_i32_0 = arith.constant 0 : i32
    return %arg0, %c0_i32 : i32, i32
  }
}

module attributes {stable_mosaic.version = 14 : i64} {
  func.func @_dense_body(%arg0: i32, %arg1: memref<3x4096x128xf32, #tpu.memory_space<vmem>>, %arg2: memref<128x5xf32, #tpu.memory_space<vmem>>, %arg3: memref<1x5xf32, #tpu.memory_space<vmem>>, %arg4: memref<128x5xf32, #tpu.memory_space<vmem>>, %arg5: memref<128x5xf32, #tpu.memory_space<vmem>>, %arg6: memref<128x5xf32, #tpu.memory_space<vmem>>, %arg7: memref<5x1xf32, #tpu.memory_space<vmem>>, %arg8: memref<1x1xf32, #tpu.memory_space<vmem>>, %arg9: memref<4096x1xf32, #tpu.memory_space<vmem>>, %arg10: memref<4096x128xf32, #tpu.memory_space<vmem>>) attributes {dimension_semantics = [#tpu.dimension_semantics<arbitrary>], iteration_bounds = array<i64: 40>, scalar_prefetch = 0 : i64, scratch_operands = 0 : i64, tpu.core_type = #tpu.core_type<tc>, window_params = [{transform_indices = @transform_0, window_bounds = array<i64: 3, 4096, 128>}, {pipeline_mode = #tpu.pipeline_mode<synchronous>, transform_indices = @transform_1, window_bounds = array<i64: 128, 5>}, {pipeline_mode = #tpu.pipeline_mode<synchronous>, transform_indices = @transform_2, window_bounds = array<i64: 1, 5>}, {pipeline_mode = #tpu.pipeline_mode<synchronous>, transform_indices = @transform_3, window_bounds = array<i64: 128, 5>}, {pipeline_mode = #tpu.pipeline_mode<synchronous>, transform_indices = @transform_4, window_bounds = array<i64: 128, 5>}, {pipeline_mode = #tpu.pipeline_mode<synchronous>, transform_indices = @transform_5, window_bounds = array<i64: 128, 5>}, {pipeline_mode = #tpu.pipeline_mode<synchronous>, transform_indices = @transform_6, window_bounds = array<i64: 5, 1>}, {pipeline_mode = #tpu.pipeline_mode<synchronous>, transform_indices = @transform_7, window_bounds = array<i64: 1, 1>}, {transform_indices = @transform_8, window_bounds = array<i64: 4096, 1>}, {transform_indices = @transform_9, window_bounds = array<i64: 4096, 128>}]} {
    %get3A = arith.constant 0 : index
    %get3A_0 = arith.constant 0 : index
    %get3A_1 = arith.constant 0 : index
    %get3A_2 = vector.load %arg1[%get3A, %get3A_0, %get3A_1] : memref<3x4096x128xf32, #tpu.memory_space<vmem>>, vector<1x4096x128xf32>
    %get3A_3 = vector.shape_cast %get3A_2 : vector<1x4096x128xf32> to vector<4096x128xf32>
    %get3A_4 = arith.constant 1 : index
    %get3A_5 = arith.constant 0 : index
    %get3A_6 = arith.constant 0 : index
    %get3A_7 = vector.load %arg1[%get3A_4, %get3A_5, %get3A_6] : memref<3x4096x128xf32, #tpu.memory_space<vmem>>, vector<1x4096x128xf32>
    %get3A_8 = vector.shape_cast %get3A_7 : vector<1x4096x128xf32> to vector<4096x128xf32>
    %get3A_9 = arith.constant 2 : index
    %get3A_10 = arith.constant 0 : index
    %get3A_11 = arith.constant 0 : index
    %get3A_12 = vector.load %arg1[%get3A_9, %get3A_10, %get3A_11] : memref<3x4096x128xf32, #tpu.memory_space<vmem>>, vector<1x4096x128xf32>
    %get3A_13 = vector.shape_cast %get3A_12 : vector<1x4096x128xf32> to vector<4096x128xf32>
    %get3A_14 = arith.constant 0 : index
    %get3A_15 = arith.constant 0 : index
    %get3A_16 = vector.load %arg2[%get3A_14, %get3A_15] : memref<128x5xf32, #tpu.memory_space<vmem>>, vector<128x5xf32>
    %dot_general3A = arith.constant dense<0.000000e+00> : vector<4096x5xf32>
    %dot_general3A_17 = tpu.matmul %get3A_3, %get3A_16, %dot_general3A {dimension_numbers = #tpu.dot_dimension_numbers<[1], [0], [0], [1], [0, 0, 1, 1], [], []>, transpose_lhs_hint = false} : vector<4096x128xf32>, vector<128x5xf32>, vector<4096x5xf32> -> vector<4096x5xf32>
    %get3A_18 = arith.constant 0 : index
    %get3A_19 = arith.constant 0 : index
    %get3A_20 = vector.load %arg4[%get3A_18, %get3A_19] : memref<128x5xf32, #tpu.memory_space<vmem>>, vector<128x5xf32>
    %dot_general3A_21 = arith.constant dense<0.000000e+00> : vector<4096x5xf32>
    %dot_general3A_22 = tpu.matmul %get3A_8, %get3A_20, %dot_general3A_21 {dimension_numbers = #tpu.dot_dimension_numbers<[1], [0], [0], [1], [0, 0, 1, 1], [], []>, transpose_lhs_hint = false} : vector<4096x128xf32>, vector<128x5xf32>, vector<4096x5xf32> -> vector<4096x5xf32>
    %add3A = arith.addf %dot_general3A_17, %dot_general3A_22 : vector<4096x5xf32>
    %get3A_23 = arith.constant 0 : index
    %get3A_24 = arith.constant 0 : index
    %get3A_25 = vector.load %arg5[%get3A_23, %get3A_24] : memref<128x5xf32, #tpu.memory_space<vmem>>, vector<128x5xf32>
    %dot_general3A_26 = arith.constant dense<0.000000e+00> : vector<4096x5xf32>
    %dot_general3A_27 = tpu.matmul %get3A_13, %get3A_25, %dot_general3A_26 {dimension_numbers = #tpu.dot_dimension_numbers<[1], [0], [0], [1], [0, 0, 1, 1], [], []>, transpose_lhs_hint = false} : vector<4096x128xf32>, vector<128x5xf32>, vector<4096x5xf32> -> vector<4096x5xf32>
    %add3A_28 = arith.addf %add3A, %dot_general3A_27 : vector<4096x5xf32>
    %mul3A = arith.mulf %get3A_8, %get3A_13 : vector<4096x128xf32>
    %get3A_29 = arith.constant 0 : index
    %get3A_30 = arith.constant 0 : index
    %get3A_31 = vector.load %arg6[%get3A_29, %get3A_30] : memref<128x5xf32, #tpu.memory_space<vmem>>, vector<128x5xf32>
    %dot_general3A_32 = arith.constant dense<0.000000e+00> : vector<4096x5xf32>
    %dot_general3A_33 = tpu.matmul %mul3A, %get3A_31, %dot_general3A_32 {dimension_numbers = #tpu.dot_dimension_numbers<[1], [0], [0], [1], [0, 0, 1, 1], [], []>, transpose_lhs_hint = false} : vector<4096x128xf32>, vector<128x5xf32>, vector<4096x5xf32> -> vector<4096x5xf32>
    %add3A_34 = arith.addf %add3A_28, %dot_general3A_33 : vector<4096x5xf32>
    %get3A_35 = arith.constant 0 : index
    %get3A_36 = arith.constant 0 : index
    %get3A_37 = vector.load %arg3[%get3A_35, %get3A_36] : memref<1x5xf32, #tpu.memory_space<vmem>>, vector<1x5xf32>
    %add3A_38 = vector.broadcast %get3A_37 : vector<1x5xf32> to vector<4096x5xf32>
    %add3A_39 = arith.addf %add3A_34, %add3A_38 : vector<4096x5xf32>
    %max3A = arith.constant 0.000000e+00 : f32
    %max3A_40 = vector.broadcast %max3A : f32 to vector<4096x5xf32>
    %max3A_41 = arith.maximumf %add3A_39, %max3A_40 : vector<4096x5xf32>
    %get3A_42 = arith.constant 0 : index
    %get3A_43 = arith.constant 0 : index
    %get3A_44 = vector.load %arg7[%get3A_42, %get3A_43] : memref<5x1xf32, #tpu.memory_space<vmem>>, vector<5x1xf32>
    %dot_general3A_45 = arith.constant dense<0.000000e+00> : vector<4096x1xf32>
    %dot_general3A_46 = tpu.matmul %max3A_41, %get3A_44, %dot_general3A_45 {dimension_numbers = #tpu.dot_dimension_numbers<[1], [0], [0], [1], [0, 0, 1, 1], [], []>, transpose_lhs_hint = false} : vector<4096x5xf32>, vector<5x1xf32>, vector<4096x1xf32> -> vector<4096x1xf32>
    %get3A_47 = arith.constant 0 : index
    %get3A_48 = arith.constant 0 : index
    %get3A_49 = vector.load %arg8[%get3A_47, %get3A_48] : memref<1x1xf32, #tpu.memory_space<vmem>>, vector<1x1xf32>
    %add3A_50 = vector.broadcast %get3A_49 : vector<1x1xf32> to vector<4096x1xf32>
    %add3A_51 = arith.addf %dot_general3A_46, %add3A_50 : vector<4096x1xf32>
    %logistic3A = arith.negf %add3A_51 : vector<4096x1xf32>
    %logistic3A_52 = math.exp %logistic3A : vector<4096x1xf32>
    %logistic3A_53 = arith.constant 1.000000e+00 : f32
    %logistic3A_54 = vector.broadcast %logistic3A_53 : f32 to vector<4096x1xf32>
    %logistic3A_55 = arith.addf %logistic3A_54, %logistic3A_52 : vector<4096x1xf32>
    %logistic3A_56 = arith.divf %logistic3A_54, %logistic3A_55 : vector<4096x1xf32>
    %swap3A = arith.constant 0 : index
    %swap3A_57 = arith.constant 0 : index
    %swap3A_58 = vector.load %arg9[%swap3A, %swap3A_57] : memref<4096x1xf32, #tpu.memory_space<vmem>>, vector<4096x1xf32>
    tpu.vector_store %arg9[%swap3A, %swap3A_57], %logistic3A_56 {strides = array<i32>} : memref<4096x1xf32, #tpu.memory_space<vmem>>, vector<4096x1xf32>,
    %mul3A_59 = arith.mulf %get3A_3, %get3A_8 : vector<4096x128xf32>
    %mul3A_60 = vector.broadcast %logistic3A_56 : vector<4096x1xf32> to vector<4096x128xf32>
    %mul3A_61 = arith.mulf %mul3A_60, %mul3A_59 : vector<4096x128xf32>
    %swap3A_62 = arith.constant 0 : index
    %swap3A_63 = arith.constant 0 : index
    %swap3A_64 = vector.load %arg10[%swap3A_62, %swap3A_63] : memref<4096x128xf32, #tpu.memory_space<vmem>>, vector<4096x128xf32>
    tpu.vector_store %arg10[%swap3A_62, %swap3A_63], %mul3A_61 {strides = array<i32>} : memref<4096x128xf32, #tpu.memory_space<vmem>>, vector<4096x128xf32>,
    return
  }
  func.func @transform_0(%arg0: i32) -> (i32, i32, i32) {
    %c0_i32 = arith.constant 0 : i32
    %c0_i32_0 = arith.constant 0 : i32
    %c0_i32_1 = arith.constant 0 : i32
    return %c0_i32, %arg0, %c0_i32_0 : i32, i32, i32
  }
  func.func @transform_1(%arg0: i32) -> (i32, i32) {
    %c0_i32 = arith.constant 0 : i32
    %c0_i32_0 = arith.constant 0 : i32
    %c0_i32_1 = arith.constant 0 : i32
    return %c0_i32, %c0_i32_0 : i32, i32
  }
  func.func @transform_2(%arg0: i32) -> (i32, i32) {
    %c0_i32 = arith.constant 0 : i32
    %c0_i32_0 = arith.constant 0 : i32
    %c0_i32_1 = arith.constant 0 : i32
    return %c0_i32, %c0_i32_0 : i32, i32
  }
  func.func @transform_3(%arg0: i32) -> (i32, i32) {
    %c0_i32 = arith.constant 0 : i32
    %c0_i32_0 = arith.constant 0 : i32
    %c0_i32_1 = arith.constant 0 : i32
    return %c0_i32, %c0_i32_0 : i32, i32
  }
  func.func @transform_4(%arg0: i32) -> (i32, i32) {
    %c0_i32 = arith.constant 0 : i32
    %c0_i32_0 = arith.constant 0 : i32
    %c0_i32_1 = arith.constant 0 : i32
    return %c0_i32, %c0_i32_0 : i32, i32
  }
  func.func @transform_5(%arg0: i32) -> (i32, i32) {
    %c0_i32 = arith.constant 0 : i32
    %c0_i32_0 = arith.constant 0 : i32
    %c0_i32_1 = arith.constant 0 : i32
    return %c0_i32, %c0_i32_0 : i32, i32
  }
  func.func @transform_6(%arg0: i32) -> (i32, i32) {
    %c0_i32 = arith.constant 0 : i32
    %c0_i32_0 = arith.constant 0 : i32
    %c0_i32_1 = arith.constant 0 : i32
    return %c0_i32, %c0_i32_0 : i32, i32
  }
  func.func @transform_7(%arg0: i32) -> (i32, i32) {
    %c0_i32 = arith.constant 0 : i32
    %c0_i32_0 = arith.constant 0 : i32
    %c0_i32_1 = arith.constant 0 : i32
    return %c0_i32, %c0_i32_0 : i32, i32
  }
  func.func @transform_8(%arg0: i32) -> (i32, i32) {
    %c0_i32 = arith.constant 0 : i32
    %c0_i32_0 = arith.constant 0 : i32
    return %arg0, %c0_i32 : i32, i32
  }
  func.func @transform_9(%arg0: i32) -> (i32, i32) {
    %c0_i32 = arith.constant 0 : i32
    %c0_i32_0 = arith.constant 0 : i32
    return %arg0, %c0_i32 : i32, i32
  }
}

module attributes {stable_mosaic.version = 14 : i64} {
  func.func @_final_body(%arg0: i32, %arg1: memref<2x2x1000x128xf32, #tpu.memory_space<vmem>>, %arg2: memref<128x128xf32, #tpu.memory_space<vmem>>, %arg3: memref<1000x128xf32, #tpu.memory_space<vmem>>) attributes {dimension_semantics = [#tpu.dimension_semantics<arbitrary>], iteration_bounds = array<i64: 10>, scalar_prefetch = 0 : i64, scratch_operands = 0 : i64, tpu.core_type = #tpu.core_type<tc>, window_params = [{transform_indices = @transform_0, window_bounds = array<i64: 2, 2, 1000, 128>}, {pipeline_mode = #tpu.pipeline_mode<synchronous>, transform_indices = @transform_1, window_bounds = array<i64: 128, 128>}, {transform_indices = @transform_2, window_bounds = array<i64: 1000, 128>}]} {
    %get3A = arith.constant 0 : index
    %get3A_0 = arith.constant 0 : index
    %get3A_1 = arith.constant 0 : index
    %get3A_2 = arith.constant 0 : index
    %get3A_3 = vector.load %arg1[%get3A, %get3A_0, %get3A_1, %get3A_2] : memref<2x2x1000x128xf32, #tpu.memory_space<vmem>>, vector<1x1x1000x128xf32>
    %get3A_4 = vector.shape_cast %get3A_3 : vector<1x1x1000x128xf32> to vector<1000x128xf32>
    %get3A_5 = arith.constant 0 : index
    %get3A_6 = arith.constant 1 : index
    %get3A_7 = arith.constant 0 : index
    %get3A_8 = arith.constant 0 : index
    %get3A_9 = vector.load %arg1[%get3A_5, %get3A_6, %get3A_7, %get3A_8] : memref<2x2x1000x128xf32, #tpu.memory_space<vmem>>, vector<1x1x1000x128xf32>
    %get3A_10 = vector.shape_cast %get3A_9 : vector<1x1x1000x128xf32> to vector<1000x128xf32>
    %add3A = arith.addf %get3A_4, %get3A_10 : vector<1000x128xf32>
    %get3A_11 = arith.constant 1 : index
    %get3A_12 = arith.constant 0 : index
    %get3A_13 = arith.constant 0 : index
    %get3A_14 = arith.constant 0 : index
    %get3A_15 = vector.load %arg1[%get3A_11, %get3A_12, %get3A_13, %get3A_14] : memref<2x2x1000x128xf32, #tpu.memory_space<vmem>>, vector<1x1x1000x128xf32>
    %get3A_16 = vector.shape_cast %get3A_15 : vector<1x1x1000x128xf32> to vector<1000x128xf32>
    %add3A_17 = arith.addf %add3A, %get3A_16 : vector<1000x128xf32>
    %get3A_18 = arith.constant 1 : index
    %get3A_19 = arith.constant 1 : index
    %get3A_20 = arith.constant 0 : index
    %get3A_21 = arith.constant 0 : index
    %get3A_22 = vector.load %arg1[%get3A_18, %get3A_19, %get3A_20, %get3A_21] : memref<2x2x1000x128xf32, #tpu.memory_space<vmem>>, vector<1x1x1000x128xf32>
    %get3A_23 = vector.shape_cast %get3A_22 : vector<1x1x1000x128xf32> to vector<1000x128xf32>
    %add3A_24 = arith.addf %add3A_17, %get3A_23 : vector<1000x128xf32>
    %get3A_25 = arith.constant 0 : index
    %get3A_26 = arith.constant 0 : index
    %get3A_27 = vector.load %arg2[%get3A_25, %get3A_26] : memref<128x128xf32, #tpu.memory_space<vmem>>, vector<128x128xf32>
    %dot_general3A = arith.constant dense<0.000000e+00> : vector<1000x128xf32>
    %dot_general3A_28 = tpu.matmul %add3A_24, %get3A_27, %dot_general3A {dimension_numbers = #tpu.dot_dimension_numbers<[1], [0], [0], [1], [0, 0, 1, 1], [], []>, transpose_lhs_hint = false} : vector<1000x128xf32>, vector<128x128xf32>, vector<1000x128xf32> -> vector<1000x128xf32>
    %swap3A = arith.constant 0 : index
    %swap3A_29 = arith.constant 0 : index
    %swap3A_30 = vector.load %arg3[%swap3A, %swap3A_29] : memref<1000x128xf32, #tpu.memory_space<vmem>>, vector<1000x128xf32>
    tpu.vector_store %arg3[%swap3A, %swap3A_29], %dot_general3A_28 {strides = array<i32>} : memref<1000x128xf32, #tpu.memory_space<vmem>>, vector<1000x128xf32>,
    return
  }
  func.func @transform_0(%arg0: i32) -> (i32, i32, i32, i32) {
    %c0_i32 = arith.constant 0 : i32
    %c0_i32_0 = arith.constant 0 : i32
    %c0_i32_1 = arith.constant 0 : i32
    %c0_i32_2 = arith.constant 0 : i32
    return %c0_i32, %c0_i32_0, %arg0, %c0_i32_1 : i32, i32, i32, i32
  }
  func.func @transform_1(%arg0: i32) -> (i32, i32) {
    %c0_i32 = arith.constant 0 : i32
    %c0_i32_0 = arith.constant 0 : i32
    %c0_i32_1 = arith.constant 0 : i32
    return %c0_i32, %c0_i32_0 : i32, i32
  }
  func.func @transform_2(%arg0: i32) -> (i32, i32) {
    %c0_i32 = arith.constant 0 : i32
    %c0_i32_0 = arith.constant 0 : i32
    return %arg0, %c0_i32 : i32, i32
  }
}

</mosaic_0001>

<sc_bundles>
// kernel: kernel.12.cloned.1.call-start
scs
__scs_entry_jumppad:
0x0: {  	(pc) =	sbr.rel $0x88, $3  }
0x1: {  	(tag) =	ssettag $0x0;
	lr =	simm.s32 $0x1  }
0x2: {  	[smem:$0x3F93] =	sst lr;
	_ =	strace $0xD0000000  }
0x3: {  	_ = 	snop  }
0x4: {  	_ = 	snop  }
0x5: {  	_ = 	snop  }
0x6: {  	_ = 	snop  }
0x7: {  	_ = 	snop  }
__scs_overlays_trampoline_lowered:
0x8: {  	[smem:$0x3FA2] =	sst s0  }
0x9: {  	[smem:$0x3FA3] =	sst s1  }
0xa: {  	[smem:$0x3FA4] =	sst s2  }
0xb: {  	[smem:$0x3FA5] =	sst s3  }
0xc: {  	[smem:$0x3FA6] =	sst s4  }
0xd: {  	[smem:$0x3FA7] =	sst s5  }
0xe: {  	[smem:$0x3FA8] =	sst s6  }
0xf: {  	[smem:$0x3FA9] =	sst s7  }
0x10: {  	[smem:$0x3FAA] =	sst s8  }
0x11: {  	[smem:$0x3FAB] =	sst s9;
	s0 =	simm.s32 @!p0 $0x0  }
0x12: {  	s1 =	sld [smem:$0x3F91];
	s0 =	simm.s32 @p0 $0x1  }
0x13: {  	[smem:$0x3FAC] =	sst s0;
	s0 =	simm.s32 @!p1 $0x0  }
0x14: {  	s2 =	sld [smem:$0x3F90];
	s0 =	simm.s32 @p1 $0x1  }
0x15: {  	[smem:$0x3FAD] =	sst s0;
	s0 =	simm.s32 @!p2 $0x0  }
0x16: {  	s3 =	sld [smem:$0x3FDB];
	s0 =	simm.s32 @p2 $0x1  }
0x17: {  	s4 =	simm.s32 $0x1BF5;
	[smem:$0x3FAF] =	sst s0  }
0x18: {  	s0 =	sld [smem:$0x3F92];
	_ =	swait.ge [sflag:s4], $0x0  }
0x19: {  	s7 =	sld [smem:$0x3F93]  }
0x1a: {  	s8 =	sadd.s32 $0xFFFFE003, lr  }
0x1b: {  	s9 =	sadd.s32 $0xFFFFFEF7, lr;
	s5 =	simm.s32 $0xFFFFFFFF;
	p2 =	slt.u32 s8, $0xFFFFF086  }
0x1c: {  	p1 =	slt.u32 s9, $0xF7A;
	s5 =	simm.s32 @!p2 $0x0  }
0x1d: {  	s5 =	simm.s32 @p1 $0x1;
	p0 =	seq.s32 s7, s2  }
0x1e: {  	s7 =	smul.u32 @!p0 $0xF7A, s2;
	p2 =	seq.s32 @!p0 s5, $0x0  }
0x1f: {  	s9 =	smul.u32 $0xF7A, s1;
	s8 =	simm.s32 @!p0 $0x1BF5;
	p2 =	por !p2, p0  }
0x20: {  	[sflag:s8] =	ssyncset.s32 @!p0 $0xFFFFF086;
	s6 =	sadd.s32 @!p0 s3, s7;
	s7 =	simm.s32 @!p0 $0x108  }
0x21: {  	s3 =	sadd.s32 s3, s9;
	s6 =	sadd.s32 @!p0 $0x88, s6;
	s7 =	simm.s32 @p2 $0x1082  }
0x22: {  	[simem:s7], [sflag:s8] =	dma.local @!p0 [hbm:s6], $0xF7A  }
0x23: {  	s9 =	sor.u32 $0xD0000000, s2;
	s6 =	simm.s32 $0x108;
	_ =	swait.ge @!p0 [sflag:s8], $0x0  }
0x24: {  	s3 =	sadd.s32 $0x88, s3;
	s6 =	simm.s32 @!p1 $0x1082;
	[sflag:s4] =	ssyncset.s32 $0xFFFFF086  }
0x25: {  	[simem:s6], [sflag:s4] =	dma.local [hbm:s3], $0xF7A  }
0x26: {  	[smem:$0x3F93] =	sst s1;
	(tag) =	ssettag s2;
	_ =	strace s9  }
0x27: {  	s1 =	sld [smem:$0x3FA3]  }
0x28: {  	s2 =	sld [smem:$0x3FA4]  }
0x29: {  	s4 =	sld [smem:$0x3FA6]  }
0x2a: {  	p0 =	seq.s32 s5, $0x0;
	s5 =	sld [smem:$0x3FA7]  }
0x2b: {  	s6 =	sld [smem:$0x3FA8]  }
0x2c: {  	s7 =	sld [smem:$0x3FA9]  }
0x2d: {  	s3 =	simm.s32 $0x108;
	s8 =	sld [smem:$0x3FAA]  }
0x2e: {  	s3 =	simm.s32 @!p0 $0x1082;
	s9 =	sld [smem:$0x3FAB]  }
0x2f: {  	lr =	sadd.s32 s0, s3;
	s0 =	sld [smem:$0x3FA2]  }
0x30: {  	s3 =	sld [smem:$0x3FA5]  }
0x31: {  	[smem:$0x3FAE] =	sst s10  }
0x32: {  	s10 =	sld [smem:$0x3FAC];
	_ =	sdelay $0x3  }
0x33: {  	p0 =	seq.s32 s10, $0x1;
	s10 =	sld [smem:$0x3FAE];
	_ =	sdelay $0x3  }
0x34: {  	[smem:$0x3FAE] =	sst s10  }
0x35: {  	s10 =	sld [smem:$0x3FAD];
	_ =	sdelay $0x3  }
0x36: {  	p1 =	seq.s32 s10, $0x1;
	s10 =	sld [smem:$0x3FAE];
	_ =	sdelay $0x3  }
0x37: {  	[smem:$0x3FAE] =	sst s10  }
0x38: {  	s10 =	sld [smem:$0x3FAF]  }
0x39: {  	_ = 	snop;
	(pc) =	sbr.ind lr, $3  }
0x3a: {  	_ = 	snop  }
0x3b: {  	_ = 	snop  }
0x3c: {  	p2 =	seq.s32 s10, $0x1;
	s10 =	sld [smem:$0x3FAE]  }
0x3d: {  	_ =	shalt  }
0x3e: {  	_ =	shalt  }
0x3f: {  	_ =	shalt  }
0x40: {  	_ =	shalt  }
0x41: {  	_ =	shalt  }
0x42: {  	_ =	shalt  }
0x43: {  	_ =	shalt  }
0x44: {  	_ =	shalt  }
0x45: {  	_ =	shalt  }
0x46: {  	_ =	shalt  }
0x47: {  	_ =	shalt  }
0x48: {  	_ =	shalt  }
0x49: {  	_ =	shalt  }
0x4a: {  	_ =	shalt  }
0x4b: {  	_ =	shalt  }
0x4c: {  	_ =	shalt  }
0x4d: {  	_ =	shalt  }
0x4e: {  	_ =	shalt  }
0x4f: {  	_ =	shalt  }
0x50: {  	_ =	shalt  }
0x51: {  	_ =	shalt  }
0x52: {  	_ =	shalt  }
0x53: {  	_ =	shalt  }
0x54: {  	_ =	shalt  }
0x55: {  	_ =	shalt  }
0x56: {  	_ =	shalt  }
0x57: {  	_ =	shalt  }
0x58: {  	_ =	shalt  }
0x59: {  	_ =	shalt  }
0x5a: {  	_ =	shalt  }
0x5b: {  	_ =	shalt  }
0x5c: {  	_ =	shalt  }
0x5d: {  	_ =	shalt  }
0x5e: {  	_ =	shalt  }
0x5f: {  	_ =	shalt  }
0x60: {  	_ =	shalt  }
0x61: {  	_ =	shalt  }
0x62: {  	_ =	shalt  }
0x63: {  	_ =	shalt  }
0x64: {  	_ =	shalt  }
0x65: {  	_ =	shalt  }
0x66: {  	_ =	shalt  }
0x67: {  	_ =	shalt  }
0x68: {  	_ =	shalt  }
0x69: {  	_ =	shalt  }
0x6a: {  	_ =	shalt  }
0x6b: {  	_ =	shalt  }
0x6c: {  	_ =	shalt  }
0x6d: {  	_ =	shalt  }
0x6e: {  	_ =	shalt  }
0x6f: {  	_ =	shalt  }
0x70: {  	_ =	shalt  }
0x71: {  	_ =	shalt  }
0x72: {  	_ =	shalt  }
0x73: {  	_ =	shalt  }
0x74: {  	_ =	shalt  }
0x75: {  	_ =	shalt  }
0x76: {  	_ =	shalt  }
0x77: {  	_ =	shalt  }
0x78: {  	_ =	shalt  }
0x79: {  	_ =	shalt  }
0x7a: {  	_ =	shalt  }
0x7b: {  	_ =	shalt  }
0x7c: {  	_ =	shalt  }
0x7d: {  	_ =	shalt  }
0x7e: {  	_ =	shalt  }
0x7f: {  	_ =	shalt  }
0x80: {  	_ =	shalt  }
0x81: {  	_ =	shalt  }
0x82: {  	_ =	shalt  }
0x83: {  	_ =	shalt  }
0x84: {  	_ =	shalt  }
0x85: {  	_ =	shalt  }
0x86: {  	_ =	shalt  }
0x87: {  	_ =	shalt  }
.Lfunc_end0:
.L_simem_size_0:
called_computation.1_lowered:
.L_overlay_start_0:
0x88: {  	s2 =	sld [smem:$0x3FD9]  }
0x89: {  	s3 =	sld [smem:$0x3FFE];
	_ =	sdelay $0x1  }
0x8a: {  	s1 =	srdreg.scid  }
0x8b: {  	s0 =	sand.u32 $0x1, s1  }
0x8c: {  	s17 =	sshll.u32 s0, $0xA;
	s2 =	sadd.s32 s3, s2  }
0x8d: {  	s2 =	sadd.s32 s2, s17  }
0x8e: {  	[smem:$0x3FBA] =	sst s2  }
0x8f: {  	_ = 	snop  }
0x90: {  	s2 =	sld [smem:$0x3FC9]  }
0x91: {  	s18 =	sld [smem:$0x3FC8]  }
0x92: {  	s4 =	sld [smem:$0x3FC7];
	(tm) =	ssettm $0x1  }
0x93: {  	s5 =	sld [smem:$0x3FFB];
	_ =	sdelay $0x3  }
0x94: {  	_ =	strace s5  }
0x95: {  	s5 =	sld [smem:$0x3FFC];
	_ =	sdelay $0x3  }
0x96: {  	_ =	strace s5  }
0x97: {  	s5 =	sld [smem:$0x3FFD];
	_ =	sdelay $0x3  }
0x98: {  	_ =	strace s5  }
0x99: {  	_ =	strace $0x8FFFFFFF  }
0x9a: {  	s19 =	sld [smem:$0x3FDB];
	_ =	sdelay $0x1  }
0x9b: {  	s6 =	simm.s32 $_scs_section_size  }
0x9c: {  	s7 =	simm.s32 $_size__tile_overlayer_lowered;
	s8 =	simm.s32 $_tile_overlayer_lowered  }
0x9d: {  	s22 =	simm.s32 $0x1BFF;
	s21 =	sshll.u32 s8, $0x1;
	s5 =	sadd.s32 s6, s19  }
0x9e: {  	s9 =	simm.s32 $0x0;
	s20 =	sshll.u32 s7, $0x1;
	s7 =	sadd.s32 s21, s5  }
0x9f: {  	[timem:s9], [sflag:s22] =	dma.local [hbm:s7], s20  }
0xa0: {  	_ =	swait.ge [sflag:s22], s20  }
0xa1: {  	s6 =	ssub.s32 $0x0, s20;
	[sflag:s22] =	ssyncset.done $0x0  }
0xa2: {  	[sflag:s22] =	ssyncadd.s32 s6;
	_ =	sdelay $0x1  }
0xa3: {  	s23 =	simm.s32 $0x1B8B  }
0xa4: {  	_ =	swait.ge [sflag:s23], $0x1  }
0xa5: {  	[sflag:s23] =	ssyncset.done $0x0  }
0xa6: {  	s25 =	simm.s32 $0x1B8E;
	s24 =	sld [smem:$0x3FFE];
	[sflag:s23] =	ssyncadd.s32 $0xFFFFFFFF  }
0xa7: {  	s26 =	simm.s32 $execute0_lowered;
	[smem:$0x3FD2] =	sst s25  }
0xa8: {  	s7 =	sshll.u32 s26, $0x1;
	_ =	strace $0x80000046;
	[dreg:$0x1] =	wrdreg $0xFFFFFFFF  }
0xa9: {  	s28 =	simm.s32 $_size_execute0_lowered;
	s5 =	sadd.s32 s5, s7;
	[dreg:$0x0] =	wrdreg $0x0  }
0xaa: {  	s7 =	sshll.u32 s28, $0x1;
	[dreg:$0x2] =	wrdreg s5  }
0xab: {  	[dreg:$0x3] =	wrdreg s7  }
0xac: {  	[dreg:$0x4] =	wrdreg $0xC0  }
0xad: {  	_ =	task [dreg:s9], $0x5FFFF  }
0xae: {  	[dreg:$0x1] =	wrdreg $0xFFFFFFFF  }
0xaf: {  	[dreg:$0x0] =	wrdreg $0x60  }
0xb0: {  	[dreg:$0x2] =	wrdreg s4  }
0xb1: {  	[dreg:$0x3] =	wrdreg s18  }
0xb2: {  	[dreg:$0x4] =	wrdreg s2  }
0xb3: {  	[dreg:$0x5] =	wrdreg s24  }
0xb4: {  	[dreg:$0x6] =	wrdreg $0xA  }
0xb5: {  	_ =	task.clear_ibuf [dreg:s9], $0x7FFFF;
	_ =	strace $0x90000046  }
0xb6: {  	s29 =	simm.s32 $0xA;
	_ =	strace $0x80000048  }
0xb7: {  	_ =	swait.ge [sflag:s29], $0x1  }
0xb8: {  	[sflag:s29] =	ssyncadd.s32 $0xFFFFFFFF  }
0xb9: {  	_ =	strace $0x90000048  }
0xba: {  	_ =	sfence  }
0xbb: {  	s30 =	sld [smem:$0x0];
	_ =	sdelay $0x2  }
0xbc: {  	s31 =	sshll.u32 s1, $0xD;
	s1 =	sshrl.u32 s1, $0x2  }
0xbd: {  	s3 =	sand.u32 $0x4000, s31;
	s1 =	sadd.s32 s1, s30  }
0xbe: {  	s0 =	sor.u32 s3, s0;
	s1 =	sshll.u32 s1, $0x11  }
0xbf: {  	s0 =	sor.u32 s1, s0  }
0xc0: {  	s0 =	sadd.s32 $0x8F2B, s0  }
0xc1: {  	[sflag:s0] =	ssyncadd.remote.s32 $0x1  }
0xc2: {  	_ =	sfence.sel $0xFFFF  }
0xc3: {  	[dreg:$0x0] =	wrdreg $0xFFFFFFFF;
	(pc) =	sbr.abs _section_cstart, $3  }
0xc4: {  	[dreg:$0x1] =	wrdreg $0xFFFFFFFF  }
0xc5: {  	_ =	task.clear_ibuf [dreg:s9], $0x2FFFF;
	_ =	strace $0x9FFFFFFF  }
0xc6: {  	(tm) =	ssettm $0x7FFFFFFF  }
0xc7: {  	_ =	shalt  }
tec
execute0_lowered:
.L_overlay_start_1:
0x0: {  	(tag) =	ssettag $0x1  }
0x1: {  	s1 =	rddreg [dreg:$0x0]  }
0x2: {  	s2 =	rddreg [dreg:$0x1]  }
0x3: {  	s4 =	rddreg [dreg:$0x2]  }
0x4: {  	s3 =	srdreg.scid;
	s0 =	stileid.u32  }
0x5: {  	s6 =	rddreg [dreg:$0x3];
	s12 =	smul.u32 $0x131000, s0  }
0x6: {  	s5 =	simm.s32 $0x0;
	s9 =	sand.u32 $0x1, s3;
	s15 =	smul.u32 $0x26200, s0  }
0x7: {  	s28 =	simm.s32 $0x0;
	s7 =	sshll.u32 s0, $0x1;
	s14 =	smul.u32 $0x98800, s9  }
0x8: {  	[smem:$0x7FF] =	sst s5;
	s7 =	sor.u32 s9, s7;
	s16 =	smul.u32 $0x13100, s9  }
0x9: {  	s11 =	sadd.s32 $0x1A800, s6;
	s31 =	ssub.s32 $0x2, s9;
	s8 =	smul.u32 $0x726, s7  }
0xa: {  	_ =	strace $0x80000047;
	s7 =	smul.u32 $0x98800, s7;
	s10 =	sshrl.u32 s31, $0x1  }
0xb: {  	s0 =	sadd.s32 s15, s11;
	s15 =	simm.s32 $0x8980;
	s10 =	ssub.s32 s31, s10  }
0xc: {  	s12 =	sadd.s32 s14, s12;
	s8 =	sadd.s32 s8, s6;
	s7 =	sshrl.u32 s7, $0x3  }
0xd: {  	s14 =	sadd.s32 $0x5000, s12;
	s3 =	sadd.s32 $0x1315000, s12;
	s19 =	sadd.s32 $0x2625000, s12  }
0xe: {  	s21 =	sadd.s32 $0x2800, s12;
	s22 =	sadd.s32 $0x1312800, s12;
	s26 =	sadd.s32 $0x2622800, s12  }
0xf: {  	s30 =	sadd.s32 $0x1310000, s12;
	s12 =	sadd.s32 $0x2620000, s12;
	s10 =	smax.u32 s10, $0x1  }
0x10: {  	s13 =	sadd.s32 s11, s7;
	s6 =	sadd.s32 $0xC200, s8;
	s14 =	sshrl.u32 s14, $0x3  }
0x11: {  	s17 =	sshrl.u32 s3, $0x3;
	s20 =	sshrl.u32 s19, $0x3;
	s24 =	sshrl.u32 s22, $0x3  }
0x12: {  	s29 =	sshrl.u32 s26, $0x3;
	s12 =	sshrl.u32 s12, $0x3;
	s19 =	simm.s32 $0x12980  }
0x13: {  	s22 =	simm.s32 $0x1;
	s26 =	simm.s32 $0x38E0;
	s7 =	sadd.s32 $0x12C00, s13  }
0x14: {  	s8 =	sadd.s32 $0x274C00, s13;
	s9 =	sadd.s32 $0x4D6C00, s13;
	s13 =	sadd.s32 s16, s0  }
0x15: {  	s16 =	sadd.s32 s14, s11;
	s18 =	sadd.s32 s17, s11;
	[dreg:$0x5] =	wrdreg s13  }
0x16: {  	s14 =	sshrl.u32 s21, $0x3;
	s25 =	sadd.s32 s24, s11;
	[dreg:$0x6] =	wrdreg s16  }
0x17: {  	s17 =	simm.s32 $0xD980;
	s21 =	simm.s32 $0x17980;
	[dreg:$0x7] =	wrdreg s18  }
0x18: {  	s13 =	sadd.s32 s20, s11;
	s23 =	sadd.s32 s14, s11;
	[dreg:$0xa] =	wrdreg s25  }
0x19: {  	s14 =	sshrl.u32 s30, $0x3;
	s16 =	simm.s32 $0xB180;
	s18 =	simm.s32 $0x10180  }
0x1a: {  	s20 =	simm.s32 $0x15180;
	s25 =	simm.s32 $0x3890;
	[dreg:$0x8] =	wrdreg s13  }
0x1b: {  	[dreg:$0x9] =	wrdreg s23;
	s13 =	sadd.s32 s29, s11;
	s31 =	sadd.s32 s14, s11  }
0x1c: {  	s11 =	sadd.s32 s12, s11;
	s12 =	simm.s32 $0x50;
	[dreg:$0xb] =	wrdreg s13  }
0x1d: {  	s14 =	simm.s32 $0x6180;
	s23 =	simm.s32 $0x2;
	[dreg:$0xc] =	wrdreg s31  }
0x1e: {  	[dreg:$0xd] =	wrdreg s11;
	s11 =	simm.s32 $0x3;
	s13 =	simm.s32 $0x3980  }
.LBB2_1:
0x1f: {  	[tilespmem:s5], [sflag:$0x3] =	stream.linear.gather [hbm4b:s6+s5], $0x3930, $0x38;
	[tilespmem:$0x1A180] =	vst v63  }
0x20: {  	_ =	swait.ge [sflag:s11], $0x3930  }
0x21: {  	[sflag:s11] =	ssyncset.done $0x0  }
0x22: {  	[sflag:s11] =	ssyncadd.s32 $0xFFFFC6D0  }
0x23: {  	[tilespmem:s13], [sflag:$0x1] =	stream.indirect.gather [hbm4b:s1+s12], $0x80, s5, s12, $0xb8;
	[tilespmem:$0x1A180] =	vst v63  }
0x24: {  	s29 =	simm.s32 $0x50  }
0x25: {  	[tilespmem:s14], [sflag:$0x1] =	stream.indirect.gather [hbm4b:s2+s12], $0x80, s29, s12, $0xb8;
	[tilespmem:$0x1A180] =	vst v63  }
0x26: {  	s29 =	simm.s32 $0xA0  }
0x27: {  	[tilespmem:s15], [sflag:$0x1] =	stream.indirect.gather [hbm4b:s4+s12], $0x80, s29, s12, $0xb8;
	[tilespmem:$0x1A180] =	vst v63  }
0x28: {  	s29 =	simm.s32 $0xF0  }
0x29: {  	[tilespmem:s16], [sflag:$0x1] =	stream.indirect.gather [hbm4b:s1+s12], $0x80, s29, s12, $0xb8;
	[tilespmem:$0x1A180] =	vst v63  }
0x2a: {  	s29 =	simm.s32 $0x140  }
0x2b: {  	[tilespmem:s17], [sflag:$0x1] =	stream.indirect.gather [hbm4b:s2+s12], $0x80, s29, s12, $0xb8;
	[tilespmem:$0x1A180] =	vst v63  }
0x2c: {  	s29 =	simm.s32 $0x190  }
0x2d: {  	[tilespmem:s18], [sflag:$0x1] =	stream.indirect.gather [hbm4b:s4+s12], $0x80, s29, s12, $0xb8;
	[tilespmem:$0x1A180] =	vst v63  }
0x2e: {  	s29 =	simm.s32 $0x1E0  }
0x2f: {  	[tilespmem:s19], [sflag:$0x1] =	stream.indirect.gather [hbm4b:s1+s12], $0x80, s29, s12, $0xb8;
	[tilespmem:$0x1A180] =	vst v63  }
0x30: {  	s29 =	simm.s32 $0x230  }
0x31: {  	[tilespmem:s20], [sflag:$0x1] =	stream.indirect.gather [hbm4b:s2+s12], $0x80, s29, s12, $0xb8;
	[tilespmem:$0x1A180] =	vst v63  }
0x32: {  	s29 =	simm.s32 $0x280  }
0x33: {  	[tilespmem:s21], [sflag:$0x1] =	stream.indirect.gather [hbm4b:s4+s12], $0x80, s29, s12, $0xb8;
	[tilespmem:$0x1A180] =	vst v63  }
0x34: {  	_ =	swait.ge [sflag:s22], $0x2800  }
0x35: {  	[sflag:s22] =	ssyncset.done $0x0  }
0x36: {  	[sflag:s22] =	ssyncadd.s32 $0xFFFFD800  }
0x37: {  	_ =	swait.ge [sflag:s22], $0x2800  }
0x38: {  	[sflag:s22] =	ssyncset.done $0x0  }
0x39: {  	[sflag:s22] =	ssyncadd.s32 $0xFFFFD800  }
0x3a: {  	_ =	swait.ge [sflag:s22], $0x2800  }
0x3b: {  	s29 =	rddreg [dreg:$0x5];
	[sflag:s22] =	ssyncset.done $0x0  }
0x3c: {  	s30 =	rddreg [dreg:$0xc];
	[sflag:s22] =	ssyncadd.s32 $0xFFFFD800;
	s29 =	sadd.s32 $0x0, s29  }
0x3d: {  	[hbm4b:s29+s5] =	stream.linear.scatter [tilespmem:s13], [sflag:$0x2], $0x2800, $0x38;
	[tilespmem:$0x1A180] =	vst v63  }
0x3e: {  	s31 =	rddreg [dreg:$0xd];
	s29 =	sadd.s32 $0x0, s30  }
0x3f: {  	[hbm4b:s29+s5] =	stream.linear.scatter [tilespmem:s14], [sflag:$0x2], $0x2800, $0x38;
	[tilespmem:$0x1A180] =	vst v63  }
0x40: {  	s29 =	sadd.s32 $0x0, s31  }
0x41: {  	[hbm4b:s29+s5] =	stream.linear.scatter [tilespmem:s15], [sflag:$0x2], $0x2800, $0x38;
	[tilespmem:$0x1A180] =	vst v63  }
0x42: {  	_ =	swait.ge [sflag:s22], $0x2800  }
0x43: {  	[sflag:s22] =	ssyncset.done $0x0  }
0x44: {  	[sflag:s22] =	ssyncadd.s32 $0xFFFFD800  }
0x45: {  	_ =	swait.ge [sflag:s22], $0x2800  }
0x46: {  	[sflag:s22] =	ssyncset.done $0x0  }
0x47: {  	[sflag:s22] =	ssyncadd.s32 $0xFFFFD800  }
0x48: {  	_ =	swait.ge [sflag:s22], $0x2800  }
0x49: {  	s29 =	rddreg [dreg:$0x9];
	[sflag:s22] =	ssyncset.done $0x0  }
0x4a: {  	s30 =	rddreg [dreg:$0xa];
	[sflag:s22] =	ssyncadd.s32 $0xFFFFD800;
	s29 =	sadd.s32 $0x0, s29  }
0x4b: {  	[hbm4b:s29+s5] =	stream.linear.scatter [tilespmem:s16], [sflag:$0x2], $0x2800, $0x38;
	[tilespmem:$0x1A180] =	vst v63  }
0x4c: {  	s3 =	rddreg [dreg:$0xb];
	s29 =	sadd.s32 $0x0, s30  }
0x4d: {  	[hbm4b:s29+s5] =	stream.linear.scatter [tilespmem:s17], [sflag:$0x2], $0x2800, $0x38;
	[tilespmem:$0x1A180] =	vst v63  }
0x4e: {  	s29 =	sadd.s32 $0x0, s3  }
0x4f: {  	[hbm4b:s29+s5] =	stream.linear.scatter [tilespmem:s18], [sflag:$0x2], $0x2800, $0x38;
	[tilespmem:$0x1A180] =	vst v63  }
0x50: {  	_ =	swait.ge [sflag:s22], $0x2800  }
0x51: {  	[sflag:s22] =	ssyncset.done $0x0  }
0x52: {  	[sflag:s22] =	ssyncadd.s32 $0xFFFFD800  }
0x53: {  	_ =	swait.ge [sflag:s22], $0x2800  }
0x54: {  	[sflag:s22] =	ssyncset.done $0x0  }
0x55: {  	[sflag:s22] =	ssyncadd.s32 $0xFFFFD800  }
0x56: {  	_ =	swait.ge [sflag:s22], $0x2800  }
0x57: {  	s29 =	rddreg [dreg:$0x6];
	[sflag:s22] =	ssyncset.done $0x0  }
0x58: {  	s30 =	rddreg [dreg:$0x7];
	[sflag:s22] =	ssyncadd.s32 $0xFFFFD800;
	s29 =	sadd.s32 $0x0, s29  }
0x59: {  	[hbm4b:s29+s5] =	stream.linear.scatter [tilespmem:s19], [sflag:$0x2], $0x2800, $0x38;
	[tilespmem:$0x1A180] =	vst v63  }
0x5a: {  	s24 =	rddreg [dreg:$0x8];
	s29 =	sadd.s32 $0x0, s30  }
0x5b: {  	[hbm4b:s29+s5] =	stream.linear.scatter [tilespmem:s20], [sflag:$0x2], $0x2800, $0x38;
	[tilespmem:$0x1A180] =	vst v63  }
0x5c: {  	s29 =	sadd.s32 $0x0, s24  }
0x5d: {  	[hbm4b:s29+s5] =	stream.linear.scatter [tilespmem:s21], [sflag:$0x2], $0x2800, $0x38;
	[tilespmem:$0x1A180] =	vst v63  }
0x5e: {  	_ =	swait.ge [sflag:s23], $0x2800  }
0x5f: {  	[sflag:s23] =	ssyncset.done $0x0  }
0x60: {  	[sflag:s23] =	ssyncadd.s32 $0xFFFFD800  }
0x61: {  	_ =	swait.ge [sflag:s23], $0x2800  }
0x62: {  	[sflag:s23] =	ssyncset.done $0x0  }
0x63: {  	[sflag:s23] =	ssyncadd.s32 $0xFFFFD800  }
0x64: {  	_ =	swait.ge [sflag:s23], $0x2800  }
0x65: {  	[sflag:s23] =	ssyncset.done $0x0  }
0x66: {  	[sflag:s23] =	ssyncadd.s32 $0xFFFFD800  }
0x67: {  	_ =	swait.ge [sflag:s23], $0x2800  }
0x68: {  	[sflag:s23] =	ssyncset.done $0x0  }
0x69: {  	[sflag:s23] =	ssyncadd.s32 $0xFFFFD800  }
0x6a: {  	_ =	swait.ge [sflag:s23], $0x2800  }
0x6b: {  	[sflag:s23] =	ssyncset.done $0x0  }
0x6c: {  	[sflag:s23] =	ssyncadd.s32 $0xFFFFD800  }
0x6d: {  	_ =	swait.ge [sflag:s23], $0x2800  }
0x6e: {  	[sflag:s23] =	ssyncset.done $0x0  }
0x6f: {  	[sflag:s23] =	ssyncadd.s32 $0xFFFFD800  }
0x70: {  	_ =	swait.ge [sflag:s23], $0x2800  }
0x71: {  	[sflag:s23] =	ssyncset.done $0x0  }
0x72: {  	[sflag:s23] =	ssyncadd.s32 $0xFFFFD800  }
0x73: {  	_ =	swait.ge [sflag:s23], $0x2800  }
0x74: {  	[sflag:s23] =	ssyncset.done $0x0  }
0x75: {  	[sflag:s23] =	ssyncadd.s32 $0xFFFFD800  }
0x76: {  	_ =	swait.ge [sflag:s23], $0x2800  }
0x77: {  	s30 =	simm.s32 $0x0;
	s29 =	simm.s32 $0xF00;
	[sflag:s23] =	ssyncset.done $0x0  }
.LBB2_2:
0x78: {  	[sflag:s23] =	ssyncadd.s32 $0xFFFFD800;
	s30 =	sadd.s32 $0x2D0, s30  }
0x79: {  	[tilespmem:s13], [sflag:$0x1] =	stream.indirect.gather [hbm4b:s1+s12], $0x80, s30, s12, $0xb8;
	[tilespmem:$0x1A180] =	vst v63  }
0x7a: {  	s3 =	sadd.s32 $0x50, s30  }
0x7b: {  	[tilespmem:s14], [sflag:$0x1] =	stream.indirect.gather [hbm4b:s2+s12], $0x80, s3, s12, $0xb8;
	[tilespmem:$0x1A180] =	vst v63  }
0x7c: {  	s0 =	sadd.s32 $0xA0, s30  }
0x7d: {  	[tilespmem:s15], [sflag:$0x1] =	stream.indirect.gather [hbm4b:s4+s12], $0x80, s0, s12, $0xb8;
	[tilespmem:$0x1A180] =	vst v63  }
0x7e: {  	s24 =	sadd.s32 $0xF0, s30  }
0x7f: {  	[tilespmem:s16], [sflag:$0x1] =	stream.indirect.gather [hbm4b:s1+s12], $0x80, s24, s12, $0xb8;
	[tilespmem:$0x1A180] =	vst v63  }
0x80: {  	s0 =	sadd.s32 $0x140, s30  }
0x81: {  	[tilespmem:s17], [sflag:$0x1] =	stream.indirect.gather [hbm4b:s2+s12], $0x80, s0, s12, $0xb8;
	[tilespmem:$0x1A180] =	vst v63  }
0x82: {  	s24 =	sadd.s32 $0x190, s30  }
0x83: {  	[tilespmem:s18], [sflag:$0x1] =	stream.indirect.gather [hbm4b:s4+s12], $0x80, s24, s12, $0xb8;
	[tilespmem:$0x1A180] =	vst v63  }
0x84: {  	s0 =	sadd.s32 $0x1E0, s30  }
0x85: {  	[tilespmem:s19], [sflag:$0x1] =	stream.indirect.gather [hbm4b:s1+s12], $0x80, s0, s12, $0xb8;
	[tilespmem:$0x1A180] =	vst v63  }
0x86: {  	s24 =	sadd.s32 $0x230, s30  }
0x87: {  	[tilespmem:s20], [sflag:$0x1] =	stream.indirect.gather [hbm4b:s2+s12], $0x80, s24, s12, $0xb8;
	[tilespmem:$0x1A180] =	vst v63  }
0x88: {  	s0 =	sadd.s32 $0x280, s30  }
0x89: {  	[tilespmem:s21], [sflag:$0x1] =	stream.indirect.gather [hbm4b:s4+s12], $0x80, s0, s12, $0xb8;
	[tilespmem:$0x1A180] =	vst v63  }
0x8a: {  	_ =	swait.ge [sflag:s22], $0x2800  }
0x8b: {  	[sflag:s22] =	ssyncset.done $0x0  }
0x8c: {  	[sflag:s22] =	ssyncadd.s32 $0xFFFFD800  }
0x8d: {  	_ =	swait.ge [sflag:s22], $0x2800  }
0x8e: {  	[sflag:s22] =	ssyncset.done $0x0  }
0x8f: {  	[sflag:s22] =	ssyncadd.s32 $0xFFFFD800  }
0x90: {  	_ =	swait.ge [sflag:s22], $0x2800  }
0x91: {  	s31 =	smov.u32 s29;
	s24 =	rddreg [dreg:$0x5];
	[sflag:s22] =	ssyncset.done $0x0  }
0x92: {  	s0 =	rddreg [dreg:$0xc];
	[sflag:s22] =	ssyncadd.s32 $0xFFFFD800;
	s3 =	sadd.s32 s31, s24  }
0x93: {  	[hbm4b:s3+s5] =	stream.linear.scatter [tilespmem:s13], [sflag:$0x2], $0x2800, $0x38;
	[tilespmem:$0x1A180] =	vst v63  }
0x94: {  	s24 =	rddreg [dreg:$0xd];
	s0 =	sadd.s32 s31, s0  }
0x95: {  	[hbm4b:s0+s5] =	stream.linear.scatter [tilespmem:s14], [sflag:$0x2], $0x2800, $0x38;
	[tilespmem:$0x1A180] =	vst v63  }
0x96: {  	s3 =	sadd.s32 s31, s24  }
0x97: {  	[hbm4b:s3+s5] =	stream.linear.scatter [tilespmem:s15], [sflag:$0x2], $0x2800, $0x38;
	[tilespmem:$0x1A180] =	vst v63  }
0x98: {  	_ =	swait.ge [sflag:s22], $0x2800  }
0x99: {  	[sflag:s22] =	ssyncset.done $0x0  }
0x9a: {  	[sflag:s22] =	ssyncadd.s32 $0xFFFFD800  }
0x9b: {  	_ =	swait.ge [sflag:s22], $0x2800  }
0x9c: {  	[sflag:s22] =	ssyncset.done $0x0  }
0x9d: {  	[sflag:s22] =	ssyncadd.s32 $0xFFFFD800  }
0x9e: {  	_ =	swait.ge [sflag:s22], $0x2800  }
0x9f: {  	s24 =	rddreg [dreg:$0x9];
	[sflag:s22] =	ssyncset.done $0x0  }
0xa0: {  	s3 =	rddreg [dreg:$0xa];
	[sflag:s22] =	ssyncadd.s32 $0xFFFFD800;
	s0 =	sadd.s32 s31, s24  }
0xa1: {  	[hbm4b:s0+s5] =	stream.linear.scatter [tilespmem:s16], [sflag:$0x2], $0x2800, $0x38;
	[tilespmem:$0x1A180] =	vst v63  }
0xa2: {  	s24 =	rddreg [dreg:$0xb];
	s3 =	sadd.s32 s31, s3  }
0xa3: {  	[hbm4b:s3+s5] =	stream.linear.scatter [tilespmem:s17], [sflag:$0x2], $0x2800, $0x38;
	[tilespmem:$0x1A180] =	vst v63  }
0xa4: {  	s3 =	sadd.s32 s31, s24  }
0xa5: {  	[hbm4b:s3+s5] =	stream.linear.scatter [tilespmem:s18], [sflag:$0x2], $0x2800, $0x38;
	[tilespmem:$0x1A180] =	vst v63  }
0xa6: {  	_ =	swait.ge [sflag:s22], $0x2800  }
0xa7: {  	[sflag:s22] =	ssyncset.done $0x0  }
0xa8: {  	[sflag:s22] =	ssyncadd.s32 $0xFFFFD800  }
0xa9: {  	_ =	swait.ge [sflag:s22], $0x2800  }
0xaa: {  	[sflag:s22] =	ssyncset.done $0x0  }
0xab: {  	[sflag:s22] =	ssyncadd.s32 $0xFFFFD800  }
0xac: {  	_ =	swait.ge [sflag:s22], $0x2800  }
0xad: {  	s24 =	rddreg [dreg:$0x6];
	[sflag:s22] =	ssyncset.done $0x0  }
0xae: {  	s3 =	rddreg [dreg:$0x7];
	[sflag:s22] =	ssyncadd.s32 $0xFFFFD800;
	s0 =	sadd.s32 s31, s24  }
0xaf: {  	[hbm4b:s0+s5] =	stream.linear.scatter [tilespmem:s19], [sflag:$0x2], $0x2800, $0x38;
	[tilespmem:$0x1A180] =	vst v63  }
0xb0: {  	s24 =	rddreg [dreg:$0x8];
	s3 =	sadd.s32 s31, s3  }
0xb1: {  	[hbm4b:s3+s5] =	stream.linear.scatter [tilespmem:s20], [sflag:$0x2], $0x2800, $0x38;
	[tilespmem:$0x1A180] =	vst v63  }
0xb2: {  	s31 =	sadd.s32 s31, s24  }
0xb3: {  	[hbm4b:s31+s5] =	stream.linear.scatter [tilespmem:s21], [sflag:$0x2], $0x2800, $0x38;
	[tilespmem:$0x1A180] =	vst v63  }
0xb4: {  	_ =	swait.ge [sflag:s23], $0x2800  }
0xb5: {  	[sflag:s23] =	ssyncset.done $0x0  }
0xb6: {  	[sflag:s23] =	ssyncadd.s32 $0xFFFFD800  }
0xb7: {  	_ =	swait.ge [sflag:s23], $0x2800  }
0xb8: {  	[sflag:s23] =	ssyncset.done $0x0  }
0xb9: {  	[sflag:s23] =	ssyncadd.s32 $0xFFFFD800  }
0xba: {  	_ =	swait.ge [sflag:s23], $0x2800  }
0xbb: {  	[sflag:s23] =	ssyncset.done $0x0  }
0xbc: {  	[sflag:s23] =	ssyncadd.s32 $0xFFFFD800  }
0xbd: {  	_ =	swait.ge [sflag:s23], $0x2800  }
0xbe: {  	[sflag:s23] =	ssyncset.done $0x0  }
0xbf: {  	[sflag:s23] =	ssyncadd.s32 $0xFFFFD800  }
0xc0: {  	_ =	swait.ge [sflag:s23], $0x2800  }
0xc1: {  	[sflag:s23] =	ssyncset.done $0x0  }
0xc2: {  	[sflag:s23] =	ssyncadd.s32 $0xFFFFD800  }
0xc3: {  	_ =	swait.ge [sflag:s23], $0x2800  }
0xc4: {  	[sflag:s23] =	ssyncset.done $0x0  }
0xc5: {  	[sflag:s23] =	ssyncadd.s32 $0xFFFFD800  }
0xc6: {  	_ =	swait.ge [sflag:s23], $0x2800  }
0xc7: {  	[sflag:s23] =	ssyncset.done $0x0  }
0xc8: {  	p0 =	sne.s32 s29, $0x11D00;
	[sflag:s23] =	ssyncadd.s32 $0xFFFFD800  }
.Ltmp0:
0xc9: {  	_ =	swait.ge [sflag:s23], $0x2800;
	(pc) =	sbr.rel @p0 .LBB2_2-.Ltmp0, $4  }
0xca: {  	[sflag:s23] =	ssyncset.done $0x0  }
0xcb: {  	[sflag:s23] =	ssyncadd.s32 $0xFFFFD800  }
0xcc: {  	_ =	swait.ge [sflag:s23], $0x2800  }
0xcd: {  	s29 =	sadd.s32 $0xF00, s29;
	[sflag:s23] =	ssyncset.done $0x0  }
0xce: {  	[sflag:s23] =	ssyncadd.s32 $0xFFFFD800;
	s0 =	simm.s32 $0x3840  }
0xcf: {  	[tilespmem:s13], [sflag:$0x1] =	stream.indirect.gather [hbm4b:s1+s12], $0x80, s0, s12, $0xb8;
	[tilespmem:$0x1A180] =	vst v63  }
0xd0: {  	_ = 	snop  }
0xd1: {  	[tilespmem:s14], [sflag:$0x1] =	stream.indirect.gather [hbm4b:s2+s12], $0x80, s25, s12, $0xb8;
	[tilespmem:$0x1A180] =	vst v63  }
0xd2: {  	_ = 	snop  }
0xd3: {  	[tilespmem:s15], [sflag:$0x1] =	stream.indirect.gather [hbm4b:s4+s12], $0x80, s26, s12, $0xb8;
	[tilespmem:$0x1A180] =	vst v63  }
0xd4: {  	_ =	swait.ge [sflag:s22], $0x2800  }
0xd5: {  	[sflag:s22] =	ssyncset.done $0x0  }
0xd6: {  	[sflag:s22] =	ssyncadd.s32 $0xFFFFD800  }
0xd7: {  	_ =	swait.ge [sflag:s22], $0x2800  }
0xd8: {  	[sflag:s22] =	ssyncset.done $0x0  }
0xd9: {  	[sflag:s22] =	ssyncadd.s32 $0xFFFFD800  }
0xda: {  	_ =	swait.ge [sflag:s22], $0x2800  }
0xdb: {  	[sflag:s22] =	ssyncset.done $0x0  }
0xdc: {  	[sflag:s22] =	ssyncadd.s32 $0xFFFFD800  }
0xdd: {  	[hbm4b:s7+s5] =	stream.linear.scatter [tilespmem:s13], [sflag:$0x2], $0x2800, $0x38;
	[tilespmem:$0x1A180] =	vst v63  }
0xde: {  	_ = 	snop  }
0xdf: {  	[hbm4b:s8+s5] =	stream.linear.scatter [tilespmem:s14], [sflag:$0x2], $0x2800, $0x38;
	[tilespmem:$0x1A180] =	vst v63  }
0xe0: {  	_ = 	snop  }
0xe1: {  	[hbm4b:s9+s5] =	stream.linear.scatter [tilespmem:s15], [sflag:$0x2], $0x2800, $0x38;
	[tilespmem:$0x1A180] =	vst v63  }
0xe2: {  	_ =	swait.ge [sflag:s23], $0x2800  }
0xe3: {  	[sflag:s23] =	ssyncset.done $0x0  }
0xe4: {  	s28 =	sadd.s32 $0x1, s28;
	[sflag:s23] =	ssyncadd.s32 $0xFFFFD800  }
0xe5: {  	p0 =	sne.s32 s28, s10;
	_ =	swait.ge [sflag:s23], $0x2800  }
.Ltmp1:
0xe6: {  	[sflag:s23] =	ssyncset.done $0x0;
	(pc) =	sbr.rel @p0 .LBB2_1-.Ltmp1, $4  }
0xe7: {  	[sflag:s23] =	ssyncadd.s32 $0xFFFFD800  }
0xe8: {  	_ =	swait.ge [sflag:s23], $0x2800  }
0xe9: {  	[sflag:s23] =	ssyncset.done $0x0  }
0xea: {  	[sflag:s23] =	ssyncadd.s32 $0xFFFFD800  }
0xeb: {  	_ =	sfence.sel $0x180000  }
0xec: {  	[bflag:$0x0] =	sbarrier.arrive $0xFFFF  }
0xed: {  	_ =	strace $0x90000047  }
0xee: {  	s0 =	stileid.u32;
	[bflag:$0x2] =	sbarrier.arrive $0xFFFF  }
0xef: {  	p0 =	sne.s32 s0, $0x0;
	s0 =	rddreg [dreg:$0x4]  }
0xf0: {  	s0 =	sadd.s32 @!p0 $0x100000, s0  }
0xf1: {  	[sflag:s0] =	ssyncadd.tile.s32 @!p0 $0x1;
	_ =	shalt  }
.Lfunc_end2:
_tile_overlayer_lowered:
.L_overlay_start_2:
0xf2: {  	(tag) =	ssettag $0x2  }
0xf3: {  	s0 =	rddreg [dreg:$0x0];
	s2 =	stileid.u32  }
0xf4: {  	s1 =	rddreg [dreg:$0x1];
	p0 =	sne.s32 s2, $0x0  }
0xf5: {  	s3 =	rddreg [dreg:$0x2];
	[bflag:$0x3] =	sbarrier.arrive $0xFFFF;
	s2 =	simm.s32 @!p0 $0x1C03  }
0xf6: {  	[timem:s3], [sflag:s2] =	dma.local @!p0 [hbm:s0], s1  }
0xf7: {  	s0 =	simm.s32 @!p0 $0x3  }
0xf8: {  	_ =	swait.ge @!p0 [sflag:s0], s1  }
0xf9: {  	s1 =	ssub.s32 @!p0 $0x0, s1;
	[sflag:s0] =	ssyncset.done @!p0 $0x0  }
0xfa: {  	[sflag:s0] =	ssyncadd.s32 @!p0 s1  }
0xfb: {  	[bflag:$0x3] =	sbarrier.arrive $0xFFFF  }
0xfc: {  	_ =	shalt  }

// kernel: kernel.15.cloned.1.call-start
scs
__scs_entry_jumppad:
0x0: {  	(pc) =	sbr.rel $0x88, $3  }
0x1: {  	(tag) =	ssettag $0x0;
	lr =	simm.s32 $0x1  }
0x2: {  	[smem:$0x3F93] =	sst lr;
	_ =	strace $0xD0000000  }
0x3: {  	_ = 	snop  }
0x4: {  	_ = 	snop  }
0x5: {  	_ = 	snop  }
0x6: {  	_ = 	snop  }
0x7: {  	_ = 	snop  }
__scs_overlays_trampoline_lowered:
0x8: {  	[smem:$0x3FA2] =	sst s0  }
0x9: {  	[smem:$0x3FA3] =	sst s1  }
0xa: {  	[smem:$0x3FA4] =	sst s2  }
0xb: {  	[smem:$0x3FA5] =	sst s3  }
0xc: {  	[smem:$0x3FA6] =	sst s4  }
0xd: {  	[smem:$0x3FA7] =	sst s5  }
0xe: {  	[smem:$0x3FA8] =	sst s6  }
0xf: {  	[smem:$0x3FA9] =	sst s7  }
0x10: {  	[smem:$0x3FAA] =	sst s8  }
0x11: {  	[smem:$0x3FAB] =	sst s9;
	s0 =	simm.s32 @!p0 $0x0  }
0x12: {  	s1 =	sld [smem:$0x3F91];
	s0 =	simm.s32 @p0 $0x1  }
0x13: {  	[smem:$0x3FAC] =	sst s0;
	s0 =	simm.s32 @!p1 $0x0  }
0x14: {  	s2 =	sld [smem:$0x3F90];
	s0 =	simm.s32 @p1 $0x1  }
0x15: {  	[smem:$0x3FAD] =	sst s0;
	s0 =	simm.s32 @!p2 $0x0  }
0x16: {  	s3 =	sld [smem:$0x3FDB];
	s0 =	simm.s32 @p2 $0x1  }
0x17: {  	s4 =	simm.s32 $0x1BF5;
	[smem:$0x3FAF] =	sst s0  }
0x18: {  	s0 =	sld [smem:$0x3F92];
	_ =	swait.ge [sflag:s4], $0x0  }
0x19: {  	s7 =	sld [smem:$0x3F93]  }
0x1a: {  	s8 =	sadd.s32 $0xFFFFE003, lr  }
0x1b: {  	s9 =	sadd.s32 $0xFFFFFEF7, lr;
	s5 =	simm.s32 $0xFFFFFFFF;
	p2 =	slt.u32 s8, $0xFFFFF086  }
0x1c: {  	p1 =	slt.u32 s9, $0xF7A;
	s5 =	simm.s32 @!p2 $0x0  }
0x1d: {  	s5 =	simm.s32 @p1 $0x1;
	p0 =	seq.s32 s7, s2  }
0x1e: {  	s7 =	smul.u32 @!p0 $0xF7A, s2;
	p2 =	seq.s32 @!p0 s5, $0x0  }
0x1f: {  	s9 =	smul.u32 $0xF7A, s1;
	s8 =	simm.s32 @!p0 $0x1BF5;
	p2 =	por !p2, p0  }
0x20: {  	[sflag:s8] =	ssyncset.s32 @!p0 $0xFFFFF086;
	s6 =	sadd.s32 @!p0 s3, s7;
	s7 =	simm.s32 @!p0 $0x108  }
0x21: {  	s3 =	sadd.s32 s3, s9;
	s6 =	sadd.s32 @!p0 $0x88, s6;
	s7 =	simm.s32 @p2 $0x1082  }
0x22: {  	[simem:s7], [sflag:s8] =	dma.local @!p0 [hbm:s6], $0xF7A  }
0x23: {  	s9 =	sor.u32 $0xD0000000, s2;
	s6 =	simm.s32 $0x108;
	_ =	swait.ge @!p0 [sflag:s8], $0x0  }
0x24: {  	s3 =	sadd.s32 $0x88, s3;
	s6 =	simm.s32 @!p1 $0x1082;
	[sflag:s4] =	ssyncset.s32 $0xFFFFF086  }
0x25: {  	[simem:s6], [sflag:s4] =	dma.local [hbm:s3], $0xF7A  }
0x26: {  	[smem:$0x3F93] =	sst s1;
	(tag) =	ssettag s2;
	_ =	strace s9  }
0x27: {  	s1 =	sld [smem:$0x3FA3]  }
0x28: {  	s2 =	sld [smem:$0x3FA4]  }
0x29: {  	s4 =	sld [smem:$0x3FA6]  }
0x2a: {  	p0 =	seq.s32 s5, $0x0;
	s5 =	sld [smem:$0x3FA7]  }
0x2b: {  	s6 =	sld [smem:$0x3FA8]  }
0x2c: {  	s7 =	sld [smem:$0x3FA9]  }
0x2d: {  	s3 =	simm.s32 $0x108;
	s8 =	sld [smem:$0x3FAA]  }
0x2e: {  	s3 =	simm.s32 @!p0 $0x1082;
	s9 =	sld [smem:$0x3FAB]  }
0x2f: {  	lr =	sadd.s32 s0, s3;
	s0 =	sld [smem:$0x3FA2]  }
0x30: {  	s3 =	sld [smem:$0x3FA5]  }
0x31: {  	[smem:$0x3FAE] =	sst s10  }
0x32: {  	s10 =	sld [smem:$0x3FAC];
	_ =	sdelay $0x3  }
0x33: {  	p0 =	seq.s32 s10, $0x1;
	s10 =	sld [smem:$0x3FAE];
	_ =	sdelay $0x3  }
0x34: {  	[smem:$0x3FAE] =	sst s10  }
0x35: {  	s10 =	sld [smem:$0x3FAD];
	_ =	sdelay $0x3  }
0x36: {  	p1 =	seq.s32 s10, $0x1;
	s10 =	sld [smem:$0x3FAE];
	_ =	sdelay $0x3  }
0x37: {  	[smem:$0x3FAE] =	sst s10  }
0x38: {  	s10 =	sld [smem:$0x3FAF]  }
0x39: {  	_ = 	snop;
	(pc) =	sbr.ind lr, $3  }
0x3a: {  	_ = 	snop  }
0x3b: {  	_ = 	snop  }
0x3c: {  	p2 =	seq.s32 s10, $0x1;
	s10 =	sld [smem:$0x3FAE]  }
0x3d: {  	_ =	shalt  }
0x3e: {  	_ =	shalt  }
0x3f: {  	_ =	shalt  }
0x40: {  	_ =	shalt  }
0x41: {  	_ =	shalt  }
0x42: {  	_ =	shalt  }
0x43: {  	_ =	shalt  }
0x44: {  	_ =	shalt  }
0x45: {  	_ =	shalt  }
0x46: {  	_ =	shalt  }
0x47: {  	_ =	shalt  }
0x48: {  	_ =	shalt  }
0x49: {  	_ =	shalt  }
0x4a: {  	_ =	shalt  }
0x4b: {  	_ =	shalt  }
0x4c: {  	_ =	shalt  }
0x4d: {  	_ =	shalt  }
0x4e: {  	_ =	shalt  }
0x4f: {  	_ =	shalt  }
0x50: {  	_ =	shalt  }
0x51: {  	_ =	shalt  }
0x52: {  	_ =	shalt  }
0x53: {  	_ =	shalt  }
0x54: {  	_ =	shalt  }
0x55: {  	_ =	shalt  }
0x56: {  	_ =	shalt  }
0x57: {  	_ =	shalt  }
0x58: {  	_ =	shalt  }
0x59: {  	_ =	shalt  }
0x5a: {  	_ =	shalt  }
0x5b: {  	_ =	shalt  }
0x5c: {  	_ =	shalt  }
0x5d: {  	_ =	shalt  }
0x5e: {  	_ =	shalt  }
0x5f: {  	_ =	shalt  }
0x60: {  	_ =	shalt  }
0x61: {  	_ =	shalt  }
0x62: {  	_ =	shalt  }
0x63: {  	_ =	shalt  }
0x64: {  	_ =	shalt  }
0x65: {  	_ =	shalt  }
0x66: {  	_ =	shalt  }
0x67: {  	_ =	shalt  }
0x68: {  	_ =	shalt  }
0x69: {  	_ =	shalt  }
0x6a: {  	_ =	shalt  }
0x6b: {  	_ =	shalt  }
0x6c: {  	_ =	shalt  }
0x6d: {  	_ =	shalt  }
0x6e: {  	_ =	shalt  }
0x6f: {  	_ =	shalt  }
0x70: {  	_ =	shalt  }
0x71: {  	_ =	shalt  }
0x72: {  	_ =	shalt  }
0x73: {  	_ =	shalt  }
0x74: {  	_ =	shalt  }
0x75: {  	_ =	shalt  }
0x76: {  	_ =	shalt  }
0x77: {  	_ =	shalt  }
0x78: {  	_ =	shalt  }
0x79: {  	_ =	shalt  }
0x7a: {  	_ =	shalt  }
0x7b: {  	_ =	shalt  }
0x7c: {  	_ =	shalt  }
0x7d: {  	_ =	shalt  }
0x7e: {  	_ =	shalt  }
0x7f: {  	_ =	shalt  }
0x80: {  	_ =	shalt  }
0x81: {  	_ =	shalt  }
0x82: {  	_ =	shalt  }
0x83: {  	_ =	shalt  }
0x84: {  	_ =	shalt  }
0x85: {  	_ =	shalt  }
0x86: {  	_ =	shalt  }
0x87: {  	_ =	shalt  }
.Lfunc_end0:
.L_simem_size_0:
called_computation.2_lowered:
.L_overlay_start_0:
0x88: {  	s2 =	sld [smem:$0x3FD9]  }
0x89: {  	s3 =	sld [smem:$0x3FFE];
	_ =	sdelay $0x1  }
0x8a: {  	s1 =	srdreg.scid  }
0x8b: {  	s0 =	sand.u32 $0x1, s1  }
0x8c: {  	s15 =	sshll.u32 s0, $0xA;
	s2 =	sadd.s32 s3, s2  }
0x8d: {  	s2 =	sadd.s32 s2, s15  }
0x8e: {  	[smem:$0x3FBA] =	sst s2  }
0x8f: {  	_ = 	snop  }
0x90: {  	s2 =	sld [smem:$0x3FD0];
	_ =	sdelay $0x2  }
0x91: {  	s16 =	simm.s32 $0xB;
	s4 =	simm.s32 $0x10  }
0x92: {  	[smem:s4], [sflag:s16] =	dma.local [hbm:s2], $0x1  }
0x93: {  	_ =	swait.eq [sflag:s16], $0x1  }
0x94: {  	[sflag:s16] =	ssyncset.done $0x0  }
0x95: {  	[sflag:s16] =	ssyncadd.s32 $0xFFFFFFFF  }
0x96: {  	s17 =	sld [smem:$0x15];
	(tm) =	ssettm $0x1  }
0x97: {  	s18 =	sld [smem:$0x3FFB];
	_ =	sdelay $0x3  }
0x98: {  	_ =	strace s18  }
0x99: {  	s2 =	sld [smem:$0x3FFC];
	_ =	sdelay $0x3  }
0x9a: {  	_ =	strace s2  }
0x9b: {  	s2 =	sld [smem:$0x3FFD];
	_ =	sdelay $0x3  }
0x9c: {  	_ =	strace s2  }
0x9d: {  	_ =	strace $0x8FFFFFFF  }
0x9e: {  	s19 =	sld [smem:$0x3FDB];
	_ =	sdelay $0x1  }
0x9f: {  	s20 =	simm.s32 $_scs_section_size  }
0xa0: {  	s5 =	simm.s32 $_size__tile_overlayer_lowered;
	s6 =	simm.s32 $_tile_overlayer_lowered  }
0xa1: {  	s7 =	simm.s32 $0x1BFF;
	s21 =	sshll.u32 s6, $0x1;
	s4 =	sadd.s32 s20, s19  }
0xa2: {  	s22 =	simm.s32 $0x0;
	s5 =	sshll.u32 s5, $0x1;
	s6 =	sadd.s32 s21, s4  }
0xa3: {  	[timem:s22], [sflag:s7] =	dma.local [hbm:s6], s5  }
0xa4: {  	_ =	swait.ge [sflag:s7], s5  }
0xa5: {  	s5 =	ssub.s32 $0x0, s5;
	[sflag:s7] =	ssyncset.done $0x0  }
0xa6: {  	[sflag:s7] =	ssyncadd.s32 s5;
	_ =	sdelay $0x1  }
0xa7: {  	s23 =	simm.s32 $0x1B8B  }
0xa8: {  	_ =	swait.ge [sflag:s23], $0x1  }
0xa9: {  	[sflag:s23] =	ssyncset.done $0x0  }
0xaa: {  	[sflag:s23] =	ssyncadd.s32 $0xFFFFFFFF  }
0xab: {  	s5 =	sld [smem:$0x0]  }
0xac: {  	s6 =	sand.u32 $0xFFFFFFFE, s1  }
0xad: {  	p0 =	sne.s32 s1, s6  }
0xae: {  	s6 =	sshll.u32 @p0 s6, $0xE  }
0xaf: {  	s6 =	sadd.s32 @p0 $0x11B8D, s6;
	s7 =	sshll.u32 @p0 s5, $0x11  }
0xb0: {  	s6 =	sor.u32 @p0 s7, s6  }
0xb1: {  	[sflag:s6] =	ssyncadd.remote.s32 @p0 $0x1;
	_ =	sdelay $0x1  }
0xb2: {  	s6 =	simm.s32 @p0 $0x1B8D  }
0xb3: {  	_ =	swait.eq @p0 [sflag:s6], $0x1  }
0xb4: {  	[sflag:s6] =	ssyncadd.s32 @p0 $0xFFFFFFFF  }
0xb5: {  	s7 =	sshll.u32 @!p0 s1, $0xE  }
0xb6: {  	s7 =	sor.u32 @!p0 $0x4000, s7;
	s6 =	simm.s32 @!p0 $0x1B8D  }
0xb7: {  	s5 =	sshll.u32 @!p0 s5, $0x11;
	s7 =	sadd.s32 @!p0 $0x11B8D, s7;
	_ =	swait.eq @!p0 [sflag:s6], $0x1  }
0xb8: {  	s5 =	sor.u32 @!p0 s5, s7;
	[sflag:s6] =	ssyncadd.s32 @!p0 $0xFFFFFFFF  }
0xb9: {  	s25 =	simm.s32 $0x1B8E;
	s24 =	sld [smem:$0x3FFE];
	[sflag:s5] =	ssyncadd.remote.s32 @!p0 $0x1  }
0xba: {  	s26 =	simm.s32 $execute0_lowered;
	[smem:$0x3FD2] =	sst s25  }
0xbb: {  	s6 =	sshll.u32 s26, $0x1;
	_ =	strace $0x8000004F;
	[dreg:$0x1] =	wrdreg $0xFFFFFFFF  }
0xbc: {  	s28 =	simm.s32 $_size_execute0_lowered;
	s4 =	sadd.s32 s4, s6;
	[dreg:$0x0] =	wrdreg $0x0  }
0xbd: {  	s6 =	sshll.u32 s28, $0x1;
	[dreg:$0x2] =	wrdreg s4  }
0xbe: {  	[dreg:$0x3] =	wrdreg s6  }
0xbf: {  	[dreg:$0x4] =	wrdreg $0xC0  }
0xc0: {  	_ =	task [dreg:s22], $0x5FFFF  }
0xc1: {  	[dreg:$0x1] =	wrdreg $0xFFFFFFFF  }
0xc2: {  	[dreg:$0x0] =	wrdreg $0x60  }
0xc3: {  	[dreg:$0x2] =	wrdreg s24  }
0xc4: {  	[dreg:$0x3] =	wrdreg s17  }
0xc5: {  	[dreg:$0x4] =	wrdreg $0x81000  }
0xc6: {  	[dreg:$0x5] =	wrdreg $0x9  }
0xc7: {  	_ =	task.clear_ibuf [dreg:s22], $0x6FFFF;
	_ =	strace $0x9000004F  }
0xc8: {  	s29 =	simm.s32 $0x9;
	_ =	strace $0x80000051  }
0xc9: {  	_ =	swait.ge [sflag:s29], $0x1  }
0xca: {  	[sflag:s29] =	ssyncadd.s32 $0xFFFFFFFF  }
0xcb: {  	_ =	strace $0x90000051  }
0xcc: {  	_ =	sfence  }
0xcd: {  	s30 =	sld [smem:$0x0];
	_ =	sdelay $0x2  }
0xce: {  	s31 =	sshll.u32 s1, $0xD;
	s1 =	sshrl.u32 s1, $0x2  }
0xcf: {  	s4 =	sand.u32 $0x4000, s31;
	s1 =	sadd.s32 s1, s30  }
0xd0: {  	s0 =	sor.u32 s4, s0;
	s1 =	sshll.u32 s1, $0x11  }
0xd1: {  	s0 =	sor.u32 s1, s0  }
0xd2: {  	s0 =	sadd.s32 $0x8F2B, s0  }
0xd3: {  	[sflag:s0] =	ssyncadd.remote.s32 $0x1  }
0xd4: {  	_ =	sfence.sel $0xFFFF  }
0xd5: {  	[dreg:$0x0] =	wrdreg $0xFFFFFFFF;
	(pc) =	sbr.abs _section_cstart, $3  }
0xd6: {  	[dreg:$0x1] =	wrdreg $0xFFFFFFFF  }
0xd7: {  	_ =	task.clear_ibuf [dreg:s22], $0x2FFFF;
	_ =	strace $0x9FFFFFFF  }
0xd8: {  	(tm) =	ssettm $0x7FFFFFFF  }
0xd9: {  	_ =	shalt  }
tec
execute0_lowered:
.L_overlay_start_1:
0x0: {  	(tag) =	ssettag $0x1  }
0x1: {  	s4 =	rddreg [dreg:$0x0]  }
0x2: {  	s5 =	rddreg [dreg:$0x1]  }
0x3: {  	s2 =	rddreg [dreg:$0x2]  }
0x4: {  	s0 =	rddreg [dreg:$0x3]  }
0x5: {  	s1 =	stileid.u32;
	s6 =	srdreg.scid  }
0x6: {  	s3 =	simm.s32 $0x0;
	s15 =	simm.s32 $0x4100;
	s16 =	simm.s32 $0x1  }
0x7: {  	s17 =	simm.s32 $0x2;
	s18 =	simm.s32 $0x3;
	s19 =	simm.s32 $0x0  }
0x8: {  	s8 =	sand.u32 $0x1, s6;
	s23 =	smul.u32 $0x2800, s1;
	[smem:$0x7FF] =	sst s3  }
0x9: {  	s7 =	sshll.u32 s1, $0xC;
	s24 =	smul.u32 $0x50000, s1;
	s11 =	sadd.s32 $0x52400, s4  }
0xa: {  	s26 =	sshll.u32 s1, $0x6;
	s28 =	sshll.u32 s1, $0x5;
	s9 =	smul.u32 $0x28000, s8  }
0xb: {  	_ =	strace $0x80000050;
	s10 =	sadd.s32 s7, s4;
	s12 =	ssub.s32 $0x2, s8  }
0xc: {  	s29 =	sshll.u32 s8, $0x4;
	s8 =	sshll.u32 s8, $0xB;
	s14 =	sor.u32 $0x200, s28  }
0xd: {  	s25 =	sshrl.u32 s12, $0x1;
	s7 =	sshrl.u32 s24, $0x2;
	s8 =	sadd.s32 s8, s10  }
0xe: {  	s30 =	sand.u32 $0x380, s14;
	s14 =	simm.s32 $0x80;
	s9 =	sadd.s32 s23, s9  }
0xf: {  	s12 =	ssub.s32 s12, s25;
	s13 =	sadd.s32 s7, s2;
	s10 =	sadd.s32 s30, s11  }
0x10: {  	s8 =	sadd.s32 $0x2D7400, s8;
	s9 =	sadd.s32 s9, s4;
	s4 =	sadd.s32 s5, s23  }
0x11: {  	s5 =	sor.u32 $0x1C04, s26;
	s6 =	sadd.s32 $0x557400, s9;
	s9 =	sor.u32 s29, s28  }
0x12: {  	s7 =	smax.u32 s12, $0x1;
	s12 =	sand.u32 $0x180, s9;
	s31 =	sand.u32 $0x70, s9  }
0x13: {  	s11 =	sadd.s32 s12, s11;
	s9 =	sadd.s32 s31, s10;
	s12 =	simm.s32 $0x4  }
0x14: {  	s10 =	sadd.s32 s31, s11;
	s11 =	sshrl.u32 s13, $0x3;
	s13 =	simm.s32 $0x100  }
.LBB2_1:
0x15: {  	[spmem:s11], [sflag:s5] =	dma.local [hbm:s4], $0x2800  }
0x16: {  	_ =	swait.ge [sflag:s12], $0x2800  }
0x17: {  	[sflag:s12] =	ssyncset.done $0x0  }
0x18: {  	[sflag:s12] =	ssyncadd.s32 $0xFFFFD800  }
0x19: {  	[bflag:$0x0] =	sbarrier.arrive $0xFFFF  }
0x1a: {  	[tilespmem:s3], [sflag:$0x1] =	stream.linear.gather [hbm4b:s10+s3], $0x80, $0x38;
	[tilespmem:$0x1C100] =	vst v63  }
0x1b: {  	s20 =	sadd.s32 $0x0, s8  }
0x1c: {  	[tilespmem:s13], [sflag:$0x2] =	stream.linear.gather [hbm4b:s20+s3], $0x4000, $0x38;
	[tilespmem:$0x1C100] =	vst v63  }
0x1d: {  	_ = 	snop  }
0x1e: {  	[tilespmem:s14], [sflag:$0x1] =	stream.linear.gather [hbm4b:s9+s3], $0x80, $0x38;
	[tilespmem:$0x1C100] =	vst v63  }
0x1f: {  	s20 =	sadd.s32 $0x10000, s20  }
0x20: {  	[tilespmem:s15], [sflag:$0x2] =	stream.linear.gather [hbm4b:s20+s3], $0x4000, $0x38;
	[tilespmem:$0x1C100] =	vst v63  }
0x21: {  	_ =	swait.ge [sflag:s16], $0x80  }
0x22: {  	[sflag:s16] =	ssyncset.done $0x0  }
0x23: {  	[sflag:s16] =	ssyncadd.s32 $0xFFFFFF80  }
0x24: {  	_ =	swait.ge [sflag:s17], $0x4000  }
0x25: {  	[sflag:s17] =	ssyncset.done $0x0  }
0x26: {  	[sflag:s17] =	ssyncadd.s32 $0xFFFFC000  }
0x27: {  	[spmem:s2] =	stream.indirect.scatter.add.f32 [tilespmem:s13], [sflag:$0x3], $0x80, s3, s14, $0xb8;
	[tilespmem:$0x1C100] =	vst v63  }
0x28: {  	_ =	swait.ge [sflag:s16], $0x80  }
0x29: {  	[sflag:s16] =	ssyncset.done $0x0  }
0x2a: {  	[sflag:s16] =	ssyncadd.s32 $0xFFFFFF80  }
0x2b: {  	_ =	swait.ge [sflag:s17], $0x4000  }
0x2c: {  	[sflag:s17] =	ssyncset.done $0x0  }
0x2d: {  	[sflag:s17] =	ssyncadd.s32 $0xFFFFC000  }
0x2e: {  	[spmem:s2] =	stream.indirect.scatter.add.f32 [tilespmem:s15], [sflag:$0x3], $0x80, s14, s14, $0xb8;
	[tilespmem:$0x1C100] =	vst v63  }
0x2f: {  	_ =	swait.ge [sflag:s18], $0x4000  }
0x30: {  	[sflag:s18] =	ssyncset.done $0x0  }
0x31: {  	[sflag:s18] =	ssyncadd.s32 $0xFFFFC000  }
0x32: {  	s21 =	smov.u32 s9;
	_ =	swait.ge [sflag:s18], $0x4000  }
0x33: {  	s22 =	smov.u32 s10;
	s20 =	simm.s32 $0x20000;
	[sflag:s18] =	ssyncset.done $0x0  }
.LBB2_2:
0x34: {  	[sflag:s18] =	ssyncadd.s32 $0xFFFFC000;
	s21 =	sadd.s32 $0x400, s21;
	s22 =	sadd.s32 $0x400, s22  }
0x35: {  	[tilespmem:s3], [sflag:$0x1] =	stream.linear.gather [hbm4b:s22+s3], $0x80, $0x38;
	[tilespmem:$0x1C100] =	vst v63  }
0x36: {  	s23 =	sadd.s32 s20, s8;
	p0 =	sne.s32 s20, $0x260000;
	s20 =	sadd.s32 $0x20000, s20  }
0x37: {  	[tilespmem:s13], [sflag:$0x2] =	stream.linear.gather [hbm4b:s23+s3], $0x4000, $0x38;
	[tilespmem:$0x1C100] =	vst v63  }
0x38: {  	_ = 	snop  }
0x39: {  	[tilespmem:s14], [sflag:$0x1] =	stream.linear.gather [hbm4b:s21+s3], $0x80, $0x38;
	[tilespmem:$0x1C100] =	vst v63  }
0x3a: {  	s23 =	sadd.s32 $0x10000, s23  }
0x3b: {  	[tilespmem:s15], [sflag:$0x2] =	stream.linear.gather [hbm4b:s23+s3], $0x4000, $0x38;
	[tilespmem:$0x1C100] =	vst v63  }
0x3c: {  	_ =	swait.ge [sflag:s16], $0x80  }
0x3d: {  	[sflag:s16] =	ssyncset.done $0x0  }
0x3e: {  	[sflag:s16] =	ssyncadd.s32 $0xFFFFFF80  }
0x3f: {  	_ =	swait.ge [sflag:s17], $0x4000  }
0x40: {  	[sflag:s17] =	ssyncset.done $0x0  }
0x41: {  	[sflag:s17] =	ssyncadd.s32 $0xFFFFC000  }
0x42: {  	[spmem:s2] =	stream.indirect.scatter.add.f32 [tilespmem:s13], [sflag:$0x3], $0x80, s3, s14, $0xb8;
	[tilespmem:$0x1C100] =	vst v63  }
0x43: {  	_ =	swait.ge [sflag:s16], $0x80  }
0x44: {  	[sflag:s16] =	ssyncset.done $0x0  }
0x45: {  	[sflag:s16] =	ssyncadd.s32 $0xFFFFFF80  }
0x46: {  	_ =	swait.ge [sflag:s17], $0x4000  }
0x47: {  	[sflag:s17] =	ssyncset.done $0x0  }
0x48: {  	[sflag:s17] =	ssyncadd.s32 $0xFFFFC000  }
0x49: {  	[spmem:s2] =	stream.indirect.scatter.add.f32 [tilespmem:s15], [sflag:$0x3], $0x80, s14, s14, $0xb8;
	[tilespmem:$0x1C100] =	vst v63  }
.Ltmp0:
0x4a: {  	_ =	swait.ge [sflag:s18], $0x4000;
	(pc) =	sbr.rel @p0 .LBB2_2-.Ltmp0, $4  }
0x4b: {  	[sflag:s18] =	ssyncset.done $0x0  }
0x4c: {  	[sflag:s18] =	ssyncadd.s32 $0xFFFFC000  }
0x4d: {  	_ =	swait.ge [sflag:s18], $0x4000  }
0x4e: {  	[sflag:s18] =	ssyncset.done $0x0  }
0x4f: {  	s19 =	sadd.s32 $0x1, s19  }
0x50: {  	[sflag:s18] =	ssyncadd.s32 $0xFFFFC000;
	p0 =	sne.s32 s19, s7  }
.Ltmp1:
0x51: {  	[bflag:$0x0] =	sbarrier.arrive $0xFFFF;
	(pc) =	sbr.rel @p0 .LBB2_1-.Ltmp1, $4  }
0x52: {  	[hbm:s6], [sflag:s5] =	dma.local [spmem:s11], $0x2800  }
0x53: {  	_ =	swait.ge [sflag:s12], $0x2800  }
0x54: {  	[sflag:s12] =	ssyncset.done $0x0  }
0x55: {  	[sflag:s12] =	ssyncadd.s32 $0xFFFFD800  }
0x56: {  	_ =	sfence.sel $0x180000  }
0x57: {  	[bflag:$0x0] =	sbarrier.arrive $0xFFFF  }
0x58: {  	p0 =	sne.s32 s1, $0x0;
	_ =	strace $0x90000050  }
0x59: {  	s0 =	sadd.s32 @!p0 $0x100000, s0;
	[bflag:$0x2] =	sbarrier.arrive $0xFFFF  }
0x5a: {  	[sflag:s0] =	ssyncadd.tile.s32 @!p0 $0x1;
	_ =	shalt  }
.Lfunc_end2:
_tile_overlayer_lowered:
.L_overlay_start_2:
0x5b: {  	(tag) =	ssettag $0x2  }
0x5c: {  	s0 =	rddreg [dreg:$0x0];
	s2 =	stileid.u32  }
0x5d: {  	s1 =	rddreg [dreg:$0x1];
	p0 =	sne.s32 s2, $0x0  }
0x5e: {  	s3 =	rddreg [dreg:$0x2];
	[bflag:$0x3] =	sbarrier.arrive $0xFFFF;
	s2 =	simm.s32 @!p0 $0x1C04  }
0x5f: {  	[timem:s3], [sflag:s2] =	dma.local @!p0 [hbm:s0], s1  }
0x60: {  	s0 =	simm.s32 @!p0 $0x4  }
0x61: {  	_ =	swait.ge @!p0 [sflag:s0], s1  }
0x62: {  	s1 =	ssub.s32 @!p0 $0x0, s1;
	[sflag:s0] =	ssyncset.done @!p0 $0x0  }
0x63: {  	[sflag:s0] =	ssyncadd.s32 @!p0 s1  }
0x64: {  	[bflag:$0x3] =	sbarrier.arrive $0xFFFF  }
0x65: {  	_ =	shalt  }

// kernel: kernel.18.cloned.1.call-start
scs
__scs_entry_jumppad:
0x0: {  	(pc) =	sbr.rel $0x88, $3  }
0x1: {  	(tag) =	ssettag $0x0;
	lr =	simm.s32 $0x1  }
0x2: {  	[smem:$0x3F93] =	sst lr;
	_ =	strace $0xD0000000  }
0x3: {  	_ = 	snop  }
0x4: {  	_ = 	snop  }
0x5: {  	_ = 	snop  }
0x6: {  	_ = 	snop  }
0x7: {  	_ = 	snop  }
__scs_overlays_trampoline_lowered:
0x8: {  	[smem:$0x3FA2] =	sst s0  }
0x9: {  	[smem:$0x3FA3] =	sst s1  }
0xa: {  	[smem:$0x3FA4] =	sst s2  }
0xb: {  	[smem:$0x3FA5] =	sst s3  }
0xc: {  	[smem:$0x3FA6] =	sst s4  }
0xd: {  	[smem:$0x3FA7] =	sst s5  }
0xe: {  	[smem:$0x3FA8] =	sst s6  }
0xf: {  	[smem:$0x3FA9] =	sst s7  }
0x10: {  	[smem:$0x3FAA] =	sst s8  }
0x11: {  	[smem:$0x3FAB] =	sst s9;
	s0 =	simm.s32 @!p0 $0x0  }
0x12: {  	s1 =	sld [smem:$0x3F91];
	s0 =	simm.s32 @p0 $0x1  }
0x13: {  	[smem:$0x3FAC] =	sst s0;
	s0 =	simm.s32 @!p1 $0x0  }
0x14: {  	s2 =	sld [smem:$0x3F90];
	s0 =	simm.s32 @p1 $0x1  }
0x15: {  	[smem:$0x3FAD] =	sst s0;
	s0 =	simm.s32 @!p2 $0x0  }
0x16: {  	s3 =	sld [smem:$0x3FDB];
	s0 =	simm.s32 @p2 $0x1  }
0x17: {  	s4 =	simm.s32 $0x1BF5;
	[smem:$0x3FAF] =	sst s0  }
0x18: {  	s0 =	sld [smem:$0x3F92];
	_ =	swait.ge [sflag:s4], $0x0  }
0x19: {  	s7 =	sld [smem:$0x3F93]  }
0x1a: {  	s8 =	sadd.s32 $0xFFFFE003, lr  }
0x1b: {  	s9 =	sadd.s32 $0xFFFFFEF7, lr;
	s5 =	simm.s32 $0xFFFFFFFF;
	p2 =	slt.u32 s8, $0xFFFFF086  }
0x1c: {  	p1 =	slt.u32 s9, $0xF7A;
	s5 =	simm.s32 @!p2 $0x0  }
0x1d: {  	s5 =	simm.s32 @p1 $0x1;
	p0 =	seq.s32 s7, s2  }
0x1e: {  	s7 =	smul.u32 @!p0 $0xF7A, s2;
	p2 =	seq.s32 @!p0 s5, $0x0  }
0x1f: {  	s9 =	smul.u32 $0xF7A, s1;
	s8 =	simm.s32 @!p0 $0x1BF5;
	p2 =	por !p2, p0  }
0x20: {  	[sflag:s8] =	ssyncset.s32 @!p0 $0xFFFFF086;
	s6 =	sadd.s32 @!p0 s3, s7;
	s7 =	simm.s32 @!p0 $0x108  }
0x21: {  	s3 =	sadd.s32 s3, s9;
	s6 =	sadd.s32 @!p0 $0x88, s6;
	s7 =	simm.s32 @p2 $0x1082  }
0x22: {  	[simem:s7], [sflag:s8] =	dma.local @!p0 [hbm:s6], $0xF7A  }
0x23: {  	s9 =	sor.u32 $0xD0000000, s2;
	s6 =	simm.s32 $0x108;
	_ =	swait.ge @!p0 [sflag:s8], $0x0  }
0x24: {  	s3 =	sadd.s32 $0x88, s3;
	s6 =	simm.s32 @!p1 $0x1082;
	[sflag:s4] =	ssyncset.s32 $0xFFFFF086  }
0x25: {  	[simem:s6], [sflag:s4] =	dma.local [hbm:s3], $0xF7A  }
0x26: {  	[smem:$0x3F93] =	sst s1;
	(tag) =	ssettag s2;
	_ =	strace s9  }
0x27: {  	s1 =	sld [smem:$0x3FA3]  }
0x28: {  	s2 =	sld [smem:$0x3FA4]  }
0x29: {  	s4 =	sld [smem:$0x3FA6]  }
0x2a: {  	p0 =	seq.s32 s5, $0x0;
	s5 =	sld [smem:$0x3FA7]  }
0x2b: {  	s6 =	sld [smem:$0x3FA8]  }
0x2c: {  	s7 =	sld [smem:$0x3FA9]  }
0x2d: {  	s3 =	simm.s32 $0x108;
	s8 =	sld [smem:$0x3FAA]  }
0x2e: {  	s3 =	simm.s32 @!p0 $0x1082;
	s9 =	sld [smem:$0x3FAB]  }
0x2f: {  	lr =	sadd.s32 s0, s3;
	s0 =	sld [smem:$0x3FA2]  }
0x30: {  	s3 =	sld [smem:$0x3FA5]  }
0x31: {  	[smem:$0x3FAE] =	sst s10  }
0x32: {  	s10 =	sld [smem:$0x3FAC];
	_ =	sdelay $0x3  }
0x33: {  	p0 =	seq.s32 s10, $0x1;
	s10 =	sld [smem:$0x3FAE];
	_ =	sdelay $0x3  }
0x34: {  	[smem:$0x3FAE] =	sst s10  }
0x35: {  	s10 =	sld [smem:$0x3FAD];
	_ =	sdelay $0x3  }
0x36: {  	p1 =	seq.s32 s10, $0x1;
	s10 =	sld [smem:$0x3FAE];
	_ =	sdelay $0x3  }
0x37: {  	[smem:$0x3FAE] =	sst s10  }
0x38: {  	s10 =	sld [smem:$0x3FAF]  }
0x39: {  	_ = 	snop;
	(pc) =	sbr.ind lr, $3  }
0x3a: {  	_ = 	snop  }
0x3b: {  	_ = 	snop  }
0x3c: {  	p2 =	seq.s32 s10, $0x1;
	s10 =	sld [smem:$0x3FAE]  }
0x3d: {  	_ =	shalt  }
0x3e: {  	_ =	shalt  }
0x3f: {  	_ =	shalt  }
0x40: {  	_ =	shalt  }
0x41: {  	_ =	shalt  }
0x42: {  	_ =	shalt  }
0x43: {  	_ =	shalt  }
0x44: {  	_ =	shalt  }
0x45: {  	_ =	shalt  }
0x46: {  	_ =	shalt  }
0x47: {  	_ =	shalt  }
0x48: {  	_ =	shalt  }
0x49: {  	_ =	shalt  }
0x4a: {  	_ =	shalt  }
0x4b: {  	_ =	shalt  }
0x4c: {  	_ =	shalt  }
0x4d: {  	_ =	shalt  }
0x4e: {  	_ =	shalt  }
0x4f: {  	_ =	shalt  }
0x50: {  	_ =	shalt  }
0x51: {  	_ =	shalt  }
0x52: {  	_ =	shalt  }
0x53: {  	_ =	shalt  }
0x54: {  	_ =	shalt  }
0x55: {  	_ =	shalt  }
0x56: {  	_ =	shalt  }
0x57: {  	_ =	shalt  }
0x58: {  	_ =	shalt  }
0x59: {  	_ =	shalt  }
0x5a: {  	_ =	shalt  }
0x5b: {  	_ =	shalt  }
0x5c: {  	_ =	shalt  }
0x5d: {  	_ =	shalt  }
0x5e: {  	_ =	shalt  }
0x5f: {  	_ =	shalt  }
0x60: {  	_ =	shalt  }
0x61: {  	_ =	shalt  }
0x62: {  	_ =	shalt  }
0x63: {  	_ =	shalt  }
0x64: {  	_ =	shalt  }
0x65: {  	_ =	shalt  }
0x66: {  	_ =	shalt  }
0x67: {  	_ =	shalt  }
0x68: {  	_ =	shalt  }
0x69: {  	_ =	shalt  }
0x6a: {  	_ =	shalt  }
0x6b: {  	_ =	shalt  }
0x6c: {  	_ =	shalt  }
0x6d: {  	_ =	shalt  }
0x6e: {  	_ =	shalt  }
0x6f: {  	_ =	shalt  }
0x70: {  	_ =	shalt  }
0x71: {  	_ =	shalt  }
0x72: {  	_ =	shalt  }
0x73: {  	_ =	shalt  }
0x74: {  	_ =	shalt  }
0x75: {  	_ =	shalt  }
0x76: {  	_ =	shalt  }
0x77: {  	_ =	shalt  }
0x78: {  	_ =	shalt  }
0x79: {  	_ =	shalt  }
0x7a: {  	_ =	shalt  }
0x7b: {  	_ =	shalt  }
0x7c: {  	_ =	shalt  }
0x7d: {  	_ =	shalt  }
0x7e: {  	_ =	shalt  }
0x7f: {  	_ =	shalt  }
0x80: {  	_ =	shalt  }
0x81: {  	_ =	shalt  }
0x82: {  	_ =	shalt  }
0x83: {  	_ =	shalt  }
0x84: {  	_ =	shalt  }
0x85: {  	_ =	shalt  }
0x86: {  	_ =	shalt  }
0x87: {  	_ =	shalt  }
.Lfunc_end0:
.L_simem_size_0:
called_computation.3_lowered:
.L_overlay_start_0:
0x88: {  	s2 =	sld [smem:$0x3FD9]  }
0x89: {  	s3 =	sld [smem:$0x3FFE];
	_ =	sdelay $0x1  }
0x8a: {  	s1 =	srdreg.scid  }
0x8b: {  	s0 =	sand.u32 $0x1, s1  }
0x8c: {  	s15 =	sshll.u32 s0, $0xA;
	s2 =	sadd.s32 s3, s2  }
0x8d: {  	s2 =	sadd.s32 s2, s15  }
0x8e: {  	[smem:$0x3FBA] =	sst s2  }
0x8f: {  	_ = 	snop  }
0x90: {  	s2 =	sld [smem:$0x3FD0];
	_ =	sdelay $0x2  }
0x91: {  	s16 =	simm.s32 $0xB;
	s4 =	simm.s32 $0x10  }
0x92: {  	[smem:s4], [sflag:s16] =	dma.local [hbm:s2], $0x1  }
0x93: {  	_ =	swait.eq [sflag:s16], $0x1  }
0x94: {  	[sflag:s16] =	ssyncset.done $0x0  }
0x95: {  	[sflag:s16] =	ssyncadd.s32 $0xFFFFFFFF  }
0x96: {  	s17 =	sld [smem:$0x15];
	(tm) =	ssettm $0x1  }
0x97: {  	s18 =	sld [smem:$0x3FFB];
	_ =	sdelay $0x3  }
0x98: {  	_ =	strace s18  }
0x99: {  	s2 =	sld [smem:$0x3FFC];
	_ =	sdelay $0x3  }
0x9a: {  	_ =	strace s2  }
0x9b: {  	s2 =	sld [smem:$0x3FFD];
	_ =	sdelay $0x3  }
0x9c: {  	_ =	strace s2  }
0x9d: {  	_ =	strace $0x8FFFFFFF  }
0x9e: {  	s19 =	sld [smem:$0x3FDB];
	_ =	sdelay $0x1  }
0x9f: {  	s20 =	simm.s32 $_scs_section_size  }
0xa0: {  	s5 =	simm.s32 $_size__tile_overlayer_lowered;
	s6 =	simm.s32 $_tile_overlayer_lowered  }
0xa1: {  	s7 =	simm.s32 $0x1BFF;
	s21 =	sshll.u32 s6, $0x1;
	s4 =	sadd.s32 s20, s19  }
0xa2: {  	s22 =	simm.s32 $0x0;
	s5 =	sshll.u32 s5, $0x1;
	s6 =	sadd.s32 s21, s4  }
0xa3: {  	[timem:s22], [sflag:s7] =	dma.local [hbm:s6], s5  }
0xa4: {  	_ =	swait.ge [sflag:s7], s5  }
0xa5: {  	s5 =	ssub.s32 $0x0, s5;
	[sflag:s7] =	ssyncset.done $0x0  }
0xa6: {  	[sflag:s7] =	ssyncadd.s32 s5;
	_ =	sdelay $0x1  }
0xa7: {  	s23 =	simm.s32 $0x1B8B  }
0xa8: {  	_ =	swait.ge [sflag:s23], $0x1  }
0xa9: {  	[sflag:s23] =	ssyncset.done $0x0  }
0xaa: {  	[sflag:s23] =	ssyncadd.s32 $0xFFFFFFFF  }
0xab: {  	s5 =	sld [smem:$0x0]  }
0xac: {  	s6 =	sand.u32 $0xFFFFFFFE, s1  }
0xad: {  	p0 =	sne.s32 s1, s6  }
0xae: {  	s6 =	sshll.u32 @p0 s6, $0xE  }
0xaf: {  	s6 =	sadd.s32 @p0 $0x11B8D, s6;
	s7 =	sshll.u32 @p0 s5, $0x11  }
0xb0: {  	s6 =	sor.u32 @p0 s7, s6  }
0xb1: {  	[sflag:s6] =	ssyncadd.remote.s32 @p0 $0x1;
	_ =	sdelay $0x1  }
0xb2: {  	s6 =	simm.s32 @p0 $0x1B8D  }
0xb3: {  	_ =	swait.eq @p0 [sflag:s6], $0x1  }
0xb4: {  	[sflag:s6] =	ssyncadd.s32 @p0 $0xFFFFFFFF  }
0xb5: {  	s7 =	sshll.u32 @!p0 s1, $0xE  }
0xb6: {  	s7 =	sor.u32 @!p0 $0x4000, s7;
	s6 =	simm.s32 @!p0 $0x1B8D  }
0xb7: {  	s5 =	sshll.u32 @!p0 s5, $0x11;
	s7 =	sadd.s32 @!p0 $0x11B8D, s7;
	_ =	swait.eq @!p0 [sflag:s6], $0x1  }
0xb8: {  	s5 =	sor.u32 @!p0 s5, s7;
	[sflag:s6] =	ssyncadd.s32 @!p0 $0xFFFFFFFF  }
0xb9: {  	s25 =	simm.s32 $0x1B8E;
	s24 =	sld [smem:$0x3FFE];
	[sflag:s5] =	ssyncadd.remote.s32 @!p0 $0x1  }
0xba: {  	s26 =	simm.s32 $execute0_lowered;
	[smem:$0x3FD2] =	sst s25  }
0xbb: {  	s6 =	sshll.u32 s26, $0x1;
	_ =	strace $0x8000004C;
	[dreg:$0x1] =	wrdreg $0xFFFFFFFF  }
0xbc: {  	s28 =	simm.s32 $_size_execute0_lowered;
	s4 =	sadd.s32 s4, s6;
	[dreg:$0x0] =	wrdreg $0x0  }
0xbd: {  	s6 =	sshll.u32 s28, $0x1;
	[dreg:$0x2] =	wrdreg s4  }
0xbe: {  	[dreg:$0x3] =	wrdreg s6  }
0xbf: {  	[dreg:$0x4] =	wrdreg $0xC0  }
0xc0: {  	_ =	task [dreg:s22], $0x5FFFF  }
0xc1: {  	[dreg:$0x1] =	wrdreg $0xFFFFFFFF  }
0xc2: {  	[dreg:$0x0] =	wrdreg $0x60  }
0xc3: {  	[dreg:$0x2] =	wrdreg s24  }
0xc4: {  	[dreg:$0x3] =	wrdreg s17  }
0xc5: {  	[dreg:$0x4] =	wrdreg $0x81000  }
0xc6: {  	[dreg:$0x5] =	wrdreg $0xA  }
0xc7: {  	_ =	task.clear_ibuf [dreg:s22], $0x6FFFF;
	_ =	strace $0x9000004C  }
0xc8: {  	s29 =	simm.s32 $0xA;
	_ =	strace $0x8000004E  }
0xc9: {  	_ =	swait.ge [sflag:s29], $0x1  }
0xca: {  	[sflag:s29] =	ssyncadd.s32 $0xFFFFFFFF  }
0xcb: {  	_ =	strace $0x9000004E  }
0xcc: {  	_ =	sfence  }
0xcd: {  	s30 =	sld [smem:$0x0];
	_ =	sdelay $0x2  }
0xce: {  	s31 =	sshll.u32 s1, $0xD;
	s1 =	sshrl.u32 s1, $0x2  }
0xcf: {  	s4 =	sand.u32 $0x4000, s31;
	s1 =	sadd.s32 s1, s30  }
0xd0: {  	s0 =	sor.u32 s4, s0;
	s1 =	sshll.u32 s1, $0x11  }
0xd1: {  	s0 =	sor.u32 s1, s0  }
0xd2: {  	s0 =	sadd.s32 $0x8F2B, s0  }
0xd3: {  	[sflag:s0] =	ssyncadd.remote.s32 $0x1  }
0xd4: {  	_ =	sfence.sel $0xFFFF  }
0xd5: {  	[dreg:$0x0] =	wrdreg $0xFFFFFFFF;
	(pc) =	sbr.abs _section_cstart, $3  }
0xd6: {  	[dreg:$0x1] =	wrdreg $0xFFFFFFFF  }
0xd7: {  	_ =	task.clear_ibuf [dreg:s22], $0x2FFFF;
	_ =	strace $0x9FFFFFFF  }
0xd8: {  	(tm) =	ssettm $0x7FFFFFFF  }
0xd9: {  	_ =	shalt  }
tec
execute0_lowered:
.L_overlay_start_1:
0x0: {  	(tag) =	ssettag $0x1  }
0x1: {  	s4 =	rddreg [dreg:$0x0]  }
0x2: {  	s5 =	rddreg [dreg:$0x1]  }
0x3: {  	s2 =	rddreg [dreg:$0x2]  }
0x4: {  	s0 =	rddreg [dreg:$0x3]  }
0x5: {  	s6 =	srdreg.scid;
	s1 =	stileid.u32  }
0x6: {  	s3 =	simm.s32 $0x0;
	s10 =	sand.u32 $0x1, s6;
	s17 =	smul.u32 $0x2800, s1  }
0x7: {  	[smem:$0x7FF] =	sst s3;
	s11 =	sadd.s32 $0x1127600, s4;
	s8 =	smul.u32 $0x50000, s1  }
0x8: {  	s12 =	sadd.s32 $0xEC0800, s4;
	s13 =	sshll.u32 s1, $0x1;
	s23 =	sshll.u32 s1, $0x6  }
0x9: {  	s26 =	sshll.u32 s1, $0xC;
	s28 =	sshll.u32 s1, $0x5;
	p0 =	sgt.u32 s1, $0x1  }
0xa: {  	s7 =	smul.u32 $0x28000, s10;
	_ =	strace $0x8000004D;
	s18 =	ssub.s32 $0x2, s10  }
0xb: {  	s20 =	sor.u32 s10, s13;
	s29 =	sshll.u32 s10, $0x4;
	s10 =	sshll.u32 s10, $0xB  }
0xc: {  	s19 =	sshrl.u32 s18, $0x1;
	s8 =	sshrl.u32 s8, $0x2;
	s15 =	sshll.u32 s20, $0x4  }
0xd: {  	s22 =	sor.u32 $0x4C0, s20;
	s20 =	simm.s32 $0x3;
	s7 =	sadd.s32 s17, s7  }
0xe: {  	s14 =	ssub.s32 s18, s19;
	s21 =	sadd.s32 s8, s2;
	s24 =	sand.u32 $0x70, s15  }
0xf: {  	s25 =	sshll.u32 s22, $0x4;
	s16 =	sshll.u32 s22, $0xB;
	s15 =	sor.u32 $0x200, s15  }
0x10: {  	s18 =	simm.s32 $0x1;
	s19 =	simm.s32 $0x2;
	s9 =	sadd.s32 s7, s4  }
0x11: {  	s4 =	sadd.s32 s5, s17;
	s7 =	sadd.s32 s12, s24;
	s8 =	sand.u32 $0x4D80, s25  }
0x12: {  	s5 =	sor.u32 $0x1C04, s23;
	s30 =	sand.u32 $0x380, s15;
	s13 =	sshrl.u32 s21, $0x3  }
0x13: {  	s15 =	simm.s32 $0x100;
	s17 =	simm.s32 $0x4100;
	s21 =	simm.s32 $0x0  }
0x14: {  	s6 =	sadd.s32 s8, s7;
	s7 =	sadd.s32 s11, s16;
	s8 =	sadd.s32 $0x2400, s9  }
0x15: {  	s9 =	smax.u32 s14, $0x1;
	s11 =	sadd.s32 s26, s11;
	s14 =	sor.u32 s29, s28  }
0x16: {  	s16 =	simm.s32 $0x80;
	s10 =	sadd.s32 s10, s11;
	s31 =	sand.u32 $0x180, s14  }
0x17: {  	s11 =	sadd.s32 s30, s12;
	s14 =	sand.u32 $0x70, s14;
	s12 =	sadd.s32 s31, s12  }
0x18: {  	s11 =	sadd.s32 s14, s11;
	s12 =	sadd.s32 s14, s12;
	s14 =	simm.s32 $0x4  }
.LBB2_1:
0x19: {  	[spmem:s13], [sflag:s5] =	dma.local [hbm:s4], $0x2800  }
0x1a: {  	_ =	swait.ge [sflag:s14], $0x2800  }
0x1b: {  	[sflag:s14] =	ssyncset.done $0x0  }
0x1c: {  	[sflag:s14] =	ssyncadd.s32 $0xFFFFD800  }
0x1d: {  	[bflag:$0x0] =	sbarrier.arrive $0xFFFF  }
0x1e: {  	[tilespmem:s3], [sflag:$0x1] =	stream.linear.gather [hbm4b:s12+s3], $0x80, $0x38;
	[tilespmem:$0x1C100] =	vst v63  }
0x1f: {  	s22 =	sadd.s32 $0x0, s10  }
0x20: {  	[tilespmem:s15], [sflag:$0x2] =	stream.linear.gather [hbm4b:s22+s3], $0x4000, $0x38;
	[tilespmem:$0x1C100] =	vst v63  }
0x21: {  	_ = 	snop  }
0x22: {  	[tilespmem:s16], [sflag:$0x1] =	stream.linear.gather [hbm4b:s11+s3], $0x80, $0x38;
	[tilespmem:$0x1C100] =	vst v63  }
0x23: {  	s22 =	sadd.s32 $0x10000, s22  }
0x24: {  	[tilespmem:s17], [sflag:$0x2] =	stream.linear.gather [hbm4b:s22+s3], $0x4000, $0x38;
	[tilespmem:$0x1C100] =	vst v63  }
0x25: {  	_ =	swait.ge [sflag:s18], $0x80  }
0x26: {  	[sflag:s18] =	ssyncset.done $0x0  }
0x27: {  	[sflag:s18] =	ssyncadd.s32 $0xFFFFFF80  }
0x28: {  	_ =	swait.ge [sflag:s19], $0x4000  }
0x29: {  	[sflag:s19] =	ssyncset.done $0x0  }
0x2a: {  	[sflag:s19] =	ssyncadd.s32 $0xFFFFC000  }
0x2b: {  	[spmem:s2] =	stream.indirect.scatter.add.f32 [tilespmem:s15], [sflag:$0x3], $0x80, s3, s16, $0xb8;
	[tilespmem:$0x1C100] =	vst v63  }
0x2c: {  	_ =	swait.ge [sflag:s18], $0x80  }
0x2d: {  	[sflag:s18] =	ssyncset.done $0x0  }
0x2e: {  	[sflag:s18] =	ssyncadd.s32 $0xFFFFFF80  }
0x2f: {  	_ =	swait.ge [sflag:s19], $0x4000  }
0x30: {  	[sflag:s19] =	ssyncset.done $0x0  }
0x31: {  	[sflag:s19] =	ssyncadd.s32 $0xFFFFC000  }
0x32: {  	[spmem:s2] =	stream.indirect.scatter.add.f32 [tilespmem:s17], [sflag:$0x3], $0x80, s16, s16, $0xb8;
	[tilespmem:$0x1C100] =	vst v63  }
0x33: {  	_ =	swait.ge [sflag:s20], $0x4000  }
0x34: {  	[sflag:s20] =	ssyncset.done $0x0  }
0x35: {  	[sflag:s20] =	ssyncadd.s32 $0xFFFFC000  }
0x36: {  	s23 =	smov.u32 s11;
	_ =	swait.ge [sflag:s20], $0x4000  }
0x37: {  	s24 =	smov.u32 s12;
	s22 =	simm.s32 $0x20000;
	[sflag:s20] =	ssyncset.done $0x0  }
.LBB2_2:
0x38: {  	[sflag:s20] =	ssyncadd.s32 $0xFFFFC000;
	s23 =	sadd.s32 $0x400, s23;
	s24 =	sadd.s32 $0x400, s24  }
0x39: {  	[tilespmem:s3], [sflag:$0x1] =	stream.linear.gather [hbm4b:s24+s3], $0x80, $0x38;
	[tilespmem:$0x1C100] =	vst v63  }
0x3a: {  	s25 =	sadd.s32 s22, s10;
	p1 =	seq.s32 s22, $0x240000;
	s22 =	sadd.s32 $0x20000, s22  }
0x3b: {  	[tilespmem:s15], [sflag:$0x2] =	stream.linear.gather [hbm4b:s25+s3], $0x4000, $0x38;
	[tilespmem:$0x1C100] =	vst v63  }
0x3c: {  	_ = 	snop  }
0x3d: {  	[tilespmem:s16], [sflag:$0x1] =	stream.linear.gather [hbm4b:s23+s3], $0x80, $0x38;
	[tilespmem:$0x1C100] =	vst v63  }
0x3e: {  	s25 =	sadd.s32 $0x10000, s25  }
0x3f: {  	[tilespmem:s17], [sflag:$0x2] =	stream.linear.gather [hbm4b:s25+s3], $0x4000, $0x38;
	[tilespmem:$0x1C100] =	vst v63  }
0x40: {  	_ =	swait.ge [sflag:s18], $0x80  }
0x41: {  	[sflag:s18] =	ssyncset.done $0x0  }
0x42: {  	[sflag:s18] =	ssyncadd.s32 $0xFFFFFF80  }
0x43: {  	_ =	swait.ge [sflag:s19], $0x4000  }
0x44: {  	[sflag:s19] =	ssyncset.done $0x0  }
0x45: {  	[sflag:s19] =	ssyncadd.s32 $0xFFFFC000  }
0x46: {  	[spmem:s2] =	stream.indirect.scatter.add.f32 [tilespmem:s15], [sflag:$0x3], $0x80, s3, s16, $0xb8;
	[tilespmem:$0x1C100] =	vst v63  }
0x47: {  	_ =	swait.ge [sflag:s18], $0x80  }
0x48: {  	[sflag:s18] =	ssyncset.done $0x0  }
0x49: {  	[sflag:s18] =	ssyncadd.s32 $0xFFFFFF80  }
0x4a: {  	_ =	swait.ge [sflag:s19], $0x4000  }
0x4b: {  	[sflag:s19] =	ssyncset.done $0x0  }
0x4c: {  	[sflag:s19] =	ssyncadd.s32 $0xFFFFC000  }
0x4d: {  	[spmem:s2] =	stream.indirect.scatter.add.f32 [tilespmem:s17], [sflag:$0x3], $0x80, s16, s16, $0xb8;
	[tilespmem:$0x1C100] =	vst v63  }
.Ltmp0:
0x4e: {  	_ =	swait.ge [sflag:s20], $0x4000;
	(pc) =	sbr.rel @!p1 .LBB2_2-.Ltmp0, $4  }
0x4f: {  	[sflag:s20] =	ssyncset.done $0x0  }
0x50: {  	[sflag:s20] =	ssyncadd.s32 $0xFFFFC000  }
0x51: {  	_ =	swait.ge [sflag:s20], $0x4000  }
0x52: {  	[sflag:s20] =	ssyncset.done $0x0  }
0x53: {  	[sflag:s20] =	ssyncadd.s32 $0xFFFFC000;
	s22 =	simm.s32 @!p0 $0x0;
	s23 =	simm.s32 @!p0 $0x4  }
0x54: {  	[tilespmem:s22], [sflag:$0x4] =	stream.linear.gather @!p0 [hbm4b:s6+s22], $0x80, $0x38;
	[tilespmem:$0x1C100] =	vst v63  }
0x55: {  	_ =	swait.ge @!p0 [sflag:s23], $0x80  }
0x56: {  	[sflag:s23] =	ssyncset.done @!p0 $0x0  }
0x57: {  	s24 =	simm.s32 @!p0 $0x100;
	[sflag:s23] =	ssyncadd.s32 @!p0 $0xFFFFFF80  }
0x58: {  	[tilespmem:s24], [sflag:$0x4] =	stream.linear.gather @!p0 [hbm4b:s7+s22], $0x4000, $0x38;
	[tilespmem:$0x1C100] =	vst v63  }
0x59: {  	_ =	swait.ge @!p0 [sflag:s23], $0x4000  }
0x5a: {  	[sflag:s23] =	ssyncset.done @!p0 $0x0  }
0x5b: {  	s25 =	simm.s32 @!p0 $0x80;
	[sflag:s23] =	ssyncadd.s32 @!p0 $0xFFFFC000  }
0x5c: {  	[spmem:s2] =	stream.indirect.scatter.add.f32 @!p0 [tilespmem:s24], [sflag:$0x4], $0x80, s22, s25, $0xb8;
	[tilespmem:$0x1C100] =	vst v63  }
0x5d: {  	_ =	swait.ge @!p0 [sflag:s23], $0x4000  }
0x5e: {  	s21 =	sadd.s32 $0x1, s21;
	[sflag:s23] =	ssyncset.done @!p0 $0x0  }
0x5f: {  	p1 =	sne.s32 s21, s9;
	[sflag:s23] =	ssyncadd.s32 @!p0 $0xFFFFC000  }
.Ltmp1:
0x60: {  	[bflag:$0x0] =	sbarrier.arrive $0xFFFF;
	(pc) =	sbr.rel @p1 .LBB2_1-.Ltmp1, $4  }
0x61: {  	[hbm:s8], [sflag:s5] =	dma.local [spmem:s13], $0x2800  }
0x62: {  	_ =	swait.ge [sflag:s14], $0x2800  }
0x63: {  	[sflag:s14] =	ssyncset.done $0x0  }
0x64: {  	[sflag:s14] =	ssyncadd.s32 $0xFFFFD800  }
0x65: {  	_ =	sfence.sel $0x180000  }
0x66: {  	[bflag:$0x0] =	sbarrier.arrive $0xFFFF  }
0x67: {  	p0 =	sne.s32 s1, $0x0;
	_ =	strace $0x9000004D  }
0x68: {  	s0 =	sadd.s32 @!p0 $0x100000, s0;
	[bflag:$0x2] =	sbarrier.arrive $0xFFFF  }
0x69: {  	[sflag:s0] =	ssyncadd.tile.s32 @!p0 $0x1;
	_ =	shalt  }
.Lfunc_end2:
_tile_overlayer_lowered:
.L_overlay_start_2:
0x6a: {  	(tag) =	ssettag $0x2  }
0x6b: {  	s0 =	rddreg [dreg:$0x0];
	s2 =	stileid.u32  }
0x6c: {  	s1 =	rddreg [dreg:$0x1];
	p0 =	sne.s32 s2, $0x0  }
0x6d: {  	s3 =	rddreg [dreg:$0x2];
	[bflag:$0x3] =	sbarrier.arrive $0xFFFF;
	s2 =	simm.s32 @!p0 $0x1C04  }
0x6e: {  	[timem:s3], [sflag:s2] =	dma.local @!p0 [hbm:s0], s1  }
0x6f: {  	s0 =	simm.s32 @!p0 $0x4  }
0x70: {  	_ =	swait.ge @!p0 [sflag:s0], s1  }
0x71: {  	s1 =	ssub.s32 @!p0 $0x0, s1;
	[sflag:s0] =	ssyncset.done @!p0 $0x0  }
0x72: {  	[sflag:s0] =	ssyncadd.s32 @!p0 s1  }
0x73: {  	[bflag:$0x3] =	sbarrier.arrive $0xFFFF  }
0x74: {  	_ =	shalt  }

// kernel: kernel.9.cloned.1.call-start
scs
__scs_entry_jumppad:
0x0: {  	(pc) =	sbr.rel $0x88, $3  }
0x1: {  	(tag) =	ssettag $0x0;
	lr =	simm.s32 $0x1  }
0x2: {  	[smem:$0x3F93] =	sst lr;
	_ =	strace $0xD0000000  }
0x3: {  	_ = 	snop  }
0x4: {  	_ = 	snop  }
0x5: {  	_ = 	snop  }
0x6: {  	_ = 	snop  }
0x7: {  	_ = 	snop  }
__scs_overlays_trampoline_lowered:
0x8: {  	[smem:$0x3FA2] =	sst s0  }
0x9: {  	[smem:$0x3FA3] =	sst s1  }
0xa: {  	[smem:$0x3FA4] =	sst s2  }
0xb: {  	[smem:$0x3FA5] =	sst s3  }
0xc: {  	[smem:$0x3FA6] =	sst s4  }
0xd: {  	[smem:$0x3FA7] =	sst s5  }
0xe: {  	[smem:$0x3FA8] =	sst s6  }
0xf: {  	[smem:$0x3FA9] =	sst s7  }
0x10: {  	[smem:$0x3FAA] =	sst s8  }
0x11: {  	[smem:$0x3FAB] =	sst s9;
	s0 =	simm.s32 @!p0 $0x0  }
0x12: {  	s1 =	sld [smem:$0x3F91];
	s0 =	simm.s32 @p0 $0x1  }
0x13: {  	[smem:$0x3FAC] =	sst s0;
	s0 =	simm.s32 @!p1 $0x0  }
0x14: {  	s2 =	sld [smem:$0x3F90];
	s0 =	simm.s32 @p1 $0x1  }
0x15: {  	[smem:$0x3FAD] =	sst s0;
	s0 =	simm.s32 @!p2 $0x0  }
0x16: {  	s3 =	sld [smem:$0x3FDB];
	s0 =	simm.s32 @p2 $0x1  }
0x17: {  	s4 =	simm.s32 $0x1BF5;
	[smem:$0x3FAF] =	sst s0  }
0x18: {  	s0 =	sld [smem:$0x3F92];
	_ =	swait.ge [sflag:s4], $0x0  }
0x19: {  	s7 =	sld [smem:$0x3F93]  }
0x1a: {  	s8 =	sadd.s32 $0xFFFFE003, lr  }
0x1b: {  	s9 =	sadd.s32 $0xFFFFFEF7, lr;
	s5 =	simm.s32 $0xFFFFFFFF;
	p2 =	slt.u32 s8, $0xFFFFF086  }
0x1c: {  	p1 =	slt.u32 s9, $0xF7A;
	s5 =	simm.s32 @!p2 $0x0  }
0x1d: {  	s5 =	simm.s32 @p1 $0x1;
	p0 =	seq.s32 s7, s2  }
0x1e: {  	s7 =	smul.u32 @!p0 $0xF7A, s2;
	p2 =	seq.s32 @!p0 s5, $0x0  }
0x1f: {  	s9 =	smul.u32 $0xF7A, s1;
	s8 =	simm.s32 @!p0 $0x1BF5;
	p2 =	por !p2, p0  }
0x20: {  	[sflag:s8] =	ssyncset.s32 @!p0 $0xFFFFF086;
	s6 =	sadd.s32 @!p0 s3, s7;
	s7 =	simm.s32 @!p0 $0x108  }
0x21: {  	s3 =	sadd.s32 s3, s9;
	s6 =	sadd.s32 @!p0 $0x88, s6;
	s7 =	simm.s32 @p2 $0x1082  }
0x22: {  	[simem:s7], [sflag:s8] =	dma.local @!p0 [hbm:s6], $0xF7A  }
0x23: {  	s9 =	sor.u32 $0xD0000000, s2;
	s6 =	simm.s32 $0x108;
	_ =	swait.ge @!p0 [sflag:s8], $0x0  }
0x24: {  	s3 =	sadd.s32 $0x88, s3;
	s6 =	simm.s32 @!p1 $0x1082;
	[sflag:s4] =	ssyncset.s32 $0xFFFFF086  }
0x25: {  	[simem:s6], [sflag:s4] =	dma.local [hbm:s3], $0xF7A  }
0x26: {  	[smem:$0x3F93] =	sst s1;
	(tag) =	ssettag s2;
	_ =	strace s9  }
0x27: {  	s1 =	sld [smem:$0x3FA3]  }
0x28: {  	s2 =	sld [smem:$0x3FA4]  }
0x29: {  	s4 =	sld [smem:$0x3FA6]  }
0x2a: {  	p0 =	seq.s32 s5, $0x0;
	s5 =	sld [smem:$0x3FA7]  }
0x2b: {  	s6 =	sld [smem:$0x3FA8]  }
0x2c: {  	s7 =	sld [smem:$0x3FA9]  }
0x2d: {  	s3 =	simm.s32 $0x108;
	s8 =	sld [smem:$0x3FAA]  }
0x2e: {  	s3 =	simm.s32 @!p0 $0x1082;
	s9 =	sld [smem:$0x3FAB]  }
0x2f: {  	lr =	sadd.s32 s0, s3;
	s0 =	sld [smem:$0x3FA2]  }
0x30: {  	s3 =	sld [smem:$0x3FA5]  }
0x31: {  	[smem:$0x3FAE] =	sst s10  }
0x32: {  	s10 =	sld [smem:$0x3FAC];
	_ =	sdelay $0x3  }
0x33: {  	p0 =	seq.s32 s10, $0x1;
	s10 =	sld [smem:$0x3FAE];
	_ =	sdelay $0x3  }
0x34: {  	[smem:$0x3FAE] =	sst s10  }
0x35: {  	s10 =	sld [smem:$0x3FAD];
	_ =	sdelay $0x3  }
0x36: {  	p1 =	seq.s32 s10, $0x1;
	s10 =	sld [smem:$0x3FAE];
	_ =	sdelay $0x3  }
0x37: {  	[smem:$0x3FAE] =	sst s10  }
0x38: {  	s10 =	sld [smem:$0x3FAF]  }
0x39: {  	_ = 	snop;
	(pc) =	sbr.ind lr, $3  }
0x3a: {  	_ = 	snop  }
0x3b: {  	_ = 	snop  }
0x3c: {  	p2 =	seq.s32 s10, $0x1;
	s10 =	sld [smem:$0x3FAE]  }
0x3d: {  	_ =	shalt  }
0x3e: {  	_ =	shalt  }
0x3f: {  	_ =	shalt  }
0x40: {  	_ =	shalt  }
0x41: {  	_ =	shalt  }
0x42: {  	_ =	shalt  }
0x43: {  	_ =	shalt  }
0x44: {  	_ =	shalt  }
0x45: {  	_ =	shalt  }
0x46: {  	_ =	shalt  }
0x47: {  	_ =	shalt  }
0x48: {  	_ =	shalt  }
0x49: {  	_ =	shalt  }
0x4a: {  	_ =	shalt  }
0x4b: {  	_ =	shalt  }
0x4c: {  	_ =	shalt  }
0x4d: {  	_ =	shalt  }
0x4e: {  	_ =	shalt  }
0x4f: {  	_ =	shalt  }
0x50: {  	_ =	shalt  }
0x51: {  	_ =	shalt  }
0x52: {  	_ =	shalt  }
0x53: {  	_ =	shalt  }
0x54: {  	_ =	shalt  }
0x55: {  	_ =	shalt  }
0x56: {  	_ =	shalt  }
0x57: {  	_ =	shalt  }
0x58: {  	_ =	shalt  }
0x59: {  	_ =	shalt  }
0x5a: {  	_ =	shalt  }
0x5b: {  	_ =	shalt  }
0x5c: {  	_ =	shalt  }
0x5d: {  	_ =	shalt  }
0x5e: {  	_ =	shalt  }
0x5f: {  	_ =	shalt  }
0x60: {  	_ =	shalt  }
0x61: {  	_ =	shalt  }
0x62: {  	_ =	shalt  }
0x63: {  	_ =	shalt  }
0x64: {  	_ =	shalt  }
0x65: {  	_ =	shalt  }
0x66: {  	_ =	shalt  }
0x67: {  	_ =	shalt  }
0x68: {  	_ =	shalt  }
0x69: {  	_ =	shalt  }
0x6a: {  	_ =	shalt  }
0x6b: {  	_ =	shalt  }
0x6c: {  	_ =	shalt  }
0x6d: {  	_ =	shalt  }
0x6e: {  	_ =	shalt  }
0x6f: {  	_ =	shalt  }
0x70: {  	_ =	shalt  }
0x71: {  	_ =	shalt  }
0x72: {  	_ =	shalt  }
0x73: {  	_ =	shalt  }
0x74: {  	_ =	shalt  }
0x75: {  	_ =	shalt  }
0x76: {  	_ =	shalt  }
0x77: {  	_ =	shalt  }
0x78: {  	_ =	shalt  }
0x79: {  	_ =	shalt  }
0x7a: {  	_ =	shalt  }
0x7b: {  	_ =	shalt  }
0x7c: {  	_ =	shalt  }
0x7d: {  	_ =	shalt  }
0x7e: {  	_ =	shalt  }
0x7f: {  	_ =	shalt  }
0x80: {  	_ =	shalt  }
0x81: {  	_ =	shalt  }
0x82: {  	_ =	shalt  }
0x83: {  	_ =	shalt  }
0x84: {  	_ =	shalt  }
0x85: {  	_ =	shalt  }
0x86: {  	_ =	shalt  }
0x87: {  	_ =	shalt  }
.Lfunc_end0:
.L_simem_size_0:
called_computation_lowered:
.L_overlay_start_0:
0x88: {  	s2 =	sld [smem:$0x3FD9]  }
0x89: {  	s3 =	sld [smem:$0x3FFE];
	_ =	sdelay $0x1  }
0x8a: {  	s1 =	srdreg.scid  }
0x8b: {  	s0 =	sand.u32 $0x1, s1  }
0x8c: {  	s15 =	sshll.u32 s0, $0xA;
	s2 =	sadd.s32 s3, s2  }
0x8d: {  	s2 =	sadd.s32 s2, s15  }
0x8e: {  	[smem:$0x3FBA] =	sst s2  }
0x8f: {  	_ = 	snop  }
0x90: {  	s4 =	sld [smem:$0x3FD0]  }
0x91: {  	s2 =	sld [smem:$0x3FC9]  }
0x92: {  	s16 =	sld [smem:$0x3FC8]  }
0x93: {  	s6 =	simm.s32 $0xB;
	s7 =	simm.s32 $0x10;
	s5 =	sld [smem:$0x3FC7]  }
0x94: {  	[smem:s7], [sflag:s6] =	dma.local [hbm:s4], $0x1  }
0x95: {  	_ =	swait.eq [sflag:s6], $0x1  }
0x96: {  	[sflag:s6] =	ssyncset.done $0x0  }
0x97: {  	[sflag:s6] =	ssyncadd.s32 $0xFFFFFFFF  }
0x98: {  	s17 =	sld [smem:$0x12];
	(tm) =	ssettm $0x1  }
0x99: {  	s18 =	sld [smem:$0x3FFB];
	_ =	sdelay $0x3  }
0x9a: {  	_ =	strace s18  }
0x9b: {  	s4 =	sld [smem:$0x3FFC];
	_ =	sdelay $0x3  }
0x9c: {  	_ =	strace s4  }
0x9d: {  	s4 =	sld [smem:$0x3FFD];
	_ =	sdelay $0x3  }
0x9e: {  	_ =	strace s4  }
0x9f: {  	_ =	strace $0x8FFFFFFF  }
0xa0: {  	s19 =	sld [smem:$0x3FDB];
	_ =	sdelay $0x1  }
0xa1: {  	s20 =	simm.s32 $_scs_section_size  }
0xa2: {  	s8 =	simm.s32 $_size__tile_overlayer_lowered;
	s9 =	simm.s32 $_tile_overlayer_lowered  }
0xa3: {  	s10 =	simm.s32 $0x1BFF;
	s21 =	sshll.u32 s9, $0x1;
	s7 =	sadd.s32 s20, s19  }
0xa4: {  	s22 =	simm.s32 $0x0;
	s8 =	sshll.u32 s8, $0x1;
	s9 =	sadd.s32 s21, s7  }
0xa5: {  	[timem:s22], [sflag:s10] =	dma.local [hbm:s9], s8  }
0xa6: {  	_ =	swait.ge [sflag:s10], s8  }
0xa7: {  	s8 =	ssub.s32 $0x0, s8;
	[sflag:s10] =	ssyncset.done $0x0  }
0xa8: {  	[sflag:s10] =	ssyncadd.s32 s8;
	_ =	sdelay $0x1  }
0xa9: {  	s23 =	simm.s32 $0x1B8B  }
0xaa: {  	_ =	swait.ge [sflag:s23], $0x1  }
0xab: {  	[sflag:s23] =	ssyncset.done $0x0  }
0xac: {  	[sflag:s23] =	ssyncadd.s32 $0xFFFFFFFF  }
0xad: {  	s8 =	sld [smem:$0x0]  }
0xae: {  	s9 =	sand.u32 $0xFFFFFFFE, s1  }
0xaf: {  	p0 =	sne.s32 s1, s9  }
0xb0: {  	s9 =	sshll.u32 @p0 s9, $0xE  }
0xb1: {  	s9 =	sadd.s32 @p0 $0x11B8D, s9;
	s10 =	sshll.u32 @p0 s8, $0x11  }
0xb2: {  	s9 =	sor.u32 @p0 s10, s9  }
0xb3: {  	[sflag:s9] =	ssyncadd.remote.s32 @p0 $0x1;
	_ =	sdelay $0x1  }
0xb4: {  	s9 =	simm.s32 @p0 $0x1B8D  }
0xb5: {  	_ =	swait.eq @p0 [sflag:s9], $0x1  }
0xb6: {  	[sflag:s9] =	ssyncadd.s32 @p0 $0xFFFFFFFF  }
0xb7: {  	s10 =	sshll.u32 @!p0 s1, $0xE  }
0xb8: {  	s10 =	sor.u32 @!p0 $0x4000, s10;
	s9 =	simm.s32 @!p0 $0x1B8D  }
0xb9: {  	s8 =	sshll.u32 @!p0 s8, $0x11;
	s10 =	sadd.s32 @!p0 $0x11B8D, s10;
	_ =	swait.eq @!p0 [sflag:s9], $0x1  }
0xba: {  	s8 =	sor.u32 @!p0 s8, s10;
	[sflag:s9] =	ssyncadd.s32 @!p0 $0xFFFFFFFF  }
0xbb: {  	s25 =	simm.s32 $0x1B8E;
	s24 =	sld [smem:$0x3FFE];
	[sflag:s8] =	ssyncadd.remote.s32 @!p0 $0x1  }
0xbc: {  	s26 =	simm.s32 $execute0_lowered;
	[smem:$0x3FD2] =	sst s25  }
0xbd: {  	s9 =	sshll.u32 s26, $0x1;
	_ =	strace $0x80000049;
	[dreg:$0x1] =	wrdreg $0xFFFFFFFF  }
0xbe: {  	s28 =	simm.s32 $_size_execute0_lowered;
	s7 =	sadd.s32 s7, s9;
	[dreg:$0x0] =	wrdreg $0x0  }
0xbf: {  	s9 =	sshll.u32 s28, $0x1;
	[dreg:$0x2] =	wrdreg s7  }
0xc0: {  	[dreg:$0x3] =	wrdreg s9  }
0xc1: {  	[dreg:$0x4] =	wrdreg $0xC0  }
0xc2: {  	_ =	task [dreg:s22], $0x5FFFF  }
0xc3: {  	[dreg:$0x1] =	wrdreg $0xFFFFFFFF  }
0xc4: {  	[dreg:$0x0] =	wrdreg $0x60  }
0xc5: {  	[dreg:$0x2] =	wrdreg s5  }
0xc6: {  	[dreg:$0x3] =	wrdreg s16  }
0xc7: {  	[dreg:$0x4] =	wrdreg s2  }
0xc8: {  	[dreg:$0x5] =	wrdreg s17  }
0xc9: {  	[dreg:$0x6] =	wrdreg s24  }
0xca: {  	[dreg:$0x7] =	wrdreg $0x9  }
0xcb: {  	_ =	task.clear_ibuf [dreg:s22], $0x8FFFF;
	_ =	strace $0x90000049  }
0xcc: {  	s29 =	simm.s32 $0x9;
	_ =	strace $0x8000004B  }
0xcd: {  	_ =	swait.ge [sflag:s29], $0x1  }
0xce: {  	[sflag:s29] =	ssyncadd.s32 $0xFFFFFFFF  }
0xcf: {  	_ =	strace $0x9000004B  }
0xd0: {  	_ =	sfence  }
0xd1: {  	s30 =	sld [smem:$0x0];
	_ =	sdelay $0x2  }
0xd2: {  	s31 =	sshll.u32 s1, $0xD;
	s1 =	sshrl.u32 s1, $0x2  }
0xd3: {  	s3 =	sand.u32 $0x4000, s31;
	s1 =	sadd.s32 s1, s30  }
0xd4: {  	s0 =	sor.u32 s3, s0;
	s1 =	sshll.u32 s1, $0x11  }
0xd5: {  	s0 =	sor.u32 s1, s0  }
0xd6: {  	s0 =	sadd.s32 $0x8F2B, s0  }
0xd7: {  	[sflag:s0] =	ssyncadd.remote.s32 $0x1  }
0xd8: {  	_ =	sfence.sel $0xFFFF  }
0xd9: {  	[dreg:$0x0] =	wrdreg $0xFFFFFFFF;
	(pc) =	sbr.abs _section_cstart, $3  }
0xda: {  	[dreg:$0x1] =	wrdreg $0xFFFFFFFF  }
0xdb: {  	_ =	task.clear_ibuf [dreg:s22], $0x2FFFF;
	_ =	strace $0x9FFFFFFF  }
0xdc: {  	(tm) =	ssettm $0x7FFFFFFF  }
0xdd: {  	_ =	shalt  }
tec
execute0_lowered:
.L_overlay_start_1:
0x0: {  	(tag) =	ssettag $0x1  }
0x1: {  	s1 =	rddreg [dreg:$0x0]  }
0x2: {  	s2 =	rddreg [dreg:$0x1]  }
0x3: {  	s3 =	rddreg [dreg:$0x2]  }
0x4: {  	s6 =	rddreg [dreg:$0x3]  }
0x5: {  	s7 =	rddreg [dreg:$0x4]  }
0x6: {  	s8 =	srdreg.scid;
	s0 =	stileid.u32  }
0x7: {  	s9 =	sand.u32 $0x1, s8;
	s13 =	sshll.u32 s0, $0x1;
	s15 =	smul.u32 $0x28000, s0  }
0x8: {  	s5 =	simm.s32 $0x0;
	s8 =	sor.u32 s9, s13;
	s13 =	smul.u32 $0x140000, s0  }
0x9: {  	s28 =	simm.s32 $0x0;
	[smem:$0x7FF] =	sst s5;
	s16 =	smul.u32 $0x14000, s9  }
0xa: {  	s11 =	sadd.s32 $0x740800, s7;
	s14 =	ssub.s32 $0x2, s9;
	s10 =	smul.u32 $0xA0000, s8  }
0xb: {  	_ =	strace $0x8000004A;
	s8 =	smul.u32 $0x780, s8;
	s12 =	sshrl.u32 s14, $0x1  }
0xc: {  	s12 =	ssub.s32 s14, s12;
	s14 =	smul.u32 $0xA0000, s9;
	s10 =	sshrl.u32 s10, $0x3  }
0xd: {  	s15 =	sadd.s32 s15, s11;
	s6 =	sadd.s32 s6, s8;
	s10 =	sadd.s32 s11, s10  }
0xe: {  	s13 =	sadd.s32 s14, s13;
	s7 =	sadd.s32 $0x13B00, s10;
	s8 =	sadd.s32 $0x293B00, s10  }
0xf: {  	s9 =	sadd.s32 $0x513B00, s10;
	s14 =	sor.u32 $0x5000, s13;
	s10 =	sadd.s32 s16, s15  }
0x10: {  	s16 =	sadd.s32 $0x1405000, s13;
	s20 =	sadd.s32 $0x2805000, s13;
	s23 =	sadd.s32 $0x1402800, s13  }
0x11: {  	s22 =	sor.u32 $0x2800, s13;
	s29 =	sadd.s32 $0x2802800, s13;
	s31 =	sadd.s32 $0x1400000, s13  }
0x12: {  	s13 =	sadd.s32 $0x2800000, s13;
	s15 =	simm.s32 $0x8C00;
	s14 =	sshrl.u32 s14, $0x3  }
0x13: {  	[dreg:$0x6] =	wrdreg s10;
	s18 =	sshrl.u32 s16, $0x3;
	s21 =	sshrl.u32 s20, $0x3  }
0x14: {  	s25 =	sshrl.u32 s23, $0x3;
	s30 =	sshrl.u32 s29, $0x3;
	s13 =	sshrl.u32 s13, $0x3  }
0x15: {  	s16 =	simm.s32 $0xB400;
	s20 =	simm.s32 $0x15400;
	s23 =	simm.s32 $0x2  }
0x16: {  	s17 =	sadd.s32 s14, s11;
	s19 =	sadd.s32 s18, s11;
	s10 =	sadd.s32 s21, s11  }
0x17: {  	s14 =	sshrl.u32 s22, $0x3;
	s26 =	sadd.s32 s25, s11;
	[dreg:$0x7] =	wrdreg s17  }
0x18: {  	s18 =	simm.s32 $0x10400;
	s21 =	simm.s32 $0x17C00;
	[dreg:$0x8] =	wrdreg s19  }
0x19: {  	s22 =	simm.s32 $0x1;
	s25 =	simm.s32 $0x3B60;
	[dreg:$0x9] =	wrdreg s10  }
0x1a: {  	s24 =	sadd.s32 s14, s11;
	[dreg:$0xb] =	wrdreg s26;
	s10 =	sadd.s32 s30, s11  }
0x1b: {  	s14 =	sshrl.u32 s31, $0x3;
	s17 =	simm.s32 $0xDC00;
	[dreg:$0xa] =	wrdreg s24  }
0x1c: {  	s19 =	simm.s32 $0x12C00;
	s26 =	simm.s32 $0x3BB0;
	[dreg:$0xc] =	wrdreg s10  }
0x1d: {  	s14 =	sadd.s32 s14, s11;
	s10 =	smax.u32 s12, $0x1;
	s11 =	sadd.s32 s13, s11  }
0x1e: {  	s12 =	simm.s32 $0x50;
	s13 =	simm.s32 $0x3C00;
	[dreg:$0xd] =	wrdreg s14  }
0x1f: {  	[dreg:$0xe] =	wrdreg s11;
	s11 =	simm.s32 $0x3;
	s14 =	simm.s32 $0x6400  }
.LBB2_1:
0x20: {  	[tilespmem:s5], [sflag:$0x3] =	stream.linear.gather [hbm4b:s6+s5], $0x3C00, $0x38;
	[tilespmem:$0x1A400] =	vst v63  }
0x21: {  	_ =	swait.ge [sflag:s11], $0x3C00  }
0x22: {  	[sflag:s11] =	ssyncset.done $0x0  }
0x23: {  	[sflag:s11] =	ssyncadd.s32 $0xFFFFC400  }
0x24: {  	[tilespmem:s13], [sflag:$0x1] =	stream.indirect.gather [hbm4b:s1+s12], $0x80, s5, s12, $0xb8;
	[tilespmem:$0x1A400] =	vst v63  }
0x25: {  	s29 =	simm.s32 $0x50  }
0x26: {  	[tilespmem:s14], [sflag:$0x1] =	stream.indirect.gather [hbm4b:s2+s12], $0x80, s29, s12, $0xb8;
	[tilespmem:$0x1A400] =	vst v63  }
0x27: {  	s29 =	simm.s32 $0xA0  }
0x28: {  	[tilespmem:s15], [sflag:$0x1] =	stream.indirect.gather [hbm4b:s3+s12], $0x80, s29, s12, $0xb8;
	[tilespmem:$0x1A400] =	vst v63  }
0x29: {  	s29 =	simm.s32 $0xF0  }
0x2a: {  	[tilespmem:s16], [sflag:$0x1] =	stream.indirect.gather [hbm4b:s1+s12], $0x80, s29, s12, $0xb8;
	[tilespmem:$0x1A400] =	vst v63  }
0x2b: {  	s29 =	simm.s32 $0x140  }
0x2c: {  	[tilespmem:s17], [sflag:$0x1] =	stream.indirect.gather [hbm4b:s2+s12], $0x80, s29, s12, $0xb8;
	[tilespmem:$0x1A400] =	vst v63  }
0x2d: {  	s29 =	simm.s32 $0x190  }
0x2e: {  	[tilespmem:s18], [sflag:$0x1] =	stream.indirect.gather [hbm4b:s3+s12], $0x80, s29, s12, $0xb8;
	[tilespmem:$0x1A400] =	vst v63  }
0x2f: {  	s29 =	simm.s32 $0x1E0  }
0x30: {  	[tilespmem:s19], [sflag:$0x1] =	stream.indirect.gather [hbm4b:s1+s12], $0x80, s29, s12, $0xb8;
	[tilespmem:$0x1A400] =	vst v63  }
0x31: {  	s29 =	simm.s32 $0x230  }
0x32: {  	[tilespmem:s20], [sflag:$0x1] =	stream.indirect.gather [hbm4b:s2+s12], $0x80, s29, s12, $0xb8;
	[tilespmem:$0x1A400] =	vst v63  }
0x33: {  	s29 =	simm.s32 $0x280  }
0x34: {  	[tilespmem:s21], [sflag:$0x1] =	stream.indirect.gather [hbm4b:s3+s12], $0x80, s29, s12, $0xb8;
	[tilespmem:$0x1A400] =	vst v63  }
0x35: {  	_ =	swait.ge [sflag:s22], $0x2800  }
0x36: {  	[sflag:s22] =	ssyncset.done $0x0  }
0x37: {  	[sflag:s22] =	ssyncadd.s32 $0xFFFFD800  }
0x38: {  	_ =	swait.ge [sflag:s22], $0x2800  }
0x39: {  	[sflag:s22] =	ssyncset.done $0x0  }
0x3a: {  	[sflag:s22] =	ssyncadd.s32 $0xFFFFD800  }
0x3b: {  	_ =	swait.ge [sflag:s22], $0x2800  }
0x3c: {  	s29 =	rddreg [dreg:$0x6];
	[sflag:s22] =	ssyncset.done $0x0  }
0x3d: {  	s30 =	rddreg [dreg:$0xd];
	[sflag:s22] =	ssyncadd.s32 $0xFFFFD800;
	s29 =	sadd.s32 $0x0, s29  }
0x3e: {  	[hbm4b:s29+s5] =	stream.linear.scatter [tilespmem:s13], [sflag:$0x2], $0x2800, $0x38;
	[tilespmem:$0x1A400] =	vst v63  }
0x3f: {  	s31 =	rddreg [dreg:$0xe];
	s29 =	sadd.s32 $0x0, s30  }
0x40: {  	[hbm4b:s29+s5] =	stream.linear.scatter [tilespmem:s14], [sflag:$0x2], $0x2800, $0x38;
	[tilespmem:$0x1A400] =	vst v63  }
0x41: {  	s29 =	sadd.s32 $0x0, s31  }
0x42: {  	[hbm4b:s29+s5] =	stream.linear.scatter [tilespmem:s15], [sflag:$0x2], $0x2800, $0x38;
	[tilespmem:$0x1A400] =	vst v63  }
0x43: {  	_ =	swait.ge [sflag:s22], $0x2800  }
0x44: {  	[sflag:s22] =	ssyncset.done $0x0  }
0x45: {  	[sflag:s22] =	ssyncadd.s32 $0xFFFFD800  }
0x46: {  	_ =	swait.ge [sflag:s22], $0x2800  }
0x47: {  	[sflag:s22] =	ssyncset.done $0x0  }
0x48: {  	[sflag:s22] =	ssyncadd.s32 $0xFFFFD800  }
0x49: {  	_ =	swait.ge [sflag:s22], $0x2800  }
0x4a: {  	s29 =	rddreg [dreg:$0xa];
	[sflag:s22] =	ssyncset.done $0x0  }
0x4b: {  	s30 =	rddreg [dreg:$0xb];
	[sflag:s22] =	ssyncadd.s32 $0xFFFFD800;
	s29 =	sadd.s32 $0x0, s29  }
0x4c: {  	[hbm4b:s29+s5] =	stream.linear.scatter [tilespmem:s16], [sflag:$0x2], $0x2800, $0x38;
	[tilespmem:$0x1A400] =	vst v63  }
0x4d: {  	s4 =	rddreg [dreg:$0xc];
	s29 =	sadd.s32 $0x0, s30  }
0x4e: {  	[hbm4b:s29+s5] =	stream.linear.scatter [tilespmem:s17], [sflag:$0x2], $0x2800, $0x38;
	[tilespmem:$0x1A400] =	vst v63  }
0x4f: {  	s29 =	sadd.s32 $0x0, s4  }
0x50: {  	[hbm4b:s29+s5] =	stream.linear.scatter [tilespmem:s18], [sflag:$0x2], $0x2800, $0x38;
	[tilespmem:$0x1A400] =	vst v63  }
0x51: {  	_ =	swait.ge [sflag:s22], $0x2800  }
0x52: {  	[sflag:s22] =	ssyncset.done $0x0  }
0x53: {  	[sflag:s22] =	ssyncadd.s32 $0xFFFFD800  }
0x54: {  	_ =	swait.ge [sflag:s22], $0x2800  }
0x55: {  	[sflag:s22] =	ssyncset.done $0x0  }
0x56: {  	[sflag:s22] =	ssyncadd.s32 $0xFFFFD800  }
0x57: {  	_ =	swait.ge [sflag:s22], $0x2800  }
0x58: {  	s29 =	rddreg [dreg:$0x7];
	[sflag:s22] =	ssyncset.done $0x0  }
0x59: {  	s30 =	rddreg [dreg:$0x8];
	[sflag:s22] =	ssyncadd.s32 $0xFFFFD800;
	s29 =	sadd.s32 $0x0, s29  }
0x5a: {  	[hbm4b:s29+s5] =	stream.linear.scatter [tilespmem:s19], [sflag:$0x2], $0x2800, $0x38;
	[tilespmem:$0x1A400] =	vst v63  }
0x5b: {  	s24 =	rddreg [dreg:$0x9];
	s29 =	sadd.s32 $0x0, s30  }
0x5c: {  	[hbm4b:s29+s5] =	stream.linear.scatter [tilespmem:s20], [sflag:$0x2], $0x2800, $0x38;
	[tilespmem:$0x1A400] =	vst v63  }
0x5d: {  	s29 =	sadd.s32 $0x0, s24  }
0x5e: {  	[hbm4b:s29+s5] =	stream.linear.scatter [tilespmem:s21], [sflag:$0x2], $0x2800, $0x38;
	[tilespmem:$0x1A400] =	vst v63  }
0x5f: {  	_ =	swait.ge [sflag:s23], $0x2800  }
0x60: {  	[sflag:s23] =	ssyncset.done $0x0  }
0x61: {  	[sflag:s23] =	ssyncadd.s32 $0xFFFFD800  }
0x62: {  	_ =	swait.ge [sflag:s23], $0x2800  }
0x63: {  	[sflag:s23] =	ssyncset.done $0x0  }
0x64: {  	[sflag:s23] =	ssyncadd.s32 $0xFFFFD800  }
0x65: {  	_ =	swait.ge [sflag:s23], $0x2800  }
0x66: {  	[sflag:s23] =	ssyncset.done $0x0  }
0x67: {  	[sflag:s23] =	ssyncadd.s32 $0xFFFFD800  }
0x68: {  	_ =	swait.ge [sflag:s23], $0x2800  }
0x69: {  	[sflag:s23] =	ssyncset.done $0x0  }
0x6a: {  	[sflag:s23] =	ssyncadd.s32 $0xFFFFD800  }
0x6b: {  	_ =	swait.ge [sflag:s23], $0x2800  }
0x6c: {  	[sflag:s23] =	ssyncset.done $0x0  }
0x6d: {  	[sflag:s23] =	ssyncadd.s32 $0xFFFFD800  }
0x6e: {  	_ =	swait.ge [sflag:s23], $0x2800  }
0x6f: {  	[sflag:s23] =	ssyncset.done $0x0  }
0x70: {  	[sflag:s23] =	ssyncadd.s32 $0xFFFFD800  }
0x71: {  	_ =	swait.ge [sflag:s23], $0x2800  }
0x72: {  	[sflag:s23] =	ssyncset.done $0x0  }
0x73: {  	[sflag:s23] =	ssyncadd.s32 $0xFFFFD800  }
0x74: {  	_ =	swait.ge [sflag:s23], $0x2800  }
0x75: {  	[sflag:s23] =	ssyncset.done $0x0  }
0x76: {  	[sflag:s23] =	ssyncadd.s32 $0xFFFFD800  }
0x77: {  	_ =	swait.ge [sflag:s23], $0x2800  }
0x78: {  	s30 =	simm.s32 $0x0;
	s29 =	simm.s32 $0xF00;
	[sflag:s23] =	ssyncset.done $0x0  }
.LBB2_2:
0x79: {  	[sflag:s23] =	ssyncadd.s32 $0xFFFFD800;
	s30 =	sadd.s32 $0x2D0, s30  }
0x7a: {  	[tilespmem:s13], [sflag:$0x1] =	stream.indirect.gather [hbm4b:s1+s12], $0x80, s30, s12, $0xb8;
	[tilespmem:$0x1A400] =	vst v63  }
0x7b: {  	s0 =	sadd.s32 $0x50, s30  }
0x7c: {  	[tilespmem:s14], [sflag:$0x1] =	stream.indirect.gather [hbm4b:s2+s12], $0x80, s0, s12, $0xb8;
	[tilespmem:$0x1A400] =	vst v63  }
0x7d: {  	s4 =	sadd.s32 $0xA0, s30  }
0x7e: {  	[tilespmem:s15], [sflag:$0x1] =	stream.indirect.gather [hbm4b:s3+s12], $0x80, s4, s12, $0xb8;
	[tilespmem:$0x1A400] =	vst v63  }
0x7f: {  	s24 =	sadd.s32 $0xF0, s30  }
0x80: {  	[tilespmem:s16], [sflag:$0x1] =	stream.indirect.gather [hbm4b:s1+s12], $0x80, s24, s12, $0xb8;
	[tilespmem:$0x1A400] =	vst v63  }
0x81: {  	s4 =	sadd.s32 $0x140, s30  }
0x82: {  	[tilespmem:s17], [sflag:$0x1] =	stream.indirect.gather [hbm4b:s2+s12], $0x80, s4, s12, $0xb8;
	[tilespmem:$0x1A400] =	vst v63  }
0x83: {  	s24 =	sadd.s32 $0x190, s30  }
0x84: {  	[tilespmem:s18], [sflag:$0x1] =	stream.indirect.gather [hbm4b:s3+s12], $0x80, s24, s12, $0xb8;
	[tilespmem:$0x1A400] =	vst v63  }
0x85: {  	s4 =	sadd.s32 $0x1E0, s30  }
0x86: {  	[tilespmem:s19], [sflag:$0x1] =	stream.indirect.gather [hbm4b:s1+s12], $0x80, s4, s12, $0xb8;
	[tilespmem:$0x1A400] =	vst v63  }
0x87: {  	s24 =	sadd.s32 $0x230, s30  }
0x88: {  	[tilespmem:s20], [sflag:$0x1] =	stream.indirect.gather [hbm4b:s2+s12], $0x80, s24, s12, $0xb8;
	[tilespmem:$0x1A400] =	vst v63  }
0x89: {  	s4 =	sadd.s32 $0x280, s30  }
0x8a: {  	[tilespmem:s21], [sflag:$0x1] =	stream.indirect.gather [hbm4b:s3+s12], $0x80, s4, s12, $0xb8;
	[tilespmem:$0x1A400] =	vst v63  }
0x8b: {  	_ =	swait.ge [sflag:s22], $0x2800  }
0x8c: {  	[sflag:s22] =	ssyncset.done $0x0  }
0x8d: {  	[sflag:s22] =	ssyncadd.s32 $0xFFFFD800  }
0x8e: {  	_ =	swait.ge [sflag:s22], $0x2800  }
0x8f: {  	[sflag:s22] =	ssyncset.done $0x0  }
0x90: {  	[sflag:s22] =	ssyncadd.s32 $0xFFFFD800  }
0x91: {  	_ =	swait.ge [sflag:s22], $0x2800  }
0x92: {  	s31 =	smov.u32 s29;
	s24 =	rddreg [dreg:$0x6];
	[sflag:s22] =	ssyncset.done $0x0  }
0x93: {  	s4 =	rddreg [dreg:$0xd];
	[sflag:s22] =	ssyncadd.s32 $0xFFFFD800;
	s0 =	sadd.s32 s31, s24  }
0x94: {  	[hbm4b:s0+s5] =	stream.linear.scatter [tilespmem:s13], [sflag:$0x2], $0x2800, $0x38;
	[tilespmem:$0x1A400] =	vst v63  }
0x95: {  	s24 =	rddreg [dreg:$0xe];
	s4 =	sadd.s32 s31, s4  }
0x96: {  	[hbm4b:s4+s5] =	stream.linear.scatter [tilespmem:s14], [sflag:$0x2], $0x2800, $0x38;
	[tilespmem:$0x1A400] =	vst v63  }
0x97: {  	s4 =	sadd.s32 s31, s24  }
0x98: {  	[hbm4b:s4+s5] =	stream.linear.scatter [tilespmem:s15], [sflag:$0x2], $0x2800, $0x38;
	[tilespmem:$0x1A400] =	vst v63  }
0x99: {  	_ =	swait.ge [sflag:s22], $0x2800  }
0x9a: {  	[sflag:s22] =	ssyncset.done $0x0  }
0x9b: {  	[sflag:s22] =	ssyncadd.s32 $0xFFFFD800  }
0x9c: {  	_ =	swait.ge [sflag:s22], $0x2800  }
0x9d: {  	[sflag:s22] =	ssyncset.done $0x0  }
0x9e: {  	[sflag:s22] =	ssyncadd.s32 $0xFFFFD800  }
0x9f: {  	_ =	swait.ge [sflag:s22], $0x2800  }
0xa0: {  	s24 =	rddreg [dreg:$0xa];
	[sflag:s22] =	ssyncset.done $0x0  }
0xa1: {  	s4 =	rddreg [dreg:$0xb];
	[sflag:s22] =	ssyncadd.s32 $0xFFFFD800;
	s0 =	sadd.s32 s31, s24  }
0xa2: {  	[hbm4b:s0+s5] =	stream.linear.scatter [tilespmem:s16], [sflag:$0x2], $0x2800, $0x38;
	[tilespmem:$0x1A400] =	vst v63  }
0xa3: {  	s24 =	rddreg [dreg:$0xc];
	s4 =	sadd.s32 s31, s4  }
0xa4: {  	[hbm4b:s4+s5] =	stream.linear.scatter [tilespmem:s17], [sflag:$0x2], $0x2800, $0x38;
	[tilespmem:$0x1A400] =	vst v63  }
0xa5: {  	s4 =	sadd.s32 s31, s24  }
0xa6: {  	[hbm4b:s4+s5] =	stream.linear.scatter [tilespmem:s18], [sflag:$0x2], $0x2800, $0x38;
	[tilespmem:$0x1A400] =	vst v63  }
0xa7: {  	_ =	swait.ge [sflag:s22], $0x2800  }
0xa8: {  	[sflag:s22] =	ssyncset.done $0x0  }
0xa9: {  	[sflag:s22] =	ssyncadd.s32 $0xFFFFD800  }
0xaa: {  	_ =	swait.ge [sflag:s22], $0x2800  }
0xab: {  	[sflag:s22] =	ssyncset.done $0x0  }
0xac: {  	[sflag:s22] =	ssyncadd.s32 $0xFFFFD800  }
0xad: {  	_ =	swait.ge [sflag:s22], $0x2800  }
0xae: {  	s24 =	rddreg [dreg:$0x7];
	[sflag:s22] =	ssyncset.done $0x0  }
0xaf: {  	s4 =	rddreg [dreg:$0x8];
	[sflag:s22] =	ssyncadd.s32 $0xFFFFD800;
	s0 =	sadd.s32 s31, s24  }
0xb0: {  	[hbm4b:s0+s5] =	stream.linear.scatter [tilespmem:s19], [sflag:$0x2], $0x2800, $0x38;
	[tilespmem:$0x1A400] =	vst v63  }
0xb1: {  	s24 =	rddreg [dreg:$0x9];
	s4 =	sadd.s32 s31, s4  }
0xb2: {  	[hbm4b:s4+s5] =	stream.linear.scatter [tilespmem:s20], [sflag:$0x2], $0x2800, $0x38;
	[tilespmem:$0x1A400] =	vst v63  }
0xb3: {  	s31 =	sadd.s32 s31, s24  }
0xb4: {  	[hbm4b:s31+s5] =	stream.linear.scatter [tilespmem:s21], [sflag:$0x2], $0x2800, $0x38;
	[tilespmem:$0x1A400] =	vst v63  }
0xb5: {  	_ =	swait.ge [sflag:s23], $0x2800  }
0xb6: {  	[sflag:s23] =	ssyncset.done $0x0  }
0xb7: {  	[sflag:s23] =	ssyncadd.s32 $0xFFFFD800  }
0xb8: {  	_ =	swait.ge [sflag:s23], $0x2800  }
0xb9: {  	[sflag:s23] =	ssyncset.done $0x0  }
0xba: {  	[sflag:s23] =	ssyncadd.s32 $0xFFFFD800  }
0xbb: {  	_ =	swait.ge [sflag:s23], $0x2800  }
0xbc: {  	[sflag:s23] =	ssyncset.done $0x0  }
0xbd: {  	[sflag:s23] =	ssyncadd.s32 $0xFFFFD800  }
0xbe: {  	_ =	swait.ge [sflag:s23], $0x2800  }
0xbf: {  	[sflag:s23] =	ssyncset.done $0x0  }
0xc0: {  	[sflag:s23] =	ssyncadd.s32 $0xFFFFD800  }
0xc1: {  	_ =	swait.ge [sflag:s23], $0x2800  }
0xc2: {  	[sflag:s23] =	ssyncset.done $0x0  }
0xc3: {  	[sflag:s23] =	ssyncadd.s32 $0xFFFFD800  }
0xc4: {  	_ =	swait.ge [sflag:s23], $0x2800  }
0xc5: {  	[sflag:s23] =	ssyncset.done $0x0  }
0xc6: {  	[sflag:s23] =	ssyncadd.s32 $0xFFFFD800  }
0xc7: {  	_ =	swait.ge [sflag:s23], $0x2800  }
0xc8: {  	[sflag:s23] =	ssyncset.done $0x0  }
0xc9: {  	p0 =	sne.s32 s29, $0x12C00;
	[sflag:s23] =	ssyncadd.s32 $0xFFFFD800  }
.Ltmp0:
0xca: {  	_ =	swait.ge [sflag:s23], $0x2800;
	(pc) =	sbr.rel @p0 .LBB2_2-.Ltmp0, $4  }
0xcb: {  	[sflag:s23] =	ssyncset.done $0x0  }
0xcc: {  	[sflag:s23] =	ssyncadd.s32 $0xFFFFD800  }
0xcd: {  	_ =	swait.ge [sflag:s23], $0x2800  }
0xce: {  	s29 =	sadd.s32 $0xF00, s29;
	[sflag:s23] =	ssyncset.done $0x0  }
0xcf: {  	[sflag:s23] =	ssyncadd.s32 $0xFFFFD800;
	s0 =	simm.s32 $0x3B10  }
0xd0: {  	[tilespmem:s13], [sflag:$0x1] =	stream.indirect.gather [hbm4b:s1+s12], $0x80, s0, s12, $0xb8;
	[tilespmem:$0x1A400] =	vst v63  }
0xd1: {  	_ = 	snop  }
0xd2: {  	[tilespmem:s14], [sflag:$0x1] =	stream.indirect.gather [hbm4b:s2+s12], $0x80, s25, s12, $0xb8;
	[tilespmem:$0x1A400] =	vst v63  }
0xd3: {  	_ = 	snop  }
0xd4: {  	[tilespmem:s15], [sflag:$0x1] =	stream.indirect.gather [hbm4b:s3+s12], $0x80, s26, s12, $0xb8;
	[tilespmem:$0x1A400] =	vst v63  }
0xd5: {  	_ =	swait.ge [sflag:s22], $0x2800  }
0xd6: {  	[sflag:s22] =	ssyncset.done $0x0  }
0xd7: {  	[sflag:s22] =	ssyncadd.s32 $0xFFFFD800  }
0xd8: {  	_ =	swait.ge [sflag:s22], $0x2800  }
0xd9: {  	[sflag:s22] =	ssyncset.done $0x0  }
0xda: {  	[sflag:s22] =	ssyncadd.s32 $0xFFFFD800  }
0xdb: {  	_ =	swait.ge [sflag:s22], $0x2800  }
0xdc: {  	[sflag:s22] =	ssyncset.done $0x0  }
0xdd: {  	[sflag:s22] =	ssyncadd.s32 $0xFFFFD800  }
0xde: {  	[hbm4b:s7+s5] =	stream.linear.scatter [tilespmem:s13], [sflag:$0x2], $0x2800, $0x38;
	[tilespmem:$0x1A400] =	vst v63  }
0xdf: {  	_ = 	snop  }
0xe0: {  	[hbm4b:s8+s5] =	stream.linear.scatter [tilespmem:s14], [sflag:$0x2], $0x2800, $0x38;
	[tilespmem:$0x1A400] =	vst v63  }
0xe1: {  	_ = 	snop  }
0xe2: {  	[hbm4b:s9+s5] =	stream.linear.scatter [tilespmem:s15], [sflag:$0x2], $0x2800, $0x38;
	[tilespmem:$0x1A400] =	vst v63  }
0xe3: {  	_ =	swait.ge [sflag:s23], $0x2800  }
0xe4: {  	[sflag:s23] =	ssyncset.done $0x0  }
0xe5: {  	s28 =	sadd.s32 $0x1, s28;
	[sflag:s23] =	ssyncadd.s32 $0xFFFFD800  }
0xe6: {  	p0 =	sne.s32 s28, s10;
	_ =	swait.ge [sflag:s23], $0x2800  }
.Ltmp1:
0xe7: {  	[sflag:s23] =	ssyncset.done $0x0;
	(pc) =	sbr.rel @p0 .LBB2_1-.Ltmp1, $4  }
0xe8: {  	[sflag:s23] =	ssyncadd.s32 $0xFFFFD800  }
0xe9: {  	_ =	swait.ge [sflag:s23], $0x2800  }
0xea: {  	[sflag:s23] =	ssyncset.done $0x0  }
0xeb: {  	[sflag:s23] =	ssyncadd.s32 $0xFFFFD800  }
0xec: {  	_ =	sfence.sel $0x180000  }
0xed: {  	[bflag:$0x0] =	sbarrier.arrive $0xFFFF  }
0xee: {  	_ =	strace $0x9000004A  }
0xef: {  	s0 =	stileid.u32;
	[bflag:$0x2] =	sbarrier.arrive $0xFFFF  }
0xf0: {  	p0 =	sne.s32 s0, $0x0;
	s0 =	rddreg [dreg:$0x5]  }
0xf1: {  	s0 =	sadd.s32 @!p0 $0x100000, s0  }
0xf2: {  	[sflag:s0] =	ssyncadd.tile.s32 @!p0 $0x1;
	_ =	shalt  }
.Lfunc_end2:
_tile_overlayer_lowered:
.L_overlay_start_2:
0xf3: {  	(tag) =	ssettag $0x2  }
0xf4: {  	s0 =	rddreg [dreg:$0x0];
	s2 =	stileid.u32  }
0xf5: {  	s1 =	rddreg [dreg:$0x1];
	p0 =	sne.s32 s2, $0x0  }
0xf6: {  	s3 =	rddreg [dreg:$0x2];
	[bflag:$0x3] =	sbarrier.arrive $0xFFFF;
	s2 =	simm.s32 @!p0 $0x1C03  }
0xf7: {  	[timem:s3], [sflag:s2] =	dma.local @!p0 [hbm:s0], s1  }
0xf8: {  	s0 =	simm.s32 @!p0 $0x3  }
0xf9: {  	_ =	swait.ge @!p0 [sflag:s0], s1  }
0xfa: {  	s1 =	ssub.s32 @!p0 $0x0, s1;
	[sflag:s0] =	ssyncset.done @!p0 $0x0  }
0xfb: {  	[sflag:s0] =	ssyncadd.s32 @!p0 s1  }
0xfc: {  	[bflag:$0x3] =	sbarrier.arrive $0xFFFF  }
0xfd: {  	_ =	shalt  }

</sc_bundles>
